<compile_context>
chip_gen: v7x
topology: tpu7x:2x2x1
jax: 0.10.2.dev20260603
libtpu: 0.0.44.dev20260713+nightly
codegen_flags: <defaults>
</compile_context>

<pallas_src>
import jax
import jax.numpy as jnp
from jax import lax
from jax.experimental import pallas as pl
from jax.experimental.pallas import tpu as pltpu
from jax.experimental.pallas import tpu_sc as plsc

VOCAB = 100000
EMBED_DIM = 64
MAX_LENGTH = 200
BATCH = 4096
SEQ = 200

_NC = 2
_NS = 16
_NW = _NC * _NS
_BW = BATCH // _NW
_NBUF = 4
_NPART = 2
_SEQ_P = SEQ // _NPART


def _make_sc_body(p_off):
    def _sc_body(xt_hbm, table_hbm, posb_hbm, out_hbm,
                 idx_v, rows_v, gsems, wsems, ssems):
        wid = lax.axis_index("s") * _NC + lax.axis_index("c")
        b0 = wid * _BW

        pltpu.sync_copy(xt_hbm.at[:, pl.ds(b0, _BW)], idx_v)

        lo = pl.ds(0, EMBED_DIM)

        def seed(j, s):
            pltpu.async_copy(posb_hbm.at[p_off + s, :, lo],
                             rows_v.at[j, :, lo], ssems[j])

        def wait_seed(j):
            pltpu.make_async_copy(posb_hbm.at[0, :, lo],
                                  rows_v.at[j, :, lo], ssems[j]).wait()

        def gather(j, s):
            pltpu.async_copy(table_hbm.at[idx_v.at[s]], rows_v.at[j],
                             gsems[j], add=True)

        def wait_gather(j, s):
            pltpu.make_async_copy(table_hbm.at[idx_v.at[s]],
                                  rows_v.at[j], gsems[j]).wait()

        def wb(j, s):
            pltpu.async_copy(rows_v.at[j, :, lo],
                             out_hbm.at[pl.ds(b0, _BW), s], wsems[j])

        def wait_wb(j):
            pltpu.make_async_copy(rows_v.at[j, :, lo],
                                  out_hbm.at[pl.ds(b0, _BW), 0],
                                  wsems[j]).wait()

        for j in range(3):
            seed(j, j)
        for j in range(2):
            wait_seed(j)
            gather(j, j)

        def outer(k, carry):
            for b in range(_NBUF):
                s = k * _NBUF + b
                jf = (b + _NBUF - 1) % _NBUF
                jm = (b + _NBUF - 2) % _NBUF

                @pl.when(s >= 1)
                def _():
                    wait_wb(jf)

                @pl.when(s + 3 < _SEQ_P)
                def _():
                    seed(jf, s + 3)

                @pl.when(s + 2 < _SEQ_P)
                def _():
                    wait_seed(jm)
                    gather(jm, s + 2)

                wait_gather(b, s)
                wb(b, s)
            return carry

        lax.fori_loop(0, _SEQ_P // _NBUF, outer, 0)
        wait_wb((_SEQ_P - 1) % _NBUF)

    return _sc_body


_PAIRS = _SEQ_P // 2
_VBLK = 2048


def _tc_table_body(in_ref, out_ref):
    out_ref[:, 0:EMBED_DIM] = in_ref[...].T
    out_ref[:, EMBED_DIM:] = jnp.zeros((_VBLK, 128 - EMBED_DIM), jnp.float32)


def _tc_expand_table(table_t):
    grid = (VOCAB + _VBLK - 1) // _VBLK
    return pl.pallas_call(
        _tc_table_body,
        grid=(grid,),
        in_specs=[pl.BlockSpec((EMBED_DIM, _VBLK), lambda v: (0, v))],
        out_specs=pl.BlockSpec((_VBLK, 128), lambda v: (v, 0)),
        out_shape=jax.ShapeDtypeStruct((VOCAB, 128), jnp.float32),
    )(table_t)


_SROWS = _BW * EMBED_DIM // 128


def _tc_pos_body(in_ref, out_ref):
    t = in_ref[...].T
    row = jnp.concatenate([t, t], axis=1)
    out_ref[...] = jnp.broadcast_to(
        row[:, None, :], (SEQ, _SROWS, 128)).reshape(SEQ * _SROWS, 128)


def _tc_broadcast_pos(pos_t):
    return pl.pallas_call(
        _tc_pos_body,
        grid=(1,),
        in_specs=[pl.BlockSpec((EMBED_DIM, SEQ), lambda c: (0, 0))],
        out_specs=pl.BlockSpec((SEQ * _SROWS, 128), lambda c: (0, 0)),
        out_shape=jax.ShapeDtypeStruct((SEQ * _SROWS, 128), jnp.float32),
    )(pos_t)


def _tc_body(in_ref, out_ref):
    v = in_ref[...].reshape(_BW, _PAIRS, 128)
    for k in range(_PAIRS):
        t = v[:, k, :].T
        out_ref[2 * k, :, :] = t[0:EMBED_DIM, :]
        out_ref[2 * k + 1, :, :] = t[EMBED_DIM:, :]


def _tc_transpose(part, prev, s_blk):
    in2 = part.reshape(BATCH * _PAIRS, 128)
    kwargs = {}
    operands = [in2]
    if prev is not None:
        operands.append(prev)
        kwargs["input_output_aliases"] = {1: 0}
    return pl.pallas_call(
        (lambda i_ref, p_ref, o_ref: _tc_body(i_ref, o_ref)) if prev is not None
        else _tc_body,
        grid=(BATCH // _BW,),
        in_specs=[pl.BlockSpec((_BW * _PAIRS, 128), lambda b: (b, 0))]
        + ([pl.BlockSpec(memory_space=pltpu.MemorySpace.HBM)]
           if prev is not None else []),
        out_specs=pl.BlockSpec((_SEQ_P, EMBED_DIM, _BW),
                               lambda b, _s=s_blk: (_s, 0, b)),
        out_shape=jax.ShapeDtypeStruct((SEQ, EMBED_DIM, BATCH), jnp.float32),
        **kwargs,
    )(*operands)


@jax.jit
def kernel(x, table, pos_table):
    xt = jnp.transpose(x.astype(jnp.int32))
    table_w = _tc_expand_table(jnp.transpose(table))
    posb = _tc_broadcast_pos(jnp.transpose(pos_table)).reshape(
        SEQ, _BW, EMBED_DIM)
    out_t = None
    for p in range(_NPART):
        sc_body = _make_sc_body(p * _SEQ_P)

        def body(x_h, t_h, p_h, o_h, iv, rv,
                 g0, g1, g2, g3, w0, w1, w2, w3,
                 s0, s1, s2, s3, _sc_body=sc_body):
            _sc_body(x_h, t_h, p_h, o_h, iv, rv,
                     (g0, g1, g2, g3), (w0, w1, w2, w3), (s0, s1, s2, s3))

        run = pl.kernel(
            body,
            out_type=jax.ShapeDtypeStruct((BATCH, _SEQ_P, EMBED_DIM),
                                          jnp.float32),
            mesh=plsc.VectorSubcoreMesh(core_axis_name="c",
                                        subcore_axis_name="s"),
            compiler_params=pltpu.CompilerParams(use_tc_tiling_on_sc=False),
            scratch_types=[
                pltpu.VMEM((_SEQ_P, _BW), jnp.int32),
                pltpu.VMEM((_NBUF, _BW, 128), jnp.float32),
            ] + [pltpu.SemaphoreType.DMA] * (3 * _NBUF),
        )
        xt_p = lax.slice_in_dim(xt, p * _SEQ_P, (p + 1) * _SEQ_P, axis=0)
        part = run(xt_p, table_w, posb)
        out_t = _tc_transpose(part, out_t, p)
    return jnp.transpose(out_t, (2, 0, 1))

# --- scband reference (transcript-rebuilt; emitter-appended) ---
"""Pipeline reference for scband-encoding-31920196944125 (READ-ONLY COPY).

The authoritative reference and input builder live on the scoring server;
editing this copy changes nothing except your own understanding.
"""

import jax, jax.numpy as jnp
import numpy as np

VOCAB = 100000
EMBED_DIM = 64
MAX_LENGTH = 200
BATCH = 4096
SEQ = 200


def setup_inputs(seed: int = 0) -> dict:
    key = jax.random.key(seed)
    k1, k2, k3 = jax.random.split(key, 3)
    x = jax.random.randint(k1, (BATCH, SEQ), 0, VOCAB, dtype=jnp.int64 if jax.config.jax_enable_x64 else jnp.int32)
    table = jax.random.normal(k2, (VOCAB, EMBED_DIM), dtype=jnp.float32)
    pos_table = jax.random.normal(k3, (MAX_LENGTH, EMBED_DIM), dtype=jnp.float32)
    return {"x": x, "table": table, "pos_table": pos_table}


def reference(x, table, pos_table):
    # Encoding.forward
    if x.ndim == 1:
        x = x.reshape(-1, 1)
    # token embedding lookup
    embeds = jnp.take(table, x, axis=0)  # [B, S, D]
    # positional encoding: positions broadcast to shape of x
    seq_length = x.shape[1]
    positions = jnp.broadcast_to(jnp.arange(seq_length)[None, :], x.shape)  # [B, S]
    pos_embeds = jnp.take(pos_table, positions, axis=0)  # [B, S, D]
    return embeds + pos_embeds

if __name__ == "__main__":
    import jax
    _d = setup_inputs()
    print(jax.jit(kernel)(*tuple(_d.values())))

</pallas_src>

<mosaic_0001>
#map = affine_map<(d0, d1) -> (0, 0)>
#map1 = affine_map<(d0, d1) -> (0, 0, 0)>
module attributes {stable_mosaic.version = 14 : i64} {
  func.func @body(%arg0: i32, %arg1: i32, %arg2: memref<100x4096xi32, #tpu.memory_space<hbm>>, %arg3: memref<100000x128xf32, #tpu.memory_space<hbm>>, %arg4: memref<200x128x64xf32, #tpu.memory_space<hbm>>, %arg5: memref<4096x100x64xf32, #tpu.memory_space<hbm>>, %arg6: memref<100x128xi32, #tpu.memory_space<vmem>>, %arg7: memref<4x128x128xf32, #tpu.memory_space<vmem>>, %arg8: memref<!tpu.dma_semaphore, #tpu.memory_space<semaphore_mem>>, %arg9: memref<!tpu.dma_semaphore, #tpu.memory_space<semaphore_mem>>, %arg10: memref<!tpu.dma_semaphore, #tpu.memory_space<semaphore_mem>>, %arg11: memref<!tpu.dma_semaphore, #tpu.memory_space<semaphore_mem>>, %arg12: memref<!tpu.dma_semaphore, #tpu.memory_space<semaphore_mem>>, %arg13: memref<!tpu.dma_semaphore, #tpu.memory_space<semaphore_mem>>, %arg14: memref<!tpu.dma_semaphore, #tpu.memory_space<semaphore_mem>>, %arg15: memref<!tpu.dma_semaphore, #tpu.memory_space<semaphore_mem>>, %arg16: memref<!tpu.dma_semaphore, #tpu.memory_space<semaphore_mem>>, %arg17: memref<!tpu.dma_semaphore, #tpu.memory_space<semaphore_mem>>, %arg18: memref<!tpu.dma_semaphore, #tpu.memory_space<semaphore_mem>>, %arg19: memref<!tpu.dma_semaphore, #tpu.memory_space<semaphore_mem>>) attributes {dimension_semantics = [#tpu.dimension_semantics<core_parallel>, #tpu.dimension_semantics<subcore_parallel>], iteration_bounds = array<i64: 2, 16>, scalar_prefetch = 0 : i64, scratch_operands = 14 : i64, tpu.core_type = #tpu.core_type<sc_vector_subcore>, window_params = [{transform_indices = #map}, {transform_indices = #map}, {transform_indices = #map1}, {transform_indices = #map1}]} {
    %mul3A = arith.constant 2 : i32
    %mul3A_0 = arith.muli %arg1, %mul3A : i32
    %add3A = arith.addi %mul3A_0, %arg0 : i32
    %mul3A_1 = arith.constant 128 : i32
    %mul3A_2 = arith.muli %add3A, %mul3A_1 : i32
    "tpu.region"() ({
      %run_scoped3A = tpu.sem_alloc : memref<!tpu.dma_semaphore, #tpu.memory_space<semaphore_mem>>
      %dma_start3A_136 = arith.constant 0 : i32
      %dma_start3A_137 = tpu.memref_slice %arg2[%dma_start3A_136, %mul3A_2] : memref<100x4096xi32, #tpu.memory_space<hbm>> -> memref<100x128xi32, #tpu.memory_space<hbm>>
      %dma_start3A_138 = arith.constant 0 : i32
      %dma_start3A_139 = tpu.memref_slice %arg2[%dma_start3A_138, %mul3A_2] : memref<100x4096xi32, #tpu.memory_space<hbm>> -> memref<100x128xi32, #tpu.memory_space<hbm>>
      tpu.enqueue_dma source(%dma_start3A_139 : memref<100x128xi32, #tpu.memory_space<hbm>>) target(%arg6 : memref<100x128xi32, #tpu.memory_space<vmem>>) target_semaphore(%run_scoped3A : memref<!tpu.dma_semaphore, #tpu.memory_space<semaphore_mem>>)
      %dma_wait3A_140 = arith.constant 0 : i32
      %dma_wait3A_141 = tpu.memref_slice %arg2[%dma_wait3A_140, %mul3A_2] : memref<100x4096xi32, #tpu.memory_space<hbm>> -> memref<100x128xi32, #tpu.memory_space<hbm>>
      %dma_wait3A_142 = arith.constant 0 : i32
      %dma_wait3A_143 = tpu.memref_slice %arg2[%dma_wait3A_142, %mul3A_2] : memref<100x4096xi32, #tpu.memory_space<hbm>> -> memref<100x128xi32, #tpu.memory_space<hbm>>
      tpu.wait_dma2 semaphore(%run_scoped3A : memref<!tpu.dma_semaphore, #tpu.memory_space<semaphore_mem>>) src(%dma_wait3A_143 : memref<100x128xi32, #tpu.memory_space<hbm>>) dst(%arg6 : memref<100x128xi32, #tpu.memory_space<vmem>>)
      tpu.yield
    }) : () -> ()
    %dma_start3A = arith.constant 100 : i32
    %dma_start3A_3 = arith.constant 0 : i32
    %dma_start3A_4 = arith.constant 0 : i32
    %dma_start3A_5 = arith.constant 0 : i32
    %dma_start3A_6 = tpu.memref_slice %arg7[%dma_start3A_3, %dma_start3A_4, %dma_start3A_5] : memref<4x128x128xf32, #tpu.memory_space<vmem>> -> memref<1x128x64xf32, #tpu.memory_space<vmem>>
    %dma_start3A_7 = tpu.memref_squeeze %dma_start3A_6 : memref<1x128x64xf32, #tpu.memory_space<vmem>> -> memref<128x64xf32, #tpu.memory_space<vmem>>
    %dma_start3A_8 = arith.constant 0 : i32
    %dma_start3A_9 = arith.constant 0 : i32
    %dma_start3A_10 = tpu.memref_slice %arg4[%dma_start3A, %dma_start3A_8, %dma_start3A_9] : memref<200x128x64xf32, #tpu.memory_space<hbm>> -> memref<1x128x64xf32, #tpu.memory_space<hbm>>
    %dma_start3A_11 = tpu.memref_squeeze %dma_start3A_10 : memref<1x128x64xf32, #tpu.memory_space<hbm>> -> memref<128x64xf32, #tpu.memory_space<hbm>>
    %dma_start3A_12 = arith.constant 0 : i32
    %dma_start3A_13 = arith.constant 0 : i32
    %dma_start3A_14 = tpu.memref_slice %arg7[%dma_start3A_3, %dma_start3A_12, %dma_start3A_13] : memref<4x128x128xf32, #tpu.memory_space<vmem>> -> memref<1x128x64xf32, #tpu.memory_space<vmem>>
    %dma_start3A_15 = tpu.memref_squeeze %dma_start3A_14 : memref<1x128x64xf32, #tpu.memory_space<vmem>> -> memref<128x64xf32, #tpu.memory_space<vmem>>
    %dma_start3A_16 = arith.constant 0 : i32
    %dma_start3A_17 = arith.constant 0 : i32
    %dma_start3A_18 = tpu.memref_slice %arg4[%dma_start3A, %dma_start3A_16, %dma_start3A_17] : memref<200x128x64xf32, #tpu.memory_space<hbm>> -> memref<1x128x64xf32, #tpu.memory_space<hbm>>
    %dma_start3A_19 = tpu.memref_squeeze %dma_start3A_18 : memref<1x128x64xf32, #tpu.memory_space<hbm>> -> memref<128x64xf32, #tpu.memory_space<hbm>>
    tpu.enqueue_dma source(%dma_start3A_19 : memref<128x64xf32, #tpu.memory_space<hbm>>) target(%dma_start3A_15 : memref<128x64xf32, #tpu.memory_space<vmem>>) target_semaphore(%arg16 : memref<!tpu.dma_semaphore, #tpu.memory_space<semaphore_mem>>)
    %dma_start3A_20 = arith.constant 101 : i32
    %dma_start3A_21 = arith.constant 1 : i32
    %dma_start3A_22 = arith.constant 0 : i32
    %dma_start3A_23 = arith.constant 0 : i32
    %dma_start3A_24 = tpu.memref_slice %arg7[%dma_start3A_21, %dma_start3A_22, %dma_start3A_23] : memref<4x128x128xf32, #tpu.memory_space<vmem>> -> memref<1x128x64xf32, #tpu.memory_space<vmem>>
    %dma_start3A_25 = tpu.memref_squeeze %dma_start3A_24 : memref<1x128x64xf32, #tpu.memory_space<vmem>> -> memref<128x64xf32, #tpu.memory_space<vmem>>
    %dma_start3A_26 = arith.constant 0 : i32
    %dma_start3A_27 = arith.constant 0 : i32
    %dma_start3A_28 = tpu.memref_slice %arg4[%dma_start3A_20, %dma_start3A_26, %dma_start3A_27] : memref<200x128x64xf32, #tpu.memory_space<hbm>> -> memref<1x128x64xf32, #tpu.memory_space<hbm>>
    %dma_start3A_29 = tpu.memref_squeeze %dma_start3A_28 : memref<1x128x64xf32, #tpu.memory_space<hbm>> -> memref<128x64xf32, #tpu.memory_space<hbm>>
    %dma_start3A_30 = arith.constant 0 : i32
    %dma_start3A_31 = arith.constant 0 : i32
    %dma_start3A_32 = tpu.memref_slice %arg7[%dma_start3A_21, %dma_start3A_30, %dma_start3A_31] : memref<4x128x128xf32, #tpu.memory_space<vmem>> -> memref<1x128x64xf32, #tpu.memory_space<vmem>>
    %dma_start3A_33 = tpu.memref_squeeze %dma_start3A_32 : memref<1x128x64xf32, #tpu.memory_space<vmem>> -> memref<128x64xf32, #tpu.memory_space<vmem>>
    %dma_start3A_34 = arith.constant 0 : i32
    %dma_start3A_35 = arith.constant 0 : i32
    %dma_start3A_36 = tpu.memref_slice %arg4[%dma_start3A_20, %dma_start3A_34, %dma_start3A_35] : memref<200x128x64xf32, #tpu.memory_space<hbm>> -> memref<1x128x64xf32, #tpu.memory_space<hbm>>
    %dma_start3A_37 = tpu.memref_squeeze %dma_start3A_36 : memref<1x128x64xf32, #tpu.memory_space<hbm>> -> memref<128x64xf32, #tpu.memory_space<hbm>>
    tpu.enqueue_dma source(%dma_start3A_37 : memref<128x64xf32, #tpu.memory_space<hbm>>) target(%dma_start3A_33 : memref<128x64xf32, #tpu.memory_space<vmem>>) target_semaphore(%arg17 : memref<!tpu.dma_semaphore, #tpu.memory_space<semaphore_mem>>)
    %dma_start3A_38 = arith.constant 102 : i32
    %dma_start3A_39 = arith.constant 2 : i32
    %dma_start3A_40 = arith.constant 0 : i32
    %dma_start3A_41 = arith.constant 0 : i32
    %dma_start3A_42 = tpu.memref_slice %arg7[%dma_start3A_39, %dma_start3A_40, %dma_start3A_41] : memref<4x128x128xf32, #tpu.memory_space<vmem>> -> memref<1x128x64xf32, #tpu.memory_space<vmem>>
    %dma_start3A_43 = tpu.memref_squeeze %dma_start3A_42 : memref<1x128x64xf32, #tpu.memory_space<vmem>> -> memref<128x64xf32, #tpu.memory_space<vmem>>
    %dma_start3A_44 = arith.constant 0 : i32
    %dma_start3A_45 = arith.constant 0 : i32
    %dma_start3A_46 = tpu.memref_slice %arg4[%dma_start3A_38, %dma_start3A_44, %dma_start3A_45] : memref<200x128x64xf32, #tpu.memory_space<hbm>> -> memref<1x128x64xf32, #tpu.memory_space<hbm>>
    %dma_start3A_47 = tpu.memref_squeeze %dma_start3A_46 : memref<1x128x64xf32, #tpu.memory_space<hbm>> -> memref<128x64xf32, #tpu.memory_space<hbm>>
    %dma_start3A_48 = arith.constant 0 : i32
    %dma_start3A_49 = arith.constant 0 : i32
    %dma_start3A_50 = tpu.memref_slice %arg7[%dma_start3A_39, %dma_start3A_48, %dma_start3A_49] : memref<4x128x128xf32, #tpu.memory_space<vmem>> -> memref<1x128x64xf32, #tpu.memory_space<vmem>>
    %dma_start3A_51 = tpu.memref_squeeze %dma_start3A_50 : memref<1x128x64xf32, #tpu.memory_space<vmem>> -> memref<128x64xf32, #tpu.memory_space<vmem>>
    %dma_start3A_52 = arith.constant 0 : i32
    %dma_start3A_53 = arith.constant 0 : i32
    %dma_start3A_54 = tpu.memref_slice %arg4[%dma_start3A_38, %dma_start3A_52, %dma_start3A_53] : memref<200x128x64xf32, #tpu.memory_space<hbm>> -> memref<1x128x64xf32, #tpu.memory_space<hbm>>
    %dma_start3A_55 = tpu.memref_squeeze %dma_start3A_54 : memref<1x128x64xf32, #tpu.memory_space<hbm>> -> memref<128x64xf32, #tpu.memory_space<hbm>>
    tpu.enqueue_dma source(%dma_start3A_55 : memref<128x64xf32, #tpu.memory_space<hbm>>) target(%dma_start3A_51 : memref<128x64xf32, #tpu.memory_space<vmem>>) target_semaphore(%arg18 : memref<!tpu.dma_semaphore, #tpu.memory_space<semaphore_mem>>)
    %dma_wait3A = arith.constant 0 : i32
    %dma_wait3A_56 = arith.constant 0 : i32
    %dma_wait3A_57 = arith.constant 0 : i32
    %dma_wait3A_58 = arith.constant 0 : i32
    %dma_wait3A_59 = tpu.memref_slice %arg7[%dma_wait3A_56, %dma_wait3A_57, %dma_wait3A_58] : memref<4x128x128xf32, #tpu.memory_space<vmem>> -> memref<1x128x64xf32, #tpu.memory_space<vmem>>
    %dma_wait3A_60 = tpu.memref_squeeze %dma_wait3A_59 : memref<1x128x64xf32, #tpu.memory_space<vmem>> -> memref<128x64xf32, #tpu.memory_space<vmem>>
    %dma_wait3A_61 = arith.constant 0 : i32
    %dma_wait3A_62 = arith.constant 0 : i32
    %dma_wait3A_63 = tpu.memref_slice %arg4[%dma_wait3A, %dma_wait3A_61, %dma_wait3A_62] : memref<200x128x64xf32, #tpu.memory_space<hbm>> -> memref<1x128x64xf32, #tpu.memory_space<hbm>>
    %dma_wait3A_64 = tpu.memref_squeeze %dma_wait3A_63 : memref<1x128x64xf32, #tpu.memory_space<hbm>> -> memref<128x64xf32, #tpu.memory_space<hbm>>
    %dma_wait3A_65 = arith.constant 0 : i32
    %dma_wait3A_66 = arith.constant 0 : i32
    %dma_wait3A_67 = tpu.memref_slice %arg7[%dma_wait3A_56, %dma_wait3A_65, %dma_wait3A_66] : memref<4x128x128xf32, #tpu.memory_space<vmem>> -> memref<1x128x64xf32, #tpu.memory_space<vmem>>
    %dma_wait3A_68 = tpu.memref_squeeze %dma_wait3A_67 : memref<1x128x64xf32, #tpu.memory_space<vmem>> -> memref<128x64xf32, #tpu.memory_space<vmem>>
    %dma_wait3A_69 = arith.constant 0 : i32
    %dma_wait3A_70 = arith.constant 0 : i32
    %dma_wait3A_71 = tpu.memref_slice %arg4[%dma_wait3A, %dma_wait3A_69, %dma_wait3A_70] : memref<200x128x64xf32, #tpu.memory_space<hbm>> -> memref<1x128x64xf32, #tpu.memory_space<hbm>>
    %dma_wait3A_72 = tpu.memref_squeeze %dma_wait3A_71 : memref<1x128x64xf32, #tpu.memory_space<hbm>> -> memref<128x64xf32, #tpu.memory_space<hbm>>
    tpu.wait_dma2 semaphore(%arg16 : memref<!tpu.dma_semaphore, #tpu.memory_space<semaphore_mem>>) src(%dma_wait3A_72 : memref<128x64xf32, #tpu.memory_space<hbm>>) dst(%dma_wait3A_68 : memref<128x64xf32, #tpu.memory_space<vmem>>)
    %dma_start3A_73 = arith.constant 0 : i32
    %dma_start3A_74 = arith.constant 0 : i32
    %dma_start3A_75 = arith.constant 0 : i32
    %dma_start3A_76 = arith.constant 0 : i32
    %dma_start3A_77 = tpu.memref_slice %arg7[%dma_start3A_74, %dma_start3A_75, %dma_start3A_76] : memref<4x128x128xf32, #tpu.memory_space<vmem>> -> memref<1x128x128xf32, #tpu.memory_space<vmem>>
    %dma_start3A_78 = tpu.memref_squeeze %dma_start3A_77 : memref<1x128x128xf32, #tpu.memory_space<vmem>> -> memref<128x128xf32, #tpu.memory_space<vmem>>
    %dma_start3A_79 = arith.constant 0 : i32
    %dma_start3A_80 = tpu.memref_slice %arg6[%dma_start3A_73, %dma_start3A_79] : memref<100x128xi32, #tpu.memory_space<vmem>> -> memref<1x128xi32, #tpu.memory_space<vmem>>
    %dma_start3A_81 = tpu.memref_squeeze %dma_start3A_80 : memref<1x128xi32, #tpu.memory_space<vmem>> -> memref<128xi32, #tpu.memory_space<vmem>>
    %dma_start3A_82 = arith.constant 0 : i32
    %dma_start3A_83 = arith.constant 0 : i32
    %dma_start3A_84 = tpu.memref_slice %arg3[%dma_start3A_82, %dma_start3A_83] : memref<100000x128xf32, #tpu.memory_space<hbm>> -> memref<100000x128xf32, #tpu.memory_space<hbm>>
    tpu.enqueue_indirect_dma source(%dma_start3A_84 : memref<100000x128xf32, #tpu.memory_space<hbm>>) target(%dma_start3A_78 : memref<128x128xf32, #tpu.memory_space<vmem>>) offsets(%dma_start3A_81 : memref<128xi32, #tpu.memory_space<vmem>>) semaphore(%arg8 : memref<!tpu.dma_semaphore, #tpu.memory_space<semaphore_mem>>) {add = true}
    %dma_wait3A_85 = arith.constant 0 : i32
    %dma_wait3A_86 = arith.constant 1 : i32
    %dma_wait3A_87 = arith.constant 0 : i32
    %dma_wait3A_88 = arith.constant 0 : i32
    %dma_wait3A_89 = tpu.memref_slice %arg7[%dma_wait3A_86, %dma_wait3A_87, %dma_wait3A_88] : memref<4x128x128xf32, #tpu.memory_space<vmem>> -> memref<1x128x64xf32, #tpu.memory_space<vmem>>
    %dma_wait3A_90 = tpu.memref_squeeze %dma_wait3A_89 : memref<1x128x64xf32, #tpu.memory_space<vmem>> -> memref<128x64xf32, #tpu.memory_space<vmem>>
    %dma_wait3A_91 = arith.constant 0 : i32
    %dma_wait3A_92 = arith.constant 0 : i32
    %dma_wait3A_93 = tpu.memref_slice %arg4[%dma_wait3A_85, %dma_wait3A_91, %dma_wait3A_92] : memref<200x128x64xf32, #tpu.memory_space<hbm>> -> memref<1x128x64xf32, #tpu.memory_space<hbm>>
    %dma_wait3A_94 = tpu.memref_squeeze %dma_wait3A_93 : memref<1x128x64xf32, #tpu.memory_space<hbm>> -> memref<128x64xf32, #tpu.memory_space<hbm>>
    %dma_wait3A_95 = arith.constant 0 : i32
    %dma_wait3A_96 = arith.constant 0 : i32
    %dma_wait3A_97 = tpu.memref_slice %arg7[%dma_wait3A_86, %dma_wait3A_95, %dma_wait3A_96] : memref<4x128x128xf32, #tpu.memory_space<vmem>> -> memref<1x128x64xf32, #tpu.memory_space<vmem>>
    %dma_wait3A_98 = tpu.memref_squeeze %dma_wait3A_97 : memref<1x128x64xf32, #tpu.memory_space<vmem>> -> memref<128x64xf32, #tpu.memory_space<vmem>>
    %dma_wait3A_99 = arith.constant 0 : i32
    %dma_wait3A_100 = arith.constant 0 : i32
    %dma_wait3A_101 = tpu.memref_slice %arg4[%dma_wait3A_85, %dma_wait3A_99, %dma_wait3A_100] : memref<200x128x64xf32, #tpu.memory_space<hbm>> -> memref<1x128x64xf32, #tpu.memory_space<hbm>>
    %dma_wait3A_102 = tpu.memref_squeeze %dma_wait3A_101 : memref<1x128x64xf32, #tpu.memory_space<hbm>> -> memref<128x64xf32, #tpu.memory_space<hbm>>
    tpu.wait_dma2 semaphore(%arg17 : memref<!tpu.dma_semaphore, #tpu.memory_space<semaphore_mem>>) src(%dma_wait3A_102 : memref<128x64xf32, #tpu.memory_space<hbm>>) dst(%dma_wait3A_98 : memref<128x64xf32, #tpu.memory_space<vmem>>)
    %dma_start3A_103 = arith.constant 1 : i32
    %dma_start3A_104 = arith.constant 1 : i32
    %dma_start3A_105 = arith.constant 0 : i32
    %dma_start3A_106 = arith.constant 0 : i32
    %dma_start3A_107 = tpu.memref_slice %arg7[%dma_start3A_104, %dma_start3A_105, %dma_start3A_106] : memref<4x128x128xf32, #tpu.memory_space<vmem>> -> memref<1x128x128xf32, #tpu.memory_space<vmem>>
    %dma_start3A_108 = tpu.memref_squeeze %dma_start3A_107 : memref<1x128x128xf32, #tpu.memory_space<vmem>> -> memref<128x128xf32, #tpu.memory_space<vmem>>
    %dma_start3A_109 = arith.constant 0 : i32
    %dma_start3A_110 = tpu.memref_slice %arg6[%dma_start3A_103, %dma_start3A_109] : memref<100x128xi32, #tpu.memory_space<vmem>> -> memref<1x128xi32, #tpu.memory_space<vmem>>
    %dma_start3A_111 = tpu.memref_squeeze %dma_start3A_110 : memref<1x128xi32, #tpu.memory_space<vmem>> -> memref<128xi32, #tpu.memory_space<vmem>>
    %dma_start3A_112 = arith.constant 0 : i32
    %dma_start3A_113 = arith.constant 0 : i32
    %dma_start3A_114 = tpu.memref_slice %arg3[%dma_start3A_112, %dma_start3A_113] : memref<100000x128xf32, #tpu.memory_space<hbm>> -> memref<100000x128xf32, #tpu.memory_space<hbm>>
    tpu.enqueue_indirect_dma source(%dma_start3A_114 : memref<100000x128xf32, #tpu.memory_space<hbm>>) target(%dma_start3A_108 : memref<128x128xf32, #tpu.memory_space<vmem>>) offsets(%dma_start3A_111 : memref<128xi32, #tpu.memory_space<vmem>>) semaphore(%arg9 : memref<!tpu.dma_semaphore, #tpu.memory_space<semaphore_mem>>) {add = true}
    %scan3A = arith.constant 0 : i32
    %scan3A_115 = arith.constant 0 : i32
    %scan3A_116 = arith.constant 25 : i32
    %scan3A_117 = arith.addi %scan3A_115, %scan3A_116 : i32
    %scan3A_118 = arith.constant 1 : i32
    scf.for %scan3A_136 = %scan3A_115 to %scan3A_117 step %scan3A_118  : i32 {
      %mul3A_137 = arith.constant 4 : i32
      %mul3A_138 = arith.muli %scan3A_136, %mul3A_137 : i32
      %add3A_139 = arith.constant 0 : i32
      %add3A_140 = arith.addi %mul3A_138, %add3A_139 : i32
      %ge3A = arith.constant 1 : i32
      %ge3A_141 = arith.cmpi sge, %add3A_140, %ge3A : i32
      %convert_element_type3A = arith.extui %ge3A_141 : i1 to i32
      %cond3A = arith.constant 0 : i32
      %cond3A_142 = arith.cmpi ne, %convert_element_type3A, %cond3A : i32
      scf.if %cond3A_142 {
        %dma_wait3A_329 = arith.constant 3 : i32
        %dma_wait3A_330 = arith.constant 0 : i32
        %dma_wait3A_331 = arith.constant 0 : i32
        %dma_wait3A_332 = arith.constant 0 : i32
        %dma_wait3A_333 = tpu.memref_slice %arg7[%dma_wait3A_329, %dma_wait3A_331, %dma_wait3A_332] : memref<4x128x128xf32, #tpu.memory_space<vmem>> -> memref<1x128x64xf32, #tpu.memory_space<vmem>>
        %dma_wait3A_334 = tpu.memref_squeeze %dma_wait3A_333 : memref<1x128x64xf32, #tpu.memory_space<vmem>> -> memref<128x64xf32, #tpu.memory_space<vmem>>
        %dma_wait3A_335 = arith.constant 0 : i32
        %dma_wait3A_336 = tpu.memref_slice %arg5[%mul3A_2, %dma_wait3A_330, %dma_wait3A_335] : memref<4096x100x64xf32, #tpu.memory_space<hbm>> -> memref<128x1x64xf32, #tpu.memory_space<hbm>>
        %dma_wait3A_337 = tpu.memref_squeeze %dma_wait3A_336 : memref<128x1x64xf32, #tpu.memory_space<hbm>> -> memref<128x64xf32, #tpu.memory_space<hbm>>
        %dma_wait3A_338 = arith.constant 0 : i32
        %dma_wait3A_339 = tpu.memref_slice %arg5[%mul3A_2, %dma_wait3A_330, %dma_wait3A_338] : memref<4096x100x64xf32, #tpu.memory_space<hbm>> -> memref<128x1x64xf32, #tpu.memory_space<hbm>>
        %dma_wait3A_340 = tpu.memref_squeeze %dma_wait3A_339 : memref<128x1x64xf32, #tpu.memory_space<hbm>> -> memref<128x64xf32, #tpu.memory_space<hbm>>
        %dma_wait3A_341 = arith.constant 0 : i32
        %dma_wait3A_342 = arith.constant 0 : i32
        %dma_wait3A_343 = tpu.memref_slice %arg7[%dma_wait3A_329, %dma_wait3A_341, %dma_wait3A_342] : memref<4x128x128xf32, #tpu.memory_space<vmem>> -> memref<1x128x64xf32, #tpu.memory_space<vmem>>
        %dma_wait3A_344 = tpu.memref_squeeze %dma_wait3A_343 : memref<1x128x64xf32, #tpu.memory_space<vmem>> -> memref<128x64xf32, #tpu.memory_space<vmem>>
        tpu.wait_dma2 semaphore(%arg15 : memref<!tpu.dma_semaphore, #tpu.memory_space<semaphore_mem>>) src(%dma_wait3A_344 : memref<128x64xf32, #tpu.memory_space<vmem>>) dst(%dma_wait3A_340 : memref<128x64xf32, #tpu.memory_space<hbm>>)
      } else {
      }
      %add3A_143 = arith.constant 3 : i32
      %add3A_144 = arith.addi %add3A_140, %add3A_143 : i32
      %lt3A = arith.constant 100 : i32
      %lt3A_145 = arith.cmpi slt, %add3A_144, %lt3A : i32
      %convert_element_type3A_146 = arith.extui %lt3A_145 : i1 to i32
      %cond3A_147 = arith.constant 0 : i32
      %cond3A_148 = arith.cmpi ne, %convert_element_type3A_146, %cond3A_147 : i32
      scf.if %cond3A_148 {
        %add3A_329 = arith.constant 3 : i32
        %add3A_330 = arith.addi %add3A_140, %add3A_329 : i32
        %add3A_331 = arith.constant 100 : i32
        %add3A_332 = arith.addi %add3A_331, %add3A_330 : i32
        %dma_start3A_333 = arith.constant 3 : i32
        %dma_start3A_334 = arith.constant 0 : i32
        %dma_start3A_335 = arith.constant 0 : i32
        %dma_start3A_336 = tpu.memref_slice %arg7[%dma_start3A_333, %dma_start3A_334, %dma_start3A_335] : memref<4x128x128xf32, #tpu.memory_space<vmem>> -> memref<1x128x64xf32, #tpu.memory_space<vmem>>
        %dma_start3A_337 = tpu.memref_squeeze %dma_start3A_336 : memref<1x128x64xf32, #tpu.memory_space<vmem>> -> memref<128x64xf32, #tpu.memory_space<vmem>>
        %dma_start3A_338 = arith.constant 0 : i32
        %dma_start3A_339 = arith.constant 0 : i32
        %dma_start3A_340 = tpu.memref_slice %arg4[%add3A_332, %dma_start3A_338, %dma_start3A_339] : memref<200x128x64xf32, #tpu.memory_space<hbm>> -> memref<1x128x64xf32, #tpu.memory_space<hbm>>
        %dma_start3A_341 = tpu.memref_squeeze %dma_start3A_340 : memref<1x128x64xf32, #tpu.memory_space<hbm>> -> memref<128x64xf32, #tpu.memory_space<hbm>>
        %dma_start3A_342 = arith.constant 0 : i32
        %dma_start3A_343 = arith.constant 0 : i32
        %dma_start3A_344 = tpu.memref_slice %arg7[%dma_start3A_333, %dma_start3A_342, %dma_start3A_343] : memref<4x128x128xf32, #tpu.memory_space<vmem>> -> memref<1x128x64xf32, #tpu.memory_space<vmem>>
        %dma_start3A_345 = tpu.memref_squeeze %dma_start3A_344 : memref<1x128x64xf32, #tpu.memory_space<vmem>> -> memref<128x64xf32, #tpu.memory_space<vmem>>
        %dma_start3A_346 = arith.constant 0 : i32
        %dma_start3A_347 = arith.constant 0 : i32
        %dma_start3A_348 = tpu.memref_slice %arg4[%add3A_332, %dma_start3A_346, %dma_start3A_347] : memref<200x128x64xf32, #tpu.memory_space<hbm>> -> memref<1x128x64xf32, #tpu.memory_space<hbm>>
        %dma_start3A_349 = tpu.memref_squeeze %dma_start3A_348 : memref<1x128x64xf32, #tpu.memory_space<hbm>> -> memref<128x64xf32, #tpu.memory_space<hbm>>
        tpu.enqueue_dma source(%dma_start3A_349 : memref<128x64xf32, #tpu.memory_space<hbm>>) target(%dma_start3A_345 : memref<128x64xf32, #tpu.memory_space<vmem>>) target_semaphore(%arg19 : memref<!tpu.dma_semaphore, #tpu.memory_space<semaphore_mem>>)
      } else {
      }
      %add3A_149 = arith.constant 2 : i32
      %add3A_150 = arith.addi %add3A_140, %add3A_149 : i32
      %lt3A_151 = arith.constant 100 : i32
      %lt3A_152 = arith.cmpi slt, %add3A_150, %lt3A_151 : i32
      %convert_element_type3A_153 = arith.extui %lt3A_152 : i1 to i32
      %cond3A_154 = arith.constant 0 : i32
      %cond3A_155 = arith.cmpi ne, %convert_element_type3A_153, %cond3A_154 : i32
      scf.if %cond3A_155 {
        %dma_wait3A_329 = arith.constant 0 : i32
        %dma_wait3A_330 = arith.constant 2 : i32
        %dma_wait3A_331 = arith.constant 0 : i32
        %dma_wait3A_332 = arith.constant 0 : i32
        %dma_wait3A_333 = tpu.memref_slice %arg7[%dma_wait3A_330, %dma_wait3A_331, %dma_wait3A_332] : memref<4x128x128xf32, #tpu.memory_space<vmem>> -> memref<1x128x64xf32, #tpu.memory_space<vmem>>
        %dma_wait3A_334 = tpu.memref_squeeze %dma_wait3A_333 : memref<1x128x64xf32, #tpu.memory_space<vmem>> -> memref<128x64xf32, #tpu.memory_space<vmem>>
        %dma_wait3A_335 = arith.constant 0 : i32
        %dma_wait3A_336 = arith.constant 0 : i32
        %dma_wait3A_337 = tpu.memref_slice %arg4[%dma_wait3A_329, %dma_wait3A_335, %dma_wait3A_336] : memref<200x128x64xf32, #tpu.memory_space<hbm>> -> memref<1x128x64xf32, #tpu.memory_space<hbm>>
        %dma_wait3A_338 = tpu.memref_squeeze %dma_wait3A_337 : memref<1x128x64xf32, #tpu.memory_space<hbm>> -> memref<128x64xf32, #tpu.memory_space<hbm>>
        %dma_wait3A_339 = arith.constant 0 : i32
        %dma_wait3A_340 = arith.constant 0 : i32
        %dma_wait3A_341 = tpu.memref_slice %arg7[%dma_wait3A_330, %dma_wait3A_339, %dma_wait3A_340] : memref<4x128x128xf32, #tpu.memory_space<vmem>> -> memref<1x128x64xf32, #tpu.memory_space<vmem>>
        %dma_wait3A_342 = tpu.memref_squeeze %dma_wait3A_341 : memref<1x128x64xf32, #tpu.memory_space<vmem>> -> memref<128x64xf32, #tpu.memory_space<vmem>>
        %dma_wait3A_343 = arith.constant 0 : i32
        %dma_wait3A_344 = arith.constant 0 : i32
        %dma_wait3A_345 = tpu.memref_slice %arg4[%dma_wait3A_329, %dma_wait3A_343, %dma_wait3A_344] : memref<200x128x64xf32, #tpu.memory_space<hbm>> -> memref<1x128x64xf32, #tpu.memory_space<hbm>>
        %dma_wait3A_346 = tpu.memref_squeeze %dma_wait3A_345 : memref<1x128x64xf32, #tpu.memory_space<hbm>> -> memref<128x64xf32, #tpu.memory_space<hbm>>
        tpu.wait_dma2 semaphore(%arg18 : memref<!tpu.dma_semaphore, #tpu.memory_space<semaphore_mem>>) src(%dma_wait3A_346 : memref<128x64xf32, #tpu.memory_space<hbm>>) dst(%dma_wait3A_342 : memref<128x64xf32, #tpu.memory_space<vmem>>)
        %add3A_347 = arith.constant 2 : i32
        %add3A_348 = arith.addi %add3A_140, %add3A_347 : i32
        %dma_start3A_349 = arith.constant 2 : i32
        %dma_start3A_350 = arith.constant 0 : i32
        %dma_start3A_351 = arith.constant 0 : i32
        %dma_start3A_352 = tpu.memref_slice %arg7[%dma_start3A_349, %dma_start3A_350, %dma_start3A_351] : memref<4x128x128xf32, #tpu.memory_space<vmem>> -> memref<1x128x128xf32, #tpu.memory_space<vmem>>
        %dma_start3A_353 = tpu.memref_squeeze %dma_start3A_352 : memref<1x128x128xf32, #tpu.memory_space<vmem>> -> memref<128x128xf32, #tpu.memory_space<vmem>>
        %dma_start3A_354 = arith.constant 0 : i32
        %dma_start3A_355 = tpu.memref_slice %arg6[%add3A_348, %dma_start3A_354] : memref<100x128xi32, #tpu.memory_space<vmem>> -> memref<1x128xi32, #tpu.memory_space<vmem>>
        %dma_start3A_356 = tpu.memref_squeeze %dma_start3A_355 : memref<1x128xi32, #tpu.memory_space<vmem>> -> memref<128xi32, #tpu.memory_space<vmem>>
        %dma_start3A_357 = arith.constant 0 : i32
        %dma_start3A_358 = arith.constant 0 : i32
        %dma_start3A_359 = tpu.memref_slice %arg3[%dma_start3A_357, %dma_start3A_358] : memref<100000x128xf32, #tpu.memory_space<hbm>> -> memref<100000x128xf32, #tpu.memory_space<hbm>>
        tpu.enqueue_indirect_dma source(%dma_start3A_359 : memref<100000x128xf32, #tpu.memory_space<hbm>>) target(%dma_start3A_353 : memref<128x128xf32, #tpu.memory_space<vmem>>) offsets(%dma_start3A_356 : memref<128xi32, #tpu.memory_space<vmem>>) semaphore(%arg10 : memref<!tpu.dma_semaphore, #tpu.memory_space<semaphore_mem>>) {add = true}
      } else {
      }
      %dma_wait3A_156 = arith.constant 0 : i32
      %dma_wait3A_157 = arith.constant 0 : i32
      %dma_wait3A_158 = arith.constant 0 : i32
      %dma_wait3A_159 = tpu.memref_slice %arg7[%dma_wait3A_156, %dma_wait3A_157, %dma_wait3A_158] : memref<4x128x128xf32, #tpu.memory_space<vmem>> -> memref<1x128x128xf32, #tpu.memory_space<vmem>>
      %dma_wait3A_160 = tpu.memref_squeeze %dma_wait3A_159 : memref<1x128x128xf32, #tpu.memory_space<vmem>> -> memref<128x128xf32, #tpu.memory_space<vmem>>
      %dma_wait3A_161 = arith.constant 0 : i32
      %dma_wait3A_162 = tpu.memref_slice %arg6[%add3A_140, %dma_wait3A_161] : memref<100x128xi32, #tpu.memory_space<vmem>> -> memref<1x128xi32, #tpu.memory_space<vmem>>
      %dma_wait3A_163 = tpu.memref_squeeze %dma_wait3A_162 : memref<1x128xi32, #tpu.memory_space<vmem>> -> memref<128xi32, #tpu.memory_space<vmem>>
      %dma_wait3A_164 = arith.constant 0 : i32
      %dma_wait3A_165 = arith.constant 0 : i32
      %dma_wait3A_166 = tpu.memref_slice %arg3[%dma_wait3A_164, %dma_wait3A_165] : memref<100000x128xf32, #tpu.memory_space<hbm>> -> memref<100000x128xf32, #tpu.memory_space<hbm>>
      tpu.wait_indirect_dma semaphore(%arg8 : memref<!tpu.dma_semaphore, #tpu.memory_space<semaphore_mem>>) src(%dma_wait3A_166 : memref<100000x128xf32, #tpu.memory_space<hbm>>) dst(%dma_wait3A_160 : memref<128x128xf32, #tpu.memory_space<vmem>>)
      %dma_start3A_167 = arith.constant 0 : i32
      %dma_start3A_168 = arith.constant 0 : i32
      %dma_start3A_169 = arith.constant 0 : i32
      %dma_start3A_170 = tpu.memref_slice %arg7[%dma_start3A_167, %dma_start3A_168, %dma_start3A_169] : memref<4x128x128xf32, #tpu.memory_space<vmem>> -> memref<1x128x64xf32, #tpu.memory_space<vmem>>
      %dma_start3A_171 = tpu.memref_squeeze %dma_start3A_170 : memref<1x128x64xf32, #tpu.memory_space<vmem>> -> memref<128x64xf32, #tpu.memory_space<vmem>>
      %dma_start3A_172 = arith.constant 0 : i32
      %dma_start3A_173 = tpu.memref_slice %arg5[%mul3A_2, %add3A_140, %dma_start3A_172] : memref<4096x100x64xf32, #tpu.memory_space<hbm>> -> memref<128x1x64xf32, #tpu.memory_space<hbm>>
      %dma_start3A_174 = tpu.memref_squeeze %dma_start3A_173 : memref<128x1x64xf32, #tpu.memory_space<hbm>> -> memref<128x64xf32, #tpu.memory_space<hbm>>
      %dma_start3A_175 = arith.constant 0 : i32
      %dma_start3A_176 = tpu.memref_slice %arg5[%mul3A_2, %add3A_140, %dma_start3A_175] : memref<4096x100x64xf32, #tpu.memory_space<hbm>> -> memref<128x1x64xf32, #tpu.memory_space<hbm>>
      %dma_start3A_177 = tpu.memref_squeeze %dma_start3A_176 : memref<128x1x64xf32, #tpu.memory_space<hbm>> -> memref<128x64xf32, #tpu.memory_space<hbm>>
      %dma_start3A_178 = arith.constant 0 : i32
      %dma_start3A_179 = arith.constant 0 : i32
      %dma_start3A_180 = tpu.memref_slice %arg7[%dma_start3A_167, %dma_start3A_178, %dma_start3A_179] : memref<4x128x128xf32, #tpu.memory_space<vmem>> -> memref<1x128x64xf32, #tpu.memory_space<vmem>>
      %dma_start3A_181 = tpu.memref_squeeze %dma_start3A_180 : memref<1x128x64xf32, #tpu.memory_space<vmem>> -> memref<128x64xf32, #tpu.memory_space<vmem>>
      tpu.enqueue_dma source(%dma_start3A_181 : memref<128x64xf32, #tpu.memory_space<vmem>>) target(%dma_start3A_177 : memref<128x64xf32, #tpu.memory_space<hbm>>) target_semaphore(%arg12 : memref<!tpu.dma_semaphore, #tpu.memory_space<semaphore_mem>>)
      %mul3A_182 = arith.constant 4 : i32
      %mul3A_183 = arith.muli %scan3A_136, %mul3A_182 : i32
      %add3A_184 = arith.constant 1 : i32
      %add3A_185 = arith.addi %mul3A_183, %add3A_184 : i32
      %ge3A_186 = arith.constant 1 : i32
      %ge3A_187 = arith.cmpi sge, %add3A_185, %ge3A_186 : i32
      %convert_element_type3A_188 = arith.extui %ge3A_187 : i1 to i32
      %cond3A_189 = arith.constant 0 : i32
      %cond3A_190 = arith.cmpi ne, %convert_element_type3A_188, %cond3A_189 : i32
      scf.if %cond3A_190 {
        %dma_wait3A_329 = arith.constant 0 : i32
        %dma_wait3A_330 = arith.constant 0 : i32
        %dma_wait3A_331 = arith.constant 0 : i32
        %dma_wait3A_332 = arith.constant 0 : i32
        %dma_wait3A_333 = tpu.memref_slice %arg7[%dma_wait3A_329, %dma_wait3A_331, %dma_wait3A_332] : memref<4x128x128xf32, #tpu.memory_space<vmem>> -> memref<1x128x64xf32, #tpu.memory_space<vmem>>
        %dma_wait3A_334 = tpu.memref_squeeze %dma_wait3A_333 : memref<1x128x64xf32, #tpu.memory_space<vmem>> -> memref<128x64xf32, #tpu.memory_space<vmem>>
        %dma_wait3A_335 = arith.constant 0 : i32
        %dma_wait3A_336 = tpu.memref_slice %arg5[%mul3A_2, %dma_wait3A_330, %dma_wait3A_335] : memref<4096x100x64xf32, #tpu.memory_space<hbm>> -> memref<128x1x64xf32, #tpu.memory_space<hbm>>
        %dma_wait3A_337 = tpu.memref_squeeze %dma_wait3A_336 : memref<128x1x64xf32, #tpu.memory_space<hbm>> -> memref<128x64xf32, #tpu.memory_space<hbm>>
        %dma_wait3A_338 = arith.constant 0 : i32
        %dma_wait3A_339 = tpu.memref_slice %arg5[%mul3A_2, %dma_wait3A_330, %dma_wait3A_338] : memref<4096x100x64xf32, #tpu.memory_space<hbm>> -> memref<128x1x64xf32, #tpu.memory_space<hbm>>
        %dma_wait3A_340 = tpu.memref_squeeze %dma_wait3A_339 : memref<128x1x64xf32, #tpu.memory_space<hbm>> -> memref<128x64xf32, #tpu.memory_space<hbm>>
        %dma_wait3A_341 = arith.constant 0 : i32
        %dma_wait3A_342 = arith.constant 0 : i32
        %dma_wait3A_343 = tpu.memref_slice %arg7[%dma_wait3A_329, %dma_wait3A_341, %dma_wait3A_342] : memref<4x128x128xf32, #tpu.memory_space<vmem>> -> memref<1x128x64xf32, #tpu.memory_space<vmem>>
        %dma_wait3A_344 = tpu.memref_squeeze %dma_wait3A_343 : memref<1x128x64xf32, #tpu.memory_space<vmem>> -> memref<128x64xf32, #tpu.memory_space<vmem>>
        tpu.wait_dma2 semaphore(%arg12 : memref<!tpu.dma_semaphore, #tpu.memory_space<semaphore_mem>>) src(%dma_wait3A_344 : memref<128x64xf32, #tpu.memory_space<vmem>>) dst(%dma_wait3A_340 : memref<128x64xf32, #tpu.memory_space<hbm>>)
      } else {
      }
      %add3A_191 = arith.constant 3 : i32
      %add3A_192 = arith.addi %add3A_185, %add3A_191 : i32
      %lt3A_193 = arith.constant 100 : i32
      %lt3A_194 = arith.cmpi slt, %add3A_192, %lt3A_193 : i32
      %convert_element_type3A_195 = arith.extui %lt3A_194 : i1 to i32
      %cond3A_196 = arith.constant 0 : i32
      %cond3A_197 = arith.cmpi ne, %convert_element_type3A_195, %cond3A_196 : i32
      scf.if %cond3A_197 {
        %add3A_329 = arith.constant 3 : i32
        %add3A_330 = arith.addi %add3A_185, %add3A_329 : i32
        %add3A_331 = arith.constant 100 : i32
        %add3A_332 = arith.addi %add3A_331, %add3A_330 : i32
        %dma_start3A_333 = arith.constant 0 : i32
        %dma_start3A_334 = arith.constant 0 : i32
        %dma_start3A_335 = arith.constant 0 : i32
        %dma_start3A_336 = tpu.memref_slice %arg7[%dma_start3A_333, %dma_start3A_334, %dma_start3A_335] : memref<4x128x128xf32, #tpu.memory_space<vmem>> -> memref<1x128x64xf32, #tpu.memory_space<vmem>>
        %dma_start3A_337 = tpu.memref_squeeze %dma_start3A_336 : memref<1x128x64xf32, #tpu.memory_space<vmem>> -> memref<128x64xf32, #tpu.memory_space<vmem>>
        %dma_start3A_338 = arith.constant 0 : i32
        %dma_start3A_339 = arith.constant 0 : i32
        %dma_start3A_340 = tpu.memref_slice %arg4[%add3A_332, %dma_start3A_338, %dma_start3A_339] : memref<200x128x64xf32, #tpu.memory_space<hbm>> -> memref<1x128x64xf32, #tpu.memory_space<hbm>>
        %dma_start3A_341 = tpu.memref_squeeze %dma_start3A_340 : memref<1x128x64xf32, #tpu.memory_space<hbm>> -> memref<128x64xf32, #tpu.memory_space<hbm>>
        %dma_start3A_342 = arith.constant 0 : i32
        %dma_start3A_343 = arith.constant 0 : i32
        %dma_start3A_344 = tpu.memref_slice %arg7[%dma_start3A_333, %dma_start3A_342, %dma_start3A_343] : memref<4x128x128xf32, #tpu.memory_space<vmem>> -> memref<1x128x64xf32, #tpu.memory_space<vmem>>
        %dma_start3A_345 = tpu.memref_squeeze %dma_start3A_344 : memref<1x128x64xf32, #tpu.memory_space<vmem>> -> memref<128x64xf32, #tpu.memory_space<vmem>>
        %dma_start3A_346 = arith.constant 0 : i32
        %dma_start3A_347 = arith.constant 0 : i32
        %dma_start3A_348 = tpu.memref_slice %arg4[%add3A_332, %dma_start3A_346, %dma_start3A_347] : memref<200x128x64xf32, #tpu.memory_space<hbm>> -> memref<1x128x64xf32, #tpu.memory_space<hbm>>
        %dma_start3A_349 = tpu.memref_squeeze %dma_start3A_348 : memref<1x128x64xf32, #tpu.memory_space<hbm>> -> memref<128x64xf32, #tpu.memory_space<hbm>>
        tpu.enqueue_dma source(%dma_start3A_349 : memref<128x64xf32, #tpu.memory_space<hbm>>) target(%dma_start3A_345 : memref<128x64xf32, #tpu.memory_space<vmem>>) target_semaphore(%arg16 : memref<!tpu.dma_semaphore, #tpu.memory_space<semaphore_mem>>)
      } else {
      }
      %add3A_198 = arith.constant 2 : i32
      %add3A_199 = arith.addi %add3A_185, %add3A_198 : i32
      %lt3A_200 = arith.constant 100 : i32
      %lt3A_201 = arith.cmpi slt, %add3A_199, %lt3A_200 : i32
      %convert_element_type3A_202 = arith.extui %lt3A_201 : i1 to i32
      %cond3A_203 = arith.constant 0 : i32
      %cond3A_204 = arith.cmpi ne, %convert_element_type3A_202, %cond3A_203 : i32
      scf.if %cond3A_204 {
        %dma_wait3A_329 = arith.constant 0 : i32
        %dma_wait3A_330 = arith.constant 3 : i32
        %dma_wait3A_331 = arith.constant 0 : i32
        %dma_wait3A_332 = arith.constant 0 : i32
        %dma_wait3A_333 = tpu.memref_slice %arg7[%dma_wait3A_330, %dma_wait3A_331, %dma_wait3A_332] : memref<4x128x128xf32, #tpu.memory_space<vmem>> -> memref<1x128x64xf32, #tpu.memory_space<vmem>>
        %dma_wait3A_334 = tpu.memref_squeeze %dma_wait3A_333 : memref<1x128x64xf32, #tpu.memory_space<vmem>> -> memref<128x64xf32, #tpu.memory_space<vmem>>
        %dma_wait3A_335 = arith.constant 0 : i32
        %dma_wait3A_336 = arith.constant 0 : i32
        %dma_wait3A_337 = tpu.memref_slice %arg4[%dma_wait3A_329, %dma_wait3A_335, %dma_wait3A_336] : memref<200x128x64xf32, #tpu.memory_space<hbm>> -> memref<1x128x64xf32, #tpu.memory_space<hbm>>
        %dma_wait3A_338 = tpu.memref_squeeze %dma_wait3A_337 : memref<1x128x64xf32, #tpu.memory_space<hbm>> -> memref<128x64xf32, #tpu.memory_space<hbm>>
        %dma_wait3A_339 = arith.constant 0 : i32
        %dma_wait3A_340 = arith.constant 0 : i32
        %dma_wait3A_341 = tpu.memref_slice %arg7[%dma_wait3A_330, %dma_wait3A_339, %dma_wait3A_340] : memref<4x128x128xf32, #tpu.memory_space<vmem>> -> memref<1x128x64xf32, #tpu.memory_space<vmem>>
        %dma_wait3A_342 = tpu.memref_squeeze %dma_wait3A_341 : memref<1x128x64xf32, #tpu.memory_space<vmem>> -> memref<128x64xf32, #tpu.memory_space<vmem>>
        %dma_wait3A_343 = arith.constant 0 : i32
        %dma_wait3A_344 = arith.constant 0 : i32
        %dma_wait3A_345 = tpu.memref_slice %arg4[%dma_wait3A_329, %dma_wait3A_343, %dma_wait3A_344] : memref<200x128x64xf32, #tpu.memory_space<hbm>> -> memref<1x128x64xf32, #tpu.memory_space<hbm>>
        %dma_wait3A_346 = tpu.memref_squeeze %dma_wait3A_345 : memref<1x128x64xf32, #tpu.memory_space<hbm>> -> memref<128x64xf32, #tpu.memory_space<hbm>>
        tpu.wait_dma2 semaphore(%arg19 : memref<!tpu.dma_semaphore, #tpu.memory_space<semaphore_mem>>) src(%dma_wait3A_346 : memref<128x64xf32, #tpu.memory_space<hbm>>) dst(%dma_wait3A_342 : memref<128x64xf32, #tpu.memory_space<vmem>>)
        %add3A_347 = arith.constant 2 : i32
        %add3A_348 = arith.addi %add3A_185, %add3A_347 : i32
        %dma_start3A_349 = arith.constant 3 : i32
        %dma_start3A_350 = arith.constant 0 : i32
        %dma_start3A_351 = arith.constant 0 : i32
        %dma_start3A_352 = tpu.memref_slice %arg7[%dma_start3A_349, %dma_start3A_350, %dma_start3A_351] : memref<4x128x128xf32, #tpu.memory_space<vmem>> -> memref<1x128x128xf32, #tpu.memory_space<vmem>>
        %dma_start3A_353 = tpu.memref_squeeze %dma_start3A_352 : memref<1x128x128xf32, #tpu.memory_space<vmem>> -> memref<128x128xf32, #tpu.memory_space<vmem>>
        %dma_start3A_354 = arith.constant 0 : i32
        %dma_start3A_355 = tpu.memref_slice %arg6[%add3A_348, %dma_start3A_354] : memref<100x128xi32, #tpu.memory_space<vmem>> -> memref<1x128xi32, #tpu.memory_space<vmem>>
        %dma_start3A_356 = tpu.memref_squeeze %dma_start3A_355 : memref<1x128xi32, #tpu.memory_space<vmem>> -> memref<128xi32, #tpu.memory_space<vmem>>
        %dma_start3A_357 = arith.constant 0 : i32
        %dma_start3A_358 = arith.constant 0 : i32
        %dma_start3A_359 = tpu.memref_slice %arg3[%dma_start3A_357, %dma_start3A_358] : memref<100000x128xf32, #tpu.memory_space<hbm>> -> memref<100000x128xf32, #tpu.memory_space<hbm>>
        tpu.enqueue_indirect_dma source(%dma_start3A_359 : memref<100000x128xf32, #tpu.memory_space<hbm>>) target(%dma_start3A_353 : memref<128x128xf32, #tpu.memory_space<vmem>>) offsets(%dma_start3A_356 : memref<128xi32, #tpu.memory_space<vmem>>) semaphore(%arg11 : memref<!tpu.dma_semaphore, #tpu.memory_space<semaphore_mem>>) {add = true}
      } else {
      }
      %dma_wait3A_205 = arith.constant 1 : i32
      %dma_wait3A_206 = arith.constant 0 : i32
      %dma_wait3A_207 = arith.constant 0 : i32
      %dma_wait3A_208 = tpu.memref_slice %arg7[%dma_wait3A_205, %dma_wait3A_206, %dma_wait3A_207] : memref<4x128x128xf32, #tpu.memory_space<vmem>> -> memref<1x128x128xf32, #tpu.memory_space<vmem>>
      %dma_wait3A_209 = tpu.memref_squeeze %dma_wait3A_208 : memref<1x128x128xf32, #tpu.memory_space<vmem>> -> memref<128x128xf32, #tpu.memory_space<vmem>>
      %dma_wait3A_210 = arith.constant 0 : i32
      %dma_wait3A_211 = tpu.memref_slice %arg6[%add3A_185, %dma_wait3A_210] : memref<100x128xi32, #tpu.memory_space<vmem>> -> memref<1x128xi32, #tpu.memory_space<vmem>>
      %dma_wait3A_212 = tpu.memref_squeeze %dma_wait3A_211 : memref<1x128xi32, #tpu.memory_space<vmem>> -> memref<128xi32, #tpu.memory_space<vmem>>
      %dma_wait3A_213 = arith.constant 0 : i32
      %dma_wait3A_214 = arith.constant 0 : i32
      %dma_wait3A_215 = tpu.memref_slice %arg3[%dma_wait3A_213, %dma_wait3A_214] : memref<100000x128xf32, #tpu.memory_space<hbm>> -> memref<100000x128xf32, #tpu.memory_space<hbm>>
      tpu.wait_indirect_dma semaphore(%arg9 : memref<!tpu.dma_semaphore, #tpu.memory_space<semaphore_mem>>) src(%dma_wait3A_215 : memref<100000x128xf32, #tpu.memory_space<hbm>>) dst(%dma_wait3A_209 : memref<128x128xf32, #tpu.memory_space<vmem>>)
      %dma_start3A_216 = arith.constant 1 : i32
      %dma_start3A_217 = arith.constant 0 : i32
      %dma_start3A_218 = arith.constant 0 : i32
      %dma_start3A_219 = tpu.memref_slice %arg7[%dma_start3A_216, %dma_start3A_217, %dma_start3A_218] : memref<4x128x128xf32, #tpu.memory_space<vmem>> -> memref<1x128x64xf32, #tpu.memory_space<vmem>>
      %dma_start3A_220 = tpu.memref_squeeze %dma_start3A_219 : memref<1x128x64xf32, #tpu.memory_space<vmem>> -> memref<128x64xf32, #tpu.memory_space<vmem>>
      %dma_start3A_221 = arith.constant 0 : i32
      %dma_start3A_222 = tpu.memref_slice %arg5[%mul3A_2, %add3A_185, %dma_start3A_221] : memref<4096x100x64xf32, #tpu.memory_space<hbm>> -> memref<128x1x64xf32, #tpu.memory_space<hbm>>
      %dma_start3A_223 = tpu.memref_squeeze %dma_start3A_222 : memref<128x1x64xf32, #tpu.memory_space<hbm>> -> memref<128x64xf32, #tpu.memory_space<hbm>>
      %dma_start3A_224 = arith.constant 0 : i32
      %dma_start3A_225 = tpu.memref_slice %arg5[%mul3A_2, %add3A_185, %dma_start3A_224] : memref<4096x100x64xf32, #tpu.memory_space<hbm>> -> memref<128x1x64xf32, #tpu.memory_space<hbm>>
      %dma_start3A_226 = tpu.memref_squeeze %dma_start3A_225 : memref<128x1x64xf32, #tpu.memory_space<hbm>> -> memref<128x64xf32, #tpu.memory_space<hbm>>
      %dma_start3A_227 = arith.constant 0 : i32
      %dma_start3A_228 = arith.constant 0 : i32
      %dma_start3A_229 = tpu.memref_slice %arg7[%dma_start3A_216, %dma_start3A_227, %dma_start3A_228] : memref<4x128x128xf32, #tpu.memory_space<vmem>> -> memref<1x128x64xf32, #tpu.memory_space<vmem>>
      %dma_start3A_230 = tpu.memref_squeeze %dma_start3A_229 : memref<1x128x64xf32, #tpu.memory_space<vmem>> -> memref<128x64xf32, #tpu.memory_space<vmem>>
      tpu.enqueue_dma source(%dma_start3A_230 : memref<128x64xf32, #tpu.memory_space<vmem>>) target(%dma_start3A_226 : memref<128x64xf32, #tpu.memory_space<hbm>>) target_semaphore(%arg13 : memref<!tpu.dma_semaphore, #tpu.memory_space<semaphore_mem>>)
      %mul3A_231 = arith.constant 4 : i32
      %mul3A_232 = arith.muli %scan3A_136, %mul3A_231 : i32
      %add3A_233 = arith.constant 2 : i32
      %add3A_234 = arith.addi %mul3A_232, %add3A_233 : i32
      %ge3A_235 = arith.constant 1 : i32
      %ge3A_236 = arith.cmpi sge, %add3A_234, %ge3A_235 : i32
      %convert_element_type3A_237 = arith.extui %ge3A_236 : i1 to i32
      %cond3A_238 = arith.constant 0 : i32
      %cond3A_239 = arith.cmpi ne, %convert_element_type3A_237, %cond3A_238 : i32
      scf.if %cond3A_239 {
        %dma_wait3A_329 = arith.constant 1 : i32
        %dma_wait3A_330 = arith.constant 0 : i32
        %dma_wait3A_331 = arith.constant 0 : i32
        %dma_wait3A_332 = arith.constant 0 : i32
        %dma_wait3A_333 = tpu.memref_slice %arg7[%dma_wait3A_329, %dma_wait3A_331, %dma_wait3A_332] : memref<4x128x128xf32, #tpu.memory_space<vmem>> -> memref<1x128x64xf32, #tpu.memory_space<vmem>>
        %dma_wait3A_334 = tpu.memref_squeeze %dma_wait3A_333 : memref<1x128x64xf32, #tpu.memory_space<vmem>> -> memref<128x64xf32, #tpu.memory_space<vmem>>
        %dma_wait3A_335 = arith.constant 0 : i32
        %dma_wait3A_336 = tpu.memref_slice %arg5[%mul3A_2, %dma_wait3A_330, %dma_wait3A_335] : memref<4096x100x64xf32, #tpu.memory_space<hbm>> -> memref<128x1x64xf32, #tpu.memory_space<hbm>>
        %dma_wait3A_337 = tpu.memref_squeeze %dma_wait3A_336 : memref<128x1x64xf32, #tpu.memory_space<hbm>> -> memref<128x64xf32, #tpu.memory_space<hbm>>
        %dma_wait3A_338 = arith.constant 0 : i32
        %dma_wait3A_339 = tpu.memref_slice %arg5[%mul3A_2, %dma_wait3A_330, %dma_wait3A_338] : memref<4096x100x64xf32, #tpu.memory_space<hbm>> -> memref<128x1x64xf32, #tpu.memory_space<hbm>>
        %dma_wait3A_340 = tpu.memref_squeeze %dma_wait3A_339 : memref<128x1x64xf32, #tpu.memory_space<hbm>> -> memref<128x64xf32, #tpu.memory_space<hbm>>
        %dma_wait3A_341 = arith.constant 0 : i32
        %dma_wait3A_342 = arith.constant 0 : i32
        %dma_wait3A_343 = tpu.memref_slice %arg7[%dma_wait3A_329, %dma_wait3A_341, %dma_wait3A_342] : memref<4x128x128xf32, #tpu.memory_space<vmem>> -> memref<1x128x64xf32, #tpu.memory_space<vmem>>
        %dma_wait3A_344 = tpu.memref_squeeze %dma_wait3A_343 : memref<1x128x64xf32, #tpu.memory_space<vmem>> -> memref<128x64xf32, #tpu.memory_space<vmem>>
        tpu.wait_dma2 semaphore(%arg13 : memref<!tpu.dma_semaphore, #tpu.memory_space<semaphore_mem>>) src(%dma_wait3A_344 : memref<128x64xf32, #tpu.memory_space<vmem>>) dst(%dma_wait3A_340 : memref<128x64xf32, #tpu.memory_space<hbm>>)
      } else {
      }
      %add3A_240 = arith.constant 3 : i32
      %add3A_241 = arith.addi %add3A_234, %add3A_240 : i32
      %lt3A_242 = arith.constant 100 : i32
      %lt3A_243 = arith.cmpi slt, %add3A_241, %lt3A_242 : i32
      %convert_element_type3A_244 = arith.extui %lt3A_243 : i1 to i32
      %cond3A_245 = arith.constant 0 : i32
      %cond3A_246 = arith.cmpi ne, %convert_element_type3A_244, %cond3A_245 : i32
      scf.if %cond3A_246 {
        %add3A_329 = arith.constant 3 : i32
        %add3A_330 = arith.addi %add3A_234, %add3A_329 : i32
        %add3A_331 = arith.constant 100 : i32
        %add3A_332 = arith.addi %add3A_331, %add3A_330 : i32
        %dma_start3A_333 = arith.constant 1 : i32
        %dma_start3A_334 = arith.constant 0 : i32
        %dma_start3A_335 = arith.constant 0 : i32
        %dma_start3A_336 = tpu.memref_slice %arg7[%dma_start3A_333, %dma_start3A_334, %dma_start3A_335] : memref<4x128x128xf32, #tpu.memory_space<vmem>> -> memref<1x128x64xf32, #tpu.memory_space<vmem>>
        %dma_start3A_337 = tpu.memref_squeeze %dma_start3A_336 : memref<1x128x64xf32, #tpu.memory_space<vmem>> -> memref<128x64xf32, #tpu.memory_space<vmem>>
        %dma_start3A_338 = arith.constant 0 : i32
        %dma_start3A_339 = arith.constant 0 : i32
        %dma_start3A_340 = tpu.memref_slice %arg4[%add3A_332, %dma_start3A_338, %dma_start3A_339] : memref<200x128x64xf32, #tpu.memory_space<hbm>> -> memref<1x128x64xf32, #tpu.memory_space<hbm>>
        %dma_start3A_341 = tpu.memref_squeeze %dma_start3A_340 : memref<1x128x64xf32, #tpu.memory_space<hbm>> -> memref<128x64xf32, #tpu.memory_space<hbm>>
        %dma_start3A_342 = arith.constant 0 : i32
        %dma_start3A_343 = arith.constant 0 : i32
        %dma_start3A_344 = tpu.memref_slice %arg7[%dma_start3A_333, %dma_start3A_342, %dma_start3A_343] : memref<4x128x128xf32, #tpu.memory_space<vmem>> -> memref<1x128x64xf32, #tpu.memory_space<vmem>>
        %dma_start3A_345 = tpu.memref_squeeze %dma_start3A_344 : memref<1x128x64xf32, #tpu.memory_space<vmem>> -> memref<128x64xf32, #tpu.memory_space<vmem>>
        %dma_start3A_346 = arith.constant 0 : i32
        %dma_start3A_347 = arith.constant 0 : i32
        %dma_start3A_348 = tpu.memref_slice %arg4[%add3A_332, %dma_start3A_346, %dma_start3A_347] : memref<200x128x64xf32, #tpu.memory_space<hbm>> -> memref<1x128x64xf32, #tpu.memory_space<hbm>>
        %dma_start3A_349 = tpu.memref_squeeze %dma_start3A_348 : memref<1x128x64xf32, #tpu.memory_space<hbm>> -> memref<128x64xf32, #tpu.memory_space<hbm>>
        tpu.enqueue_dma source(%dma_start3A_349 : memref<128x64xf32, #tpu.memory_space<hbm>>) target(%dma_start3A_345 : memref<128x64xf32, #tpu.memory_space<vmem>>) target_semaphore(%arg17 : memref<!tpu.dma_semaphore, #tpu.memory_space<semaphore_mem>>)
      } else {
      }
      %add3A_247 = arith.constant 2 : i32
      %add3A_248 = arith.addi %add3A_234, %add3A_247 : i32
      %lt3A_249 = arith.constant 100 : i32
      %lt3A_250 = arith.cmpi slt, %add3A_248, %lt3A_249 : i32
      %convert_element_type3A_251 = arith.extui %lt3A_250 : i1 to i32
      %cond3A_252 = arith.constant 0 : i32
      %cond3A_253 = arith.cmpi ne, %convert_element_type3A_251, %cond3A_252 : i32
      scf.if %cond3A_253 {
        %dma_wait3A_329 = arith.constant 0 : i32
        %dma_wait3A_330 = arith.constant 0 : i32
        %dma_wait3A_331 = arith.constant 0 : i32
        %dma_wait3A_332 = arith.constant 0 : i32
        %dma_wait3A_333 = tpu.memref_slice %arg7[%dma_wait3A_330, %dma_wait3A_331, %dma_wait3A_332] : memref<4x128x128xf32, #tpu.memory_space<vmem>> -> memref<1x128x64xf32, #tpu.memory_space<vmem>>
        %dma_wait3A_334 = tpu.memref_squeeze %dma_wait3A_333 : memref<1x128x64xf32, #tpu.memory_space<vmem>> -> memref<128x64xf32, #tpu.memory_space<vmem>>
        %dma_wait3A_335 = arith.constant 0 : i32
        %dma_wait3A_336 = arith.constant 0 : i32
        %dma_wait3A_337 = tpu.memref_slice %arg4[%dma_wait3A_329, %dma_wait3A_335, %dma_wait3A_336] : memref<200x128x64xf32, #tpu.memory_space<hbm>> -> memref<1x128x64xf32, #tpu.memory_space<hbm>>
        %dma_wait3A_338 = tpu.memref_squeeze %dma_wait3A_337 : memref<1x128x64xf32, #tpu.memory_space<hbm>> -> memref<128x64xf32, #tpu.memory_space<hbm>>
        %dma_wait3A_339 = arith.constant 0 : i32
        %dma_wait3A_340 = arith.constant 0 : i32
        %dma_wait3A_341 = tpu.memref_slice %arg7[%dma_wait3A_330, %dma_wait3A_339, %dma_wait3A_340] : memref<4x128x128xf32, #tpu.memory_space<vmem>> -> memref<1x128x64xf32, #tpu.memory_space<vmem>>
        %dma_wait3A_342 = tpu.memref_squeeze %dma_wait3A_341 : memref<1x128x64xf32, #tpu.memory_space<vmem>> -> memref<128x64xf32, #tpu.memory_space<vmem>>
        %dma_wait3A_343 = arith.constant 0 : i32
        %dma_wait3A_344 = arith.constant 0 : i32
        %dma_wait3A_345 = tpu.memref_slice %arg4[%dma_wait3A_329, %dma_wait3A_343, %dma_wait3A_344] : memref<200x128x64xf32, #tpu.memory_space<hbm>> -> memref<1x128x64xf32, #tpu.memory_space<hbm>>
        %dma_wait3A_346 = tpu.memref_squeeze %dma_wait3A_345 : memref<1x128x64xf32, #tpu.memory_space<hbm>> -> memref<128x64xf32, #tpu.memory_space<hbm>>
        tpu.wait_dma2 semaphore(%arg16 : memref<!tpu.dma_semaphore, #tpu.memory_space<semaphore_mem>>) src(%dma_wait3A_346 : memref<128x64xf32, #tpu.memory_space<hbm>>) dst(%dma_wait3A_342 : memref<128x64xf32, #tpu.memory_space<vmem>>)
        %add3A_347 = arith.constant 2 : i32
        %add3A_348 = arith.addi %add3A_234, %add3A_347 : i32
        %dma_start3A_349 = arith.constant 0 : i32
        %dma_start3A_350 = arith.constant 0 : i32
        %dma_start3A_351 = arith.constant 0 : i32
        %dma_start3A_352 = tpu.memref_slice %arg7[%dma_start3A_349, %dma_start3A_350, %dma_start3A_351] : memref<4x128x128xf32, #tpu.memory_space<vmem>> -> memref<1x128x128xf32, #tpu.memory_space<vmem>>
        %dma_start3A_353 = tpu.memref_squeeze %dma_start3A_352 : memref<1x128x128xf32, #tpu.memory_space<vmem>> -> memref<128x128xf32, #tpu.memory_space<vmem>>
        %dma_start3A_354 = arith.constant 0 : i32
        %dma_start3A_355 = tpu.memref_slice %arg6[%add3A_348, %dma_start3A_354] : memref<100x128xi32, #tpu.memory_space<vmem>> -> memref<1x128xi32, #tpu.memory_space<vmem>>
        %dma_start3A_356 = tpu.memref_squeeze %dma_start3A_355 : memref<1x128xi32, #tpu.memory_space<vmem>> -> memref<128xi32, #tpu.memory_space<vmem>>
        %dma_start3A_357 = arith.constant 0 : i32
        %dma_start3A_358 = arith.constant 0 : i32
        %dma_start3A_359 = tpu.memref_slice %arg3[%dma_start3A_357, %dma_start3A_358] : memref<100000x128xf32, #tpu.memory_space<hbm>> -> memref<100000x128xf32, #tpu.memory_space<hbm>>
        tpu.enqueue_indirect_dma source(%dma_start3A_359 : memref<100000x128xf32, #tpu.memory_space<hbm>>) target(%dma_start3A_353 : memref<128x128xf32, #tpu.memory_space<vmem>>) offsets(%dma_start3A_356 : memref<128xi32, #tpu.memory_space<vmem>>) semaphore(%arg8 : memref<!tpu.dma_semaphore, #tpu.memory_space<semaphore_mem>>) {add = true}
      } else {
      }
      %dma_wait3A_254 = arith.constant 2 : i32
      %dma_wait3A_255 = arith.constant 0 : i32
      %dma_wait3A_256 = arith.constant 0 : i32
      %dma_wait3A_257 = tpu.memref_slice %arg7[%dma_wait3A_254, %dma_wait3A_255, %dma_wait3A_256] : memref<4x128x128xf32, #tpu.memory_space<vmem>> -> memref<1x128x128xf32, #tpu.memory_space<vmem>>
      %dma_wait3A_258 = tpu.memref_squeeze %dma_wait3A_257 : memref<1x128x128xf32, #tpu.memory_space<vmem>> -> memref<128x128xf32, #tpu.memory_space<vmem>>
      %dma_wait3A_259 = arith.constant 0 : i32
      %dma_wait3A_260 = tpu.memref_slice %arg6[%add3A_234, %dma_wait3A_259] : memref<100x128xi32, #tpu.memory_space<vmem>> -> memref<1x128xi32, #tpu.memory_space<vmem>>
      %dma_wait3A_261 = tpu.memref_squeeze %dma_wait3A_260 : memref<1x128xi32, #tpu.memory_space<vmem>> -> memref<128xi32, #tpu.memory_space<vmem>>
      %dma_wait3A_262 = arith.constant 0 : i32
      %dma_wait3A_263 = arith.constant 0 : i32
      %dma_wait3A_264 = tpu.memref_slice %arg3[%dma_wait3A_262, %dma_wait3A_263] : memref<100000x128xf32, #tpu.memory_space<hbm>> -> memref<100000x128xf32, #tpu.memory_space<hbm>>
      tpu.wait_indirect_dma semaphore(%arg10 : memref<!tpu.dma_semaphore, #tpu.memory_space<semaphore_mem>>) src(%dma_wait3A_264 : memref<100000x128xf32, #tpu.memory_space<hbm>>) dst(%dma_wait3A_258 : memref<128x128xf32, #tpu.memory_space<vmem>>)
      %dma_start3A_265 = arith.constant 2 : i32
      %dma_start3A_266 = arith.constant 0 : i32
      %dma_start3A_267 = arith.constant 0 : i32
      %dma_start3A_268 = tpu.memref_slice %arg7[%dma_start3A_265, %dma_start3A_266, %dma_start3A_267] : memref<4x128x128xf32, #tpu.memory_space<vmem>> -> memref<1x128x64xf32, #tpu.memory_space<vmem>>
      %dma_start3A_269 = tpu.memref_squeeze %dma_start3A_268 : memref<1x128x64xf32, #tpu.memory_space<vmem>> -> memref<128x64xf32, #tpu.memory_space<vmem>>
      %dma_start3A_270 = arith.constant 0 : i32
      %dma_start3A_271 = tpu.memref_slice %arg5[%mul3A_2, %add3A_234, %dma_start3A_270] : memref<4096x100x64xf32, #tpu.memory_space<hbm>> -> memref<128x1x64xf32, #tpu.memory_space<hbm>>
      %dma_start3A_272 = tpu.memref_squeeze %dma_start3A_271 : memref<128x1x64xf32, #tpu.memory_space<hbm>> -> memref<128x64xf32, #tpu.memory_space<hbm>>
      %dma_start3A_273 = arith.constant 0 : i32
      %dma_start3A_274 = tpu.memref_slice %arg5[%mul3A_2, %add3A_234, %dma_start3A_273] : memref<4096x100x64xf32, #tpu.memory_space<hbm>> -> memref<128x1x64xf32, #tpu.memory_space<hbm>>
      %dma_start3A_275 = tpu.memref_squeeze %dma_start3A_274 : memref<128x1x64xf32, #tpu.memory_space<hbm>> -> memref<128x64xf32, #tpu.memory_space<hbm>>
      %dma_start3A_276 = arith.constant 0 : i32
      %dma_start3A_277 = arith.constant 0 : i32
      %dma_start3A_278 = tpu.memref_slice %arg7[%dma_start3A_265, %dma_start3A_276, %dma_start3A_277] : memref<4x128x128xf32, #tpu.memory_space<vmem>> -> memref<1x128x64xf32, #tpu.memory_space<vmem>>
      %dma_start3A_279 = tpu.memref_squeeze %dma_start3A_278 : memref<1x128x64xf32, #tpu.memory_space<vmem>> -> memref<128x64xf32, #tpu.memory_space<vmem>>
      tpu.enqueue_dma source(%dma_start3A_279 : memref<128x64xf32, #tpu.memory_space<vmem>>) target(%dma_start3A_275 : memref<128x64xf32, #tpu.memory_space<hbm>>) target_semaphore(%arg14 : memref<!tpu.dma_semaphore, #tpu.memory_space<semaphore_mem>>)
      %mul3A_280 = arith.constant 4 : i32
      %mul3A_281 = arith.muli %scan3A_136, %mul3A_280 : i32
      %add3A_282 = arith.constant 3 : i32
      %add3A_283 = arith.addi %mul3A_281, %add3A_282 : i32
      %ge3A_284 = arith.constant 1 : i32
      %ge3A_285 = arith.cmpi sge, %add3A_283, %ge3A_284 : i32
      %convert_element_type3A_286 = arith.extui %ge3A_285 : i1 to i32
      %cond3A_287 = arith.constant 0 : i32
      %cond3A_288 = arith.cmpi ne, %convert_element_type3A_286, %cond3A_287 : i32
      scf.if %cond3A_288 {
        %dma_wait3A_329 = arith.constant 2 : i32
        %dma_wait3A_330 = arith.constant 0 : i32
        %dma_wait3A_331 = arith.constant 0 : i32
        %dma_wait3A_332 = arith.constant 0 : i32
        %dma_wait3A_333 = tpu.memref_slice %arg7[%dma_wait3A_329, %dma_wait3A_331, %dma_wait3A_332] : memref<4x128x128xf32, #tpu.memory_space<vmem>> -> memref<1x128x64xf32, #tpu.memory_space<vmem>>
        %dma_wait3A_334 = tpu.memref_squeeze %dma_wait3A_333 : memref<1x128x64xf32, #tpu.memory_space<vmem>> -> memref<128x64xf32, #tpu.memory_space<vmem>>
        %dma_wait3A_335 = arith.constant 0 : i32
        %dma_wait3A_336 = tpu.memref_slice %arg5[%mul3A_2, %dma_wait3A_330, %dma_wait3A_335] : memref<4096x100x64xf32, #tpu.memory_space<hbm>> -> memref<128x1x64xf32, #tpu.memory_space<hbm>>
        %dma_wait3A_337 = tpu.memref_squeeze %dma_wait3A_336 : memref<128x1x64xf32, #tpu.memory_space<hbm>> -> memref<128x64xf32, #tpu.memory_space<hbm>>
        %dma_wait3A_338 = arith.constant 0 : i32
        %dma_wait3A_339 = tpu.memref_slice %arg5[%mul3A_2, %dma_wait3A_330, %dma_wait3A_338] : memref<4096x100x64xf32, #tpu.memory_space<hbm>> -> memref<128x1x64xf32, #tpu.memory_space<hbm>>
        %dma_wait3A_340 = tpu.memref_squeeze %dma_wait3A_339 : memref<128x1x64xf32, #tpu.memory_space<hbm>> -> memref<128x64xf32, #tpu.memory_space<hbm>>
        %dma_wait3A_341 = arith.constant 0 : i32
        %dma_wait3A_342 = arith.constant 0 : i32
        %dma_wait3A_343 = tpu.memref_slice %arg7[%dma_wait3A_329, %dma_wait3A_341, %dma_wait3A_342] : memref<4x128x128xf32, #tpu.memory_space<vmem>> -> memref<1x128x64xf32, #tpu.memory_space<vmem>>
        %dma_wait3A_344 = tpu.memref_squeeze %dma_wait3A_343 : memref<1x128x64xf32, #tpu.memory_space<vmem>> -> memref<128x64xf32, #tpu.memory_space<vmem>>
        tpu.wait_dma2 semaphore(%arg14 : memref<!tpu.dma_semaphore, #tpu.memory_space<semaphore_mem>>) src(%dma_wait3A_344 : memref<128x64xf32, #tpu.memory_space<vmem>>) dst(%dma_wait3A_340 : memref<128x64xf32, #tpu.memory_space<hbm>>)
      } else {
      }
      %add3A_289 = arith.constant 3 : i32
      %add3A_290 = arith.addi %add3A_283, %add3A_289 : i32
      %lt3A_291 = arith.constant 100 : i32
      %lt3A_292 = arith.cmpi slt, %add3A_290, %lt3A_291 : i32
      %convert_element_type3A_293 = arith.extui %lt3A_292 : i1 to i32
      %cond3A_294 = arith.constant 0 : i32
      %cond3A_295 = arith.cmpi ne, %convert_element_type3A_293, %cond3A_294 : i32
      scf.if %cond3A_295 {
        %add3A_329 = arith.constant 3 : i32
        %add3A_330 = arith.addi %add3A_283, %add3A_329 : i32
        %add3A_331 = arith.constant 100 : i32
        %add3A_332 = arith.addi %add3A_331, %add3A_330 : i32
        %dma_start3A_333 = arith.constant 2 : i32
        %dma_start3A_334 = arith.constant 0 : i32
        %dma_start3A_335 = arith.constant 0 : i32
        %dma_start3A_336 = tpu.memref_slice %arg7[%dma_start3A_333, %dma_start3A_334, %dma_start3A_335] : memref<4x128x128xf32, #tpu.memory_space<vmem>> -> memref<1x128x64xf32, #tpu.memory_space<vmem>>
        %dma_start3A_337 = tpu.memref_squeeze %dma_start3A_336 : memref<1x128x64xf32, #tpu.memory_space<vmem>> -> memref<128x64xf32, #tpu.memory_space<vmem>>
        %dma_start3A_338 = arith.constant 0 : i32
        %dma_start3A_339 = arith.constant 0 : i32
        %dma_start3A_340 = tpu.memref_slice %arg4[%add3A_332, %dma_start3A_338, %dma_start3A_339] : memref<200x128x64xf32, #tpu.memory_space<hbm>> -> memref<1x128x64xf32, #tpu.memory_space<hbm>>
        %dma_start3A_341 = tpu.memref_squeeze %dma_start3A_340 : memref<1x128x64xf32, #tpu.memory_space<hbm>> -> memref<128x64xf32, #tpu.memory_space<hbm>>
        %dma_start3A_342 = arith.constant 0 : i32
        %dma_start3A_343 = arith.constant 0 : i32
        %dma_start3A_344 = tpu.memref_slice %arg7[%dma_start3A_333, %dma_start3A_342, %dma_start3A_343] : memref<4x128x128xf32, #tpu.memory_space<vmem>> -> memref<1x128x64xf32, #tpu.memory_space<vmem>>
        %dma_start3A_345 = tpu.memref_squeeze %dma_start3A_344 : memref<1x128x64xf32, #tpu.memory_space<vmem>> -> memref<128x64xf32, #tpu.memory_space<vmem>>
        %dma_start3A_346 = arith.constant 0 : i32
        %dma_start3A_347 = arith.constant 0 : i32
        %dma_start3A_348 = tpu.memref_slice %arg4[%add3A_332, %dma_start3A_346, %dma_start3A_347] : memref<200x128x64xf32, #tpu.memory_space<hbm>> -> memref<1x128x64xf32, #tpu.memory_space<hbm>>
        %dma_start3A_349 = tpu.memref_squeeze %dma_start3A_348 : memref<1x128x64xf32, #tpu.memory_space<hbm>> -> memref<128x64xf32, #tpu.memory_space<hbm>>
        tpu.enqueue_dma source(%dma_start3A_349 : memref<128x64xf32, #tpu.memory_space<hbm>>) target(%dma_start3A_345 : memref<128x64xf32, #tpu.memory_space<vmem>>) target_semaphore(%arg18 : memref<!tpu.dma_semaphore, #tpu.memory_space<semaphore_mem>>)
      } else {
      }
      %add3A_296 = arith.constant 2 : i32
      %add3A_297 = arith.addi %add3A_283, %add3A_296 : i32
      %lt3A_298 = arith.constant 100 : i32
      %lt3A_299 = arith.cmpi slt, %add3A_297, %lt3A_298 : i32
      %convert_element_type3A_300 = arith.extui %lt3A_299 : i1 to i32
      %cond3A_301 = arith.constant 0 : i32
      %cond3A_302 = arith.cmpi ne, %convert_element_type3A_300, %cond3A_301 : i32
      scf.if %cond3A_302 {
        %dma_wait3A_329 = arith.constant 0 : i32
        %dma_wait3A_330 = arith.constant 1 : i32
        %dma_wait3A_331 = arith.constant 0 : i32
        %dma_wait3A_332 = arith.constant 0 : i32
        %dma_wait3A_333 = tpu.memref_slice %arg7[%dma_wait3A_330, %dma_wait3A_331, %dma_wait3A_332] : memref<4x128x128xf32, #tpu.memory_space<vmem>> -> memref<1x128x64xf32, #tpu.memory_space<vmem>>
        %dma_wait3A_334 = tpu.memref_squeeze %dma_wait3A_333 : memref<1x128x64xf32, #tpu.memory_space<vmem>> -> memref<128x64xf32, #tpu.memory_space<vmem>>
        %dma_wait3A_335 = arith.constant 0 : i32
        %dma_wait3A_336 = arith.constant 0 : i32
        %dma_wait3A_337 = tpu.memref_slice %arg4[%dma_wait3A_329, %dma_wait3A_335, %dma_wait3A_336] : memref<200x128x64xf32, #tpu.memory_space<hbm>> -> memref<1x128x64xf32, #tpu.memory_space<hbm>>
        %dma_wait3A_338 = tpu.memref_squeeze %dma_wait3A_337 : memref<1x128x64xf32, #tpu.memory_space<hbm>> -> memref<128x64xf32, #tpu.memory_space<hbm>>
        %dma_wait3A_339 = arith.constant 0 : i32
        %dma_wait3A_340 = arith.constant 0 : i32
        %dma_wait3A_341 = tpu.memref_slice %arg7[%dma_wait3A_330, %dma_wait3A_339, %dma_wait3A_340] : memref<4x128x128xf32, #tpu.memory_space<vmem>> -> memref<1x128x64xf32, #tpu.memory_space<vmem>>
        %dma_wait3A_342 = tpu.memref_squeeze %dma_wait3A_341 : memref<1x128x64xf32, #tpu.memory_space<vmem>> -> memref<128x64xf32, #tpu.memory_space<vmem>>
        %dma_wait3A_343 = arith.constant 0 : i32
        %dma_wait3A_344 = arith.constant 0 : i32
        %dma_wait3A_345 = tpu.memref_slice %arg4[%dma_wait3A_329, %dma_wait3A_343, %dma_wait3A_344] : memref<200x128x64xf32, #tpu.memory_space<hbm>> -> memref<1x128x64xf32, #tpu.memory_space<hbm>>
        %dma_wait3A_346 = tpu.memref_squeeze %dma_wait3A_345 : memref<1x128x64xf32, #tpu.memory_space<hbm>> -> memref<128x64xf32, #tpu.memory_space<hbm>>
        tpu.wait_dma2 semaphore(%arg17 : memref<!tpu.dma_semaphore, #tpu.memory_space<semaphore_mem>>) src(%dma_wait3A_346 : memref<128x64xf32, #tpu.memory_space<hbm>>) dst(%dma_wait3A_342 : memref<128x64xf32, #tpu.memory_space<vmem>>)
        %add3A_347 = arith.constant 2 : i32
        %add3A_348 = arith.addi %add3A_283, %add3A_347 : i32
        %dma_start3A_349 = arith.constant 1 : i32
        %dma_start3A_350 = arith.constant 0 : i32
        %dma_start3A_351 = arith.constant 0 : i32
        %dma_start3A_352 = tpu.memref_slice %arg7[%dma_start3A_349, %dma_start3A_350, %dma_start3A_351] : memref<4x128x128xf32, #tpu.memory_space<vmem>> -> memref<1x128x128xf32, #tpu.memory_space<vmem>>
        %dma_start3A_353 = tpu.memref_squeeze %dma_start3A_352 : memref<1x128x128xf32, #tpu.memory_space<vmem>> -> memref<128x128xf32, #tpu.memory_space<vmem>>
        %dma_start3A_354 = arith.constant 0 : i32
        %dma_start3A_355 = tpu.memref_slice %arg6[%add3A_348, %dma_start3A_354] : memref<100x128xi32, #tpu.memory_space<vmem>> -> memref<1x128xi32, #tpu.memory_space<vmem>>
        %dma_start3A_356 = tpu.memref_squeeze %dma_start3A_355 : memref<1x128xi32, #tpu.memory_space<vmem>> -> memref<128xi32, #tpu.memory_space<vmem>>
        %dma_start3A_357 = arith.constant 0 : i32
        %dma_start3A_358 = arith.constant 0 : i32
        %dma_start3A_359 = tpu.memref_slice %arg3[%dma_start3A_357, %dma_start3A_358] : memref<100000x128xf32, #tpu.memory_space<hbm>> -> memref<100000x128xf32, #tpu.memory_space<hbm>>
        tpu.enqueue_indirect_dma source(%dma_start3A_359 : memref<100000x128xf32, #tpu.memory_space<hbm>>) target(%dma_start3A_353 : memref<128x128xf32, #tpu.memory_space<vmem>>) offsets(%dma_start3A_356 : memref<128xi32, #tpu.memory_space<vmem>>) semaphore(%arg9 : memref<!tpu.dma_semaphore, #tpu.memory_space<semaphore_mem>>) {add = true}
      } else {
      }
      %dma_wait3A_303 = arith.constant 3 : i32
      %dma_wait3A_304 = arith.constant 0 : i32
      %dma_wait3A_305 = arith.constant 0 : i32
      %dma_wait3A_306 = tpu.memref_slice %arg7[%dma_wait3A_303, %dma_wait3A_304, %dma_wait3A_305] : memref<4x128x128xf32, #tpu.memory_space<vmem>> -> memref<1x128x128xf32, #tpu.memory_space<vmem>>
      %dma_wait3A_307 = tpu.memref_squeeze %dma_wait3A_306 : memref<1x128x128xf32, #tpu.memory_space<vmem>> -> memref<128x128xf32, #tpu.memory_space<vmem>>
      %dma_wait3A_308 = arith.constant 0 : i32
      %dma_wait3A_309 = tpu.memref_slice %arg6[%add3A_283, %dma_wait3A_308] : memref<100x128xi32, #tpu.memory_space<vmem>> -> memref<1x128xi32, #tpu.memory_space<vmem>>
      %dma_wait3A_310 = tpu.memref_squeeze %dma_wait3A_309 : memref<1x128xi32, #tpu.memory_space<vmem>> -> memref<128xi32, #tpu.memory_space<vmem>>
      %dma_wait3A_311 = arith.constant 0 : i32
      %dma_wait3A_312 = arith.constant 0 : i32
      %dma_wait3A_313 = tpu.memref_slice %arg3[%dma_wait3A_311, %dma_wait3A_312] : memref<100000x128xf32, #tpu.memory_space<hbm>> -> memref<100000x128xf32, #tpu.memory_space<hbm>>
      tpu.wait_indirect_dma semaphore(%arg11 : memref<!tpu.dma_semaphore, #tpu.memory_space<semaphore_mem>>) src(%dma_wait3A_313 : memref<100000x128xf32, #tpu.memory_space<hbm>>) dst(%dma_wait3A_307 : memref<128x128xf32, #tpu.memory_space<vmem>>)
      %dma_start3A_314 = arith.constant 3 : i32
      %dma_start3A_315 = arith.constant 0 : i32
      %dma_start3A_316 = arith.constant 0 : i32
      %dma_start3A_317 = tpu.memref_slice %arg7[%dma_start3A_314, %dma_start3A_315, %dma_start3A_316] : memref<4x128x128xf32, #tpu.memory_space<vmem>> -> memref<1x128x64xf32, #tpu.memory_space<vmem>>
      %dma_start3A_318 = tpu.memref_squeeze %dma_start3A_317 : memref<1x128x64xf32, #tpu.memory_space<vmem>> -> memref<128x64xf32, #tpu.memory_space<vmem>>
      %dma_start3A_319 = arith.constant 0 : i32
      %dma_start3A_320 = tpu.memref_slice %arg5[%mul3A_2, %add3A_283, %dma_start3A_319] : memref<4096x100x64xf32, #tpu.memory_space<hbm>> -> memref<128x1x64xf32, #tpu.memory_space<hbm>>
      %dma_start3A_321 = tpu.memref_squeeze %dma_start3A_320 : memref<128x1x64xf32, #tpu.memory_space<hbm>> -> memref<128x64xf32, #tpu.memory_space<hbm>>
      %dma_start3A_322 = arith.constant 0 : i32
      %dma_start3A_323 = tpu.memref_slice %arg5[%mul3A_2, %add3A_283, %dma_start3A_322] : memref<4096x100x64xf32, #tpu.memory_space<hbm>> -> memref<128x1x64xf32, #tpu.memory_space<hbm>>
      %dma_start3A_324 = tpu.memref_squeeze %dma_start3A_323 : memref<128x1x64xf32, #tpu.memory_space<hbm>> -> memref<128x64xf32, #tpu.memory_space<hbm>>
      %dma_start3A_325 = arith.constant 0 : i32
      %dma_start3A_326 = arith.constant 0 : i32
      %dma_start3A_327 = tpu.memref_slice %arg7[%dma_start3A_314, %dma_start3A_325, %dma_start3A_326] : memref<4x128x128xf32, #tpu.memory_space<vmem>> -> memref<1x128x64xf32, #tpu.memory_space<vmem>>
      %dma_start3A_328 = tpu.memref_squeeze %dma_start3A_327 : memref<1x128x64xf32, #tpu.memory_space<vmem>> -> memref<128x64xf32, #tpu.memory_space<vmem>>
      tpu.enqueue_dma source(%dma_start3A_328 : memref<128x64xf32, #tpu.memory_space<vmem>>) target(%dma_start3A_324 : memref<128x64xf32, #tpu.memory_space<hbm>>) target_semaphore(%arg15 : memref<!tpu.dma_semaphore, #tpu.memory_space<semaphore_mem>>)
    }
    %scan3A_119 = arith.constant 25 : i32
    %dma_wait3A_120 = arith.constant 3 : i32
    %dma_wait3A_121 = arith.constant 0 : i32
    %dma_wait3A_122 = arith.constant 0 : i32
    %dma_wait3A_123 = arith.constant 0 : i32
    %dma_wait3A_124 = tpu.memref_slice %arg7[%dma_wait3A_120, %dma_wait3A_122, %dma_wait3A_123] : memref<4x128x128xf32, #tpu.memory_space<vmem>> -> memref<1x128x64xf32, #tpu.memory_space<vmem>>
    %dma_wait3A_125 = tpu.memref_squeeze %dma_wait3A_124 : memref<1x128x64xf32, #tpu.memory_space<vmem>> -> memref<128x64xf32, #tpu.memory_space<vmem>>
    %dma_wait3A_126 = arith.constant 0 : i32
    %dma_wait3A_127 = tpu.memref_slice %arg5[%mul3A_2, %dma_wait3A_121, %dma_wait3A_126] : memref<4096x100x64xf32, #tpu.memory_space<hbm>> -> memref<128x1x64xf32, #tpu.memory_space<hbm>>
    %dma_wait3A_128 = tpu.memref_squeeze %dma_wait3A_127 : memref<128x1x64xf32, #tpu.memory_space<hbm>> -> memref<128x64xf32, #tpu.memory_space<hbm>>
    %dma_wait3A_129 = arith.constant 0 : i32
    %dma_wait3A_130 = tpu.memref_slice %arg5[%mul3A_2, %dma_wait3A_121, %dma_wait3A_129] : memref<4096x100x64xf32, #tpu.memory_space<hbm>> -> memref<128x1x64xf32, #tpu.memory_space<hbm>>
    %dma_wait3A_131 = tpu.memref_squeeze %dma_wait3A_130 : memref<128x1x64xf32, #tpu.memory_space<hbm>> -> memref<128x64xf32, #tpu.memory_space<hbm>>
    %dma_wait3A_132 = arith.constant 0 : i32
    %dma_wait3A_133 = arith.constant 0 : i32
    %dma_wait3A_134 = tpu.memref_slice %arg7[%dma_wait3A_120, %dma_wait3A_132, %dma_wait3A_133] : memref<4x128x128xf32, #tpu.memory_space<vmem>> -> memref<1x128x64xf32, #tpu.memory_space<vmem>>
    %dma_wait3A_135 = tpu.memref_squeeze %dma_wait3A_134 : memref<1x128x64xf32, #tpu.memory_space<vmem>> -> memref<128x64xf32, #tpu.memory_space<vmem>>
    tpu.wait_dma2 semaphore(%arg15 : memref<!tpu.dma_semaphore, #tpu.memory_space<semaphore_mem>>) src(%dma_wait3A_135 : memref<128x64xf32, #tpu.memory_space<vmem>>) dst(%dma_wait3A_131 : memref<128x64xf32, #tpu.memory_space<hbm>>)
    return
  }
}

#map = affine_map<(d0, d1) -> (0, 0)>
#map1 = affine_map<(d0, d1) -> (0, 0, 0)>
module attributes {stable_mosaic.version = 14 : i64} {
  func.func @body(%arg0: i32, %arg1: i32, %arg2: memref<100x4096xi32, #tpu.memory_space<hbm>>, %arg3: memref<100000x128xf32, #tpu.memory_space<hbm>>, %arg4: memref<200x128x64xf32, #tpu.memory_space<hbm>>, %arg5: memref<4096x100x64xf32, #tpu.memory_space<hbm>>, %arg6: memref<100x128xi32, #tpu.memory_space<vmem>>, %arg7: memref<4x128x128xf32, #tpu.memory_space<vmem>>, %arg8: memref<!tpu.dma_semaphore, #tpu.memory_space<semaphore_mem>>, %arg9: memref<!tpu.dma_semaphore, #tpu.memory_space<semaphore_mem>>, %arg10: memref<!tpu.dma_semaphore, #tpu.memory_space<semaphore_mem>>, %arg11: memref<!tpu.dma_semaphore, #tpu.memory_space<semaphore_mem>>, %arg12: memref<!tpu.dma_semaphore, #tpu.memory_space<semaphore_mem>>, %arg13: memref<!tpu.dma_semaphore, #tpu.memory_space<semaphore_mem>>, %arg14: memref<!tpu.dma_semaphore, #tpu.memory_space<semaphore_mem>>, %arg15: memref<!tpu.dma_semaphore, #tpu.memory_space<semaphore_mem>>, %arg16: memref<!tpu.dma_semaphore, #tpu.memory_space<semaphore_mem>>, %arg17: memref<!tpu.dma_semaphore, #tpu.memory_space<semaphore_mem>>, %arg18: memref<!tpu.dma_semaphore, #tpu.memory_space<semaphore_mem>>, %arg19: memref<!tpu.dma_semaphore, #tpu.memory_space<semaphore_mem>>) attributes {dimension_semantics = [#tpu.dimension_semantics<core_parallel>, #tpu.dimension_semantics<subcore_parallel>], iteration_bounds = array<i64: 2, 16>, scalar_prefetch = 0 : i64, scratch_operands = 14 : i64, tpu.core_type = #tpu.core_type<sc_vector_subcore>, window_params = [{transform_indices = #map}, {transform_indices = #map}, {transform_indices = #map1}, {transform_indices = #map1}]} {
    %mul3A = arith.constant 2 : i32
    %mul3A_0 = arith.muli %arg1, %mul3A : i32
    %add3A = arith.addi %mul3A_0, %arg0 : i32
    %mul3A_1 = arith.constant 128 : i32
    %mul3A_2 = arith.muli %add3A, %mul3A_1 : i32
    "tpu.region"() ({
      %run_scoped3A = tpu.sem_alloc : memref<!tpu.dma_semaphore, #tpu.memory_space<semaphore_mem>>
      %dma_start3A_136 = arith.constant 0 : i32
      %dma_start3A_137 = tpu.memref_slice %arg2[%dma_start3A_136, %mul3A_2] : memref<100x4096xi32, #tpu.memory_space<hbm>> -> memref<100x128xi32, #tpu.memory_space<hbm>>
      %dma_start3A_138 = arith.constant 0 : i32
      %dma_start3A_139 = tpu.memref_slice %arg2[%dma_start3A_138, %mul3A_2] : memref<100x4096xi32, #tpu.memory_space<hbm>> -> memref<100x128xi32, #tpu.memory_space<hbm>>
      tpu.enqueue_dma source(%dma_start3A_139 : memref<100x128xi32, #tpu.memory_space<hbm>>) target(%arg6 : memref<100x128xi32, #tpu.memory_space<vmem>>) target_semaphore(%run_scoped3A : memref<!tpu.dma_semaphore, #tpu.memory_space<semaphore_mem>>)
      %dma_wait3A_140 = arith.constant 0 : i32
      %dma_wait3A_141 = tpu.memref_slice %arg2[%dma_wait3A_140, %mul3A_2] : memref<100x4096xi32, #tpu.memory_space<hbm>> -> memref<100x128xi32, #tpu.memory_space<hbm>>
      %dma_wait3A_142 = arith.constant 0 : i32
      %dma_wait3A_143 = tpu.memref_slice %arg2[%dma_wait3A_142, %mul3A_2] : memref<100x4096xi32, #tpu.memory_space<hbm>> -> memref<100x128xi32, #tpu.memory_space<hbm>>
      tpu.wait_dma2 semaphore(%run_scoped3A : memref<!tpu.dma_semaphore, #tpu.memory_space<semaphore_mem>>) src(%dma_wait3A_143 : memref<100x128xi32, #tpu.memory_space<hbm>>) dst(%arg6 : memref<100x128xi32, #tpu.memory_space<vmem>>)
      tpu.yield
    }) : () -> ()
    %dma_start3A = arith.constant 0 : i32
    %dma_start3A_3 = arith.constant 0 : i32
    %dma_start3A_4 = arith.constant 0 : i32
    %dma_start3A_5 = arith.constant 0 : i32
    %dma_start3A_6 = tpu.memref_slice %arg7[%dma_start3A_3, %dma_start3A_4, %dma_start3A_5] : memref<4x128x128xf32, #tpu.memory_space<vmem>> -> memref<1x128x64xf32, #tpu.memory_space<vmem>>
    %dma_start3A_7 = tpu.memref_squeeze %dma_start3A_6 : memref<1x128x64xf32, #tpu.memory_space<vmem>> -> memref<128x64xf32, #tpu.memory_space<vmem>>
    %dma_start3A_8 = arith.constant 0 : i32
    %dma_start3A_9 = arith.constant 0 : i32
    %dma_start3A_10 = tpu.memref_slice %arg4[%dma_start3A, %dma_start3A_8, %dma_start3A_9] : memref<200x128x64xf32, #tpu.memory_space<hbm>> -> memref<1x128x64xf32, #tpu.memory_space<hbm>>
    %dma_start3A_11 = tpu.memref_squeeze %dma_start3A_10 : memref<1x128x64xf32, #tpu.memory_space<hbm>> -> memref<128x64xf32, #tpu.memory_space<hbm>>
    %dma_start3A_12 = arith.constant 0 : i32
    %dma_start3A_13 = arith.constant 0 : i32
    %dma_start3A_14 = tpu.memref_slice %arg7[%dma_start3A_3, %dma_start3A_12, %dma_start3A_13] : memref<4x128x128xf32, #tpu.memory_space<vmem>> -> memref<1x128x64xf32, #tpu.memory_space<vmem>>
    %dma_start3A_15 = tpu.memref_squeeze %dma_start3A_14 : memref<1x128x64xf32, #tpu.memory_space<vmem>> -> memref<128x64xf32, #tpu.memory_space<vmem>>
    %dma_start3A_16 = arith.constant 0 : i32
    %dma_start3A_17 = arith.constant 0 : i32
    %dma_start3A_18 = tpu.memref_slice %arg4[%dma_start3A, %dma_start3A_16, %dma_start3A_17] : memref<200x128x64xf32, #tpu.memory_space<hbm>> -> memref<1x128x64xf32, #tpu.memory_space<hbm>>
    %dma_start3A_19 = tpu.memref_squeeze %dma_start3A_18 : memref<1x128x64xf32, #tpu.memory_space<hbm>> -> memref<128x64xf32, #tpu.memory_space<hbm>>
    tpu.enqueue_dma source(%dma_start3A_19 : memref<128x64xf32, #tpu.memory_space<hbm>>) target(%dma_start3A_15 : memref<128x64xf32, #tpu.memory_space<vmem>>) target_semaphore(%arg16 : memref<!tpu.dma_semaphore, #tpu.memory_space<semaphore_mem>>)
    %dma_start3A_20 = arith.constant 1 : i32
    %dma_start3A_21 = arith.constant 1 : i32
    %dma_start3A_22 = arith.constant 0 : i32
    %dma_start3A_23 = arith.constant 0 : i32
    %dma_start3A_24 = tpu.memref_slice %arg7[%dma_start3A_21, %dma_start3A_22, %dma_start3A_23] : memref<4x128x128xf32, #tpu.memory_space<vmem>> -> memref<1x128x64xf32, #tpu.memory_space<vmem>>
    %dma_start3A_25 = tpu.memref_squeeze %dma_start3A_24 : memref<1x128x64xf32, #tpu.memory_space<vmem>> -> memref<128x64xf32, #tpu.memory_space<vmem>>
    %dma_start3A_26 = arith.constant 0 : i32
    %dma_start3A_27 = arith.constant 0 : i32
    %dma_start3A_28 = tpu.memref_slice %arg4[%dma_start3A_20, %dma_start3A_26, %dma_start3A_27] : memref<200x128x64xf32, #tpu.memory_space<hbm>> -> memref<1x128x64xf32, #tpu.memory_space<hbm>>
    %dma_start3A_29 = tpu.memref_squeeze %dma_start3A_28 : memref<1x128x64xf32, #tpu.memory_space<hbm>> -> memref<128x64xf32, #tpu.memory_space<hbm>>
    %dma_start3A_30 = arith.constant 0 : i32
    %dma_start3A_31 = arith.constant 0 : i32
    %dma_start3A_32 = tpu.memref_slice %arg7[%dma_start3A_21, %dma_start3A_30, %dma_start3A_31] : memref<4x128x128xf32, #tpu.memory_space<vmem>> -> memref<1x128x64xf32, #tpu.memory_space<vmem>>
    %dma_start3A_33 = tpu.memref_squeeze %dma_start3A_32 : memref<1x128x64xf32, #tpu.memory_space<vmem>> -> memref<128x64xf32, #tpu.memory_space<vmem>>
    %dma_start3A_34 = arith.constant 0 : i32
    %dma_start3A_35 = arith.constant 0 : i32
    %dma_start3A_36 = tpu.memref_slice %arg4[%dma_start3A_20, %dma_start3A_34, %dma_start3A_35] : memref<200x128x64xf32, #tpu.memory_space<hbm>> -> memref<1x128x64xf32, #tpu.memory_space<hbm>>
    %dma_start3A_37 = tpu.memref_squeeze %dma_start3A_36 : memref<1x128x64xf32, #tpu.memory_space<hbm>> -> memref<128x64xf32, #tpu.memory_space<hbm>>
    tpu.enqueue_dma source(%dma_start3A_37 : memref<128x64xf32, #tpu.memory_space<hbm>>) target(%dma_start3A_33 : memref<128x64xf32, #tpu.memory_space<vmem>>) target_semaphore(%arg17 : memref<!tpu.dma_semaphore, #tpu.memory_space<semaphore_mem>>)
    %dma_start3A_38 = arith.constant 2 : i32
    %dma_start3A_39 = arith.constant 2 : i32
    %dma_start3A_40 = arith.constant 0 : i32
    %dma_start3A_41 = arith.constant 0 : i32
    %dma_start3A_42 = tpu.memref_slice %arg7[%dma_start3A_39, %dma_start3A_40, %dma_start3A_41] : memref<4x128x128xf32, #tpu.memory_space<vmem>> -> memref<1x128x64xf32, #tpu.memory_space<vmem>>
    %dma_start3A_43 = tpu.memref_squeeze %dma_start3A_42 : memref<1x128x64xf32, #tpu.memory_space<vmem>> -> memref<128x64xf32, #tpu.memory_space<vmem>>
    %dma_start3A_44 = arith.constant 0 : i32
    %dma_start3A_45 = arith.constant 0 : i32
    %dma_start3A_46 = tpu.memref_slice %arg4[%dma_start3A_38, %dma_start3A_44, %dma_start3A_45] : memref<200x128x64xf32, #tpu.memory_space<hbm>> -> memref<1x128x64xf32, #tpu.memory_space<hbm>>
    %dma_start3A_47 = tpu.memref_squeeze %dma_start3A_46 : memref<1x128x64xf32, #tpu.memory_space<hbm>> -> memref<128x64xf32, #tpu.memory_space<hbm>>
    %dma_start3A_48 = arith.constant 0 : i32
    %dma_start3A_49 = arith.constant 0 : i32
    %dma_start3A_50 = tpu.memref_slice %arg7[%dma_start3A_39, %dma_start3A_48, %dma_start3A_49] : memref<4x128x128xf32, #tpu.memory_space<vmem>> -> memref<1x128x64xf32, #tpu.memory_space<vmem>>
    %dma_start3A_51 = tpu.memref_squeeze %dma_start3A_50 : memref<1x128x64xf32, #tpu.memory_space<vmem>> -> memref<128x64xf32, #tpu.memory_space<vmem>>
    %dma_start3A_52 = arith.constant 0 : i32
    %dma_start3A_53 = arith.constant 0 : i32
    %dma_start3A_54 = tpu.memref_slice %arg4[%dma_start3A_38, %dma_start3A_52, %dma_start3A_53] : memref<200x128x64xf32, #tpu.memory_space<hbm>> -> memref<1x128x64xf32, #tpu.memory_space<hbm>>
    %dma_start3A_55 = tpu.memref_squeeze %dma_start3A_54 : memref<1x128x64xf32, #tpu.memory_space<hbm>> -> memref<128x64xf32, #tpu.memory_space<hbm>>
    tpu.enqueue_dma source(%dma_start3A_55 : memref<128x64xf32, #tpu.memory_space<hbm>>) target(%dma_start3A_51 : memref<128x64xf32, #tpu.memory_space<vmem>>) target_semaphore(%arg18 : memref<!tpu.dma_semaphore, #tpu.memory_space<semaphore_mem>>)
    %dma_wait3A = arith.constant 0 : i32
    %dma_wait3A_56 = arith.constant 0 : i32
    %dma_wait3A_57 = arith.constant 0 : i32
    %dma_wait3A_58 = arith.constant 0 : i32
    %dma_wait3A_59 = tpu.memref_slice %arg7[%dma_wait3A_56, %dma_wait3A_57, %dma_wait3A_58] : memref<4x128x128xf32, #tpu.memory_space<vmem>> -> memref<1x128x64xf32, #tpu.memory_space<vmem>>
    %dma_wait3A_60 = tpu.memref_squeeze %dma_wait3A_59 : memref<1x128x64xf32, #tpu.memory_space<vmem>> -> memref<128x64xf32, #tpu.memory_space<vmem>>
    %dma_wait3A_61 = arith.constant 0 : i32
    %dma_wait3A_62 = arith.constant 0 : i32
    %dma_wait3A_63 = tpu.memref_slice %arg4[%dma_wait3A, %dma_wait3A_61, %dma_wait3A_62] : memref<200x128x64xf32, #tpu.memory_space<hbm>> -> memref<1x128x64xf32, #tpu.memory_space<hbm>>
    %dma_wait3A_64 = tpu.memref_squeeze %dma_wait3A_63 : memref<1x128x64xf32, #tpu.memory_space<hbm>> -> memref<128x64xf32, #tpu.memory_space<hbm>>
    %dma_wait3A_65 = arith.constant 0 : i32
    %dma_wait3A_66 = arith.constant 0 : i32
    %dma_wait3A_67 = tpu.memref_slice %arg7[%dma_wait3A_56, %dma_wait3A_65, %dma_wait3A_66] : memref<4x128x128xf32, #tpu.memory_space<vmem>> -> memref<1x128x64xf32, #tpu.memory_space<vmem>>
    %dma_wait3A_68 = tpu.memref_squeeze %dma_wait3A_67 : memref<1x128x64xf32, #tpu.memory_space<vmem>> -> memref<128x64xf32, #tpu.memory_space<vmem>>
    %dma_wait3A_69 = arith.constant 0 : i32
    %dma_wait3A_70 = arith.constant 0 : i32
    %dma_wait3A_71 = tpu.memref_slice %arg4[%dma_wait3A, %dma_wait3A_69, %dma_wait3A_70] : memref<200x128x64xf32, #tpu.memory_space<hbm>> -> memref<1x128x64xf32, #tpu.memory_space<hbm>>
    %dma_wait3A_72 = tpu.memref_squeeze %dma_wait3A_71 : memref<1x128x64xf32, #tpu.memory_space<hbm>> -> memref<128x64xf32, #tpu.memory_space<hbm>>
    tpu.wait_dma2 semaphore(%arg16 : memref<!tpu.dma_semaphore, #tpu.memory_space<semaphore_mem>>) src(%dma_wait3A_72 : memref<128x64xf32, #tpu.memory_space<hbm>>) dst(%dma_wait3A_68 : memref<128x64xf32, #tpu.memory_space<vmem>>)
    %dma_start3A_73 = arith.constant 0 : i32
    %dma_start3A_74 = arith.constant 0 : i32
    %dma_start3A_75 = arith.constant 0 : i32
    %dma_start3A_76 = arith.constant 0 : i32
    %dma_start3A_77 = tpu.memref_slice %arg7[%dma_start3A_74, %dma_start3A_75, %dma_start3A_76] : memref<4x128x128xf32, #tpu.memory_space<vmem>> -> memref<1x128x128xf32, #tpu.memory_space<vmem>>
    %dma_start3A_78 = tpu.memref_squeeze %dma_start3A_77 : memref<1x128x128xf32, #tpu.memory_space<vmem>> -> memref<128x128xf32, #tpu.memory_space<vmem>>
    %dma_start3A_79 = arith.constant 0 : i32
    %dma_start3A_80 = tpu.memref_slice %arg6[%dma_start3A_73, %dma_start3A_79] : memref<100x128xi32, #tpu.memory_space<vmem>> -> memref<1x128xi32, #tpu.memory_space<vmem>>
    %dma_start3A_81 = tpu.memref_squeeze %dma_start3A_80 : memref<1x128xi32, #tpu.memory_space<vmem>> -> memref<128xi32, #tpu.memory_space<vmem>>
    %dma_start3A_82 = arith.constant 0 : i32
    %dma_start3A_83 = arith.constant 0 : i32
    %dma_start3A_84 = tpu.memref_slice %arg3[%dma_start3A_82, %dma_start3A_83] : memref<100000x128xf32, #tpu.memory_space<hbm>> -> memref<100000x128xf32, #tpu.memory_space<hbm>>
    tpu.enqueue_indirect_dma source(%dma_start3A_84 : memref<100000x128xf32, #tpu.memory_space<hbm>>) target(%dma_start3A_78 : memref<128x128xf32, #tpu.memory_space<vmem>>) offsets(%dma_start3A_81 : memref<128xi32, #tpu.memory_space<vmem>>) semaphore(%arg8 : memref<!tpu.dma_semaphore, #tpu.memory_space<semaphore_mem>>) {add = true}
    %dma_wait3A_85 = arith.constant 0 : i32
    %dma_wait3A_86 = arith.constant 1 : i32
    %dma_wait3A_87 = arith.constant 0 : i32
    %dma_wait3A_88 = arith.constant 0 : i32
    %dma_wait3A_89 = tpu.memref_slice %arg7[%dma_wait3A_86, %dma_wait3A_87, %dma_wait3A_88] : memref<4x128x128xf32, #tpu.memory_space<vmem>> -> memref<1x128x64xf32, #tpu.memory_space<vmem>>
    %dma_wait3A_90 = tpu.memref_squeeze %dma_wait3A_89 : memref<1x128x64xf32, #tpu.memory_space<vmem>> -> memref<128x64xf32, #tpu.memory_space<vmem>>
    %dma_wait3A_91 = arith.constant 0 : i32
    %dma_wait3A_92 = arith.constant 0 : i32
    %dma_wait3A_93 = tpu.memref_slice %arg4[%dma_wait3A_85, %dma_wait3A_91, %dma_wait3A_92] : memref<200x128x64xf32, #tpu.memory_space<hbm>> -> memref<1x128x64xf32, #tpu.memory_space<hbm>>
    %dma_wait3A_94 = tpu.memref_squeeze %dma_wait3A_93 : memref<1x128x64xf32, #tpu.memory_space<hbm>> -> memref<128x64xf32, #tpu.memory_space<hbm>>
    %dma_wait3A_95 = arith.constant 0 : i32
    %dma_wait3A_96 = arith.constant 0 : i32
    %dma_wait3A_97 = tpu.memref_slice %arg7[%dma_wait3A_86, %dma_wait3A_95, %dma_wait3A_96] : memref<4x128x128xf32, #tpu.memory_space<vmem>> -> memref<1x128x64xf32, #tpu.memory_space<vmem>>
    %dma_wait3A_98 = tpu.memref_squeeze %dma_wait3A_97 : memref<1x128x64xf32, #tpu.memory_space<vmem>> -> memref<128x64xf32, #tpu.memory_space<vmem>>
    %dma_wait3A_99 = arith.constant 0 : i32
    %dma_wait3A_100 = arith.constant 0 : i32
    %dma_wait3A_101 = tpu.memref_slice %arg4[%dma_wait3A_85, %dma_wait3A_99, %dma_wait3A_100] : memref<200x128x64xf32, #tpu.memory_space<hbm>> -> memref<1x128x64xf32, #tpu.memory_space<hbm>>
    %dma_wait3A_102 = tpu.memref_squeeze %dma_wait3A_101 : memref<1x128x64xf32, #tpu.memory_space<hbm>> -> memref<128x64xf32, #tpu.memory_space<hbm>>
    tpu.wait_dma2 semaphore(%arg17 : memref<!tpu.dma_semaphore, #tpu.memory_space<semaphore_mem>>) src(%dma_wait3A_102 : memref<128x64xf32, #tpu.memory_space<hbm>>) dst(%dma_wait3A_98 : memref<128x64xf32, #tpu.memory_space<vmem>>)
    %dma_start3A_103 = arith.constant 1 : i32
    %dma_start3A_104 = arith.constant 1 : i32
    %dma_start3A_105 = arith.constant 0 : i32
    %dma_start3A_106 = arith.constant 0 : i32
    %dma_start3A_107 = tpu.memref_slice %arg7[%dma_start3A_104, %dma_start3A_105, %dma_start3A_106] : memref<4x128x128xf32, #tpu.memory_space<vmem>> -> memref<1x128x128xf32, #tpu.memory_space<vmem>>
    %dma_start3A_108 = tpu.memref_squeeze %dma_start3A_107 : memref<1x128x128xf32, #tpu.memory_space<vmem>> -> memref<128x128xf32, #tpu.memory_space<vmem>>
    %dma_start3A_109 = arith.constant 0 : i32
    %dma_start3A_110 = tpu.memref_slice %arg6[%dma_start3A_103, %dma_start3A_109] : memref<100x128xi32, #tpu.memory_space<vmem>> -> memref<1x128xi32, #tpu.memory_space<vmem>>
    %dma_start3A_111 = tpu.memref_squeeze %dma_start3A_110 : memref<1x128xi32, #tpu.memory_space<vmem>> -> memref<128xi32, #tpu.memory_space<vmem>>
    %dma_start3A_112 = arith.constant 0 : i32
    %dma_start3A_113 = arith.constant 0 : i32
    %dma_start3A_114 = tpu.memref_slice %arg3[%dma_start3A_112, %dma_start3A_113] : memref<100000x128xf32, #tpu.memory_space<hbm>> -> memref<100000x128xf32, #tpu.memory_space<hbm>>
    tpu.enqueue_indirect_dma source(%dma_start3A_114 : memref<100000x128xf32, #tpu.memory_space<hbm>>) target(%dma_start3A_108 : memref<128x128xf32, #tpu.memory_space<vmem>>) offsets(%dma_start3A_111 : memref<128xi32, #tpu.memory_space<vmem>>) semaphore(%arg9 : memref<!tpu.dma_semaphore, #tpu.memory_space<semaphore_mem>>) {add = true}
    %scan3A = arith.constant 0 : i32
    %scan3A_115 = arith.constant 0 : i32
    %scan3A_116 = arith.constant 25 : i32
    %scan3A_117 = arith.addi %scan3A_115, %scan3A_116 : i32
    %scan3A_118 = arith.constant 1 : i32
    scf.for %scan3A_136 = %scan3A_115 to %scan3A_117 step %scan3A_118  : i32 {
      %mul3A_137 = arith.constant 4 : i32
      %mul3A_138 = arith.muli %scan3A_136, %mul3A_137 : i32
      %add3A_139 = arith.constant 0 : i32
      %add3A_140 = arith.addi %mul3A_138, %add3A_139 : i32
      %ge3A = arith.constant 1 : i32
      %ge3A_141 = arith.cmpi sge, %add3A_140, %ge3A : i32
      %convert_element_type3A = arith.extui %ge3A_141 : i1 to i32
      %cond3A = arith.constant 0 : i32
      %cond3A_142 = arith.cmpi ne, %convert_element_type3A, %cond3A : i32
      scf.if %cond3A_142 {
        %dma_wait3A_329 = arith.constant 3 : i32
        %dma_wait3A_330 = arith.constant 0 : i32
        %dma_wait3A_331 = arith.constant 0 : i32
        %dma_wait3A_332 = arith.constant 0 : i32
        %dma_wait3A_333 = tpu.memref_slice %arg7[%dma_wait3A_329, %dma_wait3A_331, %dma_wait3A_332] : memref<4x128x128xf32, #tpu.memory_space<vmem>> -> memref<1x128x64xf32, #tpu.memory_space<vmem>>
        %dma_wait3A_334 = tpu.memref_squeeze %dma_wait3A_333 : memref<1x128x64xf32, #tpu.memory_space<vmem>> -> memref<128x64xf32, #tpu.memory_space<vmem>>
        %dma_wait3A_335 = arith.constant 0 : i32
        %dma_wait3A_336 = tpu.memref_slice %arg5[%mul3A_2, %dma_wait3A_330, %dma_wait3A_335] : memref<4096x100x64xf32, #tpu.memory_space<hbm>> -> memref<128x1x64xf32, #tpu.memory_space<hbm>>
        %dma_wait3A_337 = tpu.memref_squeeze %dma_wait3A_336 : memref<128x1x64xf32, #tpu.memory_space<hbm>> -> memref<128x64xf32, #tpu.memory_space<hbm>>
        %dma_wait3A_338 = arith.constant 0 : i32
        %dma_wait3A_339 = tpu.memref_slice %arg5[%mul3A_2, %dma_wait3A_330, %dma_wait3A_338] : memref<4096x100x64xf32, #tpu.memory_space<hbm>> -> memref<128x1x64xf32, #tpu.memory_space<hbm>>
        %dma_wait3A_340 = tpu.memref_squeeze %dma_wait3A_339 : memref<128x1x64xf32, #tpu.memory_space<hbm>> -> memref<128x64xf32, #tpu.memory_space<hbm>>
        %dma_wait3A_341 = arith.constant 0 : i32
        %dma_wait3A_342 = arith.constant 0 : i32
        %dma_wait3A_343 = tpu.memref_slice %arg7[%dma_wait3A_329, %dma_wait3A_341, %dma_wait3A_342] : memref<4x128x128xf32, #tpu.memory_space<vmem>> -> memref<1x128x64xf32, #tpu.memory_space<vmem>>
        %dma_wait3A_344 = tpu.memref_squeeze %dma_wait3A_343 : memref<1x128x64xf32, #tpu.memory_space<vmem>> -> memref<128x64xf32, #tpu.memory_space<vmem>>
        tpu.wait_dma2 semaphore(%arg15 : memref<!tpu.dma_semaphore, #tpu.memory_space<semaphore_mem>>) src(%dma_wait3A_344 : memref<128x64xf32, #tpu.memory_space<vmem>>) dst(%dma_wait3A_340 : memref<128x64xf32, #tpu.memory_space<hbm>>)
      } else {
      }
      %add3A_143 = arith.constant 3 : i32
      %add3A_144 = arith.addi %add3A_140, %add3A_143 : i32
      %lt3A = arith.constant 100 : i32
      %lt3A_145 = arith.cmpi slt, %add3A_144, %lt3A : i32
      %convert_element_type3A_146 = arith.extui %lt3A_145 : i1 to i32
      %cond3A_147 = arith.constant 0 : i32
      %cond3A_148 = arith.cmpi ne, %convert_element_type3A_146, %cond3A_147 : i32
      scf.if %cond3A_148 {
        %add3A_329 = arith.constant 3 : i32
        %add3A_330 = arith.addi %add3A_140, %add3A_329 : i32
        %add3A_331 = arith.constant 0 : i32
        %add3A_332 = arith.addi %add3A_331, %add3A_330 : i32
        %dma_start3A_333 = arith.constant 3 : i32
        %dma_start3A_334 = arith.constant 0 : i32
        %dma_start3A_335 = arith.constant 0 : i32
        %dma_start3A_336 = tpu.memref_slice %arg7[%dma_start3A_333, %dma_start3A_334, %dma_start3A_335] : memref<4x128x128xf32, #tpu.memory_space<vmem>> -> memref<1x128x64xf32, #tpu.memory_space<vmem>>
        %dma_start3A_337 = tpu.memref_squeeze %dma_start3A_336 : memref<1x128x64xf32, #tpu.memory_space<vmem>> -> memref<128x64xf32, #tpu.memory_space<vmem>>
        %dma_start3A_338 = arith.constant 0 : i32
        %dma_start3A_339 = arith.constant 0 : i32
        %dma_start3A_340 = tpu.memref_slice %arg4[%add3A_332, %dma_start3A_338, %dma_start3A_339] : memref<200x128x64xf32, #tpu.memory_space<hbm>> -> memref<1x128x64xf32, #tpu.memory_space<hbm>>
        %dma_start3A_341 = tpu.memref_squeeze %dma_start3A_340 : memref<1x128x64xf32, #tpu.memory_space<hbm>> -> memref<128x64xf32, #tpu.memory_space<hbm>>
        %dma_start3A_342 = arith.constant 0 : i32
        %dma_start3A_343 = arith.constant 0 : i32
        %dma_start3A_344 = tpu.memref_slice %arg7[%dma_start3A_333, %dma_start3A_342, %dma_start3A_343] : memref<4x128x128xf32, #tpu.memory_space<vmem>> -> memref<1x128x64xf32, #tpu.memory_space<vmem>>
        %dma_start3A_345 = tpu.memref_squeeze %dma_start3A_344 : memref<1x128x64xf32, #tpu.memory_space<vmem>> -> memref<128x64xf32, #tpu.memory_space<vmem>>
        %dma_start3A_346 = arith.constant 0 : i32
        %dma_start3A_347 = arith.constant 0 : i32
        %dma_start3A_348 = tpu.memref_slice %arg4[%add3A_332, %dma_start3A_346, %dma_start3A_347] : memref<200x128x64xf32, #tpu.memory_space<hbm>> -> memref<1x128x64xf32, #tpu.memory_space<hbm>>
        %dma_start3A_349 = tpu.memref_squeeze %dma_start3A_348 : memref<1x128x64xf32, #tpu.memory_space<hbm>> -> memref<128x64xf32, #tpu.memory_space<hbm>>
        tpu.enqueue_dma source(%dma_start3A_349 : memref<128x64xf32, #tpu.memory_space<hbm>>) target(%dma_start3A_345 : memref<128x64xf32, #tpu.memory_space<vmem>>) target_semaphore(%arg19 : memref<!tpu.dma_semaphore, #tpu.memory_space<semaphore_mem>>)
      } else {
      }
      %add3A_149 = arith.constant 2 : i32
      %add3A_150 = arith.addi %add3A_140, %add3A_149 : i32
      %lt3A_151 = arith.constant 100 : i32
      %lt3A_152 = arith.cmpi slt, %add3A_150, %lt3A_151 : i32
      %convert_element_type3A_153 = arith.extui %lt3A_152 : i1 to i32
      %cond3A_154 = arith.constant 0 : i32
      %cond3A_155 = arith.cmpi ne, %convert_element_type3A_153, %cond3A_154 : i32
      scf.if %cond3A_155 {
        %dma_wait3A_329 = arith.constant 0 : i32
        %dma_wait3A_330 = arith.constant 2 : i32
        %dma_wait3A_331 = arith.constant 0 : i32
        %dma_wait3A_332 = arith.constant 0 : i32
        %dma_wait3A_333 = tpu.memref_slice %arg7[%dma_wait3A_330, %dma_wait3A_331, %dma_wait3A_332] : memref<4x128x128xf32, #tpu.memory_space<vmem>> -> memref<1x128x64xf32, #tpu.memory_space<vmem>>
        %dma_wait3A_334 = tpu.memref_squeeze %dma_wait3A_333 : memref<1x128x64xf32, #tpu.memory_space<vmem>> -> memref<128x64xf32, #tpu.memory_space<vmem>>
        %dma_wait3A_335 = arith.constant 0 : i32
        %dma_wait3A_336 = arith.constant 0 : i32
        %dma_wait3A_337 = tpu.memref_slice %arg4[%dma_wait3A_329, %dma_wait3A_335, %dma_wait3A_336] : memref<200x128x64xf32, #tpu.memory_space<hbm>> -> memref<1x128x64xf32, #tpu.memory_space<hbm>>
        %dma_wait3A_338 = tpu.memref_squeeze %dma_wait3A_337 : memref<1x128x64xf32, #tpu.memory_space<hbm>> -> memref<128x64xf32, #tpu.memory_space<hbm>>
        %dma_wait3A_339 = arith.constant 0 : i32
        %dma_wait3A_340 = arith.constant 0 : i32
        %dma_wait3A_341 = tpu.memref_slice %arg7[%dma_wait3A_330, %dma_wait3A_339, %dma_wait3A_340] : memref<4x128x128xf32, #tpu.memory_space<vmem>> -> memref<1x128x64xf32, #tpu.memory_space<vmem>>
        %dma_wait3A_342 = tpu.memref_squeeze %dma_wait3A_341 : memref<1x128x64xf32, #tpu.memory_space<vmem>> -> memref<128x64xf32, #tpu.memory_space<vmem>>
        %dma_wait3A_343 = arith.constant 0 : i32
        %dma_wait3A_344 = arith.constant 0 : i32
        %dma_wait3A_345 = tpu.memref_slice %arg4[%dma_wait3A_329, %dma_wait3A_343, %dma_wait3A_344] : memref<200x128x64xf32, #tpu.memory_space<hbm>> -> memref<1x128x64xf32, #tpu.memory_space<hbm>>
        %dma_wait3A_346 = tpu.memref_squeeze %dma_wait3A_345 : memref<1x128x64xf32, #tpu.memory_space<hbm>> -> memref<128x64xf32, #tpu.memory_space<hbm>>
        tpu.wait_dma2 semaphore(%arg18 : memref<!tpu.dma_semaphore, #tpu.memory_space<semaphore_mem>>) src(%dma_wait3A_346 : memref<128x64xf32, #tpu.memory_space<hbm>>) dst(%dma_wait3A_342 : memref<128x64xf32, #tpu.memory_space<vmem>>)
        %add3A_347 = arith.constant 2 : i32
        %add3A_348 = arith.addi %add3A_140, %add3A_347 : i32
        %dma_start3A_349 = arith.constant 2 : i32
        %dma_start3A_350 = arith.constant 0 : i32
        %dma_start3A_351 = arith.constant 0 : i32
        %dma_start3A_352 = tpu.memref_slice %arg7[%dma_start3A_349, %dma_start3A_350, %dma_start3A_351] : memref<4x128x128xf32, #tpu.memory_space<vmem>> -> memref<1x128x128xf32, #tpu.memory_space<vmem>>
        %dma_start3A_353 = tpu.memref_squeeze %dma_start3A_352 : memref<1x128x128xf32, #tpu.memory_space<vmem>> -> memref<128x128xf32, #tpu.memory_space<vmem>>
        %dma_start3A_354 = arith.constant 0 : i32
        %dma_start3A_355 = tpu.memref_slice %arg6[%add3A_348, %dma_start3A_354] : memref<100x128xi32, #tpu.memory_space<vmem>> -> memref<1x128xi32, #tpu.memory_space<vmem>>
        %dma_start3A_356 = tpu.memref_squeeze %dma_start3A_355 : memref<1x128xi32, #tpu.memory_space<vmem>> -> memref<128xi32, #tpu.memory_space<vmem>>
        %dma_start3A_357 = arith.constant 0 : i32
        %dma_start3A_358 = arith.constant 0 : i32
        %dma_start3A_359 = tpu.memref_slice %arg3[%dma_start3A_357, %dma_start3A_358] : memref<100000x128xf32, #tpu.memory_space<hbm>> -> memref<100000x128xf32, #tpu.memory_space<hbm>>
        tpu.enqueue_indirect_dma source(%dma_start3A_359 : memref<100000x128xf32, #tpu.memory_space<hbm>>) target(%dma_start3A_353 : memref<128x128xf32, #tpu.memory_space<vmem>>) offsets(%dma_start3A_356 : memref<128xi32, #tpu.memory_space<vmem>>) semaphore(%arg10 : memref<!tpu.dma_semaphore, #tpu.memory_space<semaphore_mem>>) {add = true}
      } else {
      }
      %dma_wait3A_156 = arith.constant 0 : i32
      %dma_wait3A_157 = arith.constant 0 : i32
      %dma_wait3A_158 = arith.constant 0 : i32
      %dma_wait3A_159 = tpu.memref_slice %arg7[%dma_wait3A_156, %dma_wait3A_157, %dma_wait3A_158] : memref<4x128x128xf32, #tpu.memory_space<vmem>> -> memref<1x128x128xf32, #tpu.memory_space<vmem>>
      %dma_wait3A_160 = tpu.memref_squeeze %dma_wait3A_159 : memref<1x128x128xf32, #tpu.memory_space<vmem>> -> memref<128x128xf32, #tpu.memory_space<vmem>>
      %dma_wait3A_161 = arith.constant 0 : i32
      %dma_wait3A_162 = tpu.memref_slice %arg6[%add3A_140, %dma_wait3A_161] : memref<100x128xi32, #tpu.memory_space<vmem>> -> memref<1x128xi32, #tpu.memory_space<vmem>>
      %dma_wait3A_163 = tpu.memref_squeeze %dma_wait3A_162 : memref<1x128xi32, #tpu.memory_space<vmem>> -> memref<128xi32, #tpu.memory_space<vmem>>
      %dma_wait3A_164 = arith.constant 0 : i32
      %dma_wait3A_165 = arith.constant 0 : i32
      %dma_wait3A_166 = tpu.memref_slice %arg3[%dma_wait3A_164, %dma_wait3A_165] : memref<100000x128xf32, #tpu.memory_space<hbm>> -> memref<100000x128xf32, #tpu.memory_space<hbm>>
      tpu.wait_indirect_dma semaphore(%arg8 : memref<!tpu.dma_semaphore, #tpu.memory_space<semaphore_mem>>) src(%dma_wait3A_166 : memref<100000x128xf32, #tpu.memory_space<hbm>>) dst(%dma_wait3A_160 : memref<128x128xf32, #tpu.memory_space<vmem>>)
      %dma_start3A_167 = arith.constant 0 : i32
      %dma_start3A_168 = arith.constant 0 : i32
      %dma_start3A_169 = arith.constant 0 : i32
      %dma_start3A_170 = tpu.memref_slice %arg7[%dma_start3A_167, %dma_start3A_168, %dma_start3A_169] : memref<4x128x128xf32, #tpu.memory_space<vmem>> -> memref<1x128x64xf32, #tpu.memory_space<vmem>>
      %dma_start3A_171 = tpu.memref_squeeze %dma_start3A_170 : memref<1x128x64xf32, #tpu.memory_space<vmem>> -> memref<128x64xf32, #tpu.memory_space<vmem>>
      %dma_start3A_172 = arith.constant 0 : i32
      %dma_start3A_173 = tpu.memref_slice %arg5[%mul3A_2, %add3A_140, %dma_start3A_172] : memref<4096x100x64xf32, #tpu.memory_space<hbm>> -> memref<128x1x64xf32, #tpu.memory_space<hbm>>
      %dma_start3A_174 = tpu.memref_squeeze %dma_start3A_173 : memref<128x1x64xf32, #tpu.memory_space<hbm>> -> memref<128x64xf32, #tpu.memory_space<hbm>>
      %dma_start3A_175 = arith.constant 0 : i32
      %dma_start3A_176 = tpu.memref_slice %arg5[%mul3A_2, %add3A_140, %dma_start3A_175] : memref<4096x100x64xf32, #tpu.memory_space<hbm>> -> memref<128x1x64xf32, #tpu.memory_space<hbm>>
      %dma_start3A_177 = tpu.memref_squeeze %dma_start3A_176 : memref<128x1x64xf32, #tpu.memory_space<hbm>> -> memref<128x64xf32, #tpu.memory_space<hbm>>
      %dma_start3A_178 = arith.constant 0 : i32
      %dma_start3A_179 = arith.constant 0 : i32
      %dma_start3A_180 = tpu.memref_slice %arg7[%dma_start3A_167, %dma_start3A_178, %dma_start3A_179] : memref<4x128x128xf32, #tpu.memory_space<vmem>> -> memref<1x128x64xf32, #tpu.memory_space<vmem>>
      %dma_start3A_181 = tpu.memref_squeeze %dma_start3A_180 : memref<1x128x64xf32, #tpu.memory_space<vmem>> -> memref<128x64xf32, #tpu.memory_space<vmem>>
      tpu.enqueue_dma source(%dma_start3A_181 : memref<128x64xf32, #tpu.memory_space<vmem>>) target(%dma_start3A_177 : memref<128x64xf32, #tpu.memory_space<hbm>>) target_semaphore(%arg12 : memref<!tpu.dma_semaphore, #tpu.memory_space<semaphore_mem>>)
      %mul3A_182 = arith.constant 4 : i32
      %mul3A_183 = arith.muli %scan3A_136, %mul3A_182 : i32
      %add3A_184 = arith.constant 1 : i32
      %add3A_185 = arith.addi %mul3A_183, %add3A_184 : i32
      %ge3A_186 = arith.constant 1 : i32
      %ge3A_187 = arith.cmpi sge, %add3A_185, %ge3A_186 : i32
      %convert_element_type3A_188 = arith.extui %ge3A_187 : i1 to i32
      %cond3A_189 = arith.constant 0 : i32
      %cond3A_190 = arith.cmpi ne, %convert_element_type3A_188, %cond3A_189 : i32
      scf.if %cond3A_190 {
        %dma_wait3A_329 = arith.constant 0 : i32
        %dma_wait3A_330 = arith.constant 0 : i32
        %dma_wait3A_331 = arith.constant 0 : i32
        %dma_wait3A_332 = arith.constant 0 : i32
        %dma_wait3A_333 = tpu.memref_slice %arg7[%dma_wait3A_329, %dma_wait3A_331, %dma_wait3A_332] : memref<4x128x128xf32, #tpu.memory_space<vmem>> -> memref<1x128x64xf32, #tpu.memory_space<vmem>>
        %dma_wait3A_334 = tpu.memref_squeeze %dma_wait3A_333 : memref<1x128x64xf32, #tpu.memory_space<vmem>> -> memref<128x64xf32, #tpu.memory_space<vmem>>
        %dma_wait3A_335 = arith.constant 0 : i32
        %dma_wait3A_336 = tpu.memref_slice %arg5[%mul3A_2, %dma_wait3A_330, %dma_wait3A_335] : memref<4096x100x64xf32, #tpu.memory_space<hbm>> -> memref<128x1x64xf32, #tpu.memory_space<hbm>>
        %dma_wait3A_337 = tpu.memref_squeeze %dma_wait3A_336 : memref<128x1x64xf32, #tpu.memory_space<hbm>> -> memref<128x64xf32, #tpu.memory_space<hbm>>
        %dma_wait3A_338 = arith.constant 0 : i32
        %dma_wait3A_339 = tpu.memref_slice %arg5[%mul3A_2, %dma_wait3A_330, %dma_wait3A_338] : memref<4096x100x64xf32, #tpu.memory_space<hbm>> -> memref<128x1x64xf32, #tpu.memory_space<hbm>>
        %dma_wait3A_340 = tpu.memref_squeeze %dma_wait3A_339 : memref<128x1x64xf32, #tpu.memory_space<hbm>> -> memref<128x64xf32, #tpu.memory_space<hbm>>
        %dma_wait3A_341 = arith.constant 0 : i32
        %dma_wait3A_342 = arith.constant 0 : i32
        %dma_wait3A_343 = tpu.memref_slice %arg7[%dma_wait3A_329, %dma_wait3A_341, %dma_wait3A_342] : memref<4x128x128xf32, #tpu.memory_space<vmem>> -> memref<1x128x64xf32, #tpu.memory_space<vmem>>
        %dma_wait3A_344 = tpu.memref_squeeze %dma_wait3A_343 : memref<1x128x64xf32, #tpu.memory_space<vmem>> -> memref<128x64xf32, #tpu.memory_space<vmem>>
        tpu.wait_dma2 semaphore(%arg12 : memref<!tpu.dma_semaphore, #tpu.memory_space<semaphore_mem>>) src(%dma_wait3A_344 : memref<128x64xf32, #tpu.memory_space<vmem>>) dst(%dma_wait3A_340 : memref<128x64xf32, #tpu.memory_space<hbm>>)
      } else {
      }
      %add3A_191 = arith.constant 3 : i32
      %add3A_192 = arith.addi %add3A_185, %add3A_191 : i32
      %lt3A_193 = arith.constant 100 : i32
      %lt3A_194 = arith.cmpi slt, %add3A_192, %lt3A_193 : i32
      %convert_element_type3A_195 = arith.extui %lt3A_194 : i1 to i32
      %cond3A_196 = arith.constant 0 : i32
      %cond3A_197 = arith.cmpi ne, %convert_element_type3A_195, %cond3A_196 : i32
      scf.if %cond3A_197 {
        %add3A_329 = arith.constant 3 : i32
        %add3A_330 = arith.addi %add3A_185, %add3A_329 : i32
        %add3A_331 = arith.constant 0 : i32
        %add3A_332 = arith.addi %add3A_331, %add3A_330 : i32
        %dma_start3A_333 = arith.constant 0 : i32
        %dma_start3A_334 = arith.constant 0 : i32
        %dma_start3A_335 = arith.constant 0 : i32
        %dma_start3A_336 = tpu.memref_slice %arg7[%dma_start3A_333, %dma_start3A_334, %dma_start3A_335] : memref<4x128x128xf32, #tpu.memory_space<vmem>> -> memref<1x128x64xf32, #tpu.memory_space<vmem>>
        %dma_start3A_337 = tpu.memref_squeeze %dma_start3A_336 : memref<1x128x64xf32, #tpu.memory_space<vmem>> -> memref<128x64xf32, #tpu.memory_space<vmem>>
        %dma_start3A_338 = arith.constant 0 : i32
        %dma_start3A_339 = arith.constant 0 : i32
        %dma_start3A_340 = tpu.memref_slice %arg4[%add3A_332, %dma_start3A_338, %dma_start3A_339] : memref<200x128x64xf32, #tpu.memory_space<hbm>> -> memref<1x128x64xf32, #tpu.memory_space<hbm>>
        %dma_start3A_341 = tpu.memref_squeeze %dma_start3A_340 : memref<1x128x64xf32, #tpu.memory_space<hbm>> -> memref<128x64xf32, #tpu.memory_space<hbm>>
        %dma_start3A_342 = arith.constant 0 : i32
        %dma_start3A_343 = arith.constant 0 : i32
        %dma_start3A_344 = tpu.memref_slice %arg7[%dma_start3A_333, %dma_start3A_342, %dma_start3A_343] : memref<4x128x128xf32, #tpu.memory_space<vmem>> -> memref<1x128x64xf32, #tpu.memory_space<vmem>>
        %dma_start3A_345 = tpu.memref_squeeze %dma_start3A_344 : memref<1x128x64xf32, #tpu.memory_space<vmem>> -> memref<128x64xf32, #tpu.memory_space<vmem>>
        %dma_start3A_346 = arith.constant 0 : i32
        %dma_start3A_347 = arith.constant 0 : i32
        %dma_start3A_348 = tpu.memref_slice %arg4[%add3A_332, %dma_start3A_346, %dma_start3A_347] : memref<200x128x64xf32, #tpu.memory_space<hbm>> -> memref<1x128x64xf32, #tpu.memory_space<hbm>>
        %dma_start3A_349 = tpu.memref_squeeze %dma_start3A_348 : memref<1x128x64xf32, #tpu.memory_space<hbm>> -> memref<128x64xf32, #tpu.memory_space<hbm>>
        tpu.enqueue_dma source(%dma_start3A_349 : memref<128x64xf32, #tpu.memory_space<hbm>>) target(%dma_start3A_345 : memref<128x64xf32, #tpu.memory_space<vmem>>) target_semaphore(%arg16 : memref<!tpu.dma_semaphore, #tpu.memory_space<semaphore_mem>>)
      } else {
      }
      %add3A_198 = arith.constant 2 : i32
      %add3A_199 = arith.addi %add3A_185, %add3A_198 : i32
      %lt3A_200 = arith.constant 100 : i32
      %lt3A_201 = arith.cmpi slt, %add3A_199, %lt3A_200 : i32
      %convert_element_type3A_202 = arith.extui %lt3A_201 : i1 to i32
      %cond3A_203 = arith.constant 0 : i32
      %cond3A_204 = arith.cmpi ne, %convert_element_type3A_202, %cond3A_203 : i32
      scf.if %cond3A_204 {
        %dma_wait3A_329 = arith.constant 0 : i32
        %dma_wait3A_330 = arith.constant 3 : i32
        %dma_wait3A_331 = arith.constant 0 : i32
        %dma_wait3A_332 = arith.constant 0 : i32
        %dma_wait3A_333 = tpu.memref_slice %arg7[%dma_wait3A_330, %dma_wait3A_331, %dma_wait3A_332] : memref<4x128x128xf32, #tpu.memory_space<vmem>> -> memref<1x128x64xf32, #tpu.memory_space<vmem>>
        %dma_wait3A_334 = tpu.memref_squeeze %dma_wait3A_333 : memref<1x128x64xf32, #tpu.memory_space<vmem>> -> memref<128x64xf32, #tpu.memory_space<vmem>>
        %dma_wait3A_335 = arith.constant 0 : i32
        %dma_wait3A_336 = arith.constant 0 : i32
        %dma_wait3A_337 = tpu.memref_slice %arg4[%dma_wait3A_329, %dma_wait3A_335, %dma_wait3A_336] : memref<200x128x64xf32, #tpu.memory_space<hbm>> -> memref<1x128x64xf32, #tpu.memory_space<hbm>>
        %dma_wait3A_338 = tpu.memref_squeeze %dma_wait3A_337 : memref<1x128x64xf32, #tpu.memory_space<hbm>> -> memref<128x64xf32, #tpu.memory_space<hbm>>
        %dma_wait3A_339 = arith.constant 0 : i32
        %dma_wait3A_340 = arith.constant 0 : i32
        %dma_wait3A_341 = tpu.memref_slice %arg7[%dma_wait3A_330, %dma_wait3A_339, %dma_wait3A_340] : memref<4x128x128xf32, #tpu.memory_space<vmem>> -> memref<1x128x64xf32, #tpu.memory_space<vmem>>
        %dma_wait3A_342 = tpu.memref_squeeze %dma_wait3A_341 : memref<1x128x64xf32, #tpu.memory_space<vmem>> -> memref<128x64xf32, #tpu.memory_space<vmem>>
        %dma_wait3A_343 = arith.constant 0 : i32
        %dma_wait3A_344 = arith.constant 0 : i32
        %dma_wait3A_345 = tpu.memref_slice %arg4[%dma_wait3A_329, %dma_wait3A_343, %dma_wait3A_344] : memref<200x128x64xf32, #tpu.memory_space<hbm>> -> memref<1x128x64xf32, #tpu.memory_space<hbm>>
        %dma_wait3A_346 = tpu.memref_squeeze %dma_wait3A_345 : memref<1x128x64xf32, #tpu.memory_space<hbm>> -> memref<128x64xf32, #tpu.memory_space<hbm>>
        tpu.wait_dma2 semaphore(%arg19 : memref<!tpu.dma_semaphore, #tpu.memory_space<semaphore_mem>>) src(%dma_wait3A_346 : memref<128x64xf32, #tpu.memory_space<hbm>>) dst(%dma_wait3A_342 : memref<128x64xf32, #tpu.memory_space<vmem>>)
        %add3A_347 = arith.constant 2 : i32
        %add3A_348 = arith.addi %add3A_185, %add3A_347 : i32
        %dma_start3A_349 = arith.constant 3 : i32
        %dma_start3A_350 = arith.constant 0 : i32
        %dma_start3A_351 = arith.constant 0 : i32
        %dma_start3A_352 = tpu.memref_slice %arg7[%dma_start3A_349, %dma_start3A_350, %dma_start3A_351] : memref<4x128x128xf32, #tpu.memory_space<vmem>> -> memref<1x128x128xf32, #tpu.memory_space<vmem>>
        %dma_start3A_353 = tpu.memref_squeeze %dma_start3A_352 : memref<1x128x128xf32, #tpu.memory_space<vmem>> -> memref<128x128xf32, #tpu.memory_space<vmem>>
        %dma_start3A_354 = arith.constant 0 : i32
        %dma_start3A_355 = tpu.memref_slice %arg6[%add3A_348, %dma_start3A_354] : memref<100x128xi32, #tpu.memory_space<vmem>> -> memref<1x128xi32, #tpu.memory_space<vmem>>
        %dma_start3A_356 = tpu.memref_squeeze %dma_start3A_355 : memref<1x128xi32, #tpu.memory_space<vmem>> -> memref<128xi32, #tpu.memory_space<vmem>>
        %dma_start3A_357 = arith.constant 0 : i32
        %dma_start3A_358 = arith.constant 0 : i32
        %dma_start3A_359 = tpu.memref_slice %arg3[%dma_start3A_357, %dma_start3A_358] : memref<100000x128xf32, #tpu.memory_space<hbm>> -> memref<100000x128xf32, #tpu.memory_space<hbm>>
        tpu.enqueue_indirect_dma source(%dma_start3A_359 : memref<100000x128xf32, #tpu.memory_space<hbm>>) target(%dma_start3A_353 : memref<128x128xf32, #tpu.memory_space<vmem>>) offsets(%dma_start3A_356 : memref<128xi32, #tpu.memory_space<vmem>>) semaphore(%arg11 : memref<!tpu.dma_semaphore, #tpu.memory_space<semaphore_mem>>) {add = true}
      } else {
      }
      %dma_wait3A_205 = arith.constant 1 : i32
      %dma_wait3A_206 = arith.constant 0 : i32
      %dma_wait3A_207 = arith.constant 0 : i32
      %dma_wait3A_208 = tpu.memref_slice %arg7[%dma_wait3A_205, %dma_wait3A_206, %dma_wait3A_207] : memref<4x128x128xf32, #tpu.memory_space<vmem>> -> memref<1x128x128xf32, #tpu.memory_space<vmem>>
      %dma_wait3A_209 = tpu.memref_squeeze %dma_wait3A_208 : memref<1x128x128xf32, #tpu.memory_space<vmem>> -> memref<128x128xf32, #tpu.memory_space<vmem>>
      %dma_wait3A_210 = arith.constant 0 : i32
      %dma_wait3A_211 = tpu.memref_slice %arg6[%add3A_185, %dma_wait3A_210] : memref<100x128xi32, #tpu.memory_space<vmem>> -> memref<1x128xi32, #tpu.memory_space<vmem>>
      %dma_wait3A_212 = tpu.memref_squeeze %dma_wait3A_211 : memref<1x128xi32, #tpu.memory_space<vmem>> -> memref<128xi32, #tpu.memory_space<vmem>>
      %dma_wait3A_213 = arith.constant 0 : i32
      %dma_wait3A_214 = arith.constant 0 : i32
      %dma_wait3A_215 = tpu.memref_slice %arg3[%dma_wait3A_213, %dma_wait3A_214] : memref<100000x128xf32, #tpu.memory_space<hbm>> -> memref<100000x128xf32, #tpu.memory_space<hbm>>
      tpu.wait_indirect_dma semaphore(%arg9 : memref<!tpu.dma_semaphore, #tpu.memory_space<semaphore_mem>>) src(%dma_wait3A_215 : memref<100000x128xf32, #tpu.memory_space<hbm>>) dst(%dma_wait3A_209 : memref<128x128xf32, #tpu.memory_space<vmem>>)
      %dma_start3A_216 = arith.constant 1 : i32
      %dma_start3A_217 = arith.constant 0 : i32
      %dma_start3A_218 = arith.constant 0 : i32
      %dma_start3A_219 = tpu.memref_slice %arg7[%dma_start3A_216, %dma_start3A_217, %dma_start3A_218] : memref<4x128x128xf32, #tpu.memory_space<vmem>> -> memref<1x128x64xf32, #tpu.memory_space<vmem>>
      %dma_start3A_220 = tpu.memref_squeeze %dma_start3A_219 : memref<1x128x64xf32, #tpu.memory_space<vmem>> -> memref<128x64xf32, #tpu.memory_space<vmem>>
      %dma_start3A_221 = arith.constant 0 : i32
      %dma_start3A_222 = tpu.memref_slice %arg5[%mul3A_2, %add3A_185, %dma_start3A_221] : memref<4096x100x64xf32, #tpu.memory_space<hbm>> -> memref<128x1x64xf32, #tpu.memory_space<hbm>>
      %dma_start3A_223 = tpu.memref_squeeze %dma_start3A_222 : memref<128x1x64xf32, #tpu.memory_space<hbm>> -> memref<128x64xf32, #tpu.memory_space<hbm>>
      %dma_start3A_224 = arith.constant 0 : i32
      %dma_start3A_225 = tpu.memref_slice %arg5[%mul3A_2, %add3A_185, %dma_start3A_224] : memref<4096x100x64xf32, #tpu.memory_space<hbm>> -> memref<128x1x64xf32, #tpu.memory_space<hbm>>
      %dma_start3A_226 = tpu.memref_squeeze %dma_start3A_225 : memref<128x1x64xf32, #tpu.memory_space<hbm>> -> memref<128x64xf32, #tpu.memory_space<hbm>>
      %dma_start3A_227 = arith.constant 0 : i32
      %dma_start3A_228 = arith.constant 0 : i32
      %dma_start3A_229 = tpu.memref_slice %arg7[%dma_start3A_216, %dma_start3A_227, %dma_start3A_228] : memref<4x128x128xf32, #tpu.memory_space<vmem>> -> memref<1x128x64xf32, #tpu.memory_space<vmem>>
      %dma_start3A_230 = tpu.memref_squeeze %dma_start3A_229 : memref<1x128x64xf32, #tpu.memory_space<vmem>> -> memref<128x64xf32, #tpu.memory_space<vmem>>
      tpu.enqueue_dma source(%dma_start3A_230 : memref<128x64xf32, #tpu.memory_space<vmem>>) target(%dma_start3A_226 : memref<128x64xf32, #tpu.memory_space<hbm>>) target_semaphore(%arg13 : memref<!tpu.dma_semaphore, #tpu.memory_space<semaphore_mem>>)
      %mul3A_231 = arith.constant 4 : i32
      %mul3A_232 = arith.muli %scan3A_136, %mul3A_231 : i32
      %add3A_233 = arith.constant 2 : i32
      %add3A_234 = arith.addi %mul3A_232, %add3A_233 : i32
      %ge3A_235 = arith.constant 1 : i32
      %ge3A_236 = arith.cmpi sge, %add3A_234, %ge3A_235 : i32
      %convert_element_type3A_237 = arith.extui %ge3A_236 : i1 to i32
      %cond3A_238 = arith.constant 0 : i32
      %cond3A_239 = arith.cmpi ne, %convert_element_type3A_237, %cond3A_238 : i32
      scf.if %cond3A_239 {
        %dma_wait3A_329 = arith.constant 1 : i32
        %dma_wait3A_330 = arith.constant 0 : i32
        %dma_wait3A_331 = arith.constant 0 : i32
        %dma_wait3A_332 = arith.constant 0 : i32
        %dma_wait3A_333 = tpu.memref_slice %arg7[%dma_wait3A_329, %dma_wait3A_331, %dma_wait3A_332] : memref<4x128x128xf32, #tpu.memory_space<vmem>> -> memref<1x128x64xf32, #tpu.memory_space<vmem>>
        %dma_wait3A_334 = tpu.memref_squeeze %dma_wait3A_333 : memref<1x128x64xf32, #tpu.memory_space<vmem>> -> memref<128x64xf32, #tpu.memory_space<vmem>>
        %dma_wait3A_335 = arith.constant 0 : i32
        %dma_wait3A_336 = tpu.memref_slice %arg5[%mul3A_2, %dma_wait3A_330, %dma_wait3A_335] : memref<4096x100x64xf32, #tpu.memory_space<hbm>> -> memref<128x1x64xf32, #tpu.memory_space<hbm>>
        %dma_wait3A_337 = tpu.memref_squeeze %dma_wait3A_336 : memref<128x1x64xf32, #tpu.memory_space<hbm>> -> memref<128x64xf32, #tpu.memory_space<hbm>>
        %dma_wait3A_338 = arith.constant 0 : i32
        %dma_wait3A_339 = tpu.memref_slice %arg5[%mul3A_2, %dma_wait3A_330, %dma_wait3A_338] : memref<4096x100x64xf32, #tpu.memory_space<hbm>> -> memref<128x1x64xf32, #tpu.memory_space<hbm>>
        %dma_wait3A_340 = tpu.memref_squeeze %dma_wait3A_339 : memref<128x1x64xf32, #tpu.memory_space<hbm>> -> memref<128x64xf32, #tpu.memory_space<hbm>>
        %dma_wait3A_341 = arith.constant 0 : i32
        %dma_wait3A_342 = arith.constant 0 : i32
        %dma_wait3A_343 = tpu.memref_slice %arg7[%dma_wait3A_329, %dma_wait3A_341, %dma_wait3A_342] : memref<4x128x128xf32, #tpu.memory_space<vmem>> -> memref<1x128x64xf32, #tpu.memory_space<vmem>>
        %dma_wait3A_344 = tpu.memref_squeeze %dma_wait3A_343 : memref<1x128x64xf32, #tpu.memory_space<vmem>> -> memref<128x64xf32, #tpu.memory_space<vmem>>
        tpu.wait_dma2 semaphore(%arg13 : memref<!tpu.dma_semaphore, #tpu.memory_space<semaphore_mem>>) src(%dma_wait3A_344 : memref<128x64xf32, #tpu.memory_space<vmem>>) dst(%dma_wait3A_340 : memref<128x64xf32, #tpu.memory_space<hbm>>)
      } else {
      }
      %add3A_240 = arith.constant 3 : i32
      %add3A_241 = arith.addi %add3A_234, %add3A_240 : i32
      %lt3A_242 = arith.constant 100 : i32
      %lt3A_243 = arith.cmpi slt, %add3A_241, %lt3A_242 : i32
      %convert_element_type3A_244 = arith.extui %lt3A_243 : i1 to i32
      %cond3A_245 = arith.constant 0 : i32
      %cond3A_246 = arith.cmpi ne, %convert_element_type3A_244, %cond3A_245 : i32
      scf.if %cond3A_246 {
        %add3A_329 = arith.constant 3 : i32
        %add3A_330 = arith.addi %add3A_234, %add3A_329 : i32
        %add3A_331 = arith.constant 0 : i32
        %add3A_332 = arith.addi %add3A_331, %add3A_330 : i32
        %dma_start3A_333 = arith.constant 1 : i32
        %dma_start3A_334 = arith.constant 0 : i32
        %dma_start3A_335 = arith.constant 0 : i32
        %dma_start3A_336 = tpu.memref_slice %arg7[%dma_start3A_333, %dma_start3A_334, %dma_start3A_335] : memref<4x128x128xf32, #tpu.memory_space<vmem>> -> memref<1x128x64xf32, #tpu.memory_space<vmem>>
        %dma_start3A_337 = tpu.memref_squeeze %dma_start3A_336 : memref<1x128x64xf32, #tpu.memory_space<vmem>> -> memref<128x64xf32, #tpu.memory_space<vmem>>
        %dma_start3A_338 = arith.constant 0 : i32
        %dma_start3A_339 = arith.constant 0 : i32
        %dma_start3A_340 = tpu.memref_slice %arg4[%add3A_332, %dma_start3A_338, %dma_start3A_339] : memref<200x128x64xf32, #tpu.memory_space<hbm>> -> memref<1x128x64xf32, #tpu.memory_space<hbm>>
        %dma_start3A_341 = tpu.memref_squeeze %dma_start3A_340 : memref<1x128x64xf32, #tpu.memory_space<hbm>> -> memref<128x64xf32, #tpu.memory_space<hbm>>
        %dma_start3A_342 = arith.constant 0 : i32
        %dma_start3A_343 = arith.constant 0 : i32
        %dma_start3A_344 = tpu.memref_slice %arg7[%dma_start3A_333, %dma_start3A_342, %dma_start3A_343] : memref<4x128x128xf32, #tpu.memory_space<vmem>> -> memref<1x128x64xf32, #tpu.memory_space<vmem>>
        %dma_start3A_345 = tpu.memref_squeeze %dma_start3A_344 : memref<1x128x64xf32, #tpu.memory_space<vmem>> -> memref<128x64xf32, #tpu.memory_space<vmem>>
        %dma_start3A_346 = arith.constant 0 : i32
        %dma_start3A_347 = arith.constant 0 : i32
        %dma_start3A_348 = tpu.memref_slice %arg4[%add3A_332, %dma_start3A_346, %dma_start3A_347] : memref<200x128x64xf32, #tpu.memory_space<hbm>> -> memref<1x128x64xf32, #tpu.memory_space<hbm>>
        %dma_start3A_349 = tpu.memref_squeeze %dma_start3A_348 : memref<1x128x64xf32, #tpu.memory_space<hbm>> -> memref<128x64xf32, #tpu.memory_space<hbm>>
        tpu.enqueue_dma source(%dma_start3A_349 : memref<128x64xf32, #tpu.memory_space<hbm>>) target(%dma_start3A_345 : memref<128x64xf32, #tpu.memory_space<vmem>>) target_semaphore(%arg17 : memref<!tpu.dma_semaphore, #tpu.memory_space<semaphore_mem>>)
      } else {
      }
      %add3A_247 = arith.constant 2 : i32
      %add3A_248 = arith.addi %add3A_234, %add3A_247 : i32
      %lt3A_249 = arith.constant 100 : i32
      %lt3A_250 = arith.cmpi slt, %add3A_248, %lt3A_249 : i32
      %convert_element_type3A_251 = arith.extui %lt3A_250 : i1 to i32
      %cond3A_252 = arith.constant 0 : i32
      %cond3A_253 = arith.cmpi ne, %convert_element_type3A_251, %cond3A_252 : i32
      scf.if %cond3A_253 {
        %dma_wait3A_329 = arith.constant 0 : i32
        %dma_wait3A_330 = arith.constant 0 : i32
        %dma_wait3A_331 = arith.constant 0 : i32
        %dma_wait3A_332 = arith.constant 0 : i32
        %dma_wait3A_333 = tpu.memref_slice %arg7[%dma_wait3A_330, %dma_wait3A_331, %dma_wait3A_332] : memref<4x128x128xf32, #tpu.memory_space<vmem>> -> memref<1x128x64xf32, #tpu.memory_space<vmem>>
        %dma_wait3A_334 = tpu.memref_squeeze %dma_wait3A_333 : memref<1x128x64xf32, #tpu.memory_space<vmem>> -> memref<128x64xf32, #tpu.memory_space<vmem>>
        %dma_wait3A_335 = arith.constant 0 : i32
        %dma_wait3A_336 = arith.constant 0 : i32
        %dma_wait3A_337 = tpu.memref_slice %arg4[%dma_wait3A_329, %dma_wait3A_335, %dma_wait3A_336] : memref<200x128x64xf32, #tpu.memory_space<hbm>> -> memref<1x128x64xf32, #tpu.memory_space<hbm>>
        %dma_wait3A_338 = tpu.memref_squeeze %dma_wait3A_337 : memref<1x128x64xf32, #tpu.memory_space<hbm>> -> memref<128x64xf32, #tpu.memory_space<hbm>>
        %dma_wait3A_339 = arith.constant 0 : i32
        %dma_wait3A_340 = arith.constant 0 : i32
        %dma_wait3A_341 = tpu.memref_slice %arg7[%dma_wait3A_330, %dma_wait3A_339, %dma_wait3A_340] : memref<4x128x128xf32, #tpu.memory_space<vmem>> -> memref<1x128x64xf32, #tpu.memory_space<vmem>>
        %dma_wait3A_342 = tpu.memref_squeeze %dma_wait3A_341 : memref<1x128x64xf32, #tpu.memory_space<vmem>> -> memref<128x64xf32, #tpu.memory_space<vmem>>
        %dma_wait3A_343 = arith.constant 0 : i32
        %dma_wait3A_344 = arith.constant 0 : i32
        %dma_wait3A_345 = tpu.memref_slice %arg4[%dma_wait3A_329, %dma_wait3A_343, %dma_wait3A_344] : memref<200x128x64xf32, #tpu.memory_space<hbm>> -> memref<1x128x64xf32, #tpu.memory_space<hbm>>
        %dma_wait3A_346 = tpu.memref_squeeze %dma_wait3A_345 : memref<1x128x64xf32, #tpu.memory_space<hbm>> -> memref<128x64xf32, #tpu.memory_space<hbm>>
        tpu.wait_dma2 semaphore(%arg16 : memref<!tpu.dma_semaphore, #tpu.memory_space<semaphore_mem>>) src(%dma_wait3A_346 : memref<128x64xf32, #tpu.memory_space<hbm>>) dst(%dma_wait3A_342 : memref<128x64xf32, #tpu.memory_space<vmem>>)
        %add3A_347 = arith.constant 2 : i32
        %add3A_348 = arith.addi %add3A_234, %add3A_347 : i32
        %dma_start3A_349 = arith.constant 0 : i32
        %dma_start3A_350 = arith.constant 0 : i32
        %dma_start3A_351 = arith.constant 0 : i32
        %dma_start3A_352 = tpu.memref_slice %arg7[%dma_start3A_349, %dma_start3A_350, %dma_start3A_351] : memref<4x128x128xf32, #tpu.memory_space<vmem>> -> memref<1x128x128xf32, #tpu.memory_space<vmem>>
        %dma_start3A_353 = tpu.memref_squeeze %dma_start3A_352 : memref<1x128x128xf32, #tpu.memory_space<vmem>> -> memref<128x128xf32, #tpu.memory_space<vmem>>
        %dma_start3A_354 = arith.constant 0 : i32
        %dma_start3A_355 = tpu.memref_slice %arg6[%add3A_348, %dma_start3A_354] : memref<100x128xi32, #tpu.memory_space<vmem>> -> memref<1x128xi32, #tpu.memory_space<vmem>>
        %dma_start3A_356 = tpu.memref_squeeze %dma_start3A_355 : memref<1x128xi32, #tpu.memory_space<vmem>> -> memref<128xi32, #tpu.memory_space<vmem>>
        %dma_start3A_357 = arith.constant 0 : i32
        %dma_start3A_358 = arith.constant 0 : i32
        %dma_start3A_359 = tpu.memref_slice %arg3[%dma_start3A_357, %dma_start3A_358] : memref<100000x128xf32, #tpu.memory_space<hbm>> -> memref<100000x128xf32, #tpu.memory_space<hbm>>
        tpu.enqueue_indirect_dma source(%dma_start3A_359 : memref<100000x128xf32, #tpu.memory_space<hbm>>) target(%dma_start3A_353 : memref<128x128xf32, #tpu.memory_space<vmem>>) offsets(%dma_start3A_356 : memref<128xi32, #tpu.memory_space<vmem>>) semaphore(%arg8 : memref<!tpu.dma_semaphore, #tpu.memory_space<semaphore_mem>>) {add = true}
      } else {
      }
      %dma_wait3A_254 = arith.constant 2 : i32
      %dma_wait3A_255 = arith.constant 0 : i32
      %dma_wait3A_256 = arith.constant 0 : i32
      %dma_wait3A_257 = tpu.memref_slice %arg7[%dma_wait3A_254, %dma_wait3A_255, %dma_wait3A_256] : memref<4x128x128xf32, #tpu.memory_space<vmem>> -> memref<1x128x128xf32, #tpu.memory_space<vmem>>
      %dma_wait3A_258 = tpu.memref_squeeze %dma_wait3A_257 : memref<1x128x128xf32, #tpu.memory_space<vmem>> -> memref<128x128xf32, #tpu.memory_space<vmem>>
      %dma_wait3A_259 = arith.constant 0 : i32
      %dma_wait3A_260 = tpu.memref_slice %arg6[%add3A_234, %dma_wait3A_259] : memref<100x128xi32, #tpu.memory_space<vmem>> -> memref<1x128xi32, #tpu.memory_space<vmem>>
      %dma_wait3A_261 = tpu.memref_squeeze %dma_wait3A_260 : memref<1x128xi32, #tpu.memory_space<vmem>> -> memref<128xi32, #tpu.memory_space<vmem>>
      %dma_wait3A_262 = arith.constant 0 : i32
      %dma_wait3A_263 = arith.constant 0 : i32
      %dma_wait3A_264 = tpu.memref_slice %arg3[%dma_wait3A_262, %dma_wait3A_263] : memref<100000x128xf32, #tpu.memory_space<hbm>> -> memref<100000x128xf32, #tpu.memory_space<hbm>>
      tpu.wait_indirect_dma semaphore(%arg10 : memref<!tpu.dma_semaphore, #tpu.memory_space<semaphore_mem>>) src(%dma_wait3A_264 : memref<100000x128xf32, #tpu.memory_space<hbm>>) dst(%dma_wait3A_258 : memref<128x128xf32, #tpu.memory_space<vmem>>)
      %dma_start3A_265 = arith.constant 2 : i32
      %dma_start3A_266 = arith.constant 0 : i32
      %dma_start3A_267 = arith.constant 0 : i32
      %dma_start3A_268 = tpu.memref_slice %arg7[%dma_start3A_265, %dma_start3A_266, %dma_start3A_267] : memref<4x128x128xf32, #tpu.memory_space<vmem>> -> memref<1x128x64xf32, #tpu.memory_space<vmem>>
      %dma_start3A_269 = tpu.memref_squeeze %dma_start3A_268 : memref<1x128x64xf32, #tpu.memory_space<vmem>> -> memref<128x64xf32, #tpu.memory_space<vmem>>
      %dma_start3A_270 = arith.constant 0 : i32
      %dma_start3A_271 = tpu.memref_slice %arg5[%mul3A_2, %add3A_234, %dma_start3A_270] : memref<4096x100x64xf32, #tpu.memory_space<hbm>> -> memref<128x1x64xf32, #tpu.memory_space<hbm>>
      %dma_start3A_272 = tpu.memref_squeeze %dma_start3A_271 : memref<128x1x64xf32, #tpu.memory_space<hbm>> -> memref<128x64xf32, #tpu.memory_space<hbm>>
      %dma_start3A_273 = arith.constant 0 : i32
      %dma_start3A_274 = tpu.memref_slice %arg5[%mul3A_2, %add3A_234, %dma_start3A_273] : memref<4096x100x64xf32, #tpu.memory_space<hbm>> -> memref<128x1x64xf32, #tpu.memory_space<hbm>>
      %dma_start3A_275 = tpu.memref_squeeze %dma_start3A_274 : memref<128x1x64xf32, #tpu.memory_space<hbm>> -> memref<128x64xf32, #tpu.memory_space<hbm>>
      %dma_start3A_276 = arith.constant 0 : i32
      %dma_start3A_277 = arith.constant 0 : i32
      %dma_start3A_278 = tpu.memref_slice %arg7[%dma_start3A_265, %dma_start3A_276, %dma_start3A_277] : memref<4x128x128xf32, #tpu.memory_space<vmem>> -> memref<1x128x64xf32, #tpu.memory_space<vmem>>
      %dma_start3A_279 = tpu.memref_squeeze %dma_start3A_278 : memref<1x128x64xf32, #tpu.memory_space<vmem>> -> memref<128x64xf32, #tpu.memory_space<vmem>>
      tpu.enqueue_dma source(%dma_start3A_279 : memref<128x64xf32, #tpu.memory_space<vmem>>) target(%dma_start3A_275 : memref<128x64xf32, #tpu.memory_space<hbm>>) target_semaphore(%arg14 : memref<!tpu.dma_semaphore, #tpu.memory_space<semaphore_mem>>)
      %mul3A_280 = arith.constant 4 : i32
      %mul3A_281 = arith.muli %scan3A_136, %mul3A_280 : i32
      %add3A_282 = arith.constant 3 : i32
      %add3A_283 = arith.addi %mul3A_281, %add3A_282 : i32
      %ge3A_284 = arith.constant 1 : i32
      %ge3A_285 = arith.cmpi sge, %add3A_283, %ge3A_284 : i32
      %convert_element_type3A_286 = arith.extui %ge3A_285 : i1 to i32
      %cond3A_287 = arith.constant 0 : i32
      %cond3A_288 = arith.cmpi ne, %convert_element_type3A_286, %cond3A_287 : i32
      scf.if %cond3A_288 {
        %dma_wait3A_329 = arith.constant 2 : i32
        %dma_wait3A_330 = arith.constant 0 : i32
        %dma_wait3A_331 = arith.constant 0 : i32
        %dma_wait3A_332 = arith.constant 0 : i32
        %dma_wait3A_333 = tpu.memref_slice %arg7[%dma_wait3A_329, %dma_wait3A_331, %dma_wait3A_332] : memref<4x128x128xf32, #tpu.memory_space<vmem>> -> memref<1x128x64xf32, #tpu.memory_space<vmem>>
        %dma_wait3A_334 = tpu.memref_squeeze %dma_wait3A_333 : memref<1x128x64xf32, #tpu.memory_space<vmem>> -> memref<128x64xf32, #tpu.memory_space<vmem>>
        %dma_wait3A_335 = arith.constant 0 : i32
        %dma_wait3A_336 = tpu.memref_slice %arg5[%mul3A_2, %dma_wait3A_330, %dma_wait3A_335] : memref<4096x100x64xf32, #tpu.memory_space<hbm>> -> memref<128x1x64xf32, #tpu.memory_space<hbm>>
        %dma_wait3A_337 = tpu.memref_squeeze %dma_wait3A_336 : memref<128x1x64xf32, #tpu.memory_space<hbm>> -> memref<128x64xf32, #tpu.memory_space<hbm>>
        %dma_wait3A_338 = arith.constant 0 : i32
        %dma_wait3A_339 = tpu.memref_slice %arg5[%mul3A_2, %dma_wait3A_330, %dma_wait3A_338] : memref<4096x100x64xf32, #tpu.memory_space<hbm>> -> memref<128x1x64xf32, #tpu.memory_space<hbm>>
        %dma_wait3A_340 = tpu.memref_squeeze %dma_wait3A_339 : memref<128x1x64xf32, #tpu.memory_space<hbm>> -> memref<128x64xf32, #tpu.memory_space<hbm>>
        %dma_wait3A_341 = arith.constant 0 : i32
        %dma_wait3A_342 = arith.constant 0 : i32
        %dma_wait3A_343 = tpu.memref_slice %arg7[%dma_wait3A_329, %dma_wait3A_341, %dma_wait3A_342] : memref<4x128x128xf32, #tpu.memory_space<vmem>> -> memref<1x128x64xf32, #tpu.memory_space<vmem>>
        %dma_wait3A_344 = tpu.memref_squeeze %dma_wait3A_343 : memref<1x128x64xf32, #tpu.memory_space<vmem>> -> memref<128x64xf32, #tpu.memory_space<vmem>>
        tpu.wait_dma2 semaphore(%arg14 : memref<!tpu.dma_semaphore, #tpu.memory_space<semaphore_mem>>) src(%dma_wait3A_344 : memref<128x64xf32, #tpu.memory_space<vmem>>) dst(%dma_wait3A_340 : memref<128x64xf32, #tpu.memory_space<hbm>>)
      } else {
      }
      %add3A_289 = arith.constant 3 : i32
      %add3A_290 = arith.addi %add3A_283, %add3A_289 : i32
      %lt3A_291 = arith.constant 100 : i32
      %lt3A_292 = arith.cmpi slt, %add3A_290, %lt3A_291 : i32
      %convert_element_type3A_293 = arith.extui %lt3A_292 : i1 to i32
      %cond3A_294 = arith.constant 0 : i32
      %cond3A_295 = arith.cmpi ne, %convert_element_type3A_293, %cond3A_294 : i32
      scf.if %cond3A_295 {
        %add3A_329 = arith.constant 3 : i32
        %add3A_330 = arith.addi %add3A_283, %add3A_329 : i32
        %add3A_331 = arith.constant 0 : i32
        %add3A_332 = arith.addi %add3A_331, %add3A_330 : i32
        %dma_start3A_333 = arith.constant 2 : i32
        %dma_start3A_334 = arith.constant 0 : i32
        %dma_start3A_335 = arith.constant 0 : i32
        %dma_start3A_336 = tpu.memref_slice %arg7[%dma_start3A_333, %dma_start3A_334, %dma_start3A_335] : memref<4x128x128xf32, #tpu.memory_space<vmem>> -> memref<1x128x64xf32, #tpu.memory_space<vmem>>
        %dma_start3A_337 = tpu.memref_squeeze %dma_start3A_336 : memref<1x128x64xf32, #tpu.memory_space<vmem>> -> memref<128x64xf32, #tpu.memory_space<vmem>>
        %dma_start3A_338 = arith.constant 0 : i32
        %dma_start3A_339 = arith.constant 0 : i32
        %dma_start3A_340 = tpu.memref_slice %arg4[%add3A_332, %dma_start3A_338, %dma_start3A_339] : memref<200x128x64xf32, #tpu.memory_space<hbm>> -> memref<1x128x64xf32, #tpu.memory_space<hbm>>
        %dma_start3A_341 = tpu.memref_squeeze %dma_start3A_340 : memref<1x128x64xf32, #tpu.memory_space<hbm>> -> memref<128x64xf32, #tpu.memory_space<hbm>>
        %dma_start3A_342 = arith.constant 0 : i32
        %dma_start3A_343 = arith.constant 0 : i32
        %dma_start3A_344 = tpu.memref_slice %arg7[%dma_start3A_333, %dma_start3A_342, %dma_start3A_343] : memref<4x128x128xf32, #tpu.memory_space<vmem>> -> memref<1x128x64xf32, #tpu.memory_space<vmem>>
        %dma_start3A_345 = tpu.memref_squeeze %dma_start3A_344 : memref<1x128x64xf32, #tpu.memory_space<vmem>> -> memref<128x64xf32, #tpu.memory_space<vmem>>
        %dma_start3A_346 = arith.constant 0 : i32
        %dma_start3A_347 = arith.constant 0 : i32
        %dma_start3A_348 = tpu.memref_slice %arg4[%add3A_332, %dma_start3A_346, %dma_start3A_347] : memref<200x128x64xf32, #tpu.memory_space<hbm>> -> memref<1x128x64xf32, #tpu.memory_space<hbm>>
        %dma_start3A_349 = tpu.memref_squeeze %dma_start3A_348 : memref<1x128x64xf32, #tpu.memory_space<hbm>> -> memref<128x64xf32, #tpu.memory_space<hbm>>
        tpu.enqueue_dma source(%dma_start3A_349 : memref<128x64xf32, #tpu.memory_space<hbm>>) target(%dma_start3A_345 : memref<128x64xf32, #tpu.memory_space<vmem>>) target_semaphore(%arg18 : memref<!tpu.dma_semaphore, #tpu.memory_space<semaphore_mem>>)
      } else {
      }
      %add3A_296 = arith.constant 2 : i32
      %add3A_297 = arith.addi %add3A_283, %add3A_296 : i32
      %lt3A_298 = arith.constant 100 : i32
      %lt3A_299 = arith.cmpi slt, %add3A_297, %lt3A_298 : i32
      %convert_element_type3A_300 = arith.extui %lt3A_299 : i1 to i32
      %cond3A_301 = arith.constant 0 : i32
      %cond3A_302 = arith.cmpi ne, %convert_element_type3A_300, %cond3A_301 : i32
      scf.if %cond3A_302 {
        %dma_wait3A_329 = arith.constant 0 : i32
        %dma_wait3A_330 = arith.constant 1 : i32
        %dma_wait3A_331 = arith.constant 0 : i32
        %dma_wait3A_332 = arith.constant 0 : i32
        %dma_wait3A_333 = tpu.memref_slice %arg7[%dma_wait3A_330, %dma_wait3A_331, %dma_wait3A_332] : memref<4x128x128xf32, #tpu.memory_space<vmem>> -> memref<1x128x64xf32, #tpu.memory_space<vmem>>
        %dma_wait3A_334 = tpu.memref_squeeze %dma_wait3A_333 : memref<1x128x64xf32, #tpu.memory_space<vmem>> -> memref<128x64xf32, #tpu.memory_space<vmem>>
        %dma_wait3A_335 = arith.constant 0 : i32
        %dma_wait3A_336 = arith.constant 0 : i32
        %dma_wait3A_337 = tpu.memref_slice %arg4[%dma_wait3A_329, %dma_wait3A_335, %dma_wait3A_336] : memref<200x128x64xf32, #tpu.memory_space<hbm>> -> memref<1x128x64xf32, #tpu.memory_space<hbm>>
        %dma_wait3A_338 = tpu.memref_squeeze %dma_wait3A_337 : memref<1x128x64xf32, #tpu.memory_space<hbm>> -> memref<128x64xf32, #tpu.memory_space<hbm>>
        %dma_wait3A_339 = arith.constant 0 : i32
        %dma_wait3A_340 = arith.constant 0 : i32
        %dma_wait3A_341 = tpu.memref_slice %arg7[%dma_wait3A_330, %dma_wait3A_339, %dma_wait3A_340] : memref<4x128x128xf32, #tpu.memory_space<vmem>> -> memref<1x128x64xf32, #tpu.memory_space<vmem>>
        %dma_wait3A_342 = tpu.memref_squeeze %dma_wait3A_341 : memref<1x128x64xf32, #tpu.memory_space<vmem>> -> memref<128x64xf32, #tpu.memory_space<vmem>>
        %dma_wait3A_343 = arith.constant 0 : i32
        %dma_wait3A_344 = arith.constant 0 : i32
        %dma_wait3A_345 = tpu.memref_slice %arg4[%dma_wait3A_329, %dma_wait3A_343, %dma_wait3A_344] : memref<200x128x64xf32, #tpu.memory_space<hbm>> -> memref<1x128x64xf32, #tpu.memory_space<hbm>>
        %dma_wait3A_346 = tpu.memref_squeeze %dma_wait3A_345 : memref<1x128x64xf32, #tpu.memory_space<hbm>> -> memref<128x64xf32, #tpu.memory_space<hbm>>
        tpu.wait_dma2 semaphore(%arg17 : memref<!tpu.dma_semaphore, #tpu.memory_space<semaphore_mem>>) src(%dma_wait3A_346 : memref<128x64xf32, #tpu.memory_space<hbm>>) dst(%dma_wait3A_342 : memref<128x64xf32, #tpu.memory_space<vmem>>)
        %add3A_347 = arith.constant 2 : i32
        %add3A_348 = arith.addi %add3A_283, %add3A_347 : i32
        %dma_start3A_349 = arith.constant 1 : i32
        %dma_start3A_350 = arith.constant 0 : i32
        %dma_start3A_351 = arith.constant 0 : i32
        %dma_start3A_352 = tpu.memref_slice %arg7[%dma_start3A_349, %dma_start3A_350, %dma_start3A_351] : memref<4x128x128xf32, #tpu.memory_space<vmem>> -> memref<1x128x128xf32, #tpu.memory_space<vmem>>
        %dma_start3A_353 = tpu.memref_squeeze %dma_start3A_352 : memref<1x128x128xf32, #tpu.memory_space<vmem>> -> memref<128x128xf32, #tpu.memory_space<vmem>>
        %dma_start3A_354 = arith.constant 0 : i32
        %dma_start3A_355 = tpu.memref_slice %arg6[%add3A_348, %dma_start3A_354] : memref<100x128xi32, #tpu.memory_space<vmem>> -> memref<1x128xi32, #tpu.memory_space<vmem>>
        %dma_start3A_356 = tpu.memref_squeeze %dma_start3A_355 : memref<1x128xi32, #tpu.memory_space<vmem>> -> memref<128xi32, #tpu.memory_space<vmem>>
        %dma_start3A_357 = arith.constant 0 : i32
        %dma_start3A_358 = arith.constant 0 : i32
        %dma_start3A_359 = tpu.memref_slice %arg3[%dma_start3A_357, %dma_start3A_358] : memref<100000x128xf32, #tpu.memory_space<hbm>> -> memref<100000x128xf32, #tpu.memory_space<hbm>>
        tpu.enqueue_indirect_dma source(%dma_start3A_359 : memref<100000x128xf32, #tpu.memory_space<hbm>>) target(%dma_start3A_353 : memref<128x128xf32, #tpu.memory_space<vmem>>) offsets(%dma_start3A_356 : memref<128xi32, #tpu.memory_space<vmem>>) semaphore(%arg9 : memref<!tpu.dma_semaphore, #tpu.memory_space<semaphore_mem>>) {add = true}
      } else {
      }
      %dma_wait3A_303 = arith.constant 3 : i32
      %dma_wait3A_304 = arith.constant 0 : i32
      %dma_wait3A_305 = arith.constant 0 : i32
      %dma_wait3A_306 = tpu.memref_slice %arg7[%dma_wait3A_303, %dma_wait3A_304, %dma_wait3A_305] : memref<4x128x128xf32, #tpu.memory_space<vmem>> -> memref<1x128x128xf32, #tpu.memory_space<vmem>>
      %dma_wait3A_307 = tpu.memref_squeeze %dma_wait3A_306 : memref<1x128x128xf32, #tpu.memory_space<vmem>> -> memref<128x128xf32, #tpu.memory_space<vmem>>
      %dma_wait3A_308 = arith.constant 0 : i32
      %dma_wait3A_309 = tpu.memref_slice %arg6[%add3A_283, %dma_wait3A_308] : memref<100x128xi32, #tpu.memory_space<vmem>> -> memref<1x128xi32, #tpu.memory_space<vmem>>
      %dma_wait3A_310 = tpu.memref_squeeze %dma_wait3A_309 : memref<1x128xi32, #tpu.memory_space<vmem>> -> memref<128xi32, #tpu.memory_space<vmem>>
      %dma_wait3A_311 = arith.constant 0 : i32
      %dma_wait3A_312 = arith.constant 0 : i32
      %dma_wait3A_313 = tpu.memref_slice %arg3[%dma_wait3A_311, %dma_wait3A_312] : memref<100000x128xf32, #tpu.memory_space<hbm>> -> memref<100000x128xf32, #tpu.memory_space<hbm>>
      tpu.wait_indirect_dma semaphore(%arg11 : memref<!tpu.dma_semaphore, #tpu.memory_space<semaphore_mem>>) src(%dma_wait3A_313 : memref<100000x128xf32, #tpu.memory_space<hbm>>) dst(%dma_wait3A_307 : memref<128x128xf32, #tpu.memory_space<vmem>>)
      %dma_start3A_314 = arith.constant 3 : i32
      %dma_start3A_315 = arith.constant 0 : i32
      %dma_start3A_316 = arith.constant 0 : i32
      %dma_start3A_317 = tpu.memref_slice %arg7[%dma_start3A_314, %dma_start3A_315, %dma_start3A_316] : memref<4x128x128xf32, #tpu.memory_space<vmem>> -> memref<1x128x64xf32, #tpu.memory_space<vmem>>
      %dma_start3A_318 = tpu.memref_squeeze %dma_start3A_317 : memref<1x128x64xf32, #tpu.memory_space<vmem>> -> memref<128x64xf32, #tpu.memory_space<vmem>>
      %dma_start3A_319 = arith.constant 0 : i32
      %dma_start3A_320 = tpu.memref_slice %arg5[%mul3A_2, %add3A_283, %dma_start3A_319] : memref<4096x100x64xf32, #tpu.memory_space<hbm>> -> memref<128x1x64xf32, #tpu.memory_space<hbm>>
      %dma_start3A_321 = tpu.memref_squeeze %dma_start3A_320 : memref<128x1x64xf32, #tpu.memory_space<hbm>> -> memref<128x64xf32, #tpu.memory_space<hbm>>
      %dma_start3A_322 = arith.constant 0 : i32
      %dma_start3A_323 = tpu.memref_slice %arg5[%mul3A_2, %add3A_283, %dma_start3A_322] : memref<4096x100x64xf32, #tpu.memory_space<hbm>> -> memref<128x1x64xf32, #tpu.memory_space<hbm>>
      %dma_start3A_324 = tpu.memref_squeeze %dma_start3A_323 : memref<128x1x64xf32, #tpu.memory_space<hbm>> -> memref<128x64xf32, #tpu.memory_space<hbm>>
      %dma_start3A_325 = arith.constant 0 : i32
      %dma_start3A_326 = arith.constant 0 : i32
      %dma_start3A_327 = tpu.memref_slice %arg7[%dma_start3A_314, %dma_start3A_325, %dma_start3A_326] : memref<4x128x128xf32, #tpu.memory_space<vmem>> -> memref<1x128x64xf32, #tpu.memory_space<vmem>>
      %dma_start3A_328 = tpu.memref_squeeze %dma_start3A_327 : memref<1x128x64xf32, #tpu.memory_space<vmem>> -> memref<128x64xf32, #tpu.memory_space<vmem>>
      tpu.enqueue_dma source(%dma_start3A_328 : memref<128x64xf32, #tpu.memory_space<vmem>>) target(%dma_start3A_324 : memref<128x64xf32, #tpu.memory_space<hbm>>) target_semaphore(%arg15 : memref<!tpu.dma_semaphore, #tpu.memory_space<semaphore_mem>>)
    }
    %scan3A_119 = arith.constant 25 : i32
    %dma_wait3A_120 = arith.constant 3 : i32
    %dma_wait3A_121 = arith.constant 0 : i32
    %dma_wait3A_122 = arith.constant 0 : i32
    %dma_wait3A_123 = arith.constant 0 : i32
    %dma_wait3A_124 = tpu.memref_slice %arg7[%dma_wait3A_120, %dma_wait3A_122, %dma_wait3A_123] : memref<4x128x128xf32, #tpu.memory_space<vmem>> -> memref<1x128x64xf32, #tpu.memory_space<vmem>>
    %dma_wait3A_125 = tpu.memref_squeeze %dma_wait3A_124 : memref<1x128x64xf32, #tpu.memory_space<vmem>> -> memref<128x64xf32, #tpu.memory_space<vmem>>
    %dma_wait3A_126 = arith.constant 0 : i32
    %dma_wait3A_127 = tpu.memref_slice %arg5[%mul3A_2, %dma_wait3A_121, %dma_wait3A_126] : memref<4096x100x64xf32, #tpu.memory_space<hbm>> -> memref<128x1x64xf32, #tpu.memory_space<hbm>>
    %dma_wait3A_128 = tpu.memref_squeeze %dma_wait3A_127 : memref<128x1x64xf32, #tpu.memory_space<hbm>> -> memref<128x64xf32, #tpu.memory_space<hbm>>
    %dma_wait3A_129 = arith.constant 0 : i32
    %dma_wait3A_130 = tpu.memref_slice %arg5[%mul3A_2, %dma_wait3A_121, %dma_wait3A_129] : memref<4096x100x64xf32, #tpu.memory_space<hbm>> -> memref<128x1x64xf32, #tpu.memory_space<hbm>>
    %dma_wait3A_131 = tpu.memref_squeeze %dma_wait3A_130 : memref<128x1x64xf32, #tpu.memory_space<hbm>> -> memref<128x64xf32, #tpu.memory_space<hbm>>
    %dma_wait3A_132 = arith.constant 0 : i32
    %dma_wait3A_133 = arith.constant 0 : i32
    %dma_wait3A_134 = tpu.memref_slice %arg7[%dma_wait3A_120, %dma_wait3A_132, %dma_wait3A_133] : memref<4x128x128xf32, #tpu.memory_space<vmem>> -> memref<1x128x64xf32, #tpu.memory_space<vmem>>
    %dma_wait3A_135 = tpu.memref_squeeze %dma_wait3A_134 : memref<1x128x64xf32, #tpu.memory_space<vmem>> -> memref<128x64xf32, #tpu.memory_space<vmem>>
    tpu.wait_dma2 semaphore(%arg15 : memref<!tpu.dma_semaphore, #tpu.memory_space<semaphore_mem>>) src(%dma_wait3A_135 : memref<128x64xf32, #tpu.memory_space<vmem>>) dst(%dma_wait3A_131 : memref<128x64xf32, #tpu.memory_space<hbm>>)
    return
  }
}

module attributes {stable_mosaic.version = 14 : i64} {
  func.func @_tc_table_body(%arg0: i32, %arg1: memref<64x2048xf32, #tpu.memory_space<vmem>>, %arg2: memref<2048x128xf32, #tpu.memory_space<vmem>>) attributes {dimension_semantics = [#tpu.dimension_semantics<arbitrary>], iteration_bounds = array<i64: 49>, scalar_prefetch = 0 : i64, scratch_operands = 0 : i64, tpu.core_type = #tpu.core_type<tc>, window_params = [{transform_indices = @transform_0, window_bounds = array<i64: 64, 2048>}, {transform_indices = @transform_1, window_bounds = array<i64: 2048, 128>}]} {
    %get3A = arith.constant 0 : index
    %get3A_0 = arith.constant 0 : index
    %get3A_1 = vector.load %arg1[%get3A, %get3A_0] : memref<64x2048xf32, #tpu.memory_space<vmem>>, vector<64x2048xf32>
    %transpose3A = tpu.transpose %get3A_1, [1, 0] : vector<64x2048xf32> -> vector<2048x64xf32>
    %swap3A = arith.constant 0 : index
    %swap3A_2 = arith.constant 0 : index
    %swap3A_3 = vector.load %arg2[%swap3A, %swap3A_2] : memref<2048x128xf32, #tpu.memory_space<vmem>>, vector<2048x64xf32>
    tpu.vector_store %arg2[%swap3A, %swap3A_2], %transpose3A {strides = array<i32>} : memref<2048x128xf32, #tpu.memory_space<vmem>>, vector<2048x64xf32>,
    %broadcast_in_dim3A = arith.constant 0.000000e+00 : f32
    %broadcast_in_dim3A_4 = vector.broadcast %broadcast_in_dim3A : f32 to vector<2048x64xf32>
    %swap3A_5 = arith.constant 0 : index
    %swap3A_6 = arith.constant 64 : index
    %swap3A_7 = vector.load %arg2[%swap3A_5, %swap3A_6] : memref<2048x128xf32, #tpu.memory_space<vmem>>, vector<2048x64xf32>
    tpu.vector_store %arg2[%swap3A_5, %swap3A_6], %broadcast_in_dim3A_4 {strides = array<i32>} : memref<2048x128xf32, #tpu.memory_space<vmem>>, vector<2048x64xf32>,
    return
  }
  func.func @transform_0(%arg0: i32) -> (i32, i32) {
    %c0_i32 = arith.constant 0 : i32
    %c0_i32_0 = arith.constant 0 : i32
    return %c0_i32, %arg0 : i32, i32
  }
  func.func @transform_1(%arg0: i32) -> (i32, i32) {
    %c0_i32 = arith.constant 0 : i32
    %c0_i32_0 = arith.constant 0 : i32
    return %arg0, %c0_i32 : i32, i32
  }
}

module attributes {stable_mosaic.version = 14 : i64} {
  func.func @_tc_pos_body(%arg0: i32, %arg1: memref<64x200xf32, #tpu.memory_space<vmem>>, %arg2: memref<12800x128xf32, #tpu.memory_space<vmem>>) attributes {dimension_semantics = [#tpu.dimension_semantics<arbitrary>], iteration_bounds = array<i64: 1>, scalar_prefetch = 0 : i64, scratch_operands = 0 : i64, tpu.core_type = #tpu.core_type<tc>, window_params = [{pipeline_mode = #tpu.pipeline_mode<synchronous>, transform_indices = @transform_0, window_bounds = array<i64: 64, 200>}, {pipeline_mode = #tpu.pipeline_mode<synchronous>, transform_indices = @transform_1, window_bounds = array<i64: 12800, 128>}]} {
    %get3A = arith.constant 0 : index
    %get3A_0 = arith.constant 0 : index
    %get3A_1 = vector.load %arg1[%get3A, %get3A_0] : memref<64x200xf32, #tpu.memory_space<vmem>>, vector<64x200xf32>
    %transpose3A = tpu.transpose %get3A_1, [1, 0] : vector<64x200xf32> -> vector<200x64xf32>
    %concatenate3A = tpu.concatenate %transpose3A, %transpose3A in 1 : vector<200x64xf32>, vector<200x64xf32> -> vector<200x128xf32>
    %broadcast_in_dim3A = vector.shape_cast %concatenate3A : vector<200x128xf32> to vector<200x1x128xf32>
    %broadcast_in_dim3A_2 = vector.shape_cast %broadcast_in_dim3A : vector<200x1x128xf32> to vector<200x1x128xf32>
    %broadcast_in_dim3A_3 = vector.broadcast %broadcast_in_dim3A_2 : vector<200x1x128xf32> to vector<200x64x128xf32>
    %reshape3A = vector.shape_cast %broadcast_in_dim3A_3 : vector<200x64x128xf32> to vector<12800x128xf32>
    %swap3A = arith.constant 0 : index
    %swap3A_4 = arith.constant 0 : index
    %swap3A_5 = vector.load %arg2[%swap3A, %swap3A_4] : memref<12800x128xf32, #tpu.memory_space<vmem>>, vector<12800x128xf32>
    tpu.vector_store %arg2[%swap3A, %swap3A_4], %reshape3A {strides = array<i32>} : memref<12800x128xf32, #tpu.memory_space<vmem>>, vector<12800x128xf32>,
    return
  }
  func.func @transform_0(%arg0: i32) -> (i32, i32) {
    %c0_i32 = arith.constant 0 : i32
    %c0_i32_0 = arith.constant 0 : i32
    %c0_i32_1 = arith.constant 0 : i32
    return %c0_i32, %c0_i32_0 : i32, i32
  }
  func.func @transform_1(%arg0: i32) -> (i32, i32) {
    %c0_i32 = arith.constant 0 : i32
    %c0_i32_0 = arith.constant 0 : i32
    %c0_i32_1 = arith.constant 0 : i32
    return %c0_i32, %c0_i32_0 : i32, i32
  }
}

module attributes {stable_mosaic.version = 14 : i64} {
  func.func @_tc_body(%arg0: i32, %arg1: memref<6400x128xf32, #tpu.memory_space<vmem>>, %arg2: memref<100x64x128xf32, #tpu.memory_space<vmem>>) attributes {dimension_semantics = [#tpu.dimension_semantics<arbitrary>], iteration_bounds = array<i64: 32>, scalar_prefetch = 0 : i64, scratch_operands = 0 : i64, tpu.core_type = #tpu.core_type<tc>, window_params = [{transform_indices = @transform_0, window_bounds = array<i64: 6400, 128>}, {transform_indices = @transform_1, window_bounds = array<i64: 100, 64, 128>}]} {
    %get3A = arith.constant 0 : index
    %get3A_0 = arith.constant 0 : index
    %get3A_1 = vector.load %arg1[%get3A, %get3A_0] : memref<6400x128xf32, #tpu.memory_space<vmem>>, vector<6400x128xf32>
    %reshape3A = vector.shape_cast %get3A_1 : vector<6400x128xf32> to vector<128x50x128xf32>
    %slice3A = vector.extract_strided_slice %reshape3A {offsets = [0, 0, 0], sizes = [128, 1, 128], strides = [1, 1, 1]} : vector<128x50x128xf32> to vector<128x1x128xf32>
    %squeeze3A = vector.shape_cast %slice3A : vector<128x1x128xf32> to vector<128x128xf32>
    %transpose3A = tpu.transpose %squeeze3A, [1, 0] : vector<128x128xf32> -> vector<128x128xf32>
    %slice3A_2 = vector.extract_strided_slice %transpose3A {offsets = [0, 0], sizes = [64, 128], strides = [1, 1]} : vector<128x128xf32> to vector<64x128xf32>
    %swap3A = arith.constant 0 : index
    %swap3A_3 = arith.constant 0 : index
    %swap3A_4 = arith.constant 0 : index
    %swap3A_5 = vector.load %arg2[%swap3A, %swap3A_3, %swap3A_4] : memref<100x64x128xf32, #tpu.memory_space<vmem>>, vector<1x64x128xf32>
    %swap3A_6 = vector.shape_cast %swap3A_5 : vector<1x64x128xf32> to vector<64x128xf32>
    %swap3A_7 = vector.shape_cast %slice3A_2 : vector<64x128xf32> to vector<1x64x128xf32>
    tpu.vector_store %arg2[%swap3A, %swap3A_3, %swap3A_4], %swap3A_7 {strides = array<i32>} : memref<100x64x128xf32, #tpu.memory_space<vmem>>, vector<1x64x128xf32>,
    %slice3A_8 = vector.extract_strided_slice %transpose3A {offsets = [64, 0], sizes = [64, 128], strides = [1, 1]} : vector<128x128xf32> to vector<64x128xf32>
    %swap3A_9 = arith.constant 1 : index
    %swap3A_10 = arith.constant 0 : index
    %swap3A_11 = arith.constant 0 : index
    %swap3A_12 = vector.load %arg2[%swap3A_9, %swap3A_10, %swap3A_11] : memref<100x64x128xf32, #tpu.memory_space<vmem>>, vector<1x64x128xf32>
    %swap3A_13 = vector.shape_cast %swap3A_12 : vector<1x64x128xf32> to vector<64x128xf32>
    %swap3A_14 = vector.shape_cast %slice3A_8 : vector<64x128xf32> to vector<1x64x128xf32>
    tpu.vector_store %arg2[%swap3A_9, %swap3A_10, %swap3A_11], %swap3A_14 {strides = array<i32>} : memref<100x64x128xf32, #tpu.memory_space<vmem>>, vector<1x64x128xf32>,
    %slice3A_15 = vector.extract_strided_slice %reshape3A {offsets = [0, 1, 0], sizes = [128, 1, 128], strides = [1, 1, 1]} : vector<128x50x128xf32> to vector<128x1x128xf32>
    %squeeze3A_16 = vector.shape_cast %slice3A_15 : vector<128x1x128xf32> to vector<128x128xf32>
    %transpose3A_17 = tpu.transpose %squeeze3A_16, [1, 0] : vector<128x128xf32> -> vector<128x128xf32>
    %slice3A_18 = vector.extract_strided_slice %transpose3A_17 {offsets = [0, 0], sizes = [64, 128], strides = [1, 1]} : vector<128x128xf32> to vector<64x128xf32>
    %swap3A_19 = arith.constant 2 : index
    %swap3A_20 = arith.constant 0 : index
    %swap3A_21 = arith.constant 0 : index
    %swap3A_22 = vector.load %arg2[%swap3A_19, %swap3A_20, %swap3A_21] : memref<100x64x128xf32, #tpu.memory_space<vmem>>, vector<1x64x128xf32>
    %swap3A_23 = vector.shape_cast %swap3A_22 : vector<1x64x128xf32> to vector<64x128xf32>
    %swap3A_24 = vector.shape_cast %slice3A_18 : vector<64x128xf32> to vector<1x64x128xf32>
    tpu.vector_store %arg2[%swap3A_19, %swap3A_20, %swap3A_21], %swap3A_24 {strides = array<i32>} : memref<100x64x128xf32, #tpu.memory_space<vmem>>, vector<1x64x128xf32>,
    %slice3A_25 = vector.extract_strided_slice %transpose3A_17 {offsets = [64, 0], sizes = [64, 128], strides = [1, 1]} : vector<128x128xf32> to vector<64x128xf32>
    %swap3A_26 = arith.constant 3 : index
    %swap3A_27 = arith.constant 0 : index
    %swap3A_28 = arith.constant 0 : index
    %swap3A_29 = vector.load %arg2[%swap3A_26, %swap3A_27, %swap3A_28] : memref<100x64x128xf32, #tpu.memory_space<vmem>>, vector<1x64x128xf32>
    %swap3A_30 = vector.shape_cast %swap3A_29 : vector<1x64x128xf32> to vector<64x128xf32>
    %swap3A_31 = vector.shape_cast %slice3A_25 : vector<64x128xf32> to vector<1x64x128xf32>
    tpu.vector_store %arg2[%swap3A_26, %swap3A_27, %swap3A_28], %swap3A_31 {strides = array<i32>} : memref<100x64x128xf32, #tpu.memory_space<vmem>>, vector<1x64x128xf32>,
    %slice3A_32 = vector.extract_strided_slice %reshape3A {offsets = [0, 2, 0], sizes = [128, 1, 128], strides = [1, 1, 1]} : vector<128x50x128xf32> to vector<128x1x128xf32>
    %squeeze3A_33 = vector.shape_cast %slice3A_32 : vector<128x1x128xf32> to vector<128x128xf32>
    %transpose3A_34 = tpu.transpose %squeeze3A_33, [1, 0] : vector<128x128xf32> -> vector<128x128xf32>
    %slice3A_35 = vector.extract_strided_slice %transpose3A_34 {offsets = [0, 0], sizes = [64, 128], strides = [1, 1]} : vector<128x128xf32> to vector<64x128xf32>
    %swap3A_36 = arith.constant 4 : index
    %swap3A_37 = arith.constant 0 : index
    %swap3A_38 = arith.constant 0 : index
    %swap3A_39 = vector.load %arg2[%swap3A_36, %swap3A_37, %swap3A_38] : memref<100x64x128xf32, #tpu.memory_space<vmem>>, vector<1x64x128xf32>
    %swap3A_40 = vector.shape_cast %swap3A_39 : vector<1x64x128xf32> to vector<64x128xf32>
    %swap3A_41 = vector.shape_cast %slice3A_35 : vector<64x128xf32> to vector<1x64x128xf32>
    tpu.vector_store %arg2[%swap3A_36, %swap3A_37, %swap3A_38], %swap3A_41 {strides = array<i32>} : memref<100x64x128xf32, #tpu.memory_space<vmem>>, vector<1x64x128xf32>,
    %slice3A_42 = vector.extract_strided_slice %transpose3A_34 {offsets = [64, 0], sizes = [64, 128], strides = [1, 1]} : vector<128x128xf32> to vector<64x128xf32>
    %swap3A_43 = arith.constant 5 : index
    %swap3A_44 = arith.constant 0 : index
    %swap3A_45 = arith.constant 0 : index
    %swap3A_46 = vector.load %arg2[%swap3A_43, %swap3A_44, %swap3A_45] : memref<100x64x128xf32, #tpu.memory_space<vmem>>, vector<1x64x128xf32>
    %swap3A_47 = vector.shape_cast %swap3A_46 : vector<1x64x128xf32> to vector<64x128xf32>
    %swap3A_48 = vector.shape_cast %slice3A_42 : vector<64x128xf32> to vector<1x64x128xf32>
    tpu.vector_store %arg2[%swap3A_43, %swap3A_44, %swap3A_45], %swap3A_48 {strides = array<i32>} : memref<100x64x128xf32, #tpu.memory_space<vmem>>, vector<1x64x128xf32>,
    %slice3A_49 = vector.extract_strided_slice %reshape3A {offsets = [0, 3, 0], sizes = [128, 1, 128], strides = [1, 1, 1]} : vector<128x50x128xf32> to vector<128x1x128xf32>
    %squeeze3A_50 = vector.shape_cast %slice3A_49 : vector<128x1x128xf32> to vector<128x128xf32>
    %transpose3A_51 = tpu.transpose %squeeze3A_50, [1, 0] : vector<128x128xf32> -> vector<128x128xf32>
    %slice3A_52 = vector.extract_strided_slice %transpose3A_51 {offsets = [0, 0], sizes = [64, 128], strides = [1, 1]} : vector<128x128xf32> to vector<64x128xf32>
    %swap3A_53 = arith.constant 6 : index
    %swap3A_54 = arith.constant 0 : index
    %swap3A_55 = arith.constant 0 : index
    %swap3A_56 = vector.load %arg2[%swap3A_53, %swap3A_54, %swap3A_55] : memref<100x64x128xf32, #tpu.memory_space<vmem>>, vector<1x64x128xf32>
    %swap3A_57 = vector.shape_cast %swap3A_56 : vector<1x64x128xf32> to vector<64x128xf32>
    %swap3A_58 = vector.shape_cast %slice3A_52 : vector<64x128xf32> to vector<1x64x128xf32>
    tpu.vector_store %arg2[%swap3A_53, %swap3A_54, %swap3A_55], %swap3A_58 {strides = array<i32>} : memref<100x64x128xf32, #tpu.memory_space<vmem>>, vector<1x64x128xf32>,
    %slice3A_59 = vector.extract_strided_slice %transpose3A_51 {offsets = [64, 0], sizes = [64, 128], strides = [1, 1]} : vector<128x128xf32> to vector<64x128xf32>
    %swap3A_60 = arith.constant 7 : index
    %swap3A_61 = arith.constant 0 : index
    %swap3A_62 = arith.constant 0 : index
    %swap3A_63 = vector.load %arg2[%swap3A_60, %swap3A_61, %swap3A_62] : memref<100x64x128xf32, #tpu.memory_space<vmem>>, vector<1x64x128xf32>
    %swap3A_64 = vector.shape_cast %swap3A_63 : vector<1x64x128xf32> to vector<64x128xf32>
    %swap3A_65 = vector.shape_cast %slice3A_59 : vector<64x128xf32> to vector<1x64x128xf32>
    tpu.vector_store %arg2[%swap3A_60, %swap3A_61, %swap3A_62], %swap3A_65 {strides = array<i32>} : memref<100x64x128xf32, #tpu.memory_space<vmem>>, vector<1x64x128xf32>,
    %slice3A_66 = vector.extract_strided_slice %reshape3A {offsets = [0, 4, 0], sizes = [128, 1, 128], strides = [1, 1, 1]} : vector<128x50x128xf32> to vector<128x1x128xf32>
    %squeeze3A_67 = vector.shape_cast %slice3A_66 : vector<128x1x128xf32> to vector<128x128xf32>
    %transpose3A_68 = tpu.transpose %squeeze3A_67, [1, 0] : vector<128x128xf32> -> vector<128x128xf32>
    %slice3A_69 = vector.extract_strided_slice %transpose3A_68 {offsets = [0, 0], sizes = [64, 128], strides = [1, 1]} : vector<128x128xf32> to vector<64x128xf32>
    %swap3A_70 = arith.constant 8 : index
    %swap3A_71 = arith.constant 0 : index
    %swap3A_72 = arith.constant 0 : index
    %swap3A_73 = vector.load %arg2[%swap3A_70, %swap3A_71, %swap3A_72] : memref<100x64x128xf32, #tpu.memory_space<vmem>>, vector<1x64x128xf32>
    %swap3A_74 = vector.shape_cast %swap3A_73 : vector<1x64x128xf32> to vector<64x128xf32>
    %swap3A_75 = vector.shape_cast %slice3A_69 : vector<64x128xf32> to vector<1x64x128xf32>
    tpu.vector_store %arg2[%swap3A_70, %swap3A_71, %swap3A_72], %swap3A_75 {strides = array<i32>} : memref<100x64x128xf32, #tpu.memory_space<vmem>>, vector<1x64x128xf32>,
    %slice3A_76 = vector.extract_strided_slice %transpose3A_68 {offsets = [64, 0], sizes = [64, 128], strides = [1, 1]} : vector<128x128xf32> to vector<64x128xf32>
    %swap3A_77 = arith.constant 9 : index
    %swap3A_78 = arith.constant 0 : index
    %swap3A_79 = arith.constant 0 : index
    %swap3A_80 = vector.load %arg2[%swap3A_77, %swap3A_78, %swap3A_79] : memref<100x64x128xf32, #tpu.memory_space<vmem>>, vector<1x64x128xf32>
    %swap3A_81 = vector.shape_cast %swap3A_80 : vector<1x64x128xf32> to vector<64x128xf32>
    %swap3A_82 = vector.shape_cast %slice3A_76 : vector<64x128xf32> to vector<1x64x128xf32>
    tpu.vector_store %arg2[%swap3A_77, %swap3A_78, %swap3A_79], %swap3A_82 {strides = array<i32>} : memref<100x64x128xf32, #tpu.memory_space<vmem>>, vector<1x64x128xf32>,
    %slice3A_83 = vector.extract_strided_slice %reshape3A {offsets = [0, 5, 0], sizes = [128, 1, 128], strides = [1, 1, 1]} : vector<128x50x128xf32> to vector<128x1x128xf32>
    %squeeze3A_84 = vector.shape_cast %slice3A_83 : vector<128x1x128xf32> to vector<128x128xf32>
    %transpose3A_85 = tpu.transpose %squeeze3A_84, [1, 0] : vector<128x128xf32> -> vector<128x128xf32>
    %slice3A_86 = vector.extract_strided_slice %transpose3A_85 {offsets = [0, 0], sizes = [64, 128], strides = [1, 1]} : vector<128x128xf32> to vector<64x128xf32>
    %swap3A_87 = arith.constant 10 : index
    %swap3A_88 = arith.constant 0 : index
    %swap3A_89 = arith.constant 0 : index
    %swap3A_90 = vector.load %arg2[%swap3A_87, %swap3A_88, %swap3A_89] : memref<100x64x128xf32, #tpu.memory_space<vmem>>, vector<1x64x128xf32>
    %swap3A_91 = vector.shape_cast %swap3A_90 : vector<1x64x128xf32> to vector<64x128xf32>
    %swap3A_92 = vector.shape_cast %slice3A_86 : vector<64x128xf32> to vector<1x64x128xf32>
    tpu.vector_store %arg2[%swap3A_87, %swap3A_88, %swap3A_89], %swap3A_92 {strides = array<i32>} : memref<100x64x128xf32, #tpu.memory_space<vmem>>, vector<1x64x128xf32>,
    %slice3A_93 = vector.extract_strided_slice %transpose3A_85 {offsets = [64, 0], sizes = [64, 128], strides = [1, 1]} : vector<128x128xf32> to vector<64x128xf32>
    %swap3A_94 = arith.constant 11 : index
    %swap3A_95 = arith.constant 0 : index
    %swap3A_96 = arith.constant 0 : index
    %swap3A_97 = vector.load %arg2[%swap3A_94, %swap3A_95, %swap3A_96] : memref<100x64x128xf32, #tpu.memory_space<vmem>>, vector<1x64x128xf32>
    %swap3A_98 = vector.shape_cast %swap3A_97 : vector<1x64x128xf32> to vector<64x128xf32>
    %swap3A_99 = vector.shape_cast %slice3A_93 : vector<64x128xf32> to vector<1x64x128xf32>
    tpu.vector_store %arg2[%swap3A_94, %swap3A_95, %swap3A_96], %swap3A_99 {strides = array<i32>} : memref<100x64x128xf32, #tpu.memory_space<vmem>>, vector<1x64x128xf32>,
    %slice3A_100 = vector.extract_strided_slice %reshape3A {offsets = [0, 6, 0], sizes = [128, 1, 128], strides = [1, 1, 1]} : vector<128x50x128xf32> to vector<128x1x128xf32>
    %squeeze3A_101 = vector.shape_cast %slice3A_100 : vector<128x1x128xf32> to vector<128x128xf32>
    %transpose3A_102 = tpu.transpose %squeeze3A_101, [1, 0] : vector<128x128xf32> -> vector<128x128xf32>
    %slice3A_103 = vector.extract_strided_slice %transpose3A_102 {offsets = [0, 0], sizes = [64, 128], strides = [1, 1]} : vector<128x128xf32> to vector<64x128xf32>
    %swap3A_104 = arith.constant 12 : index
    %swap3A_105 = arith.constant 0 : index
    %swap3A_106 = arith.constant 0 : index
    %swap3A_107 = vector.load %arg2[%swap3A_104, %swap3A_105, %swap3A_106] : memref<100x64x128xf32, #tpu.memory_space<vmem>>, vector<1x64x128xf32>
    %swap3A_108 = vector.shape_cast %swap3A_107 : vector<1x64x128xf32> to vector<64x128xf32>
    %swap3A_109 = vector.shape_cast %slice3A_103 : vector<64x128xf32> to vector<1x64x128xf32>
    tpu.vector_store %arg2[%swap3A_104, %swap3A_105, %swap3A_106], %swap3A_109 {strides = array<i32>} : memref<100x64x128xf32, #tpu.memory_space<vmem>>, vector<1x64x128xf32>,
    %slice3A_110 = vector.extract_strided_slice %transpose3A_102 {offsets = [64, 0], sizes = [64, 128], strides = [1, 1]} : vector<128x128xf32> to vector<64x128xf32>
    %swap3A_111 = arith.constant 13 : index
    %swap3A_112 = arith.constant 0 : index
    %swap3A_113 = arith.constant 0 : index
    %swap3A_114 = vector.load %arg2[%swap3A_111, %swap3A_112, %swap3A_113] : memref<100x64x128xf32, #tpu.memory_space<vmem>>, vector<1x64x128xf32>
    %swap3A_115 = vector.shape_cast %swap3A_114 : vector<1x64x128xf32> to vector<64x128xf32>
    %swap3A_116 = vector.shape_cast %slice3A_110 : vector<64x128xf32> to vector<1x64x128xf32>
    tpu.vector_store %arg2[%swap3A_111, %swap3A_112, %swap3A_113], %swap3A_116 {strides = array<i32>} : memref<100x64x128xf32, #tpu.memory_space<vmem>>, vector<1x64x128xf32>,
    %slice3A_117 = vector.extract_strided_slice %reshape3A {offsets = [0, 7, 0], sizes = [128, 1, 128], strides = [1, 1, 1]} : vector<128x50x128xf32> to vector<128x1x128xf32>
    %squeeze3A_118 = vector.shape_cast %slice3A_117 : vector<128x1x128xf32> to vector<128x128xf32>
    %transpose3A_119 = tpu.transpose %squeeze3A_118, [1, 0] : vector<128x128xf32> -> vector<128x128xf32>
    %slice3A_120 = vector.extract_strided_slice %transpose3A_119 {offsets = [0, 0], sizes = [64, 128], strides = [1, 1]} : vector<128x128xf32> to vector<64x128xf32>
    %swap3A_121 = arith.constant 14 : index
    %swap3A_122 = arith.constant 0 : index
    %swap3A_123 = arith.constant 0 : index
    %swap3A_124 = vector.load %arg2[%swap3A_121, %swap3A_122, %swap3A_123] : memref<100x64x128xf32, #tpu.memory_space<vmem>>, vector<1x64x128xf32>
    %swap3A_125 = vector.shape_cast %swap3A_124 : vector<1x64x128xf32> to vector<64x128xf32>
    %swap3A_126 = vector.shape_cast %slice3A_120 : vector<64x128xf32> to vector<1x64x128xf32>
    tpu.vector_store %arg2[%swap3A_121, %swap3A_122, %swap3A_123], %swap3A_126 {strides = array<i32>} : memref<100x64x128xf32, #tpu.memory_space<vmem>>, vector<1x64x128xf32>,
    %slice3A_127 = vector.extract_strided_slice %transpose3A_119 {offsets = [64, 0], sizes = [64, 128], strides = [1, 1]} : vector<128x128xf32> to vector<64x128xf32>
    %swap3A_128 = arith.constant 15 : index
    %swap3A_129 = arith.constant 0 : index
    %swap3A_130 = arith.constant 0 : index
    %swap3A_131 = vector.load %arg2[%swap3A_128, %swap3A_129, %swap3A_130] : memref<100x64x128xf32, #tpu.memory_space<vmem>>, vector<1x64x128xf32>
    %swap3A_132 = vector.shape_cast %swap3A_131 : vector<1x64x128xf32> to vector<64x128xf32>
    %swap3A_133 = vector.shape_cast %slice3A_127 : vector<64x128xf32> to vector<1x64x128xf32>
    tpu.vector_store %arg2[%swap3A_128, %swap3A_129, %swap3A_130], %swap3A_133 {strides = array<i32>} : memref<100x64x128xf32, #tpu.memory_space<vmem>>, vector<1x64x128xf32>,
    %slice3A_134 = vector.extract_strided_slice %reshape3A {offsets = [0, 8, 0], sizes = [128, 1, 128], strides = [1, 1, 1]} : vector<128x50x128xf32> to vector<128x1x128xf32>
    %squeeze3A_135 = vector.shape_cast %slice3A_134 : vector<128x1x128xf32> to vector<128x128xf32>
    %transpose3A_136 = tpu.transpose %squeeze3A_135, [1, 0] : vector<128x128xf32> -> vector<128x128xf32>
    %slice3A_137 = vector.extract_strided_slice %transpose3A_136 {offsets = [0, 0], sizes = [64, 128], strides = [1, 1]} : vector<128x128xf32> to vector<64x128xf32>
    %swap3A_138 = arith.constant 16 : index
    %swap3A_139 = arith.constant 0 : index
    %swap3A_140 = arith.constant 0 : index
    %swap3A_141 = vector.load %arg2[%swap3A_138, %swap3A_139, %swap3A_140] : memref<100x64x128xf32, #tpu.memory_space<vmem>>, vector<1x64x128xf32>
    %swap3A_142 = vector.shape_cast %swap3A_141 : vector<1x64x128xf32> to vector<64x128xf32>
    %swap3A_143 = vector.shape_cast %slice3A_137 : vector<64x128xf32> to vector<1x64x128xf32>
    tpu.vector_store %arg2[%swap3A_138, %swap3A_139, %swap3A_140], %swap3A_143 {strides = array<i32>} : memref<100x64x128xf32, #tpu.memory_space<vmem>>, vector<1x64x128xf32>,
    %slice3A_144 = vector.extract_strided_slice %transpose3A_136 {offsets = [64, 0], sizes = [64, 128], strides = [1, 1]} : vector<128x128xf32> to vector<64x128xf32>
    %swap3A_145 = arith.constant 17 : index
    %swap3A_146 = arith.constant 0 : index
    %swap3A_147 = arith.constant 0 : index
    %swap3A_148 = vector.load %arg2[%swap3A_145, %swap3A_146, %swap3A_147] : memref<100x64x128xf32, #tpu.memory_space<vmem>>, vector<1x64x128xf32>
    %swap3A_149 = vector.shape_cast %swap3A_148 : vector<1x64x128xf32> to vector<64x128xf32>
    %swap3A_150 = vector.shape_cast %slice3A_144 : vector<64x128xf32> to vector<1x64x128xf32>
    tpu.vector_store %arg2[%swap3A_145, %swap3A_146, %swap3A_147], %swap3A_150 {strides = array<i32>} : memref<100x64x128xf32, #tpu.memory_space<vmem>>, vector<1x64x128xf32>,
    %slice3A_151 = vector.extract_strided_slice %reshape3A {offsets = [0, 9, 0], sizes = [128, 1, 128], strides = [1, 1, 1]} : vector<128x50x128xf32> to vector<128x1x128xf32>
    %squeeze3A_152 = vector.shape_cast %slice3A_151 : vector<128x1x128xf32> to vector<128x128xf32>
    %transpose3A_153 = tpu.transpose %squeeze3A_152, [1, 0] : vector<128x128xf32> -> vector<128x128xf32>
    %slice3A_154 = vector.extract_strided_slice %transpose3A_153 {offsets = [0, 0], sizes = [64, 128], strides = [1, 1]} : vector<128x128xf32> to vector<64x128xf32>
    %swap3A_155 = arith.constant 18 : index
    %swap3A_156 = arith.constant 0 : index
    %swap3A_157 = arith.constant 0 : index
    %swap3A_158 = vector.load %arg2[%swap3A_155, %swap3A_156, %swap3A_157] : memref<100x64x128xf32, #tpu.memory_space<vmem>>, vector<1x64x128xf32>
    %swap3A_159 = vector.shape_cast %swap3A_158 : vector<1x64x128xf32> to vector<64x128xf32>
    %swap3A_160 = vector.shape_cast %slice3A_154 : vector<64x128xf32> to vector<1x64x128xf32>
    tpu.vector_store %arg2[%swap3A_155, %swap3A_156, %swap3A_157], %swap3A_160 {strides = array<i32>} : memref<100x64x128xf32, #tpu.memory_space<vmem>>, vector<1x64x128xf32>,
    %slice3A_161 = vector.extract_strided_slice %transpose3A_153 {offsets = [64, 0], sizes = [64, 128], strides = [1, 1]} : vector<128x128xf32> to vector<64x128xf32>
    %swap3A_162 = arith.constant 19 : index
    %swap3A_163 = arith.constant 0 : index
    %swap3A_164 = arith.constant 0 : index
    %swap3A_165 = vector.load %arg2[%swap3A_162, %swap3A_163, %swap3A_164] : memref<100x64x128xf32, #tpu.memory_space<vmem>>, vector<1x64x128xf32>
    %swap3A_166 = vector.shape_cast %swap3A_165 : vector<1x64x128xf32> to vector<64x128xf32>
    %swap3A_167 = vector.shape_cast %slice3A_161 : vector<64x128xf32> to vector<1x64x128xf32>
    tpu.vector_store %arg2[%swap3A_162, %swap3A_163, %swap3A_164], %swap3A_167 {strides = array<i32>} : memref<100x64x128xf32, #tpu.memory_space<vmem>>, vector<1x64x128xf32>,
    %slice3A_168 = vector.extract_strided_slice %reshape3A {offsets = [0, 10, 0], sizes = [128, 1, 128], strides = [1, 1, 1]} : vector<128x50x128xf32> to vector<128x1x128xf32>
    %squeeze3A_169 = vector.shape_cast %slice3A_168 : vector<128x1x128xf32> to vector<128x128xf32>
    %transpose3A_170 = tpu.transpose %squeeze3A_169, [1, 0] : vector<128x128xf32> -> vector<128x128xf32>
    %slice3A_171 = vector.extract_strided_slice %transpose3A_170 {offsets = [0, 0], sizes = [64, 128], strides = [1, 1]} : vector<128x128xf32> to vector<64x128xf32>
    %swap3A_172 = arith.constant 20 : index
    %swap3A_173 = arith.constant 0 : index
    %swap3A_174 = arith.constant 0 : index
    %swap3A_175 = vector.load %arg2[%swap3A_172, %swap3A_173, %swap3A_174] : memref<100x64x128xf32, #tpu.memory_space<vmem>>, vector<1x64x128xf32>
    %swap3A_176 = vector.shape_cast %swap3A_175 : vector<1x64x128xf32> to vector<64x128xf32>
    %swap3A_177 = vector.shape_cast %slice3A_171 : vector<64x128xf32> to vector<1x64x128xf32>
    tpu.vector_store %arg2[%swap3A_172, %swap3A_173, %swap3A_174], %swap3A_177 {strides = array<i32>} : memref<100x64x128xf32, #tpu.memory_space<vmem>>, vector<1x64x128xf32>,
    %slice3A_178 = vector.extract_strided_slice %transpose3A_170 {offsets = [64, 0], sizes = [64, 128], strides = [1, 1]} : vector<128x128xf32> to vector<64x128xf32>
    %swap3A_179 = arith.constant 21 : index
    %swap3A_180 = arith.constant 0 : index
    %swap3A_181 = arith.constant 0 : index
    %swap3A_182 = vector.load %arg2[%swap3A_179, %swap3A_180, %swap3A_181] : memref<100x64x128xf32, #tpu.memory_space<vmem>>, vector<1x64x128xf32>
    %swap3A_183 = vector.shape_cast %swap3A_182 : vector<1x64x128xf32> to vector<64x128xf32>
    %swap3A_184 = vector.shape_cast %slice3A_178 : vector<64x128xf32> to vector<1x64x128xf32>
    tpu.vector_store %arg2[%swap3A_179, %swap3A_180, %swap3A_181], %swap3A_184 {strides = array<i32>} : memref<100x64x128xf32, #tpu.memory_space<vmem>>, vector<1x64x128xf32>,
    %slice3A_185 = vector.extract_strided_slice %reshape3A {offsets = [0, 11, 0], sizes = [128, 1, 128], strides = [1, 1, 1]} : vector<128x50x128xf32> to vector<128x1x128xf32>
    %squeeze3A_186 = vector.shape_cast %slice3A_185 : vector<128x1x128xf32> to vector<128x128xf32>
    %transpose3A_187 = tpu.transpose %squeeze3A_186, [1, 0] : vector<128x128xf32> -> vector<128x128xf32>
    %slice3A_188 = vector.extract_strided_slice %transpose3A_187 {offsets = [0, 0], sizes = [64, 128], strides = [1, 1]} : vector<128x128xf32> to vector<64x128xf32>
    %swap3A_189 = arith.constant 22 : index
    %swap3A_190 = arith.constant 0 : index
    %swap3A_191 = arith.constant 0 : index
    %swap3A_192 = vector.load %arg2[%swap3A_189, %swap3A_190, %swap3A_191] : memref<100x64x128xf32, #tpu.memory_space<vmem>>, vector<1x64x128xf32>
    %swap3A_193 = vector.shape_cast %swap3A_192 : vector<1x64x128xf32> to vector<64x128xf32>
    %swap3A_194 = vector.shape_cast %slice3A_188 : vector<64x128xf32> to vector<1x64x128xf32>
    tpu.vector_store %arg2[%swap3A_189, %swap3A_190, %swap3A_191], %swap3A_194 {strides = array<i32>} : memref<100x64x128xf32, #tpu.memory_space<vmem>>, vector<1x64x128xf32>,
    %slice3A_195 = vector.extract_strided_slice %transpose3A_187 {offsets = [64, 0], sizes = [64, 128], strides = [1, 1]} : vector<128x128xf32> to vector<64x128xf32>
    %swap3A_196 = arith.constant 23 : index
    %swap3A_197 = arith.constant 0 : index
    %swap3A_198 = arith.constant 0 : index
    %swap3A_199 = vector.load %arg2[%swap3A_196, %swap3A_197, %swap3A_198] : memref<100x64x128xf32, #tpu.memory_space<vmem>>, vector<1x64x128xf32>
    %swap3A_200 = vector.shape_cast %swap3A_199 : vector<1x64x128xf32> to vector<64x128xf32>
    %swap3A_201 = vector.shape_cast %slice3A_195 : vector<64x128xf32> to vector<1x64x128xf32>
    tpu.vector_store %arg2[%swap3A_196, %swap3A_197, %swap3A_198], %swap3A_201 {strides = array<i32>} : memref<100x64x128xf32, #tpu.memory_space<vmem>>, vector<1x64x128xf32>,
    %slice3A_202 = vector.extract_strided_slice %reshape3A {offsets = [0, 12, 0], sizes = [128, 1, 128], strides = [1, 1, 1]} : vector<128x50x128xf32> to vector<128x1x128xf32>
    %squeeze3A_203 = vector.shape_cast %slice3A_202 : vector<128x1x128xf32> to vector<128x128xf32>
    %transpose3A_204 = tpu.transpose %squeeze3A_203, [1, 0] : vector<128x128xf32> -> vector<128x128xf32>
    %slice3A_205 = vector.extract_strided_slice %transpose3A_204 {offsets = [0, 0], sizes = [64, 128], strides = [1, 1]} : vector<128x128xf32> to vector<64x128xf32>
    %swap3A_206 = arith.constant 24 : index
    %swap3A_207 = arith.constant 0 : index
    %swap3A_208 = arith.constant 0 : index
    %swap3A_209 = vector.load %arg2[%swap3A_206, %swap3A_207, %swap3A_208] : memref<100x64x128xf32, #tpu.memory_space<vmem>>, vector<1x64x128xf32>
    %swap3A_210 = vector.shape_cast %swap3A_209 : vector<1x64x128xf32> to vector<64x128xf32>
    %swap3A_211 = vector.shape_cast %slice3A_205 : vector<64x128xf32> to vector<1x64x128xf32>
    tpu.vector_store %arg2[%swap3A_206, %swap3A_207, %swap3A_208], %swap3A_211 {strides = array<i32>} : memref<100x64x128xf32, #tpu.memory_space<vmem>>, vector<1x64x128xf32>,
    %slice3A_212 = vector.extract_strided_slice %transpose3A_204 {offsets = [64, 0], sizes = [64, 128], strides = [1, 1]} : vector<128x128xf32> to vector<64x128xf32>
    %swap3A_213 = arith.constant 25 : index
    %swap3A_214 = arith.constant 0 : index
    %swap3A_215 = arith.constant 0 : index
    %swap3A_216 = vector.load %arg2[%swap3A_213, %swap3A_214, %swap3A_215] : memref<100x64x128xf32, #tpu.memory_space<vmem>>, vector<1x64x128xf32>
    %swap3A_217 = vector.shape_cast %swap3A_216 : vector<1x64x128xf32> to vector<64x128xf32>
    %swap3A_218 = vector.shape_cast %slice3A_212 : vector<64x128xf32> to vector<1x64x128xf32>
    tpu.vector_store %arg2[%swap3A_213, %swap3A_214, %swap3A_215], %swap3A_218 {strides = array<i32>} : memref<100x64x128xf32, #tpu.memory_space<vmem>>, vector<1x64x128xf32>,
    %slice3A_219 = vector.extract_strided_slice %reshape3A {offsets = [0, 13, 0], sizes = [128, 1, 128], strides = [1, 1, 1]} : vector<128x50x128xf32> to vector<128x1x128xf32>
    %squeeze3A_220 = vector.shape_cast %slice3A_219 : vector<128x1x128xf32> to vector<128x128xf32>
    %transpose3A_221 = tpu.transpose %squeeze3A_220, [1, 0] : vector<128x128xf32> -> vector<128x128xf32>
    %slice3A_222 = vector.extract_strided_slice %transpose3A_221 {offsets = [0, 0], sizes = [64, 128], strides = [1, 1]} : vector<128x128xf32> to vector<64x128xf32>
    %swap3A_223 = arith.constant 26 : index
    %swap3A_224 = arith.constant 0 : index
    %swap3A_225 = arith.constant 0 : index
    %swap3A_226 = vector.load %arg2[%swap3A_223, %swap3A_224, %swap3A_225] : memref<100x64x128xf32, #tpu.memory_space<vmem>>, vector<1x64x128xf32>
    %swap3A_227 = vector.shape_cast %swap3A_226 : vector<1x64x128xf32> to vector<64x128xf32>
    %swap3A_228 = vector.shape_cast %slice3A_222 : vector<64x128xf32> to vector<1x64x128xf32>
    tpu.vector_store %arg2[%swap3A_223, %swap3A_224, %swap3A_225], %swap3A_228 {strides = array<i32>} : memref<100x64x128xf32, #tpu.memory_space<vmem>>, vector<1x64x128xf32>,
    %slice3A_229 = vector.extract_strided_slice %transpose3A_221 {offsets = [64, 0], sizes = [64, 128], strides = [1, 1]} : vector<128x128xf32> to vector<64x128xf32>
    %swap3A_230 = arith.constant 27 : index
    %swap3A_231 = arith.constant 0 : index
    %swap3A_232 = arith.constant 0 : index
    %swap3A_233 = vector.load %arg2[%swap3A_230, %swap3A_231, %swap3A_232] : memref<100x64x128xf32, #tpu.memory_space<vmem>>, vector<1x64x128xf32>
    %swap3A_234 = vector.shape_cast %swap3A_233 : vector<1x64x128xf32> to vector<64x128xf32>
    %swap3A_235 = vector.shape_cast %slice3A_229 : vector<64x128xf32> to vector<1x64x128xf32>
    tpu.vector_store %arg2[%swap3A_230, %swap3A_231, %swap3A_232], %swap3A_235 {strides = array<i32>} : memref<100x64x128xf32, #tpu.memory_space<vmem>>, vector<1x64x128xf32>,
    %slice3A_236 = vector.extract_strided_slice %reshape3A {offsets = [0, 14, 0], sizes = [128, 1, 128], strides = [1, 1, 1]} : vector<128x50x128xf32> to vector<128x1x128xf32>
    %squeeze3A_237 = vector.shape_cast %slice3A_236 : vector<128x1x128xf32> to vector<128x128xf32>
    %transpose3A_238 = tpu.transpose %squeeze3A_237, [1, 0] : vector<128x128xf32> -> vector<128x128xf32>
    %slice3A_239 = vector.extract_strided_slice %transpose3A_238 {offsets = [0, 0], sizes = [64, 128], strides = [1, 1]} : vector<128x128xf32> to vector<64x128xf32>
    %swap3A_240 = arith.constant 28 : index
    %swap3A_241 = arith.constant 0 : index
    %swap3A_242 = arith.constant 0 : index
    %swap3A_243 = vector.load %arg2[%swap3A_240, %swap3A_241, %swap3A_242] : memref<100x64x128xf32, #tpu.memory_space<vmem>>, vector<1x64x128xf32>
    %swap3A_244 = vector.shape_cast %swap3A_243 : vector<1x64x128xf32> to vector<64x128xf32>
    %swap3A_245 = vector.shape_cast %slice3A_239 : vector<64x128xf32> to vector<1x64x128xf32>
    tpu.vector_store %arg2[%swap3A_240, %swap3A_241, %swap3A_242], %swap3A_245 {strides = array<i32>} : memref<100x64x128xf32, #tpu.memory_space<vmem>>, vector<1x64x128xf32>,
    %slice3A_246 = vector.extract_strided_slice %transpose3A_238 {offsets = [64, 0], sizes = [64, 128], strides = [1, 1]} : vector<128x128xf32> to vector<64x128xf32>
    %swap3A_247 = arith.constant 29 : index
    %swap3A_248 = arith.constant 0 : index
    %swap3A_249 = arith.constant 0 : index
    %swap3A_250 = vector.load %arg2[%swap3A_247, %swap3A_248, %swap3A_249] : memref<100x64x128xf32, #tpu.memory_space<vmem>>, vector<1x64x128xf32>
    %swap3A_251 = vector.shape_cast %swap3A_250 : vector<1x64x128xf32> to vector<64x128xf32>
    %swap3A_252 = vector.shape_cast %slice3A_246 : vector<64x128xf32> to vector<1x64x128xf32>
    tpu.vector_store %arg2[%swap3A_247, %swap3A_248, %swap3A_249], %swap3A_252 {strides = array<i32>} : memref<100x64x128xf32, #tpu.memory_space<vmem>>, vector<1x64x128xf32>,
    %slice3A_253 = vector.extract_strided_slice %reshape3A {offsets = [0, 15, 0], sizes = [128, 1, 128], strides = [1, 1, 1]} : vector<128x50x128xf32> to vector<128x1x128xf32>
    %squeeze3A_254 = vector.shape_cast %slice3A_253 : vector<128x1x128xf32> to vector<128x128xf32>
    %transpose3A_255 = tpu.transpose %squeeze3A_254, [1, 0] : vector<128x128xf32> -> vector<128x128xf32>
    %slice3A_256 = vector.extract_strided_slice %transpose3A_255 {offsets = [0, 0], sizes = [64, 128], strides = [1, 1]} : vector<128x128xf32> to vector<64x128xf32>
    %swap3A_257 = arith.constant 30 : index
    %swap3A_258 = arith.constant 0 : index
    %swap3A_259 = arith.constant 0 : index
    %swap3A_260 = vector.load %arg2[%swap3A_257, %swap3A_258, %swap3A_259] : memref<100x64x128xf32, #tpu.memory_space<vmem>>, vector<1x64x128xf32>
    %swap3A_261 = vector.shape_cast %swap3A_260 : vector<1x64x128xf32> to vector<64x128xf32>
    %swap3A_262 = vector.shape_cast %slice3A_256 : vector<64x128xf32> to vector<1x64x128xf32>
    tpu.vector_store %arg2[%swap3A_257, %swap3A_258, %swap3A_259], %swap3A_262 {strides = array<i32>} : memref<100x64x128xf32, #tpu.memory_space<vmem>>, vector<1x64x128xf32>,
    %slice3A_263 = vector.extract_strided_slice %transpose3A_255 {offsets = [64, 0], sizes = [64, 128], strides = [1, 1]} : vector<128x128xf32> to vector<64x128xf32>
    %swap3A_264 = arith.constant 31 : index
    %swap3A_265 = arith.constant 0 : index
    %swap3A_266 = arith.constant 0 : index
    %swap3A_267 = vector.load %arg2[%swap3A_264, %swap3A_265, %swap3A_266] : memref<100x64x128xf32, #tpu.memory_space<vmem>>, vector<1x64x128xf32>
    %swap3A_268 = vector.shape_cast %swap3A_267 : vector<1x64x128xf32> to vector<64x128xf32>
    %swap3A_269 = vector.shape_cast %slice3A_263 : vector<64x128xf32> to vector<1x64x128xf32>
    tpu.vector_store %arg2[%swap3A_264, %swap3A_265, %swap3A_266], %swap3A_269 {strides = array<i32>} : memref<100x64x128xf32, #tpu.memory_space<vmem>>, vector<1x64x128xf32>,
    %slice3A_270 = vector.extract_strided_slice %reshape3A {offsets = [0, 16, 0], sizes = [128, 1, 128], strides = [1, 1, 1]} : vector<128x50x128xf32> to vector<128x1x128xf32>
    %squeeze3A_271 = vector.shape_cast %slice3A_270 : vector<128x1x128xf32> to vector<128x128xf32>
    %transpose3A_272 = tpu.transpose %squeeze3A_271, [1, 0] : vector<128x128xf32> -> vector<128x128xf32>
    %slice3A_273 = vector.extract_strided_slice %transpose3A_272 {offsets = [0, 0], sizes = [64, 128], strides = [1, 1]} : vector<128x128xf32> to vector<64x128xf32>
    %swap3A_274 = arith.constant 32 : index
    %swap3A_275 = arith.constant 0 : index
    %swap3A_276 = arith.constant 0 : index
    %swap3A_277 = vector.load %arg2[%swap3A_274, %swap3A_275, %swap3A_276] : memref<100x64x128xf32, #tpu.memory_space<vmem>>, vector<1x64x128xf32>
    %swap3A_278 = vector.shape_cast %swap3A_277 : vector<1x64x128xf32> to vector<64x128xf32>
    %swap3A_279 = vector.shape_cast %slice3A_273 : vector<64x128xf32> to vector<1x64x128xf32>
    tpu.vector_store %arg2[%swap3A_274, %swap3A_275, %swap3A_276], %swap3A_279 {strides = array<i32>} : memref<100x64x128xf32, #tpu.memory_space<vmem>>, vector<1x64x128xf32>,
    %slice3A_280 = vector.extract_strided_slice %transpose3A_272 {offsets = [64, 0], sizes = [64, 128], strides = [1, 1]} : vector<128x128xf32> to vector<64x128xf32>
    %swap3A_281 = arith.constant 33 : index
    %swap3A_282 = arith.constant 0 : index
    %swap3A_283 = arith.constant 0 : index
    %swap3A_284 = vector.load %arg2[%swap3A_281, %swap3A_282, %swap3A_283] : memref<100x64x128xf32, #tpu.memory_space<vmem>>, vector<1x64x128xf32>
    %swap3A_285 = vector.shape_cast %swap3A_284 : vector<1x64x128xf32> to vector<64x128xf32>
    %swap3A_286 = vector.shape_cast %slice3A_280 : vector<64x128xf32> to vector<1x64x128xf32>
    tpu.vector_store %arg2[%swap3A_281, %swap3A_282, %swap3A_283], %swap3A_286 {strides = array<i32>} : memref<100x64x128xf32, #tpu.memory_space<vmem>>, vector<1x64x128xf32>,
    %slice3A_287 = vector.extract_strided_slice %reshape3A {offsets = [0, 17, 0], sizes = [128, 1, 128], strides = [1, 1, 1]} : vector<128x50x128xf32> to vector<128x1x128xf32>
    %squeeze3A_288 = vector.shape_cast %slice3A_287 : vector<128x1x128xf32> to vector<128x128xf32>
    %transpose3A_289 = tpu.transpose %squeeze3A_288, [1, 0] : vector<128x128xf32> -> vector<128x128xf32>
    %slice3A_290 = vector.extract_strided_slice %transpose3A_289 {offsets = [0, 0], sizes = [64, 128], strides = [1, 1]} : vector<128x128xf32> to vector<64x128xf32>
    %swap3A_291 = arith.constant 34 : index
    %swap3A_292 = arith.constant 0 : index
    %swap3A_293 = arith.constant 0 : index
    %swap3A_294 = vector.load %arg2[%swap3A_291, %swap3A_292, %swap3A_293] : memref<100x64x128xf32, #tpu.memory_space<vmem>>, vector<1x64x128xf32>
    %swap3A_295 = vector.shape_cast %swap3A_294 : vector<1x64x128xf32> to vector<64x128xf32>
    %swap3A_296 = vector.shape_cast %slice3A_290 : vector<64x128xf32> to vector<1x64x128xf32>
    tpu.vector_store %arg2[%swap3A_291, %swap3A_292, %swap3A_293], %swap3A_296 {strides = array<i32>} : memref<100x64x128xf32, #tpu.memory_space<vmem>>, vector<1x64x128xf32>,
    %slice3A_297 = vector.extract_strided_slice %transpose3A_289 {offsets = [64, 0], sizes = [64, 128], strides = [1, 1]} : vector<128x128xf32> to vector<64x128xf32>
    %swap3A_298 = arith.constant 35 : index
    %swap3A_299 = arith.constant 0 : index
    %swap3A_300 = arith.constant 0 : index
    %swap3A_301 = vector.load %arg2[%swap3A_298, %swap3A_299, %swap3A_300] : memref<100x64x128xf32, #tpu.memory_space<vmem>>, vector<1x64x128xf32>
    %swap3A_302 = vector.shape_cast %swap3A_301 : vector<1x64x128xf32> to vector<64x128xf32>
    %swap3A_303 = vector.shape_cast %slice3A_297 : vector<64x128xf32> to vector<1x64x128xf32>
    tpu.vector_store %arg2[%swap3A_298, %swap3A_299, %swap3A_300], %swap3A_303 {strides = array<i32>} : memref<100x64x128xf32, #tpu.memory_space<vmem>>, vector<1x64x128xf32>,
    %slice3A_304 = vector.extract_strided_slice %reshape3A {offsets = [0, 18, 0], sizes = [128, 1, 128], strides = [1, 1, 1]} : vector<128x50x128xf32> to vector<128x1x128xf32>
    %squeeze3A_305 = vector.shape_cast %slice3A_304 : vector<128x1x128xf32> to vector<128x128xf32>
    %transpose3A_306 = tpu.transpose %squeeze3A_305, [1, 0] : vector<128x128xf32> -> vector<128x128xf32>
    %slice3A_307 = vector.extract_strided_slice %transpose3A_306 {offsets = [0, 0], sizes = [64, 128], strides = [1, 1]} : vector<128x128xf32> to vector<64x128xf32>
    %swap3A_308 = arith.constant 36 : index
    %swap3A_309 = arith.constant 0 : index
    %swap3A_310 = arith.constant 0 : index
    %swap3A_311 = vector.load %arg2[%swap3A_308, %swap3A_309, %swap3A_310] : memref<100x64x128xf32, #tpu.memory_space<vmem>>, vector<1x64x128xf32>
    %swap3A_312 = vector.shape_cast %swap3A_311 : vector<1x64x128xf32> to vector<64x128xf32>
    %swap3A_313 = vector.shape_cast %slice3A_307 : vector<64x128xf32> to vector<1x64x128xf32>
    tpu.vector_store %arg2[%swap3A_308, %swap3A_309, %swap3A_310], %swap3A_313 {strides = array<i32>} : memref<100x64x128xf32, #tpu.memory_space<vmem>>, vector<1x64x128xf32>,
    %slice3A_314 = vector.extract_strided_slice %transpose3A_306 {offsets = [64, 0], sizes = [64, 128], strides = [1, 1]} : vector<128x128xf32> to vector<64x128xf32>
    %swap3A_315 = arith.constant 37 : index
    %swap3A_316 = arith.constant 0 : index
    %swap3A_317 = arith.constant 0 : index
    %swap3A_318 = vector.load %arg2[%swap3A_315, %swap3A_316, %swap3A_317] : memref<100x64x128xf32, #tpu.memory_space<vmem>>, vector<1x64x128xf32>
    %swap3A_319 = vector.shape_cast %swap3A_318 : vector<1x64x128xf32> to vector<64x128xf32>
    %swap3A_320 = vector.shape_cast %slice3A_314 : vector<64x128xf32> to vector<1x64x128xf32>
    tpu.vector_store %arg2[%swap3A_315, %swap3A_316, %swap3A_317], %swap3A_320 {strides = array<i32>} : memref<100x64x128xf32, #tpu.memory_space<vmem>>, vector<1x64x128xf32>,
    %slice3A_321 = vector.extract_strided_slice %reshape3A {offsets = [0, 19, 0], sizes = [128, 1, 128], strides = [1, 1, 1]} : vector<128x50x128xf32> to vector<128x1x128xf32>
    %squeeze3A_322 = vector.shape_cast %slice3A_321 : vector<128x1x128xf32> to vector<128x128xf32>
    %transpose3A_323 = tpu.transpose %squeeze3A_322, [1, 0] : vector<128x128xf32> -> vector<128x128xf32>
    %slice3A_324 = vector.extract_strided_slice %transpose3A_323 {offsets = [0, 0], sizes = [64, 128], strides = [1, 1]} : vector<128x128xf32> to vector<64x128xf32>
    %swap3A_325 = arith.constant 38 : index
    %swap3A_326 = arith.constant 0 : index
    %swap3A_327 = arith.constant 0 : index
    %swap3A_328 = vector.load %arg2[%swap3A_325, %swap3A_326, %swap3A_327] : memref<100x64x128xf32, #tpu.memory_space<vmem>>, vector<1x64x128xf32>
    %swap3A_329 = vector.shape_cast %swap3A_328 : vector<1x64x128xf32> to vector<64x128xf32>
    %swap3A_330 = vector.shape_cast %slice3A_324 : vector<64x128xf32> to vector<1x64x128xf32>
    tpu.vector_store %arg2[%swap3A_325, %swap3A_326, %swap3A_327], %swap3A_330 {strides = array<i32>} : memref<100x64x128xf32, #tpu.memory_space<vmem>>, vector<1x64x128xf32>,
    %slice3A_331 = vector.extract_strided_slice %transpose3A_323 {offsets = [64, 0], sizes = [64, 128], strides = [1, 1]} : vector<128x128xf32> to vector<64x128xf32>
    %swap3A_332 = arith.constant 39 : index
    %swap3A_333 = arith.constant 0 : index
    %swap3A_334 = arith.constant 0 : index
    %swap3A_335 = vector.load %arg2[%swap3A_332, %swap3A_333, %swap3A_334] : memref<100x64x128xf32, #tpu.memory_space<vmem>>, vector<1x64x128xf32>
    %swap3A_336 = vector.shape_cast %swap3A_335 : vector<1x64x128xf32> to vector<64x128xf32>
    %swap3A_337 = vector.shape_cast %slice3A_331 : vector<64x128xf32> to vector<1x64x128xf32>
    tpu.vector_store %arg2[%swap3A_332, %swap3A_333, %swap3A_334], %swap3A_337 {strides = array<i32>} : memref<100x64x128xf32, #tpu.memory_space<vmem>>, vector<1x64x128xf32>,
    %slice3A_338 = vector.extract_strided_slice %reshape3A {offsets = [0, 20, 0], sizes = [128, 1, 128], strides = [1, 1, 1]} : vector<128x50x128xf32> to vector<128x1x128xf32>
    %squeeze3A_339 = vector.shape_cast %slice3A_338 : vector<128x1x128xf32> to vector<128x128xf32>
    %transpose3A_340 = tpu.transpose %squeeze3A_339, [1, 0] : vector<128x128xf32> -> vector<128x128xf32>
    %slice3A_341 = vector.extract_strided_slice %transpose3A_340 {offsets = [0, 0], sizes = [64, 128], strides = [1, 1]} : vector<128x128xf32> to vector<64x128xf32>
    %swap3A_342 = arith.constant 40 : index
    %swap3A_343 = arith.constant 0 : index
    %swap3A_344 = arith.constant 0 : index
    %swap3A_345 = vector.load %arg2[%swap3A_342, %swap3A_343, %swap3A_344] : memref<100x64x128xf32, #tpu.memory_space<vmem>>, vector<1x64x128xf32>
    %swap3A_346 = vector.shape_cast %swap3A_345 : vector<1x64x128xf32> to vector<64x128xf32>
    %swap3A_347 = vector.shape_cast %slice3A_341 : vector<64x128xf32> to vector<1x64x128xf32>
    tpu.vector_store %arg2[%swap3A_342, %swap3A_343, %swap3A_344], %swap3A_347 {strides = array<i32>} : memref<100x64x128xf32, #tpu.memory_space<vmem>>, vector<1x64x128xf32>,
    %slice3A_348 = vector.extract_strided_slice %transpose3A_340 {offsets = [64, 0], sizes = [64, 128], strides = [1, 1]} : vector<128x128xf32> to vector<64x128xf32>
    %swap3A_349 = arith.constant 41 : index
    %swap3A_350 = arith.constant 0 : index
    %swap3A_351 = arith.constant 0 : index
    %swap3A_352 = vector.load %arg2[%swap3A_349, %swap3A_350, %swap3A_351] : memref<100x64x128xf32, #tpu.memory_space<vmem>>, vector<1x64x128xf32>
    %swap3A_353 = vector.shape_cast %swap3A_352 : vector<1x64x128xf32> to vector<64x128xf32>
    %swap3A_354 = vector.shape_cast %slice3A_348 : vector<64x128xf32> to vector<1x64x128xf32>
    tpu.vector_store %arg2[%swap3A_349, %swap3A_350, %swap3A_351], %swap3A_354 {strides = array<i32>} : memref<100x64x128xf32, #tpu.memory_space<vmem>>, vector<1x64x128xf32>,
    %slice3A_355 = vector.extract_strided_slice %reshape3A {offsets = [0, 21, 0], sizes = [128, 1, 128], strides = [1, 1, 1]} : vector<128x50x128xf32> to vector<128x1x128xf32>
    %squeeze3A_356 = vector.shape_cast %slice3A_355 : vector<128x1x128xf32> to vector<128x128xf32>
    %transpose3A_357 = tpu.transpose %squeeze3A_356, [1, 0] : vector<128x128xf32> -> vector<128x128xf32>
    %slice3A_358 = vector.extract_strided_slice %transpose3A_357 {offsets = [0, 0], sizes = [64, 128], strides = [1, 1]} : vector<128x128xf32> to vector<64x128xf32>
    %swap3A_359 = arith.constant 42 : index
    %swap3A_360 = arith.constant 0 : index
    %swap3A_361 = arith.constant 0 : index
    %swap3A_362 = vector.load %arg2[%swap3A_359, %swap3A_360, %swap3A_361] : memref<100x64x128xf32, #tpu.memory_space<vmem>>, vector<1x64x128xf32>
    %swap3A_363 = vector.shape_cast %swap3A_362 : vector<1x64x128xf32> to vector<64x128xf32>
    %swap3A_364 = vector.shape_cast %slice3A_358 : vector<64x128xf32> to vector<1x64x128xf32>
    tpu.vector_store %arg2[%swap3A_359, %swap3A_360, %swap3A_361], %swap3A_364 {strides = array<i32>} : memref<100x64x128xf32, #tpu.memory_space<vmem>>, vector<1x64x128xf32>,
    %slice3A_365 = vector.extract_strided_slice %transpose3A_357 {offsets = [64, 0], sizes = [64, 128], strides = [1, 1]} : vector<128x128xf32> to vector<64x128xf32>
    %swap3A_366 = arith.constant 43 : index
    %swap3A_367 = arith.constant 0 : index
    %swap3A_368 = arith.constant 0 : index
    %swap3A_369 = vector.load %arg2[%swap3A_366, %swap3A_367, %swap3A_368] : memref<100x64x128xf32, #tpu.memory_space<vmem>>, vector<1x64x128xf32>
    %swap3A_370 = vector.shape_cast %swap3A_369 : vector<1x64x128xf32> to vector<64x128xf32>
    %swap3A_371 = vector.shape_cast %slice3A_365 : vector<64x128xf32> to vector<1x64x128xf32>
    tpu.vector_store %arg2[%swap3A_366, %swap3A_367, %swap3A_368], %swap3A_371 {strides = array<i32>} : memref<100x64x128xf32, #tpu.memory_space<vmem>>, vector<1x64x128xf32>,
    %slice3A_372 = vector.extract_strided_slice %reshape3A {offsets = [0, 22, 0], sizes = [128, 1, 128], strides = [1, 1, 1]} : vector<128x50x128xf32> to vector<128x1x128xf32>
    %squeeze3A_373 = vector.shape_cast %slice3A_372 : vector<128x1x128xf32> to vector<128x128xf32>
    %transpose3A_374 = tpu.transpose %squeeze3A_373, [1, 0] : vector<128x128xf32> -> vector<128x128xf32>
    %slice3A_375 = vector.extract_strided_slice %transpose3A_374 {offsets = [0, 0], sizes = [64, 128], strides = [1, 1]} : vector<128x128xf32> to vector<64x128xf32>
    %swap3A_376 = arith.constant 44 : index
    %swap3A_377 = arith.constant 0 : index
    %swap3A_378 = arith.constant 0 : index
    %swap3A_379 = vector.load %arg2[%swap3A_376, %swap3A_377, %swap3A_378] : memref<100x64x128xf32, #tpu.memory_space<vmem>>, vector<1x64x128xf32>
    %swap3A_380 = vector.shape_cast %swap3A_379 : vector<1x64x128xf32> to vector<64x128xf32>
    %swap3A_381 = vector.shape_cast %slice3A_375 : vector<64x128xf32> to vector<1x64x128xf32>
    tpu.vector_store %arg2[%swap3A_376, %swap3A_377, %swap3A_378], %swap3A_381 {strides = array<i32>} : memref<100x64x128xf32, #tpu.memory_space<vmem>>, vector<1x64x128xf32>,
    %slice3A_382 = vector.extract_strided_slice %transpose3A_374 {offsets = [64, 0], sizes = [64, 128], strides = [1, 1]} : vector<128x128xf32> to vector<64x128xf32>
    %swap3A_383 = arith.constant 45 : index
    %swap3A_384 = arith.constant 0 : index
    %swap3A_385 = arith.constant 0 : index
    %swap3A_386 = vector.load %arg2[%swap3A_383, %swap3A_384, %swap3A_385] : memref<100x64x128xf32, #tpu.memory_space<vmem>>, vector<1x64x128xf32>
    %swap3A_387 = vector.shape_cast %swap3A_386 : vector<1x64x128xf32> to vector<64x128xf32>
    %swap3A_388 = vector.shape_cast %slice3A_382 : vector<64x128xf32> to vector<1x64x128xf32>
    tpu.vector_store %arg2[%swap3A_383, %swap3A_384, %swap3A_385], %swap3A_388 {strides = array<i32>} : memref<100x64x128xf32, #tpu.memory_space<vmem>>, vector<1x64x128xf32>,
    %slice3A_389 = vector.extract_strided_slice %reshape3A {offsets = [0, 23, 0], sizes = [128, 1, 128], strides = [1, 1, 1]} : vector<128x50x128xf32> to vector<128x1x128xf32>
    %squeeze3A_390 = vector.shape_cast %slice3A_389 : vector<128x1x128xf32> to vector<128x128xf32>
    %transpose3A_391 = tpu.transpose %squeeze3A_390, [1, 0] : vector<128x128xf32> -> vector<128x128xf32>
    %slice3A_392 = vector.extract_strided_slice %transpose3A_391 {offsets = [0, 0], sizes = [64, 128], strides = [1, 1]} : vector<128x128xf32> to vector<64x128xf32>
    %swap3A_393 = arith.constant 46 : index
    %swap3A_394 = arith.constant 0 : index
    %swap3A_395 = arith.constant 0 : index
    %swap3A_396 = vector.load %arg2[%swap3A_393, %swap3A_394, %swap3A_395] : memref<100x64x128xf32, #tpu.memory_space<vmem>>, vector<1x64x128xf32>
    %swap3A_397 = vector.shape_cast %swap3A_396 : vector<1x64x128xf32> to vector<64x128xf32>
    %swap3A_398 = vector.shape_cast %slice3A_392 : vector<64x128xf32> to vector<1x64x128xf32>
    tpu.vector_store %arg2[%swap3A_393, %swap3A_394, %swap3A_395], %swap3A_398 {strides = array<i32>} : memref<100x64x128xf32, #tpu.memory_space<vmem>>, vector<1x64x128xf32>,
    %slice3A_399 = vector.extract_strided_slice %transpose3A_391 {offsets = [64, 0], sizes = [64, 128], strides = [1, 1]} : vector<128x128xf32> to vector<64x128xf32>
    %swap3A_400 = arith.constant 47 : index
    %swap3A_401 = arith.constant 0 : index
    %swap3A_402 = arith.constant 0 : index
    %swap3A_403 = vector.load %arg2[%swap3A_400, %swap3A_401, %swap3A_402] : memref<100x64x128xf32, #tpu.memory_space<vmem>>, vector<1x64x128xf32>
    %swap3A_404 = vector.shape_cast %swap3A_403 : vector<1x64x128xf32> to vector<64x128xf32>
    %swap3A_405 = vector.shape_cast %slice3A_399 : vector<64x128xf32> to vector<1x64x128xf32>
    tpu.vector_store %arg2[%swap3A_400, %swap3A_401, %swap3A_402], %swap3A_405 {strides = array<i32>} : memref<100x64x128xf32, #tpu.memory_space<vmem>>, vector<1x64x128xf32>,
    %slice3A_406 = vector.extract_strided_slice %reshape3A {offsets = [0, 24, 0], sizes = [128, 1, 128], strides = [1, 1, 1]} : vector<128x50x128xf32> to vector<128x1x128xf32>
    %squeeze3A_407 = vector.shape_cast %slice3A_406 : vector<128x1x128xf32> to vector<128x128xf32>
    %transpose3A_408 = tpu.transpose %squeeze3A_407, [1, 0] : vector<128x128xf32> -> vector<128x128xf32>
    %slice3A_409 = vector.extract_strided_slice %transpose3A_408 {offsets = [0, 0], sizes = [64, 128], strides = [1, 1]} : vector<128x128xf32> to vector<64x128xf32>
    %swap3A_410 = arith.constant 48 : index
    %swap3A_411 = arith.constant 0 : index
    %swap3A_412 = arith.constant 0 : index
    %swap3A_413 = vector.load %arg2[%swap3A_410, %swap3A_411, %swap3A_412] : memref<100x64x128xf32, #tpu.memory_space<vmem>>, vector<1x64x128xf32>
    %swap3A_414 = vector.shape_cast %swap3A_413 : vector<1x64x128xf32> to vector<64x128xf32>
    %swap3A_415 = vector.shape_cast %slice3A_409 : vector<64x128xf32> to vector<1x64x128xf32>
    tpu.vector_store %arg2[%swap3A_410, %swap3A_411, %swap3A_412], %swap3A_415 {strides = array<i32>} : memref<100x64x128xf32, #tpu.memory_space<vmem>>, vector<1x64x128xf32>,
    %slice3A_416 = vector.extract_strided_slice %transpose3A_408 {offsets = [64, 0], sizes = [64, 128], strides = [1, 1]} : vector<128x128xf32> to vector<64x128xf32>
    %swap3A_417 = arith.constant 49 : index
    %swap3A_418 = arith.constant 0 : index
    %swap3A_419 = arith.constant 0 : index
    %swap3A_420 = vector.load %arg2[%swap3A_417, %swap3A_418, %swap3A_419] : memref<100x64x128xf32, #tpu.memory_space<vmem>>, vector<1x64x128xf32>
    %swap3A_421 = vector.shape_cast %swap3A_420 : vector<1x64x128xf32> to vector<64x128xf32>
    %swap3A_422 = vector.shape_cast %slice3A_416 : vector<64x128xf32> to vector<1x64x128xf32>
    tpu.vector_store %arg2[%swap3A_417, %swap3A_418, %swap3A_419], %swap3A_422 {strides = array<i32>} : memref<100x64x128xf32, #tpu.memory_space<vmem>>, vector<1x64x128xf32>,
    %slice3A_423 = vector.extract_strided_slice %reshape3A {offsets = [0, 25, 0], sizes = [128, 1, 128], strides = [1, 1, 1]} : vector<128x50x128xf32> to vector<128x1x128xf32>
    %squeeze3A_424 = vector.shape_cast %slice3A_423 : vector<128x1x128xf32> to vector<128x128xf32>
    %transpose3A_425 = tpu.transpose %squeeze3A_424, [1, 0] : vector<128x128xf32> -> vector<128x128xf32>
    %slice3A_426 = vector.extract_strided_slice %transpose3A_425 {offsets = [0, 0], sizes = [64, 128], strides = [1, 1]} : vector<128x128xf32> to vector<64x128xf32>
    %swap3A_427 = arith.constant 50 : index
    %swap3A_428 = arith.constant 0 : index
    %swap3A_429 = arith.constant 0 : index
    %swap3A_430 = vector.load %arg2[%swap3A_427, %swap3A_428, %swap3A_429] : memref<100x64x128xf32, #tpu.memory_space<vmem>>, vector<1x64x128xf32>
    %swap3A_431 = vector.shape_cast %swap3A_430 : vector<1x64x128xf32> to vector<64x128xf32>
    %swap3A_432 = vector.shape_cast %slice3A_426 : vector<64x128xf32> to vector<1x64x128xf32>
    tpu.vector_store %arg2[%swap3A_427, %swap3A_428, %swap3A_429], %swap3A_432 {strides = array<i32>} : memref<100x64x128xf32, #tpu.memory_space<vmem>>, vector<1x64x128xf32>,
    %slice3A_433 = vector.extract_strided_slice %transpose3A_425 {offsets = [64, 0], sizes = [64, 128], strides = [1, 1]} : vector<128x128xf32> to vector<64x128xf32>
    %swap3A_434 = arith.constant 51 : index
    %swap3A_435 = arith.constant 0 : index
    %swap3A_436 = arith.constant 0 : index
    %swap3A_437 = vector.load %arg2[%swap3A_434, %swap3A_435, %swap3A_436] : memref<100x64x128xf32, #tpu.memory_space<vmem>>, vector<1x64x128xf32>
    %swap3A_438 = vector.shape_cast %swap3A_437 : vector<1x64x128xf32> to vector<64x128xf32>
    %swap3A_439 = vector.shape_cast %slice3A_433 : vector<64x128xf32> to vector<1x64x128xf32>
    tpu.vector_store %arg2[%swap3A_434, %swap3A_435, %swap3A_436], %swap3A_439 {strides = array<i32>} : memref<100x64x128xf32, #tpu.memory_space<vmem>>, vector<1x64x128xf32>,
    %slice3A_440 = vector.extract_strided_slice %reshape3A {offsets = [0, 26, 0], sizes = [128, 1, 128], strides = [1, 1, 1]} : vector<128x50x128xf32> to vector<128x1x128xf32>
    %squeeze3A_441 = vector.shape_cast %slice3A_440 : vector<128x1x128xf32> to vector<128x128xf32>
    %transpose3A_442 = tpu.transpose %squeeze3A_441, [1, 0] : vector<128x128xf32> -> vector<128x128xf32>
    %slice3A_443 = vector.extract_strided_slice %transpose3A_442 {offsets = [0, 0], sizes = [64, 128], strides = [1, 1]} : vector<128x128xf32> to vector<64x128xf32>
    %swap3A_444 = arith.constant 52 : index
    %swap3A_445 = arith.constant 0 : index
    %swap3A_446 = arith.constant 0 : index
    %swap3A_447 = vector.load %arg2[%swap3A_444, %swap3A_445, %swap3A_446] : memref<100x64x128xf32, #tpu.memory_space<vmem>>, vector<1x64x128xf32>
    %swap3A_448 = vector.shape_cast %swap3A_447 : vector<1x64x128xf32> to vector<64x128xf32>
    %swap3A_449 = vector.shape_cast %slice3A_443 : vector<64x128xf32> to vector<1x64x128xf32>
    tpu.vector_store %arg2[%swap3A_444, %swap3A_445, %swap3A_446], %swap3A_449 {strides = array<i32>} : memref<100x64x128xf32, #tpu.memory_space<vmem>>, vector<1x64x128xf32>,
    %slice3A_450 = vector.extract_strided_slice %transpose3A_442 {offsets = [64, 0], sizes = [64, 128], strides = [1, 1]} : vector<128x128xf32> to vector<64x128xf32>
    %swap3A_451 = arith.constant 53 : index
    %swap3A_452 = arith.constant 0 : index
    %swap3A_453 = arith.constant 0 : index
    %swap3A_454 = vector.load %arg2[%swap3A_451, %swap3A_452, %swap3A_453] : memref<100x64x128xf32, #tpu.memory_space<vmem>>, vector<1x64x128xf32>
    %swap3A_455 = vector.shape_cast %swap3A_454 : vector<1x64x128xf32> to vector<64x128xf32>
    %swap3A_456 = vector.shape_cast %slice3A_450 : vector<64x128xf32> to vector<1x64x128xf32>
    tpu.vector_store %arg2[%swap3A_451, %swap3A_452, %swap3A_453], %swap3A_456 {strides = array<i32>} : memref<100x64x128xf32, #tpu.memory_space<vmem>>, vector<1x64x128xf32>,
    %slice3A_457 = vector.extract_strided_slice %reshape3A {offsets = [0, 27, 0], sizes = [128, 1, 128], strides = [1, 1, 1]} : vector<128x50x128xf32> to vector<128x1x128xf32>
    %squeeze3A_458 = vector.shape_cast %slice3A_457 : vector<128x1x128xf32> to vector<128x128xf32>
    %transpose3A_459 = tpu.transpose %squeeze3A_458, [1, 0] : vector<128x128xf32> -> vector<128x128xf32>
    %slice3A_460 = vector.extract_strided_slice %transpose3A_459 {offsets = [0, 0], sizes = [64, 128], strides = [1, 1]} : vector<128x128xf32> to vector<64x128xf32>
    %swap3A_461 = arith.constant 54 : index
    %swap3A_462 = arith.constant 0 : index
    %swap3A_463 = arith.constant 0 : index
    %swap3A_464 = vector.load %arg2[%swap3A_461, %swap3A_462, %swap3A_463] : memref<100x64x128xf32, #tpu.memory_space<vmem>>, vector<1x64x128xf32>
    %swap3A_465 = vector.shape_cast %swap3A_464 : vector<1x64x128xf32> to vector<64x128xf32>
    %swap3A_466 = vector.shape_cast %slice3A_460 : vector<64x128xf32> to vector<1x64x128xf32>
    tpu.vector_store %arg2[%swap3A_461, %swap3A_462, %swap3A_463], %swap3A_466 {strides = array<i32>} : memref<100x64x128xf32, #tpu.memory_space<vmem>>, vector<1x64x128xf32>,
    %slice3A_467 = vector.extract_strided_slice %transpose3A_459 {offsets = [64, 0], sizes = [64, 128], strides = [1, 1]} : vector<128x128xf32> to vector<64x128xf32>
    %swap3A_468 = arith.constant 55 : index
    %swap3A_469 = arith.constant 0 : index
    %swap3A_470 = arith.constant 0 : index
    %swap3A_471 = vector.load %arg2[%swap3A_468, %swap3A_469, %swap3A_470] : memref<100x64x128xf32, #tpu.memory_space<vmem>>, vector<1x64x128xf32>
    %swap3A_472 = vector.shape_cast %swap3A_471 : vector<1x64x128xf32> to vector<64x128xf32>
    %swap3A_473 = vector.shape_cast %slice3A_467 : vector<64x128xf32> to vector<1x64x128xf32>
    tpu.vector_store %arg2[%swap3A_468, %swap3A_469, %swap3A_470], %swap3A_473 {strides = array<i32>} : memref<100x64x128xf32, #tpu.memory_space<vmem>>, vector<1x64x128xf32>,
    %slice3A_474 = vector.extract_strided_slice %reshape3A {offsets = [0, 28, 0], sizes = [128, 1, 128], strides = [1, 1, 1]} : vector<128x50x128xf32> to vector<128x1x128xf32>
    %squeeze3A_475 = vector.shape_cast %slice3A_474 : vector<128x1x128xf32> to vector<128x128xf32>
    %transpose3A_476 = tpu.transpose %squeeze3A_475, [1, 0] : vector<128x128xf32> -> vector<128x128xf32>
    %slice3A_477 = vector.extract_strided_slice %transpose3A_476 {offsets = [0, 0], sizes = [64, 128], strides = [1, 1]} : vector<128x128xf32> to vector<64x128xf32>
    %swap3A_478 = arith.constant 56 : index
    %swap3A_479 = arith.constant 0 : index
    %swap3A_480 = arith.constant 0 : index
    %swap3A_481 = vector.load %arg2[%swap3A_478, %swap3A_479, %swap3A_480] : memref<100x64x128xf32, #tpu.memory_space<vmem>>, vector<1x64x128xf32>
    %swap3A_482 = vector.shape_cast %swap3A_481 : vector<1x64x128xf32> to vector<64x128xf32>
    %swap3A_483 = vector.shape_cast %slice3A_477 : vector<64x128xf32> to vector<1x64x128xf32>
    tpu.vector_store %arg2[%swap3A_478, %swap3A_479, %swap3A_480], %swap3A_483 {strides = array<i32>} : memref<100x64x128xf32, #tpu.memory_space<vmem>>, vector<1x64x128xf32>,
    %slice3A_484 = vector.extract_strided_slice %transpose3A_476 {offsets = [64, 0], sizes = [64, 128], strides = [1, 1]} : vector<128x128xf32> to vector<64x128xf32>
    %swap3A_485 = arith.constant 57 : index
    %swap3A_486 = arith.constant 0 : index
    %swap3A_487 = arith.constant 0 : index
    %swap3A_488 = vector.load %arg2[%swap3A_485, %swap3A_486, %swap3A_487] : memref<100x64x128xf32, #tpu.memory_space<vmem>>, vector<1x64x128xf32>
    %swap3A_489 = vector.shape_cast %swap3A_488 : vector<1x64x128xf32> to vector<64x128xf32>
    %swap3A_490 = vector.shape_cast %slice3A_484 : vector<64x128xf32> to vector<1x64x128xf32>
    tpu.vector_store %arg2[%swap3A_485, %swap3A_486, %swap3A_487], %swap3A_490 {strides = array<i32>} : memref<100x64x128xf32, #tpu.memory_space<vmem>>, vector<1x64x128xf32>,
    %slice3A_491 = vector.extract_strided_slice %reshape3A {offsets = [0, 29, 0], sizes = [128, 1, 128], strides = [1, 1, 1]} : vector<128x50x128xf32> to vector<128x1x128xf32>
    %squeeze3A_492 = vector.shape_cast %slice3A_491 : vector<128x1x128xf32> to vector<128x128xf32>
    %transpose3A_493 = tpu.transpose %squeeze3A_492, [1, 0] : vector<128x128xf32> -> vector<128x128xf32>
    %slice3A_494 = vector.extract_strided_slice %transpose3A_493 {offsets = [0, 0], sizes = [64, 128], strides = [1, 1]} : vector<128x128xf32> to vector<64x128xf32>
    %swap3A_495 = arith.constant 58 : index
    %swap3A_496 = arith.constant 0 : index
    %swap3A_497 = arith.constant 0 : index
    %swap3A_498 = vector.load %arg2[%swap3A_495, %swap3A_496, %swap3A_497] : memref<100x64x128xf32, #tpu.memory_space<vmem>>, vector<1x64x128xf32>
    %swap3A_499 = vector.shape_cast %swap3A_498 : vector<1x64x128xf32> to vector<64x128xf32>
    %swap3A_500 = vector.shape_cast %slice3A_494 : vector<64x128xf32> to vector<1x64x128xf32>
    tpu.vector_store %arg2[%swap3A_495, %swap3A_496, %swap3A_497], %swap3A_500 {strides = array<i32>} : memref<100x64x128xf32, #tpu.memory_space<vmem>>, vector<1x64x128xf32>,
    %slice3A_501 = vector.extract_strided_slice %transpose3A_493 {offsets = [64, 0], sizes = [64, 128], strides = [1, 1]} : vector<128x128xf32> to vector<64x128xf32>
    %swap3A_502 = arith.constant 59 : index
    %swap3A_503 = arith.constant 0 : index
    %swap3A_504 = arith.constant 0 : index
    %swap3A_505 = vector.load %arg2[%swap3A_502, %swap3A_503, %swap3A_504] : memref<100x64x128xf32, #tpu.memory_space<vmem>>, vector<1x64x128xf32>
    %swap3A_506 = vector.shape_cast %swap3A_505 : vector<1x64x128xf32> to vector<64x128xf32>
    %swap3A_507 = vector.shape_cast %slice3A_501 : vector<64x128xf32> to vector<1x64x128xf32>
    tpu.vector_store %arg2[%swap3A_502, %swap3A_503, %swap3A_504], %swap3A_507 {strides = array<i32>} : memref<100x64x128xf32, #tpu.memory_space<vmem>>, vector<1x64x128xf32>,
    %slice3A_508 = vector.extract_strided_slice %reshape3A {offsets = [0, 30, 0], sizes = [128, 1, 128], strides = [1, 1, 1]} : vector<128x50x128xf32> to vector<128x1x128xf32>
    %squeeze3A_509 = vector.shape_cast %slice3A_508 : vector<128x1x128xf32> to vector<128x128xf32>
    %transpose3A_510 = tpu.transpose %squeeze3A_509, [1, 0] : vector<128x128xf32> -> vector<128x128xf32>
    %slice3A_511 = vector.extract_strided_slice %transpose3A_510 {offsets = [0, 0], sizes = [64, 128], strides = [1, 1]} : vector<128x128xf32> to vector<64x128xf32>
    %swap3A_512 = arith.constant 60 : index
    %swap3A_513 = arith.constant 0 : index
    %swap3A_514 = arith.constant 0 : index
    %swap3A_515 = vector.load %arg2[%swap3A_512, %swap3A_513, %swap3A_514] : memref<100x64x128xf32, #tpu.memory_space<vmem>>, vector<1x64x128xf32>
    %swap3A_516 = vector.shape_cast %swap3A_515 : vector<1x64x128xf32> to vector<64x128xf32>
    %swap3A_517 = vector.shape_cast %slice3A_511 : vector<64x128xf32> to vector<1x64x128xf32>
    tpu.vector_store %arg2[%swap3A_512, %swap3A_513, %swap3A_514], %swap3A_517 {strides = array<i32>} : memref<100x64x128xf32, #tpu.memory_space<vmem>>, vector<1x64x128xf32>,
    %slice3A_518 = vector.extract_strided_slice %transpose3A_510 {offsets = [64, 0], sizes = [64, 128], strides = [1, 1]} : vector<128x128xf32> to vector<64x128xf32>
    %swap3A_519 = arith.constant 61 : index
    %swap3A_520 = arith.constant 0 : index
    %swap3A_521 = arith.constant 0 : index
    %swap3A_522 = vector.load %arg2[%swap3A_519, %swap3A_520, %swap3A_521] : memref<100x64x128xf32, #tpu.memory_space<vmem>>, vector<1x64x128xf32>
    %swap3A_523 = vector.shape_cast %swap3A_522 : vector<1x64x128xf32> to vector<64x128xf32>
    %swap3A_524 = vector.shape_cast %slice3A_518 : vector<64x128xf32> to vector<1x64x128xf32>
    tpu.vector_store %arg2[%swap3A_519, %swap3A_520, %swap3A_521], %swap3A_524 {strides = array<i32>} : memref<100x64x128xf32, #tpu.memory_space<vmem>>, vector<1x64x128xf32>,
    %slice3A_525 = vector.extract_strided_slice %reshape3A {offsets = [0, 31, 0], sizes = [128, 1, 128], strides = [1, 1, 1]} : vector<128x50x128xf32> to vector<128x1x128xf32>
    %squeeze3A_526 = vector.shape_cast %slice3A_525 : vector<128x1x128xf32> to vector<128x128xf32>
    %transpose3A_527 = tpu.transpose %squeeze3A_526, [1, 0] : vector<128x128xf32> -> vector<128x128xf32>
    %slice3A_528 = vector.extract_strided_slice %transpose3A_527 {offsets = [0, 0], sizes = [64, 128], strides = [1, 1]} : vector<128x128xf32> to vector<64x128xf32>
    %swap3A_529 = arith.constant 62 : index
    %swap3A_530 = arith.constant 0 : index
    %swap3A_531 = arith.constant 0 : index
    %swap3A_532 = vector.load %arg2[%swap3A_529, %swap3A_530, %swap3A_531] : memref<100x64x128xf32, #tpu.memory_space<vmem>>, vector<1x64x128xf32>
    %swap3A_533 = vector.shape_cast %swap3A_532 : vector<1x64x128xf32> to vector<64x128xf32>
    %swap3A_534 = vector.shape_cast %slice3A_528 : vector<64x128xf32> to vector<1x64x128xf32>
    tpu.vector_store %arg2[%swap3A_529, %swap3A_530, %swap3A_531], %swap3A_534 {strides = array<i32>} : memref<100x64x128xf32, #tpu.memory_space<vmem>>, vector<1x64x128xf32>,
    %slice3A_535 = vector.extract_strided_slice %transpose3A_527 {offsets = [64, 0], sizes = [64, 128], strides = [1, 1]} : vector<128x128xf32> to vector<64x128xf32>
    %swap3A_536 = arith.constant 63 : index
    %swap3A_537 = arith.constant 0 : index
    %swap3A_538 = arith.constant 0 : index
    %swap3A_539 = vector.load %arg2[%swap3A_536, %swap3A_537, %swap3A_538] : memref<100x64x128xf32, #tpu.memory_space<vmem>>, vector<1x64x128xf32>
    %swap3A_540 = vector.shape_cast %swap3A_539 : vector<1x64x128xf32> to vector<64x128xf32>
    %swap3A_541 = vector.shape_cast %slice3A_535 : vector<64x128xf32> to vector<1x64x128xf32>
    tpu.vector_store %arg2[%swap3A_536, %swap3A_537, %swap3A_538], %swap3A_541 {strides = array<i32>} : memref<100x64x128xf32, #tpu.memory_space<vmem>>, vector<1x64x128xf32>,
    %slice3A_542 = vector.extract_strided_slice %reshape3A {offsets = [0, 32, 0], sizes = [128, 1, 128], strides = [1, 1, 1]} : vector<128x50x128xf32> to vector<128x1x128xf32>
    %squeeze3A_543 = vector.shape_cast %slice3A_542 : vector<128x1x128xf32> to vector<128x128xf32>
    %transpose3A_544 = tpu.transpose %squeeze3A_543, [1, 0] : vector<128x128xf32> -> vector<128x128xf32>
    %slice3A_545 = vector.extract_strided_slice %transpose3A_544 {offsets = [0, 0], sizes = [64, 128], strides = [1, 1]} : vector<128x128xf32> to vector<64x128xf32>
    %swap3A_546 = arith.constant 64 : index
    %swap3A_547 = arith.constant 0 : index
    %swap3A_548 = arith.constant 0 : index
    %swap3A_549 = vector.load %arg2[%swap3A_546, %swap3A_547, %swap3A_548] : memref<100x64x128xf32, #tpu.memory_space<vmem>>, vector<1x64x128xf32>
    %swap3A_550 = vector.shape_cast %swap3A_549 : vector<1x64x128xf32> to vector<64x128xf32>
    %swap3A_551 = vector.shape_cast %slice3A_545 : vector<64x128xf32> to vector<1x64x128xf32>
    tpu.vector_store %arg2[%swap3A_546, %swap3A_547, %swap3A_548], %swap3A_551 {strides = array<i32>} : memref<100x64x128xf32, #tpu.memory_space<vmem>>, vector<1x64x128xf32>,
    %slice3A_552 = vector.extract_strided_slice %transpose3A_544 {offsets = [64, 0], sizes = [64, 128], strides = [1, 1]} : vector<128x128xf32> to vector<64x128xf32>
    %swap3A_553 = arith.constant 65 : index
    %swap3A_554 = arith.constant 0 : index
    %swap3A_555 = arith.constant 0 : index
    %swap3A_556 = vector.load %arg2[%swap3A_553, %swap3A_554, %swap3A_555] : memref<100x64x128xf32, #tpu.memory_space<vmem>>, vector<1x64x128xf32>
    %swap3A_557 = vector.shape_cast %swap3A_556 : vector<1x64x128xf32> to vector<64x128xf32>
    %swap3A_558 = vector.shape_cast %slice3A_552 : vector<64x128xf32> to vector<1x64x128xf32>
    tpu.vector_store %arg2[%swap3A_553, %swap3A_554, %swap3A_555], %swap3A_558 {strides = array<i32>} : memref<100x64x128xf32, #tpu.memory_space<vmem>>, vector<1x64x128xf32>,
    %slice3A_559 = vector.extract_strided_slice %reshape3A {offsets = [0, 33, 0], sizes = [128, 1, 128], strides = [1, 1, 1]} : vector<128x50x128xf32> to vector<128x1x128xf32>
    %squeeze3A_560 = vector.shape_cast %slice3A_559 : vector<128x1x128xf32> to vector<128x128xf32>
    %transpose3A_561 = tpu.transpose %squeeze3A_560, [1, 0] : vector<128x128xf32> -> vector<128x128xf32>
    %slice3A_562 = vector.extract_strided_slice %transpose3A_561 {offsets = [0, 0], sizes = [64, 128], strides = [1, 1]} : vector<128x128xf32> to vector<64x128xf32>
    %swap3A_563 = arith.constant 66 : index
    %swap3A_564 = arith.constant 0 : index
    %swap3A_565 = arith.constant 0 : index
    %swap3A_566 = vector.load %arg2[%swap3A_563, %swap3A_564, %swap3A_565] : memref<100x64x128xf32, #tpu.memory_space<vmem>>, vector<1x64x128xf32>
    %swap3A_567 = vector.shape_cast %swap3A_566 : vector<1x64x128xf32> to vector<64x128xf32>
    %swap3A_568 = vector.shape_cast %slice3A_562 : vector<64x128xf32> to vector<1x64x128xf32>
    tpu.vector_store %arg2[%swap3A_563, %swap3A_564, %swap3A_565], %swap3A_568 {strides = array<i32>} : memref<100x64x128xf32, #tpu.memory_space<vmem>>, vector<1x64x128xf32>,
    %slice3A_569 = vector.extract_strided_slice %transpose3A_561 {offsets = [64, 0], sizes = [64, 128], strides = [1, 1]} : vector<128x128xf32> to vector<64x128xf32>
    %swap3A_570 = arith.constant 67 : index
    %swap3A_571 = arith.constant 0 : index
    %swap3A_572 = arith.constant 0 : index
    %swap3A_573 = vector.load %arg2[%swap3A_570, %swap3A_571, %swap3A_572] : memref<100x64x128xf32, #tpu.memory_space<vmem>>, vector<1x64x128xf32>
    %swap3A_574 = vector.shape_cast %swap3A_573 : vector<1x64x128xf32> to vector<64x128xf32>
    %swap3A_575 = vector.shape_cast %slice3A_569 : vector<64x128xf32> to vector<1x64x128xf32>
    tpu.vector_store %arg2[%swap3A_570, %swap3A_571, %swap3A_572], %swap3A_575 {strides = array<i32>} : memref<100x64x128xf32, #tpu.memory_space<vmem>>, vector<1x64x128xf32>,
    %slice3A_576 = vector.extract_strided_slice %reshape3A {offsets = [0, 34, 0], sizes = [128, 1, 128], strides = [1, 1, 1]} : vector<128x50x128xf32> to vector<128x1x128xf32>
    %squeeze3A_577 = vector.shape_cast %slice3A_576 : vector<128x1x128xf32> to vector<128x128xf32>
    %transpose3A_578 = tpu.transpose %squeeze3A_577, [1, 0] : vector<128x128xf32> -> vector<128x128xf32>
    %slice3A_579 = vector.extract_strided_slice %transpose3A_578 {offsets = [0, 0], sizes = [64, 128], strides = [1, 1]} : vector<128x128xf32> to vector<64x128xf32>
    %swap3A_580 = arith.constant 68 : index
    %swap3A_581 = arith.constant 0 : index
    %swap3A_582 = arith.constant 0 : index
    %swap3A_583 = vector.load %arg2[%swap3A_580, %swap3A_581, %swap3A_582] : memref<100x64x128xf32, #tpu.memory_space<vmem>>, vector<1x64x128xf32>
    %swap3A_584 = vector.shape_cast %swap3A_583 : vector<1x64x128xf32> to vector<64x128xf32>
    %swap3A_585 = vector.shape_cast %slice3A_579 : vector<64x128xf32> to vector<1x64x128xf32>
    tpu.vector_store %arg2[%swap3A_580, %swap3A_581, %swap3A_582], %swap3A_585 {strides = array<i32>} : memref<100x64x128xf32, #tpu.memory_space<vmem>>, vector<1x64x128xf32>,
    %slice3A_586 = vector.extract_strided_slice %transpose3A_578 {offsets = [64, 0], sizes = [64, 128], strides = [1, 1]} : vector<128x128xf32> to vector<64x128xf32>
    %swap3A_587 = arith.constant 69 : index
    %swap3A_588 = arith.constant 0 : index
    %swap3A_589 = arith.constant 0 : index
    %swap3A_590 = vector.load %arg2[%swap3A_587, %swap3A_588, %swap3A_589] : memref<100x64x128xf32, #tpu.memory_space<vmem>>, vector<1x64x128xf32>
    %swap3A_591 = vector.shape_cast %swap3A_590 : vector<1x64x128xf32> to vector<64x128xf32>
    %swap3A_592 = vector.shape_cast %slice3A_586 : vector<64x128xf32> to vector<1x64x128xf32>
    tpu.vector_store %arg2[%swap3A_587, %swap3A_588, %swap3A_589], %swap3A_592 {strides = array<i32>} : memref<100x64x128xf32, #tpu.memory_space<vmem>>, vector<1x64x128xf32>,
    %slice3A_593 = vector.extract_strided_slice %reshape3A {offsets = [0, 35, 0], sizes = [128, 1, 128], strides = [1, 1, 1]} : vector<128x50x128xf32> to vector<128x1x128xf32>
    %squeeze3A_594 = vector.shape_cast %slice3A_593 : vector<128x1x128xf32> to vector<128x128xf32>
    %transpose3A_595 = tpu.transpose %squeeze3A_594, [1, 0] : vector<128x128xf32> -> vector<128x128xf32>
    %slice3A_596 = vector.extract_strided_slice %transpose3A_595 {offsets = [0, 0], sizes = [64, 128], strides = [1, 1]} : vector<128x128xf32> to vector<64x128xf32>
    %swap3A_597 = arith.constant 70 : index
    %swap3A_598 = arith.constant 0 : index
    %swap3A_599 = arith.constant 0 : index
    %swap3A_600 = vector.load %arg2[%swap3A_597, %swap3A_598, %swap3A_599] : memref<100x64x128xf32, #tpu.memory_space<vmem>>, vector<1x64x128xf32>
    %swap3A_601 = vector.shape_cast %swap3A_600 : vector<1x64x128xf32> to vector<64x128xf32>
    %swap3A_602 = vector.shape_cast %slice3A_596 : vector<64x128xf32> to vector<1x64x128xf32>
    tpu.vector_store %arg2[%swap3A_597, %swap3A_598, %swap3A_599], %swap3A_602 {strides = array<i32>} : memref<100x64x128xf32, #tpu.memory_space<vmem>>, vector<1x64x128xf32>,
    %slice3A_603 = vector.extract_strided_slice %transpose3A_595 {offsets = [64, 0], sizes = [64, 128], strides = [1, 1]} : vector<128x128xf32> to vector<64x128xf32>
    %swap3A_604 = arith.constant 71 : index
    %swap3A_605 = arith.constant 0 : index
    %swap3A_606 = arith.constant 0 : index
    %swap3A_607 = vector.load %arg2[%swap3A_604, %swap3A_605, %swap3A_606] : memref<100x64x128xf32, #tpu.memory_space<vmem>>, vector<1x64x128xf32>
    %swap3A_608 = vector.shape_cast %swap3A_607 : vector<1x64x128xf32> to vector<64x128xf32>
    %swap3A_609 = vector.shape_cast %slice3A_603 : vector<64x128xf32> to vector<1x64x128xf32>
    tpu.vector_store %arg2[%swap3A_604, %swap3A_605, %swap3A_606], %swap3A_609 {strides = array<i32>} : memref<100x64x128xf32, #tpu.memory_space<vmem>>, vector<1x64x128xf32>,
    %slice3A_610 = vector.extract_strided_slice %reshape3A {offsets = [0, 36, 0], sizes = [128, 1, 128], strides = [1, 1, 1]} : vector<128x50x128xf32> to vector<128x1x128xf32>
    %squeeze3A_611 = vector.shape_cast %slice3A_610 : vector<128x1x128xf32> to vector<128x128xf32>
    %transpose3A_612 = tpu.transpose %squeeze3A_611, [1, 0] : vector<128x128xf32> -> vector<128x128xf32>
    %slice3A_613 = vector.extract_strided_slice %transpose3A_612 {offsets = [0, 0], sizes = [64, 128], strides = [1, 1]} : vector<128x128xf32> to vector<64x128xf32>
    %swap3A_614 = arith.constant 72 : index
    %swap3A_615 = arith.constant 0 : index
    %swap3A_616 = arith.constant 0 : index
    %swap3A_617 = vector.load %arg2[%swap3A_614, %swap3A_615, %swap3A_616] : memref<100x64x128xf32, #tpu.memory_space<vmem>>, vector<1x64x128xf32>
    %swap3A_618 = vector.shape_cast %swap3A_617 : vector<1x64x128xf32> to vector<64x128xf32>
    %swap3A_619 = vector.shape_cast %slice3A_613 : vector<64x128xf32> to vector<1x64x128xf32>
    tpu.vector_store %arg2[%swap3A_614, %swap3A_615, %swap3A_616], %swap3A_619 {strides = array<i32>} : memref<100x64x128xf32, #tpu.memory_space<vmem>>, vector<1x64x128xf32>,
    %slice3A_620 = vector.extract_strided_slice %transpose3A_612 {offsets = [64, 0], sizes = [64, 128], strides = [1, 1]} : vector<128x128xf32> to vector<64x128xf32>
    %swap3A_621 = arith.constant 73 : index
    %swap3A_622 = arith.constant 0 : index
    %swap3A_623 = arith.constant 0 : index
    %swap3A_624 = vector.load %arg2[%swap3A_621, %swap3A_622, %swap3A_623] : memref<100x64x128xf32, #tpu.memory_space<vmem>>, vector<1x64x128xf32>
    %swap3A_625 = vector.shape_cast %swap3A_624 : vector<1x64x128xf32> to vector<64x128xf32>
    %swap3A_626 = vector.shape_cast %slice3A_620 : vector<64x128xf32> to vector<1x64x128xf32>
    tpu.vector_store %arg2[%swap3A_621, %swap3A_622, %swap3A_623], %swap3A_626 {strides = array<i32>} : memref<100x64x128xf32, #tpu.memory_space<vmem>>, vector<1x64x128xf32>,
    %slice3A_627 = vector.extract_strided_slice %reshape3A {offsets = [0, 37, 0], sizes = [128, 1, 128], strides = [1, 1, 1]} : vector<128x50x128xf32> to vector<128x1x128xf32>
    %squeeze3A_628 = vector.shape_cast %slice3A_627 : vector<128x1x128xf32> to vector<128x128xf32>
    %transpose3A_629 = tpu.transpose %squeeze3A_628, [1, 0] : vector<128x128xf32> -> vector<128x128xf32>
    %slice3A_630 = vector.extract_strided_slice %transpose3A_629 {offsets = [0, 0], sizes = [64, 128], strides = [1, 1]} : vector<128x128xf32> to vector<64x128xf32>
    %swap3A_631 = arith.constant 74 : index
    %swap3A_632 = arith.constant 0 : index
    %swap3A_633 = arith.constant 0 : index
    %swap3A_634 = vector.load %arg2[%swap3A_631, %swap3A_632, %swap3A_633] : memref<100x64x128xf32, #tpu.memory_space<vmem>>, vector<1x64x128xf32>
    %swap3A_635 = vector.shape_cast %swap3A_634 : vector<1x64x128xf32> to vector<64x128xf32>
    %swap3A_636 = vector.shape_cast %slice3A_630 : vector<64x128xf32> to vector<1x64x128xf32>
    tpu.vector_store %arg2[%swap3A_631, %swap3A_632, %swap3A_633], %swap3A_636 {strides = array<i32>} : memref<100x64x128xf32, #tpu.memory_space<vmem>>, vector<1x64x128xf32>,
    %slice3A_637 = vector.extract_strided_slice %transpose3A_629 {offsets = [64, 0], sizes = [64, 128], strides = [1, 1]} : vector<128x128xf32> to vector<64x128xf32>
    %swap3A_638 = arith.constant 75 : index
    %swap3A_639 = arith.constant 0 : index
    %swap3A_640 = arith.constant 0 : index
    %swap3A_641 = vector.load %arg2[%swap3A_638, %swap3A_639, %swap3A_640] : memref<100x64x128xf32, #tpu.memory_space<vmem>>, vector<1x64x128xf32>
    %swap3A_642 = vector.shape_cast %swap3A_641 : vector<1x64x128xf32> to vector<64x128xf32>
    %swap3A_643 = vector.shape_cast %slice3A_637 : vector<64x128xf32> to vector<1x64x128xf32>
    tpu.vector_store %arg2[%swap3A_638, %swap3A_639, %swap3A_640], %swap3A_643 {strides = array<i32>} : memref<100x64x128xf32, #tpu.memory_space<vmem>>, vector<1x64x128xf32>,
    %slice3A_644 = vector.extract_strided_slice %reshape3A {offsets = [0, 38, 0], sizes = [128, 1, 128], strides = [1, 1, 1]} : vector<128x50x128xf32> to vector<128x1x128xf32>
    %squeeze3A_645 = vector.shape_cast %slice3A_644 : vector<128x1x128xf32> to vector<128x128xf32>
    %transpose3A_646 = tpu.transpose %squeeze3A_645, [1, 0] : vector<128x128xf32> -> vector<128x128xf32>
    %slice3A_647 = vector.extract_strided_slice %transpose3A_646 {offsets = [0, 0], sizes = [64, 128], strides = [1, 1]} : vector<128x128xf32> to vector<64x128xf32>
    %swap3A_648 = arith.constant 76 : index
    %swap3A_649 = arith.constant 0 : index
    %swap3A_650 = arith.constant 0 : index
    %swap3A_651 = vector.load %arg2[%swap3A_648, %swap3A_649, %swap3A_650] : memref<100x64x128xf32, #tpu.memory_space<vmem>>, vector<1x64x128xf32>
    %swap3A_652 = vector.shape_cast %swap3A_651 : vector<1x64x128xf32> to vector<64x128xf32>
    %swap3A_653 = vector.shape_cast %slice3A_647 : vector<64x128xf32> to vector<1x64x128xf32>
    tpu.vector_store %arg2[%swap3A_648, %swap3A_649, %swap3A_650], %swap3A_653 {strides = array<i32>} : memref<100x64x128xf32, #tpu.memory_space<vmem>>, vector<1x64x128xf32>,
    %slice3A_654 = vector.extract_strided_slice %transpose3A_646 {offsets = [64, 0], sizes = [64, 128], strides = [1, 1]} : vector<128x128xf32> to vector<64x128xf32>
    %swap3A_655 = arith.constant 77 : index
    %swap3A_656 = arith.constant 0 : index
    %swap3A_657 = arith.constant 0 : index
    %swap3A_658 = vector.load %arg2[%swap3A_655, %swap3A_656, %swap3A_657] : memref<100x64x128xf32, #tpu.memory_space<vmem>>, vector<1x64x128xf32>
    %swap3A_659 = vector.shape_cast %swap3A_658 : vector<1x64x128xf32> to vector<64x128xf32>
    %swap3A_660 = vector.shape_cast %slice3A_654 : vector<64x128xf32> to vector<1x64x128xf32>
    tpu.vector_store %arg2[%swap3A_655, %swap3A_656, %swap3A_657], %swap3A_660 {strides = array<i32>} : memref<100x64x128xf32, #tpu.memory_space<vmem>>, vector<1x64x128xf32>,
    %slice3A_661 = vector.extract_strided_slice %reshape3A {offsets = [0, 39, 0], sizes = [128, 1, 128], strides = [1, 1, 1]} : vector<128x50x128xf32> to vector<128x1x128xf32>
    %squeeze3A_662 = vector.shape_cast %slice3A_661 : vector<128x1x128xf32> to vector<128x128xf32>
    %transpose3A_663 = tpu.transpose %squeeze3A_662, [1, 0] : vector<128x128xf32> -> vector<128x128xf32>
    %slice3A_664 = vector.extract_strided_slice %transpose3A_663 {offsets = [0, 0], sizes = [64, 128], strides = [1, 1]} : vector<128x128xf32> to vector<64x128xf32>
    %swap3A_665 = arith.constant 78 : index
    %swap3A_666 = arith.constant 0 : index
    %swap3A_667 = arith.constant 0 : index
    %swap3A_668 = vector.load %arg2[%swap3A_665, %swap3A_666, %swap3A_667] : memref<100x64x128xf32, #tpu.memory_space<vmem>>, vector<1x64x128xf32>
    %swap3A_669 = vector.shape_cast %swap3A_668 : vector<1x64x128xf32> to vector<64x128xf32>
    %swap3A_670 = vector.shape_cast %slice3A_664 : vector<64x128xf32> to vector<1x64x128xf32>
    tpu.vector_store %arg2[%swap3A_665, %swap3A_666, %swap3A_667], %swap3A_670 {strides = array<i32>} : memref<100x64x128xf32, #tpu.memory_space<vmem>>, vector<1x64x128xf32>,
    %slice3A_671 = vector.extract_strided_slice %transpose3A_663 {offsets = [64, 0], sizes = [64, 128], strides = [1, 1]} : vector<128x128xf32> to vector<64x128xf32>
    %swap3A_672 = arith.constant 79 : index
    %swap3A_673 = arith.constant 0 : index
    %swap3A_674 = arith.constant 0 : index
    %swap3A_675 = vector.load %arg2[%swap3A_672, %swap3A_673, %swap3A_674] : memref<100x64x128xf32, #tpu.memory_space<vmem>>, vector<1x64x128xf32>
    %swap3A_676 = vector.shape_cast %swap3A_675 : vector<1x64x128xf32> to vector<64x128xf32>
    %swap3A_677 = vector.shape_cast %slice3A_671 : vector<64x128xf32> to vector<1x64x128xf32>
    tpu.vector_store %arg2[%swap3A_672, %swap3A_673, %swap3A_674], %swap3A_677 {strides = array<i32>} : memref<100x64x128xf32, #tpu.memory_space<vmem>>, vector<1x64x128xf32>,
    %slice3A_678 = vector.extract_strided_slice %reshape3A {offsets = [0, 40, 0], sizes = [128, 1, 128], strides = [1, 1, 1]} : vector<128x50x128xf32> to vector<128x1x128xf32>
    %squeeze3A_679 = vector.shape_cast %slice3A_678 : vector<128x1x128xf32> to vector<128x128xf32>
    %transpose3A_680 = tpu.transpose %squeeze3A_679, [1, 0] : vector<128x128xf32> -> vector<128x128xf32>
    %slice3A_681 = vector.extract_strided_slice %transpose3A_680 {offsets = [0, 0], sizes = [64, 128], strides = [1, 1]} : vector<128x128xf32> to vector<64x128xf32>
    %swap3A_682 = arith.constant 80 : index
    %swap3A_683 = arith.constant 0 : index
    %swap3A_684 = arith.constant 0 : index
    %swap3A_685 = vector.load %arg2[%swap3A_682, %swap3A_683, %swap3A_684] : memref<100x64x128xf32, #tpu.memory_space<vmem>>, vector<1x64x128xf32>
    %swap3A_686 = vector.shape_cast %swap3A_685 : vector<1x64x128xf32> to vector<64x128xf32>
    %swap3A_687 = vector.shape_cast %slice3A_681 : vector<64x128xf32> to vector<1x64x128xf32>
    tpu.vector_store %arg2[%swap3A_682, %swap3A_683, %swap3A_684], %swap3A_687 {strides = array<i32>} : memref<100x64x128xf32, #tpu.memory_space<vmem>>, vector<1x64x128xf32>,
    %slice3A_688 = vector.extract_strided_slice %transpose3A_680 {offsets = [64, 0], sizes = [64, 128], strides = [1, 1]} : vector<128x128xf32> to vector<64x128xf32>
    %swap3A_689 = arith.constant 81 : index
    %swap3A_690 = arith.constant 0 : index
    %swap3A_691 = arith.constant 0 : index
    %swap3A_692 = vector.load %arg2[%swap3A_689, %swap3A_690, %swap3A_691] : memref<100x64x128xf32, #tpu.memory_space<vmem>>, vector<1x64x128xf32>
    %swap3A_693 = vector.shape_cast %swap3A_692 : vector<1x64x128xf32> to vector<64x128xf32>
    %swap3A_694 = vector.shape_cast %slice3A_688 : vector<64x128xf32> to vector<1x64x128xf32>
    tpu.vector_store %arg2[%swap3A_689, %swap3A_690, %swap3A_691], %swap3A_694 {strides = array<i32>} : memref<100x64x128xf32, #tpu.memory_space<vmem>>, vector<1x64x128xf32>,
    %slice3A_695 = vector.extract_strided_slice %reshape3A {offsets = [0, 41, 0], sizes = [128, 1, 128], strides = [1, 1, 1]} : vector<128x50x128xf32> to vector<128x1x128xf32>
    %squeeze3A_696 = vector.shape_cast %slice3A_695 : vector<128x1x128xf32> to vector<128x128xf32>
    %transpose3A_697 = tpu.transpose %squeeze3A_696, [1, 0] : vector<128x128xf32> -> vector<128x128xf32>
    %slice3A_698 = vector.extract_strided_slice %transpose3A_697 {offsets = [0, 0], sizes = [64, 128], strides = [1, 1]} : vector<128x128xf32> to vector<64x128xf32>
    %swap3A_699 = arith.constant 82 : index
    %swap3A_700 = arith.constant 0 : index
    %swap3A_701 = arith.constant 0 : index
    %swap3A_702 = vector.load %arg2[%swap3A_699, %swap3A_700, %swap3A_701] : memref<100x64x128xf32, #tpu.memory_space<vmem>>, vector<1x64x128xf32>
    %swap3A_703 = vector.shape_cast %swap3A_702 : vector<1x64x128xf32> to vector<64x128xf32>
    %swap3A_704 = vector.shape_cast %slice3A_698 : vector<64x128xf32> to vector<1x64x128xf32>
    tpu.vector_store %arg2[%swap3A_699, %swap3A_700, %swap3A_701], %swap3A_704 {strides = array<i32>} : memref<100x64x128xf32, #tpu.memory_space<vmem>>, vector<1x64x128xf32>,
    %slice3A_705 = vector.extract_strided_slice %transpose3A_697 {offsets = [64, 0], sizes = [64, 128], strides = [1, 1]} : vector<128x128xf32> to vector<64x128xf32>
    %swap3A_706 = arith.constant 83 : index
    %swap3A_707 = arith.constant 0 : index
    %swap3A_708 = arith.constant 0 : index
    %swap3A_709 = vector.load %arg2[%swap3A_706, %swap3A_707, %swap3A_708] : memref<100x64x128xf32, #tpu.memory_space<vmem>>, vector<1x64x128xf32>
    %swap3A_710 = vector.shape_cast %swap3A_709 : vector<1x64x128xf32> to vector<64x128xf32>
    %swap3A_711 = vector.shape_cast %slice3A_705 : vector<64x128xf32> to vector<1x64x128xf32>
    tpu.vector_store %arg2[%swap3A_706, %swap3A_707, %swap3A_708], %swap3A_711 {strides = array<i32>} : memref<100x64x128xf32, #tpu.memory_space<vmem>>, vector<1x64x128xf32>,
    %slice3A_712 = vector.extract_strided_slice %reshape3A {offsets = [0, 42, 0], sizes = [128, 1, 128], strides = [1, 1, 1]} : vector<128x50x128xf32> to vector<128x1x128xf32>
    %squeeze3A_713 = vector.shape_cast %slice3A_712 : vector<128x1x128xf32> to vector<128x128xf32>
    %transpose3A_714 = tpu.transpose %squeeze3A_713, [1, 0] : vector<128x128xf32> -> vector<128x128xf32>
    %slice3A_715 = vector.extract_strided_slice %transpose3A_714 {offsets = [0, 0], sizes = [64, 128], strides = [1, 1]} : vector<128x128xf32> to vector<64x128xf32>
    %swap3A_716 = arith.constant 84 : index
    %swap3A_717 = arith.constant 0 : index
    %swap3A_718 = arith.constant 0 : index
    %swap3A_719 = vector.load %arg2[%swap3A_716, %swap3A_717, %swap3A_718] : memref<100x64x128xf32, #tpu.memory_space<vmem>>, vector<1x64x128xf32>
    %swap3A_720 = vector.shape_cast %swap3A_719 : vector<1x64x128xf32> to vector<64x128xf32>
    %swap3A_721 = vector.shape_cast %slice3A_715 : vector<64x128xf32> to vector<1x64x128xf32>
    tpu.vector_store %arg2[%swap3A_716, %swap3A_717, %swap3A_718], %swap3A_721 {strides = array<i32>} : memref<100x64x128xf32, #tpu.memory_space<vmem>>, vector<1x64x128xf32>,
    %slice3A_722 = vector.extract_strided_slice %transpose3A_714 {offsets = [64, 0], sizes = [64, 128], strides = [1, 1]} : vector<128x128xf32> to vector<64x128xf32>
    %swap3A_723 = arith.constant 85 : index
    %swap3A_724 = arith.constant 0 : index
    %swap3A_725 = arith.constant 0 : index
    %swap3A_726 = vector.load %arg2[%swap3A_723, %swap3A_724, %swap3A_725] : memref<100x64x128xf32, #tpu.memory_space<vmem>>, vector<1x64x128xf32>
    %swap3A_727 = vector.shape_cast %swap3A_726 : vector<1x64x128xf32> to vector<64x128xf32>
    %swap3A_728 = vector.shape_cast %slice3A_722 : vector<64x128xf32> to vector<1x64x128xf32>
    tpu.vector_store %arg2[%swap3A_723, %swap3A_724, %swap3A_725], %swap3A_728 {strides = array<i32>} : memref<100x64x128xf32, #tpu.memory_space<vmem>>, vector<1x64x128xf32>,
    %slice3A_729 = vector.extract_strided_slice %reshape3A {offsets = [0, 43, 0], sizes = [128, 1, 128], strides = [1, 1, 1]} : vector<128x50x128xf32> to vector<128x1x128xf32>
    %squeeze3A_730 = vector.shape_cast %slice3A_729 : vector<128x1x128xf32> to vector<128x128xf32>
    %transpose3A_731 = tpu.transpose %squeeze3A_730, [1, 0] : vector<128x128xf32> -> vector<128x128xf32>
    %slice3A_732 = vector.extract_strided_slice %transpose3A_731 {offsets = [0, 0], sizes = [64, 128], strides = [1, 1]} : vector<128x128xf32> to vector<64x128xf32>
    %swap3A_733 = arith.constant 86 : index
    %swap3A_734 = arith.constant 0 : index
    %swap3A_735 = arith.constant 0 : index
    %swap3A_736 = vector.load %arg2[%swap3A_733, %swap3A_734, %swap3A_735] : memref<100x64x128xf32, #tpu.memory_space<vmem>>, vector<1x64x128xf32>
    %swap3A_737 = vector.shape_cast %swap3A_736 : vector<1x64x128xf32> to vector<64x128xf32>
    %swap3A_738 = vector.shape_cast %slice3A_732 : vector<64x128xf32> to vector<1x64x128xf32>
    tpu.vector_store %arg2[%swap3A_733, %swap3A_734, %swap3A_735], %swap3A_738 {strides = array<i32>} : memref<100x64x128xf32, #tpu.memory_space<vmem>>, vector<1x64x128xf32>,
    %slice3A_739 = vector.extract_strided_slice %transpose3A_731 {offsets = [64, 0], sizes = [64, 128], strides = [1, 1]} : vector<128x128xf32> to vector<64x128xf32>
    %swap3A_740 = arith.constant 87 : index
    %swap3A_741 = arith.constant 0 : index
    %swap3A_742 = arith.constant 0 : index
    %swap3A_743 = vector.load %arg2[%swap3A_740, %swap3A_741, %swap3A_742] : memref<100x64x128xf32, #tpu.memory_space<vmem>>, vector<1x64x128xf32>
    %swap3A_744 = vector.shape_cast %swap3A_743 : vector<1x64x128xf32> to vector<64x128xf32>
    %swap3A_745 = vector.shape_cast %slice3A_739 : vector<64x128xf32> to vector<1x64x128xf32>
    tpu.vector_store %arg2[%swap3A_740, %swap3A_741, %swap3A_742], %swap3A_745 {strides = array<i32>} : memref<100x64x128xf32, #tpu.memory_space<vmem>>, vector<1x64x128xf32>,
    %slice3A_746 = vector.extract_strided_slice %reshape3A {offsets = [0, 44, 0], sizes = [128, 1, 128], strides = [1, 1, 1]} : vector<128x50x128xf32> to vector<128x1x128xf32>
    %squeeze3A_747 = vector.shape_cast %slice3A_746 : vector<128x1x128xf32> to vector<128x128xf32>
    %transpose3A_748 = tpu.transpose %squeeze3A_747, [1, 0] : vector<128x128xf32> -> vector<128x128xf32>
    %slice3A_749 = vector.extract_strided_slice %transpose3A_748 {offsets = [0, 0], sizes = [64, 128], strides = [1, 1]} : vector<128x128xf32> to vector<64x128xf32>
    %swap3A_750 = arith.constant 88 : index
    %swap3A_751 = arith.constant 0 : index
    %swap3A_752 = arith.constant 0 : index
    %swap3A_753 = vector.load %arg2[%swap3A_750, %swap3A_751, %swap3A_752] : memref<100x64x128xf32, #tpu.memory_space<vmem>>, vector<1x64x128xf32>
    %swap3A_754 = vector.shape_cast %swap3A_753 : vector<1x64x128xf32> to vector<64x128xf32>
    %swap3A_755 = vector.shape_cast %slice3A_749 : vector<64x128xf32> to vector<1x64x128xf32>
    tpu.vector_store %arg2[%swap3A_750, %swap3A_751, %swap3A_752], %swap3A_755 {strides = array<i32>} : memref<100x64x128xf32, #tpu.memory_space<vmem>>, vector<1x64x128xf32>,
    %slice3A_756 = vector.extract_strided_slice %transpose3A_748 {offsets = [64, 0], sizes = [64, 128], strides = [1, 1]} : vector<128x128xf32> to vector<64x128xf32>
    %swap3A_757 = arith.constant 89 : index
    %swap3A_758 = arith.constant 0 : index
    %swap3A_759 = arith.constant 0 : index
    %swap3A_760 = vector.load %arg2[%swap3A_757, %swap3A_758, %swap3A_759] : memref<100x64x128xf32, #tpu.memory_space<vmem>>, vector<1x64x128xf32>
    %swap3A_761 = vector.shape_cast %swap3A_760 : vector<1x64x128xf32> to vector<64x128xf32>
    %swap3A_762 = vector.shape_cast %slice3A_756 : vector<64x128xf32> to vector<1x64x128xf32>
    tpu.vector_store %arg2[%swap3A_757, %swap3A_758, %swap3A_759], %swap3A_762 {strides = array<i32>} : memref<100x64x128xf32, #tpu.memory_space<vmem>>, vector<1x64x128xf32>,
    %slice3A_763 = vector.extract_strided_slice %reshape3A {offsets = [0, 45, 0], sizes = [128, 1, 128], strides = [1, 1, 1]} : vector<128x50x128xf32> to vector<128x1x128xf32>
    %squeeze3A_764 = vector.shape_cast %slice3A_763 : vector<128x1x128xf32> to vector<128x128xf32>
    %transpose3A_765 = tpu.transpose %squeeze3A_764, [1, 0] : vector<128x128xf32> -> vector<128x128xf32>
    %slice3A_766 = vector.extract_strided_slice %transpose3A_765 {offsets = [0, 0], sizes = [64, 128], strides = [1, 1]} : vector<128x128xf32> to vector<64x128xf32>
    %swap3A_767 = arith.constant 90 : index
    %swap3A_768 = arith.constant 0 : index
    %swap3A_769 = arith.constant 0 : index
    %swap3A_770 = vector.load %arg2[%swap3A_767, %swap3A_768, %swap3A_769] : memref<100x64x128xf32, #tpu.memory_space<vmem>>, vector<1x64x128xf32>
    %swap3A_771 = vector.shape_cast %swap3A_770 : vector<1x64x128xf32> to vector<64x128xf32>
    %swap3A_772 = vector.shape_cast %slice3A_766 : vector<64x128xf32> to vector<1x64x128xf32>
    tpu.vector_store %arg2[%swap3A_767, %swap3A_768, %swap3A_769], %swap3A_772 {strides = array<i32>} : memref<100x64x128xf32, #tpu.memory_space<vmem>>, vector<1x64x128xf32>,
    %slice3A_773 = vector.extract_strided_slice %transpose3A_765 {offsets = [64, 0], sizes = [64, 128], strides = [1, 1]} : vector<128x128xf32> to vector<64x128xf32>
    %swap3A_774 = arith.constant 91 : index
    %swap3A_775 = arith.constant 0 : index
    %swap3A_776 = arith.constant 0 : index
    %swap3A_777 = vector.load %arg2[%swap3A_774, %swap3A_775, %swap3A_776] : memref<100x64x128xf32, #tpu.memory_space<vmem>>, vector<1x64x128xf32>
    %swap3A_778 = vector.shape_cast %swap3A_777 : vector<1x64x128xf32> to vector<64x128xf32>
    %swap3A_779 = vector.shape_cast %slice3A_773 : vector<64x128xf32> to vector<1x64x128xf32>
    tpu.vector_store %arg2[%swap3A_774, %swap3A_775, %swap3A_776], %swap3A_779 {strides = array<i32>} : memref<100x64x128xf32, #tpu.memory_space<vmem>>, vector<1x64x128xf32>,
    %slice3A_780 = vector.extract_strided_slice %reshape3A {offsets = [0, 46, 0], sizes = [128, 1, 128], strides = [1, 1, 1]} : vector<128x50x128xf32> to vector<128x1x128xf32>
    %squeeze3A_781 = vector.shape_cast %slice3A_780 : vector<128x1x128xf32> to vector<128x128xf32>
    %transpose3A_782 = tpu.transpose %squeeze3A_781, [1, 0] : vector<128x128xf32> -> vector<128x128xf32>
    %slice3A_783 = vector.extract_strided_slice %transpose3A_782 {offsets = [0, 0], sizes = [64, 128], strides = [1, 1]} : vector<128x128xf32> to vector<64x128xf32>
    %swap3A_784 = arith.constant 92 : index
    %swap3A_785 = arith.constant 0 : index
    %swap3A_786 = arith.constant 0 : index
    %swap3A_787 = vector.load %arg2[%swap3A_784, %swap3A_785, %swap3A_786] : memref<100x64x128xf32, #tpu.memory_space<vmem>>, vector<1x64x128xf32>
    %swap3A_788 = vector.shape_cast %swap3A_787 : vector<1x64x128xf32> to vector<64x128xf32>
    %swap3A_789 = vector.shape_cast %slice3A_783 : vector<64x128xf32> to vector<1x64x128xf32>
    tpu.vector_store %arg2[%swap3A_784, %swap3A_785, %swap3A_786], %swap3A_789 {strides = array<i32>} : memref<100x64x128xf32, #tpu.memory_space<vmem>>, vector<1x64x128xf32>,
    %slice3A_790 = vector.extract_strided_slice %transpose3A_782 {offsets = [64, 0], sizes = [64, 128], strides = [1, 1]} : vector<128x128xf32> to vector<64x128xf32>
    %swap3A_791 = arith.constant 93 : index
    %swap3A_792 = arith.constant 0 : index
    %swap3A_793 = arith.constant 0 : index
    %swap3A_794 = vector.load %arg2[%swap3A_791, %swap3A_792, %swap3A_793] : memref<100x64x128xf32, #tpu.memory_space<vmem>>, vector<1x64x128xf32>
    %swap3A_795 = vector.shape_cast %swap3A_794 : vector<1x64x128xf32> to vector<64x128xf32>
    %swap3A_796 = vector.shape_cast %slice3A_790 : vector<64x128xf32> to vector<1x64x128xf32>
    tpu.vector_store %arg2[%swap3A_791, %swap3A_792, %swap3A_793], %swap3A_796 {strides = array<i32>} : memref<100x64x128xf32, #tpu.memory_space<vmem>>, vector<1x64x128xf32>,
    %slice3A_797 = vector.extract_strided_slice %reshape3A {offsets = [0, 47, 0], sizes = [128, 1, 128], strides = [1, 1, 1]} : vector<128x50x128xf32> to vector<128x1x128xf32>
    %squeeze3A_798 = vector.shape_cast %slice3A_797 : vector<128x1x128xf32> to vector<128x128xf32>
    %transpose3A_799 = tpu.transpose %squeeze3A_798, [1, 0] : vector<128x128xf32> -> vector<128x128xf32>
    %slice3A_800 = vector.extract_strided_slice %transpose3A_799 {offsets = [0, 0], sizes = [64, 128], strides = [1, 1]} : vector<128x128xf32> to vector<64x128xf32>
    %swap3A_801 = arith.constant 94 : index
    %swap3A_802 = arith.constant 0 : index
    %swap3A_803 = arith.constant 0 : index
    %swap3A_804 = vector.load %arg2[%swap3A_801, %swap3A_802, %swap3A_803] : memref<100x64x128xf32, #tpu.memory_space<vmem>>, vector<1x64x128xf32>
    %swap3A_805 = vector.shape_cast %swap3A_804 : vector<1x64x128xf32> to vector<64x128xf32>
    %swap3A_806 = vector.shape_cast %slice3A_800 : vector<64x128xf32> to vector<1x64x128xf32>
    tpu.vector_store %arg2[%swap3A_801, %swap3A_802, %swap3A_803], %swap3A_806 {strides = array<i32>} : memref<100x64x128xf32, #tpu.memory_space<vmem>>, vector<1x64x128xf32>,
    %slice3A_807 = vector.extract_strided_slice %transpose3A_799 {offsets = [64, 0], sizes = [64, 128], strides = [1, 1]} : vector<128x128xf32> to vector<64x128xf32>
    %swap3A_808 = arith.constant 95 : index
    %swap3A_809 = arith.constant 0 : index
    %swap3A_810 = arith.constant 0 : index
    %swap3A_811 = vector.load %arg2[%swap3A_808, %swap3A_809, %swap3A_810] : memref<100x64x128xf32, #tpu.memory_space<vmem>>, vector<1x64x128xf32>
    %swap3A_812 = vector.shape_cast %swap3A_811 : vector<1x64x128xf32> to vector<64x128xf32>
    %swap3A_813 = vector.shape_cast %slice3A_807 : vector<64x128xf32> to vector<1x64x128xf32>
    tpu.vector_store %arg2[%swap3A_808, %swap3A_809, %swap3A_810], %swap3A_813 {strides = array<i32>} : memref<100x64x128xf32, #tpu.memory_space<vmem>>, vector<1x64x128xf32>,
    %slice3A_814 = vector.extract_strided_slice %reshape3A {offsets = [0, 48, 0], sizes = [128, 1, 128], strides = [1, 1, 1]} : vector<128x50x128xf32> to vector<128x1x128xf32>
    %squeeze3A_815 = vector.shape_cast %slice3A_814 : vector<128x1x128xf32> to vector<128x128xf32>
    %transpose3A_816 = tpu.transpose %squeeze3A_815, [1, 0] : vector<128x128xf32> -> vector<128x128xf32>
    %slice3A_817 = vector.extract_strided_slice %transpose3A_816 {offsets = [0, 0], sizes = [64, 128], strides = [1, 1]} : vector<128x128xf32> to vector<64x128xf32>
    %swap3A_818 = arith.constant 96 : index
    %swap3A_819 = arith.constant 0 : index
    %swap3A_820 = arith.constant 0 : index
    %swap3A_821 = vector.load %arg2[%swap3A_818, %swap3A_819, %swap3A_820] : memref<100x64x128xf32, #tpu.memory_space<vmem>>, vector<1x64x128xf32>
    %swap3A_822 = vector.shape_cast %swap3A_821 : vector<1x64x128xf32> to vector<64x128xf32>
    %swap3A_823 = vector.shape_cast %slice3A_817 : vector<64x128xf32> to vector<1x64x128xf32>
    tpu.vector_store %arg2[%swap3A_818, %swap3A_819, %swap3A_820], %swap3A_823 {strides = array<i32>} : memref<100x64x128xf32, #tpu.memory_space<vmem>>, vector<1x64x128xf32>,
    %slice3A_824 = vector.extract_strided_slice %transpose3A_816 {offsets = [64, 0], sizes = [64, 128], strides = [1, 1]} : vector<128x128xf32> to vector<64x128xf32>
    %swap3A_825 = arith.constant 97 : index
    %swap3A_826 = arith.constant 0 : index
    %swap3A_827 = arith.constant 0 : index
    %swap3A_828 = vector.load %arg2[%swap3A_825, %swap3A_826, %swap3A_827] : memref<100x64x128xf32, #tpu.memory_space<vmem>>, vector<1x64x128xf32>
    %swap3A_829 = vector.shape_cast %swap3A_828 : vector<1x64x128xf32> to vector<64x128xf32>
    %swap3A_830 = vector.shape_cast %slice3A_824 : vector<64x128xf32> to vector<1x64x128xf32>
    tpu.vector_store %arg2[%swap3A_825, %swap3A_826, %swap3A_827], %swap3A_830 {strides = array<i32>} : memref<100x64x128xf32, #tpu.memory_space<vmem>>, vector<1x64x128xf32>,
    %slice3A_831 = vector.extract_strided_slice %reshape3A {offsets = [0, 49, 0], sizes = [128, 1, 128], strides = [1, 1, 1]} : vector<128x50x128xf32> to vector<128x1x128xf32>
    %squeeze3A_832 = vector.shape_cast %slice3A_831 : vector<128x1x128xf32> to vector<128x128xf32>
    %transpose3A_833 = tpu.transpose %squeeze3A_832, [1, 0] : vector<128x128xf32> -> vector<128x128xf32>
    %slice3A_834 = vector.extract_strided_slice %transpose3A_833 {offsets = [0, 0], sizes = [64, 128], strides = [1, 1]} : vector<128x128xf32> to vector<64x128xf32>
    %swap3A_835 = arith.constant 98 : index
    %swap3A_836 = arith.constant 0 : index
    %swap3A_837 = arith.constant 0 : index
    %swap3A_838 = vector.load %arg2[%swap3A_835, %swap3A_836, %swap3A_837] : memref<100x64x128xf32, #tpu.memory_space<vmem>>, vector<1x64x128xf32>
    %swap3A_839 = vector.shape_cast %swap3A_838 : vector<1x64x128xf32> to vector<64x128xf32>
    %swap3A_840 = vector.shape_cast %slice3A_834 : vector<64x128xf32> to vector<1x64x128xf32>
    tpu.vector_store %arg2[%swap3A_835, %swap3A_836, %swap3A_837], %swap3A_840 {strides = array<i32>} : memref<100x64x128xf32, #tpu.memory_space<vmem>>, vector<1x64x128xf32>,
    %slice3A_841 = vector.extract_strided_slice %transpose3A_833 {offsets = [64, 0], sizes = [64, 128], strides = [1, 1]} : vector<128x128xf32> to vector<64x128xf32>
    %swap3A_842 = arith.constant 99 : index
    %swap3A_843 = arith.constant 0 : index
    %swap3A_844 = arith.constant 0 : index
    %swap3A_845 = vector.load %arg2[%swap3A_842, %swap3A_843, %swap3A_844] : memref<100x64x128xf32, #tpu.memory_space<vmem>>, vector<1x64x128xf32>
    %swap3A_846 = vector.shape_cast %swap3A_845 : vector<1x64x128xf32> to vector<64x128xf32>
    %swap3A_847 = vector.shape_cast %slice3A_841 : vector<64x128xf32> to vector<1x64x128xf32>
    tpu.vector_store %arg2[%swap3A_842, %swap3A_843, %swap3A_844], %swap3A_847 {strides = array<i32>} : memref<100x64x128xf32, #tpu.memory_space<vmem>>, vector<1x64x128xf32>,
    return
  }
  func.func @transform_0(%arg0: i32) -> (i32, i32) {
    %c0_i32 = arith.constant 0 : i32
    %c0_i32_0 = arith.constant 0 : i32
    return %arg0, %c0_i32 : i32, i32
  }
  func.func @transform_1(%arg0: i32) -> (i32, i32, i32) {
    %c0_i32 = arith.constant 0 : i32
    %c0_i32_0 = arith.constant 0 : i32
    %c0_i32_1 = arith.constant 0 : i32
    return %c0_i32, %c0_i32_0, %arg0 : i32, i32, i32
  }
}

module attributes {stable_mosaic.version = 14 : i64} {
  func.func @_lambda_(%arg0: i32, %arg1: memref<6400x128xf32, #tpu.memory_space<vmem>>, %arg2: memref<200x64x4096xf32, #tpu.memory_space<hbm>>, %arg3: memref<100x64x128xf32, #tpu.memory_space<vmem>>) attributes {dimension_semantics = [#tpu.dimension_semantics<arbitrary>], iteration_bounds = array<i64: 32>, scalar_prefetch = 0 : i64, scratch_operands = 0 : i64, tpu.core_type = #tpu.core_type<tc>, window_params = [{transform_indices = @transform_0, window_bounds = array<i64: 6400, 128>}, {}, {transform_indices = @transform_2, window_bounds = array<i64: 100, 64, 128>}]} {
    %get3A = arith.constant 0 : index
    %get3A_0 = arith.constant 0 : index
    %get3A_1 = vector.load %arg1[%get3A, %get3A_0] : memref<6400x128xf32, #tpu.memory_space<vmem>>, vector<6400x128xf32>
    %reshape3A = vector.shape_cast %get3A_1 : vector<6400x128xf32> to vector<128x50x128xf32>
    %slice3A = vector.extract_strided_slice %reshape3A {offsets = [0, 0, 0], sizes = [128, 1, 128], strides = [1, 1, 1]} : vector<128x50x128xf32> to vector<128x1x128xf32>
    %squeeze3A = vector.shape_cast %slice3A : vector<128x1x128xf32> to vector<128x128xf32>
    %transpose3A = tpu.transpose %squeeze3A, [1, 0] : vector<128x128xf32> -> vector<128x128xf32>
    %slice3A_2 = vector.extract_strided_slice %transpose3A {offsets = [0, 0], sizes = [64, 128], strides = [1, 1]} : vector<128x128xf32> to vector<64x128xf32>
    %swap3A = arith.constant 0 : index
    %swap3A_3 = arith.constant 0 : index
    %swap3A_4 = arith.constant 0 : index
    %swap3A_5 = vector.load %arg3[%swap3A, %swap3A_3, %swap3A_4] : memref<100x64x128xf32, #tpu.memory_space<vmem>>, vector<1x64x128xf32>
    %swap3A_6 = vector.shape_cast %swap3A_5 : vector<1x64x128xf32> to vector<64x128xf32>
    %swap3A_7 = vector.shape_cast %slice3A_2 : vector<64x128xf32> to vector<1x64x128xf32>
    tpu.vector_store %arg3[%swap3A, %swap3A_3, %swap3A_4], %swap3A_7 {strides = array<i32>} : memref<100x64x128xf32, #tpu.memory_space<vmem>>, vector<1x64x128xf32>,
    %slice3A_8 = vector.extract_strided_slice %transpose3A {offsets = [64, 0], sizes = [64, 128], strides = [1, 1]} : vector<128x128xf32> to vector<64x128xf32>
    %swap3A_9 = arith.constant 1 : index
    %swap3A_10 = arith.constant 0 : index
    %swap3A_11 = arith.constant 0 : index
    %swap3A_12 = vector.load %arg3[%swap3A_9, %swap3A_10, %swap3A_11] : memref<100x64x128xf32, #tpu.memory_space<vmem>>, vector<1x64x128xf32>
    %swap3A_13 = vector.shape_cast %swap3A_12 : vector<1x64x128xf32> to vector<64x128xf32>
    %swap3A_14 = vector.shape_cast %slice3A_8 : vector<64x128xf32> to vector<1x64x128xf32>
    tpu.vector_store %arg3[%swap3A_9, %swap3A_10, %swap3A_11], %swap3A_14 {strides = array<i32>} : memref<100x64x128xf32, #tpu.memory_space<vmem>>, vector<1x64x128xf32>,
    %slice3A_15 = vector.extract_strided_slice %reshape3A {offsets = [0, 1, 0], sizes = [128, 1, 128], strides = [1, 1, 1]} : vector<128x50x128xf32> to vector<128x1x128xf32>
    %squeeze3A_16 = vector.shape_cast %slice3A_15 : vector<128x1x128xf32> to vector<128x128xf32>
    %transpose3A_17 = tpu.transpose %squeeze3A_16, [1, 0] : vector<128x128xf32> -> vector<128x128xf32>
    %slice3A_18 = vector.extract_strided_slice %transpose3A_17 {offsets = [0, 0], sizes = [64, 128], strides = [1, 1]} : vector<128x128xf32> to vector<64x128xf32>
    %swap3A_19 = arith.constant 2 : index
    %swap3A_20 = arith.constant 0 : index
    %swap3A_21 = arith.constant 0 : index
    %swap3A_22 = vector.load %arg3[%swap3A_19, %swap3A_20, %swap3A_21] : memref<100x64x128xf32, #tpu.memory_space<vmem>>, vector<1x64x128xf32>
    %swap3A_23 = vector.shape_cast %swap3A_22 : vector<1x64x128xf32> to vector<64x128xf32>
    %swap3A_24 = vector.shape_cast %slice3A_18 : vector<64x128xf32> to vector<1x64x128xf32>
    tpu.vector_store %arg3[%swap3A_19, %swap3A_20, %swap3A_21], %swap3A_24 {strides = array<i32>} : memref<100x64x128xf32, #tpu.memory_space<vmem>>, vector<1x64x128xf32>,
    %slice3A_25 = vector.extract_strided_slice %transpose3A_17 {offsets = [64, 0], sizes = [64, 128], strides = [1, 1]} : vector<128x128xf32> to vector<64x128xf32>
    %swap3A_26 = arith.constant 3 : index
    %swap3A_27 = arith.constant 0 : index
    %swap3A_28 = arith.constant 0 : index
    %swap3A_29 = vector.load %arg3[%swap3A_26, %swap3A_27, %swap3A_28] : memref<100x64x128xf32, #tpu.memory_space<vmem>>, vector<1x64x128xf32>
    %swap3A_30 = vector.shape_cast %swap3A_29 : vector<1x64x128xf32> to vector<64x128xf32>
    %swap3A_31 = vector.shape_cast %slice3A_25 : vector<64x128xf32> to vector<1x64x128xf32>
    tpu.vector_store %arg3[%swap3A_26, %swap3A_27, %swap3A_28], %swap3A_31 {strides = array<i32>} : memref<100x64x128xf32, #tpu.memory_space<vmem>>, vector<1x64x128xf32>,
    %slice3A_32 = vector.extract_strided_slice %reshape3A {offsets = [0, 2, 0], sizes = [128, 1, 128], strides = [1, 1, 1]} : vector<128x50x128xf32> to vector<128x1x128xf32>
    %squeeze3A_33 = vector.shape_cast %slice3A_32 : vector<128x1x128xf32> to vector<128x128xf32>
    %transpose3A_34 = tpu.transpose %squeeze3A_33, [1, 0] : vector<128x128xf32> -> vector<128x128xf32>
    %slice3A_35 = vector.extract_strided_slice %transpose3A_34 {offsets = [0, 0], sizes = [64, 128], strides = [1, 1]} : vector<128x128xf32> to vector<64x128xf32>
    %swap3A_36 = arith.constant 4 : index
    %swap3A_37 = arith.constant 0 : index
    %swap3A_38 = arith.constant 0 : index
    %swap3A_39 = vector.load %arg3[%swap3A_36, %swap3A_37, %swap3A_38] : memref<100x64x128xf32, #tpu.memory_space<vmem>>, vector<1x64x128xf32>
    %swap3A_40 = vector.shape_cast %swap3A_39 : vector<1x64x128xf32> to vector<64x128xf32>
    %swap3A_41 = vector.shape_cast %slice3A_35 : vector<64x128xf32> to vector<1x64x128xf32>
    tpu.vector_store %arg3[%swap3A_36, %swap3A_37, %swap3A_38], %swap3A_41 {strides = array<i32>} : memref<100x64x128xf32, #tpu.memory_space<vmem>>, vector<1x64x128xf32>,
    %slice3A_42 = vector.extract_strided_slice %transpose3A_34 {offsets = [64, 0], sizes = [64, 128], strides = [1, 1]} : vector<128x128xf32> to vector<64x128xf32>
    %swap3A_43 = arith.constant 5 : index
    %swap3A_44 = arith.constant 0 : index
    %swap3A_45 = arith.constant 0 : index
    %swap3A_46 = vector.load %arg3[%swap3A_43, %swap3A_44, %swap3A_45] : memref<100x64x128xf32, #tpu.memory_space<vmem>>, vector<1x64x128xf32>
    %swap3A_47 = vector.shape_cast %swap3A_46 : vector<1x64x128xf32> to vector<64x128xf32>
    %swap3A_48 = vector.shape_cast %slice3A_42 : vector<64x128xf32> to vector<1x64x128xf32>
    tpu.vector_store %arg3[%swap3A_43, %swap3A_44, %swap3A_45], %swap3A_48 {strides = array<i32>} : memref<100x64x128xf32, #tpu.memory_space<vmem>>, vector<1x64x128xf32>,
    %slice3A_49 = vector.extract_strided_slice %reshape3A {offsets = [0, 3, 0], sizes = [128, 1, 128], strides = [1, 1, 1]} : vector<128x50x128xf32> to vector<128x1x128xf32>
    %squeeze3A_50 = vector.shape_cast %slice3A_49 : vector<128x1x128xf32> to vector<128x128xf32>
    %transpose3A_51 = tpu.transpose %squeeze3A_50, [1, 0] : vector<128x128xf32> -> vector<128x128xf32>
    %slice3A_52 = vector.extract_strided_slice %transpose3A_51 {offsets = [0, 0], sizes = [64, 128], strides = [1, 1]} : vector<128x128xf32> to vector<64x128xf32>
    %swap3A_53 = arith.constant 6 : index
    %swap3A_54 = arith.constant 0 : index
    %swap3A_55 = arith.constant 0 : index
    %swap3A_56 = vector.load %arg3[%swap3A_53, %swap3A_54, %swap3A_55] : memref<100x64x128xf32, #tpu.memory_space<vmem>>, vector<1x64x128xf32>
    %swap3A_57 = vector.shape_cast %swap3A_56 : vector<1x64x128xf32> to vector<64x128xf32>
    %swap3A_58 = vector.shape_cast %slice3A_52 : vector<64x128xf32> to vector<1x64x128xf32>
    tpu.vector_store %arg3[%swap3A_53, %swap3A_54, %swap3A_55], %swap3A_58 {strides = array<i32>} : memref<100x64x128xf32, #tpu.memory_space<vmem>>, vector<1x64x128xf32>,
    %slice3A_59 = vector.extract_strided_slice %transpose3A_51 {offsets = [64, 0], sizes = [64, 128], strides = [1, 1]} : vector<128x128xf32> to vector<64x128xf32>
    %swap3A_60 = arith.constant 7 : index
    %swap3A_61 = arith.constant 0 : index
    %swap3A_62 = arith.constant 0 : index
    %swap3A_63 = vector.load %arg3[%swap3A_60, %swap3A_61, %swap3A_62] : memref<100x64x128xf32, #tpu.memory_space<vmem>>, vector<1x64x128xf32>
    %swap3A_64 = vector.shape_cast %swap3A_63 : vector<1x64x128xf32> to vector<64x128xf32>
    %swap3A_65 = vector.shape_cast %slice3A_59 : vector<64x128xf32> to vector<1x64x128xf32>
    tpu.vector_store %arg3[%swap3A_60, %swap3A_61, %swap3A_62], %swap3A_65 {strides = array<i32>} : memref<100x64x128xf32, #tpu.memory_space<vmem>>, vector<1x64x128xf32>,
    %slice3A_66 = vector.extract_strided_slice %reshape3A {offsets = [0, 4, 0], sizes = [128, 1, 128], strides = [1, 1, 1]} : vector<128x50x128xf32> to vector<128x1x128xf32>
    %squeeze3A_67 = vector.shape_cast %slice3A_66 : vector<128x1x128xf32> to vector<128x128xf32>
    %transpose3A_68 = tpu.transpose %squeeze3A_67, [1, 0] : vector<128x128xf32> -> vector<128x128xf32>
    %slice3A_69 = vector.extract_strided_slice %transpose3A_68 {offsets = [0, 0], sizes = [64, 128], strides = [1, 1]} : vector<128x128xf32> to vector<64x128xf32>
    %swap3A_70 = arith.constant 8 : index
    %swap3A_71 = arith.constant 0 : index
    %swap3A_72 = arith.constant 0 : index
    %swap3A_73 = vector.load %arg3[%swap3A_70, %swap3A_71, %swap3A_72] : memref<100x64x128xf32, #tpu.memory_space<vmem>>, vector<1x64x128xf32>
    %swap3A_74 = vector.shape_cast %swap3A_73 : vector<1x64x128xf32> to vector<64x128xf32>
    %swap3A_75 = vector.shape_cast %slice3A_69 : vector<64x128xf32> to vector<1x64x128xf32>
    tpu.vector_store %arg3[%swap3A_70, %swap3A_71, %swap3A_72], %swap3A_75 {strides = array<i32>} : memref<100x64x128xf32, #tpu.memory_space<vmem>>, vector<1x64x128xf32>,
    %slice3A_76 = vector.extract_strided_slice %transpose3A_68 {offsets = [64, 0], sizes = [64, 128], strides = [1, 1]} : vector<128x128xf32> to vector<64x128xf32>
    %swap3A_77 = arith.constant 9 : index
    %swap3A_78 = arith.constant 0 : index
    %swap3A_79 = arith.constant 0 : index
    %swap3A_80 = vector.load %arg3[%swap3A_77, %swap3A_78, %swap3A_79] : memref<100x64x128xf32, #tpu.memory_space<vmem>>, vector<1x64x128xf32>
    %swap3A_81 = vector.shape_cast %swap3A_80 : vector<1x64x128xf32> to vector<64x128xf32>
    %swap3A_82 = vector.shape_cast %slice3A_76 : vector<64x128xf32> to vector<1x64x128xf32>
    tpu.vector_store %arg3[%swap3A_77, %swap3A_78, %swap3A_79], %swap3A_82 {strides = array<i32>} : memref<100x64x128xf32, #tpu.memory_space<vmem>>, vector<1x64x128xf32>,
    %slice3A_83 = vector.extract_strided_slice %reshape3A {offsets = [0, 5, 0], sizes = [128, 1, 128], strides = [1, 1, 1]} : vector<128x50x128xf32> to vector<128x1x128xf32>
    %squeeze3A_84 = vector.shape_cast %slice3A_83 : vector<128x1x128xf32> to vector<128x128xf32>
    %transpose3A_85 = tpu.transpose %squeeze3A_84, [1, 0] : vector<128x128xf32> -> vector<128x128xf32>
    %slice3A_86 = vector.extract_strided_slice %transpose3A_85 {offsets = [0, 0], sizes = [64, 128], strides = [1, 1]} : vector<128x128xf32> to vector<64x128xf32>
    %swap3A_87 = arith.constant 10 : index
    %swap3A_88 = arith.constant 0 : index
    %swap3A_89 = arith.constant 0 : index
    %swap3A_90 = vector.load %arg3[%swap3A_87, %swap3A_88, %swap3A_89] : memref<100x64x128xf32, #tpu.memory_space<vmem>>, vector<1x64x128xf32>
    %swap3A_91 = vector.shape_cast %swap3A_90 : vector<1x64x128xf32> to vector<64x128xf32>
    %swap3A_92 = vector.shape_cast %slice3A_86 : vector<64x128xf32> to vector<1x64x128xf32>
    tpu.vector_store %arg3[%swap3A_87, %swap3A_88, %swap3A_89], %swap3A_92 {strides = array<i32>} : memref<100x64x128xf32, #tpu.memory_space<vmem>>, vector<1x64x128xf32>,
    %slice3A_93 = vector.extract_strided_slice %transpose3A_85 {offsets = [64, 0], sizes = [64, 128], strides = [1, 1]} : vector<128x128xf32> to vector<64x128xf32>
    %swap3A_94 = arith.constant 11 : index
    %swap3A_95 = arith.constant 0 : index
    %swap3A_96 = arith.constant 0 : index
    %swap3A_97 = vector.load %arg3[%swap3A_94, %swap3A_95, %swap3A_96] : memref<100x64x128xf32, #tpu.memory_space<vmem>>, vector<1x64x128xf32>
    %swap3A_98 = vector.shape_cast %swap3A_97 : vector<1x64x128xf32> to vector<64x128xf32>
    %swap3A_99 = vector.shape_cast %slice3A_93 : vector<64x128xf32> to vector<1x64x128xf32>
    tpu.vector_store %arg3[%swap3A_94, %swap3A_95, %swap3A_96], %swap3A_99 {strides = array<i32>} : memref<100x64x128xf32, #tpu.memory_space<vmem>>, vector<1x64x128xf32>,
    %slice3A_100 = vector.extract_strided_slice %reshape3A {offsets = [0, 6, 0], sizes = [128, 1, 128], strides = [1, 1, 1]} : vector<128x50x128xf32> to vector<128x1x128xf32>
    %squeeze3A_101 = vector.shape_cast %slice3A_100 : vector<128x1x128xf32> to vector<128x128xf32>
    %transpose3A_102 = tpu.transpose %squeeze3A_101, [1, 0] : vector<128x128xf32> -> vector<128x128xf32>
    %slice3A_103 = vector.extract_strided_slice %transpose3A_102 {offsets = [0, 0], sizes = [64, 128], strides = [1, 1]} : vector<128x128xf32> to vector<64x128xf32>
    %swap3A_104 = arith.constant 12 : index
    %swap3A_105 = arith.constant 0 : index
    %swap3A_106 = arith.constant 0 : index
    %swap3A_107 = vector.load %arg3[%swap3A_104, %swap3A_105, %swap3A_106] : memref<100x64x128xf32, #tpu.memory_space<vmem>>, vector<1x64x128xf32>
    %swap3A_108 = vector.shape_cast %swap3A_107 : vector<1x64x128xf32> to vector<64x128xf32>
    %swap3A_109 = vector.shape_cast %slice3A_103 : vector<64x128xf32> to vector<1x64x128xf32>
    tpu.vector_store %arg3[%swap3A_104, %swap3A_105, %swap3A_106], %swap3A_109 {strides = array<i32>} : memref<100x64x128xf32, #tpu.memory_space<vmem>>, vector<1x64x128xf32>,
    %slice3A_110 = vector.extract_strided_slice %transpose3A_102 {offsets = [64, 0], sizes = [64, 128], strides = [1, 1]} : vector<128x128xf32> to vector<64x128xf32>
    %swap3A_111 = arith.constant 13 : index
    %swap3A_112 = arith.constant 0 : index
    %swap3A_113 = arith.constant 0 : index
    %swap3A_114 = vector.load %arg3[%swap3A_111, %swap3A_112, %swap3A_113] : memref<100x64x128xf32, #tpu.memory_space<vmem>>, vector<1x64x128xf32>
    %swap3A_115 = vector.shape_cast %swap3A_114 : vector<1x64x128xf32> to vector<64x128xf32>
    %swap3A_116 = vector.shape_cast %slice3A_110 : vector<64x128xf32> to vector<1x64x128xf32>
    tpu.vector_store %arg3[%swap3A_111, %swap3A_112, %swap3A_113], %swap3A_116 {strides = array<i32>} : memref<100x64x128xf32, #tpu.memory_space<vmem>>, vector<1x64x128xf32>,
    %slice3A_117 = vector.extract_strided_slice %reshape3A {offsets = [0, 7, 0], sizes = [128, 1, 128], strides = [1, 1, 1]} : vector<128x50x128xf32> to vector<128x1x128xf32>
    %squeeze3A_118 = vector.shape_cast %slice3A_117 : vector<128x1x128xf32> to vector<128x128xf32>
    %transpose3A_119 = tpu.transpose %squeeze3A_118, [1, 0] : vector<128x128xf32> -> vector<128x128xf32>
    %slice3A_120 = vector.extract_strided_slice %transpose3A_119 {offsets = [0, 0], sizes = [64, 128], strides = [1, 1]} : vector<128x128xf32> to vector<64x128xf32>
    %swap3A_121 = arith.constant 14 : index
    %swap3A_122 = arith.constant 0 : index
    %swap3A_123 = arith.constant 0 : index
    %swap3A_124 = vector.load %arg3[%swap3A_121, %swap3A_122, %swap3A_123] : memref<100x64x128xf32, #tpu.memory_space<vmem>>, vector<1x64x128xf32>
    %swap3A_125 = vector.shape_cast %swap3A_124 : vector<1x64x128xf32> to vector<64x128xf32>
    %swap3A_126 = vector.shape_cast %slice3A_120 : vector<64x128xf32> to vector<1x64x128xf32>
    tpu.vector_store %arg3[%swap3A_121, %swap3A_122, %swap3A_123], %swap3A_126 {strides = array<i32>} : memref<100x64x128xf32, #tpu.memory_space<vmem>>, vector<1x64x128xf32>,
    %slice3A_127 = vector.extract_strided_slice %transpose3A_119 {offsets = [64, 0], sizes = [64, 128], strides = [1, 1]} : vector<128x128xf32> to vector<64x128xf32>
    %swap3A_128 = arith.constant 15 : index
    %swap3A_129 = arith.constant 0 : index
    %swap3A_130 = arith.constant 0 : index
    %swap3A_131 = vector.load %arg3[%swap3A_128, %swap3A_129, %swap3A_130] : memref<100x64x128xf32, #tpu.memory_space<vmem>>, vector<1x64x128xf32>
    %swap3A_132 = vector.shape_cast %swap3A_131 : vector<1x64x128xf32> to vector<64x128xf32>
    %swap3A_133 = vector.shape_cast %slice3A_127 : vector<64x128xf32> to vector<1x64x128xf32>
    tpu.vector_store %arg3[%swap3A_128, %swap3A_129, %swap3A_130], %swap3A_133 {strides = array<i32>} : memref<100x64x128xf32, #tpu.memory_space<vmem>>, vector<1x64x128xf32>,
    %slice3A_134 = vector.extract_strided_slice %reshape3A {offsets = [0, 8, 0], sizes = [128, 1, 128], strides = [1, 1, 1]} : vector<128x50x128xf32> to vector<128x1x128xf32>
    %squeeze3A_135 = vector.shape_cast %slice3A_134 : vector<128x1x128xf32> to vector<128x128xf32>
    %transpose3A_136 = tpu.transpose %squeeze3A_135, [1, 0] : vector<128x128xf32> -> vector<128x128xf32>
    %slice3A_137 = vector.extract_strided_slice %transpose3A_136 {offsets = [0, 0], sizes = [64, 128], strides = [1, 1]} : vector<128x128xf32> to vector<64x128xf32>
    %swap3A_138 = arith.constant 16 : index
    %swap3A_139 = arith.constant 0 : index
    %swap3A_140 = arith.constant 0 : index
    %swap3A_141 = vector.load %arg3[%swap3A_138, %swap3A_139, %swap3A_140] : memref<100x64x128xf32, #tpu.memory_space<vmem>>, vector<1x64x128xf32>
    %swap3A_142 = vector.shape_cast %swap3A_141 : vector<1x64x128xf32> to vector<64x128xf32>
    %swap3A_143 = vector.shape_cast %slice3A_137 : vector<64x128xf32> to vector<1x64x128xf32>
    tpu.vector_store %arg3[%swap3A_138, %swap3A_139, %swap3A_140], %swap3A_143 {strides = array<i32>} : memref<100x64x128xf32, #tpu.memory_space<vmem>>, vector<1x64x128xf32>,
    %slice3A_144 = vector.extract_strided_slice %transpose3A_136 {offsets = [64, 0], sizes = [64, 128], strides = [1, 1]} : vector<128x128xf32> to vector<64x128xf32>
    %swap3A_145 = arith.constant 17 : index
    %swap3A_146 = arith.constant 0 : index
    %swap3A_147 = arith.constant 0 : index
    %swap3A_148 = vector.load %arg3[%swap3A_145, %swap3A_146, %swap3A_147] : memref<100x64x128xf32, #tpu.memory_space<vmem>>, vector<1x64x128xf32>
    %swap3A_149 = vector.shape_cast %swap3A_148 : vector<1x64x128xf32> to vector<64x128xf32>
    %swap3A_150 = vector.shape_cast %slice3A_144 : vector<64x128xf32> to vector<1x64x128xf32>
    tpu.vector_store %arg3[%swap3A_145, %swap3A_146, %swap3A_147], %swap3A_150 {strides = array<i32>} : memref<100x64x128xf32, #tpu.memory_space<vmem>>, vector<1x64x128xf32>,
    %slice3A_151 = vector.extract_strided_slice %reshape3A {offsets = [0, 9, 0], sizes = [128, 1, 128], strides = [1, 1, 1]} : vector<128x50x128xf32> to vector<128x1x128xf32>
    %squeeze3A_152 = vector.shape_cast %slice3A_151 : vector<128x1x128xf32> to vector<128x128xf32>
    %transpose3A_153 = tpu.transpose %squeeze3A_152, [1, 0] : vector<128x128xf32> -> vector<128x128xf32>
    %slice3A_154 = vector.extract_strided_slice %transpose3A_153 {offsets = [0, 0], sizes = [64, 128], strides = [1, 1]} : vector<128x128xf32> to vector<64x128xf32>
    %swap3A_155 = arith.constant 18 : index
    %swap3A_156 = arith.constant 0 : index
    %swap3A_157 = arith.constant 0 : index
    %swap3A_158 = vector.load %arg3[%swap3A_155, %swap3A_156, %swap3A_157] : memref<100x64x128xf32, #tpu.memory_space<vmem>>, vector<1x64x128xf32>
    %swap3A_159 = vector.shape_cast %swap3A_158 : vector<1x64x128xf32> to vector<64x128xf32>
    %swap3A_160 = vector.shape_cast %slice3A_154 : vector<64x128xf32> to vector<1x64x128xf32>
    tpu.vector_store %arg3[%swap3A_155, %swap3A_156, %swap3A_157], %swap3A_160 {strides = array<i32>} : memref<100x64x128xf32, #tpu.memory_space<vmem>>, vector<1x64x128xf32>,
    %slice3A_161 = vector.extract_strided_slice %transpose3A_153 {offsets = [64, 0], sizes = [64, 128], strides = [1, 1]} : vector<128x128xf32> to vector<64x128xf32>
    %swap3A_162 = arith.constant 19 : index
    %swap3A_163 = arith.constant 0 : index
    %swap3A_164 = arith.constant 0 : index
    %swap3A_165 = vector.load %arg3[%swap3A_162, %swap3A_163, %swap3A_164] : memref<100x64x128xf32, #tpu.memory_space<vmem>>, vector<1x64x128xf32>
    %swap3A_166 = vector.shape_cast %swap3A_165 : vector<1x64x128xf32> to vector<64x128xf32>
    %swap3A_167 = vector.shape_cast %slice3A_161 : vector<64x128xf32> to vector<1x64x128xf32>
    tpu.vector_store %arg3[%swap3A_162, %swap3A_163, %swap3A_164], %swap3A_167 {strides = array<i32>} : memref<100x64x128xf32, #tpu.memory_space<vmem>>, vector<1x64x128xf32>,
    %slice3A_168 = vector.extract_strided_slice %reshape3A {offsets = [0, 10, 0], sizes = [128, 1, 128], strides = [1, 1, 1]} : vector<128x50x128xf32> to vector<128x1x128xf32>
    %squeeze3A_169 = vector.shape_cast %slice3A_168 : vector<128x1x128xf32> to vector<128x128xf32>
    %transpose3A_170 = tpu.transpose %squeeze3A_169, [1, 0] : vector<128x128xf32> -> vector<128x128xf32>
    %slice3A_171 = vector.extract_strided_slice %transpose3A_170 {offsets = [0, 0], sizes = [64, 128], strides = [1, 1]} : vector<128x128xf32> to vector<64x128xf32>
    %swap3A_172 = arith.constant 20 : index
    %swap3A_173 = arith.constant 0 : index
    %swap3A_174 = arith.constant 0 : index
    %swap3A_175 = vector.load %arg3[%swap3A_172, %swap3A_173, %swap3A_174] : memref<100x64x128xf32, #tpu.memory_space<vmem>>, vector<1x64x128xf32>
    %swap3A_176 = vector.shape_cast %swap3A_175 : vector<1x64x128xf32> to vector<64x128xf32>
    %swap3A_177 = vector.shape_cast %slice3A_171 : vector<64x128xf32> to vector<1x64x128xf32>
    tpu.vector_store %arg3[%swap3A_172, %swap3A_173, %swap3A_174], %swap3A_177 {strides = array<i32>} : memref<100x64x128xf32, #tpu.memory_space<vmem>>, vector<1x64x128xf32>,
    %slice3A_178 = vector.extract_strided_slice %transpose3A_170 {offsets = [64, 0], sizes = [64, 128], strides = [1, 1]} : vector<128x128xf32> to vector<64x128xf32>
    %swap3A_179 = arith.constant 21 : index
    %swap3A_180 = arith.constant 0 : index
    %swap3A_181 = arith.constant 0 : index
    %swap3A_182 = vector.load %arg3[%swap3A_179, %swap3A_180, %swap3A_181] : memref<100x64x128xf32, #tpu.memory_space<vmem>>, vector<1x64x128xf32>
    %swap3A_183 = vector.shape_cast %swap3A_182 : vector<1x64x128xf32> to vector<64x128xf32>
    %swap3A_184 = vector.shape_cast %slice3A_178 : vector<64x128xf32> to vector<1x64x128xf32>
    tpu.vector_store %arg3[%swap3A_179, %swap3A_180, %swap3A_181], %swap3A_184 {strides = array<i32>} : memref<100x64x128xf32, #tpu.memory_space<vmem>>, vector<1x64x128xf32>,
    %slice3A_185 = vector.extract_strided_slice %reshape3A {offsets = [0, 11, 0], sizes = [128, 1, 128], strides = [1, 1, 1]} : vector<128x50x128xf32> to vector<128x1x128xf32>
    %squeeze3A_186 = vector.shape_cast %slice3A_185 : vector<128x1x128xf32> to vector<128x128xf32>
    %transpose3A_187 = tpu.transpose %squeeze3A_186, [1, 0] : vector<128x128xf32> -> vector<128x128xf32>
    %slice3A_188 = vector.extract_strided_slice %transpose3A_187 {offsets = [0, 0], sizes = [64, 128], strides = [1, 1]} : vector<128x128xf32> to vector<64x128xf32>
    %swap3A_189 = arith.constant 22 : index
    %swap3A_190 = arith.constant 0 : index
    %swap3A_191 = arith.constant 0 : index
    %swap3A_192 = vector.load %arg3[%swap3A_189, %swap3A_190, %swap3A_191] : memref<100x64x128xf32, #tpu.memory_space<vmem>>, vector<1x64x128xf32>
    %swap3A_193 = vector.shape_cast %swap3A_192 : vector<1x64x128xf32> to vector<64x128xf32>
    %swap3A_194 = vector.shape_cast %slice3A_188 : vector<64x128xf32> to vector<1x64x128xf32>
    tpu.vector_store %arg3[%swap3A_189, %swap3A_190, %swap3A_191], %swap3A_194 {strides = array<i32>} : memref<100x64x128xf32, #tpu.memory_space<vmem>>, vector<1x64x128xf32>,
    %slice3A_195 = vector.extract_strided_slice %transpose3A_187 {offsets = [64, 0], sizes = [64, 128], strides = [1, 1]} : vector<128x128xf32> to vector<64x128xf32>
    %swap3A_196 = arith.constant 23 : index
    %swap3A_197 = arith.constant 0 : index
    %swap3A_198 = arith.constant 0 : index
    %swap3A_199 = vector.load %arg3[%swap3A_196, %swap3A_197, %swap3A_198] : memref<100x64x128xf32, #tpu.memory_space<vmem>>, vector<1x64x128xf32>
    %swap3A_200 = vector.shape_cast %swap3A_199 : vector<1x64x128xf32> to vector<64x128xf32>
    %swap3A_201 = vector.shape_cast %slice3A_195 : vector<64x128xf32> to vector<1x64x128xf32>
    tpu.vector_store %arg3[%swap3A_196, %swap3A_197, %swap3A_198], %swap3A_201 {strides = array<i32>} : memref<100x64x128xf32, #tpu.memory_space<vmem>>, vector<1x64x128xf32>,
    %slice3A_202 = vector.extract_strided_slice %reshape3A {offsets = [0, 12, 0], sizes = [128, 1, 128], strides = [1, 1, 1]} : vector<128x50x128xf32> to vector<128x1x128xf32>
    %squeeze3A_203 = vector.shape_cast %slice3A_202 : vector<128x1x128xf32> to vector<128x128xf32>
    %transpose3A_204 = tpu.transpose %squeeze3A_203, [1, 0] : vector<128x128xf32> -> vector<128x128xf32>
    %slice3A_205 = vector.extract_strided_slice %transpose3A_204 {offsets = [0, 0], sizes = [64, 128], strides = [1, 1]} : vector<128x128xf32> to vector<64x128xf32>
    %swap3A_206 = arith.constant 24 : index
    %swap3A_207 = arith.constant 0 : index
    %swap3A_208 = arith.constant 0 : index
    %swap3A_209 = vector.load %arg3[%swap3A_206, %swap3A_207, %swap3A_208] : memref<100x64x128xf32, #tpu.memory_space<vmem>>, vector<1x64x128xf32>
    %swap3A_210 = vector.shape_cast %swap3A_209 : vector<1x64x128xf32> to vector<64x128xf32>
    %swap3A_211 = vector.shape_cast %slice3A_205 : vector<64x128xf32> to vector<1x64x128xf32>
    tpu.vector_store %arg3[%swap3A_206, %swap3A_207, %swap3A_208], %swap3A_211 {strides = array<i32>} : memref<100x64x128xf32, #tpu.memory_space<vmem>>, vector<1x64x128xf32>,
    %slice3A_212 = vector.extract_strided_slice %transpose3A_204 {offsets = [64, 0], sizes = [64, 128], strides = [1, 1]} : vector<128x128xf32> to vector<64x128xf32>
    %swap3A_213 = arith.constant 25 : index
    %swap3A_214 = arith.constant 0 : index
    %swap3A_215 = arith.constant 0 : index
    %swap3A_216 = vector.load %arg3[%swap3A_213, %swap3A_214, %swap3A_215] : memref<100x64x128xf32, #tpu.memory_space<vmem>>, vector<1x64x128xf32>
    %swap3A_217 = vector.shape_cast %swap3A_216 : vector<1x64x128xf32> to vector<64x128xf32>
    %swap3A_218 = vector.shape_cast %slice3A_212 : vector<64x128xf32> to vector<1x64x128xf32>
    tpu.vector_store %arg3[%swap3A_213, %swap3A_214, %swap3A_215], %swap3A_218 {strides = array<i32>} : memref<100x64x128xf32, #tpu.memory_space<vmem>>, vector<1x64x128xf32>,
    %slice3A_219 = vector.extract_strided_slice %reshape3A {offsets = [0, 13, 0], sizes = [128, 1, 128], strides = [1, 1, 1]} : vector<128x50x128xf32> to vector<128x1x128xf32>
    %squeeze3A_220 = vector.shape_cast %slice3A_219 : vector<128x1x128xf32> to vector<128x128xf32>
    %transpose3A_221 = tpu.transpose %squeeze3A_220, [1, 0] : vector<128x128xf32> -> vector<128x128xf32>
    %slice3A_222 = vector.extract_strided_slice %transpose3A_221 {offsets = [0, 0], sizes = [64, 128], strides = [1, 1]} : vector<128x128xf32> to vector<64x128xf32>
    %swap3A_223 = arith.constant 26 : index
    %swap3A_224 = arith.constant 0 : index
    %swap3A_225 = arith.constant 0 : index
    %swap3A_226 = vector.load %arg3[%swap3A_223, %swap3A_224, %swap3A_225] : memref<100x64x128xf32, #tpu.memory_space<vmem>>, vector<1x64x128xf32>
    %swap3A_227 = vector.shape_cast %swap3A_226 : vector<1x64x128xf32> to vector<64x128xf32>
    %swap3A_228 = vector.shape_cast %slice3A_222 : vector<64x128xf32> to vector<1x64x128xf32>
    tpu.vector_store %arg3[%swap3A_223, %swap3A_224, %swap3A_225], %swap3A_228 {strides = array<i32>} : memref<100x64x128xf32, #tpu.memory_space<vmem>>, vector<1x64x128xf32>,
    %slice3A_229 = vector.extract_strided_slice %transpose3A_221 {offsets = [64, 0], sizes = [64, 128], strides = [1, 1]} : vector<128x128xf32> to vector<64x128xf32>
    %swap3A_230 = arith.constant 27 : index
    %swap3A_231 = arith.constant 0 : index
    %swap3A_232 = arith.constant 0 : index
    %swap3A_233 = vector.load %arg3[%swap3A_230, %swap3A_231, %swap3A_232] : memref<100x64x128xf32, #tpu.memory_space<vmem>>, vector<1x64x128xf32>
    %swap3A_234 = vector.shape_cast %swap3A_233 : vector<1x64x128xf32> to vector<64x128xf32>
    %swap3A_235 = vector.shape_cast %slice3A_229 : vector<64x128xf32> to vector<1x64x128xf32>
    tpu.vector_store %arg3[%swap3A_230, %swap3A_231, %swap3A_232], %swap3A_235 {strides = array<i32>} : memref<100x64x128xf32, #tpu.memory_space<vmem>>, vector<1x64x128xf32>,
    %slice3A_236 = vector.extract_strided_slice %reshape3A {offsets = [0, 14, 0], sizes = [128, 1, 128], strides = [1, 1, 1]} : vector<128x50x128xf32> to vector<128x1x128xf32>
    %squeeze3A_237 = vector.shape_cast %slice3A_236 : vector<128x1x128xf32> to vector<128x128xf32>
    %transpose3A_238 = tpu.transpose %squeeze3A_237, [1, 0] : vector<128x128xf32> -> vector<128x128xf32>
    %slice3A_239 = vector.extract_strided_slice %transpose3A_238 {offsets = [0, 0], sizes = [64, 128], strides = [1, 1]} : vector<128x128xf32> to vector<64x128xf32>
    %swap3A_240 = arith.constant 28 : index
    %swap3A_241 = arith.constant 0 : index
    %swap3A_242 = arith.constant 0 : index
    %swap3A_243 = vector.load %arg3[%swap3A_240, %swap3A_241, %swap3A_242] : memref<100x64x128xf32, #tpu.memory_space<vmem>>, vector<1x64x128xf32>
    %swap3A_244 = vector.shape_cast %swap3A_243 : vector<1x64x128xf32> to vector<64x128xf32>
    %swap3A_245 = vector.shape_cast %slice3A_239 : vector<64x128xf32> to vector<1x64x128xf32>
    tpu.vector_store %arg3[%swap3A_240, %swap3A_241, %swap3A_242], %swap3A_245 {strides = array<i32>} : memref<100x64x128xf32, #tpu.memory_space<vmem>>, vector<1x64x128xf32>,
    %slice3A_246 = vector.extract_strided_slice %transpose3A_238 {offsets = [64, 0], sizes = [64, 128], strides = [1, 1]} : vector<128x128xf32> to vector<64x128xf32>
    %swap3A_247 = arith.constant 29 : index
    %swap3A_248 = arith.constant 0 : index
    %swap3A_249 = arith.constant 0 : index
    %swap3A_250 = vector.load %arg3[%swap3A_247, %swap3A_248, %swap3A_249] : memref<100x64x128xf32, #tpu.memory_space<vmem>>, vector<1x64x128xf32>
    %swap3A_251 = vector.shape_cast %swap3A_250 : vector<1x64x128xf32> to vector<64x128xf32>
    %swap3A_252 = vector.shape_cast %slice3A_246 : vector<64x128xf32> to vector<1x64x128xf32>
    tpu.vector_store %arg3[%swap3A_247, %swap3A_248, %swap3A_249], %swap3A_252 {strides = array<i32>} : memref<100x64x128xf32, #tpu.memory_space<vmem>>, vector<1x64x128xf32>,
    %slice3A_253 = vector.extract_strided_slice %reshape3A {offsets = [0, 15, 0], sizes = [128, 1, 128], strides = [1, 1, 1]} : vector<128x50x128xf32> to vector<128x1x128xf32>
    %squeeze3A_254 = vector.shape_cast %slice3A_253 : vector<128x1x128xf32> to vector<128x128xf32>
    %transpose3A_255 = tpu.transpose %squeeze3A_254, [1, 0] : vector<128x128xf32> -> vector<128x128xf32>
    %slice3A_256 = vector.extract_strided_slice %transpose3A_255 {offsets = [0, 0], sizes = [64, 128], strides = [1, 1]} : vector<128x128xf32> to vector<64x128xf32>
    %swap3A_257 = arith.constant 30 : index
    %swap3A_258 = arith.constant 0 : index
    %swap3A_259 = arith.constant 0 : index
    %swap3A_260 = vector.load %arg3[%swap3A_257, %swap3A_258, %swap3A_259] : memref<100x64x128xf32, #tpu.memory_space<vmem>>, vector<1x64x128xf32>
    %swap3A_261 = vector.shape_cast %swap3A_260 : vector<1x64x128xf32> to vector<64x128xf32>
    %swap3A_262 = vector.shape_cast %slice3A_256 : vector<64x128xf32> to vector<1x64x128xf32>
    tpu.vector_store %arg3[%swap3A_257, %swap3A_258, %swap3A_259], %swap3A_262 {strides = array<i32>} : memref<100x64x128xf32, #tpu.memory_space<vmem>>, vector<1x64x128xf32>,
    %slice3A_263 = vector.extract_strided_slice %transpose3A_255 {offsets = [64, 0], sizes = [64, 128], strides = [1, 1]} : vector<128x128xf32> to vector<64x128xf32>
    %swap3A_264 = arith.constant 31 : index
    %swap3A_265 = arith.constant 0 : index
    %swap3A_266 = arith.constant 0 : index
    %swap3A_267 = vector.load %arg3[%swap3A_264, %swap3A_265, %swap3A_266] : memref<100x64x128xf32, #tpu.memory_space<vmem>>, vector<1x64x128xf32>
    %swap3A_268 = vector.shape_cast %swap3A_267 : vector<1x64x128xf32> to vector<64x128xf32>
    %swap3A_269 = vector.shape_cast %slice3A_263 : vector<64x128xf32> to vector<1x64x128xf32>
    tpu.vector_store %arg3[%swap3A_264, %swap3A_265, %swap3A_266], %swap3A_269 {strides = array<i32>} : memref<100x64x128xf32, #tpu.memory_space<vmem>>, vector<1x64x128xf32>,
    %slice3A_270 = vector.extract_strided_slice %reshape3A {offsets = [0, 16, 0], sizes = [128, 1, 128], strides = [1, 1, 1]} : vector<128x50x128xf32> to vector<128x1x128xf32>
    %squeeze3A_271 = vector.shape_cast %slice3A_270 : vector<128x1x128xf32> to vector<128x128xf32>
    %transpose3A_272 = tpu.transpose %squeeze3A_271, [1, 0] : vector<128x128xf32> -> vector<128x128xf32>
    %slice3A_273 = vector.extract_strided_slice %transpose3A_272 {offsets = [0, 0], sizes = [64, 128], strides = [1, 1]} : vector<128x128xf32> to vector<64x128xf32>
    %swap3A_274 = arith.constant 32 : index
    %swap3A_275 = arith.constant 0 : index
    %swap3A_276 = arith.constant 0 : index
    %swap3A_277 = vector.load %arg3[%swap3A_274, %swap3A_275, %swap3A_276] : memref<100x64x128xf32, #tpu.memory_space<vmem>>, vector<1x64x128xf32>
    %swap3A_278 = vector.shape_cast %swap3A_277 : vector<1x64x128xf32> to vector<64x128xf32>
    %swap3A_279 = vector.shape_cast %slice3A_273 : vector<64x128xf32> to vector<1x64x128xf32>
    tpu.vector_store %arg3[%swap3A_274, %swap3A_275, %swap3A_276], %swap3A_279 {strides = array<i32>} : memref<100x64x128xf32, #tpu.memory_space<vmem>>, vector<1x64x128xf32>,
    %slice3A_280 = vector.extract_strided_slice %transpose3A_272 {offsets = [64, 0], sizes = [64, 128], strides = [1, 1]} : vector<128x128xf32> to vector<64x128xf32>
    %swap3A_281 = arith.constant 33 : index
    %swap3A_282 = arith.constant 0 : index
    %swap3A_283 = arith.constant 0 : index
    %swap3A_284 = vector.load %arg3[%swap3A_281, %swap3A_282, %swap3A_283] : memref<100x64x128xf32, #tpu.memory_space<vmem>>, vector<1x64x128xf32>
    %swap3A_285 = vector.shape_cast %swap3A_284 : vector<1x64x128xf32> to vector<64x128xf32>
    %swap3A_286 = vector.shape_cast %slice3A_280 : vector<64x128xf32> to vector<1x64x128xf32>
    tpu.vector_store %arg3[%swap3A_281, %swap3A_282, %swap3A_283], %swap3A_286 {strides = array<i32>} : memref<100x64x128xf32, #tpu.memory_space<vmem>>, vector<1x64x128xf32>,
    %slice3A_287 = vector.extract_strided_slice %reshape3A {offsets = [0, 17, 0], sizes = [128, 1, 128], strides = [1, 1, 1]} : vector<128x50x128xf32> to vector<128x1x128xf32>
    %squeeze3A_288 = vector.shape_cast %slice3A_287 : vector<128x1x128xf32> to vector<128x128xf32>
    %transpose3A_289 = tpu.transpose %squeeze3A_288, [1, 0] : vector<128x128xf32> -> vector<128x128xf32>
    %slice3A_290 = vector.extract_strided_slice %transpose3A_289 {offsets = [0, 0], sizes = [64, 128], strides = [1, 1]} : vector<128x128xf32> to vector<64x128xf32>
    %swap3A_291 = arith.constant 34 : index
    %swap3A_292 = arith.constant 0 : index
    %swap3A_293 = arith.constant 0 : index
    %swap3A_294 = vector.load %arg3[%swap3A_291, %swap3A_292, %swap3A_293] : memref<100x64x128xf32, #tpu.memory_space<vmem>>, vector<1x64x128xf32>
    %swap3A_295 = vector.shape_cast %swap3A_294 : vector<1x64x128xf32> to vector<64x128xf32>
    %swap3A_296 = vector.shape_cast %slice3A_290 : vector<64x128xf32> to vector<1x64x128xf32>
    tpu.vector_store %arg3[%swap3A_291, %swap3A_292, %swap3A_293], %swap3A_296 {strides = array<i32>} : memref<100x64x128xf32, #tpu.memory_space<vmem>>, vector<1x64x128xf32>,
    %slice3A_297 = vector.extract_strided_slice %transpose3A_289 {offsets = [64, 0], sizes = [64, 128], strides = [1, 1]} : vector<128x128xf32> to vector<64x128xf32>
    %swap3A_298 = arith.constant 35 : index
    %swap3A_299 = arith.constant 0 : index
    %swap3A_300 = arith.constant 0 : index
    %swap3A_301 = vector.load %arg3[%swap3A_298, %swap3A_299, %swap3A_300] : memref<100x64x128xf32, #tpu.memory_space<vmem>>, vector<1x64x128xf32>
    %swap3A_302 = vector.shape_cast %swap3A_301 : vector<1x64x128xf32> to vector<64x128xf32>
    %swap3A_303 = vector.shape_cast %slice3A_297 : vector<64x128xf32> to vector<1x64x128xf32>
    tpu.vector_store %arg3[%swap3A_298, %swap3A_299, %swap3A_300], %swap3A_303 {strides = array<i32>} : memref<100x64x128xf32, #tpu.memory_space<vmem>>, vector<1x64x128xf32>,
    %slice3A_304 = vector.extract_strided_slice %reshape3A {offsets = [0, 18, 0], sizes = [128, 1, 128], strides = [1, 1, 1]} : vector<128x50x128xf32> to vector<128x1x128xf32>
    %squeeze3A_305 = vector.shape_cast %slice3A_304 : vector<128x1x128xf32> to vector<128x128xf32>
    %transpose3A_306 = tpu.transpose %squeeze3A_305, [1, 0] : vector<128x128xf32> -> vector<128x128xf32>
    %slice3A_307 = vector.extract_strided_slice %transpose3A_306 {offsets = [0, 0], sizes = [64, 128], strides = [1, 1]} : vector<128x128xf32> to vector<64x128xf32>
    %swap3A_308 = arith.constant 36 : index
    %swap3A_309 = arith.constant 0 : index
    %swap3A_310 = arith.constant 0 : index
    %swap3A_311 = vector.load %arg3[%swap3A_308, %swap3A_309, %swap3A_310] : memref<100x64x128xf32, #tpu.memory_space<vmem>>, vector<1x64x128xf32>
    %swap3A_312 = vector.shape_cast %swap3A_311 : vector<1x64x128xf32> to vector<64x128xf32>
    %swap3A_313 = vector.shape_cast %slice3A_307 : vector<64x128xf32> to vector<1x64x128xf32>
    tpu.vector_store %arg3[%swap3A_308, %swap3A_309, %swap3A_310], %swap3A_313 {strides = array<i32>} : memref<100x64x128xf32, #tpu.memory_space<vmem>>, vector<1x64x128xf32>,
    %slice3A_314 = vector.extract_strided_slice %transpose3A_306 {offsets = [64, 0], sizes = [64, 128], strides = [1, 1]} : vector<128x128xf32> to vector<64x128xf32>
    %swap3A_315 = arith.constant 37 : index
    %swap3A_316 = arith.constant 0 : index
    %swap3A_317 = arith.constant 0 : index
    %swap3A_318 = vector.load %arg3[%swap3A_315, %swap3A_316, %swap3A_317] : memref<100x64x128xf32, #tpu.memory_space<vmem>>, vector<1x64x128xf32>
    %swap3A_319 = vector.shape_cast %swap3A_318 : vector<1x64x128xf32> to vector<64x128xf32>
    %swap3A_320 = vector.shape_cast %slice3A_314 : vector<64x128xf32> to vector<1x64x128xf32>
    tpu.vector_store %arg3[%swap3A_315, %swap3A_316, %swap3A_317], %swap3A_320 {strides = array<i32>} : memref<100x64x128xf32, #tpu.memory_space<vmem>>, vector<1x64x128xf32>,
    %slice3A_321 = vector.extract_strided_slice %reshape3A {offsets = [0, 19, 0], sizes = [128, 1, 128], strides = [1, 1, 1]} : vector<128x50x128xf32> to vector<128x1x128xf32>
    %squeeze3A_322 = vector.shape_cast %slice3A_321 : vector<128x1x128xf32> to vector<128x128xf32>
    %transpose3A_323 = tpu.transpose %squeeze3A_322, [1, 0] : vector<128x128xf32> -> vector<128x128xf32>
    %slice3A_324 = vector.extract_strided_slice %transpose3A_323 {offsets = [0, 0], sizes = [64, 128], strides = [1, 1]} : vector<128x128xf32> to vector<64x128xf32>
    %swap3A_325 = arith.constant 38 : index
    %swap3A_326 = arith.constant 0 : index
    %swap3A_327 = arith.constant 0 : index
    %swap3A_328 = vector.load %arg3[%swap3A_325, %swap3A_326, %swap3A_327] : memref<100x64x128xf32, #tpu.memory_space<vmem>>, vector<1x64x128xf32>
    %swap3A_329 = vector.shape_cast %swap3A_328 : vector<1x64x128xf32> to vector<64x128xf32>
    %swap3A_330 = vector.shape_cast %slice3A_324 : vector<64x128xf32> to vector<1x64x128xf32>
    tpu.vector_store %arg3[%swap3A_325, %swap3A_326, %swap3A_327], %swap3A_330 {strides = array<i32>} : memref<100x64x128xf32, #tpu.memory_space<vmem>>, vector<1x64x128xf32>,
    %slice3A_331 = vector.extract_strided_slice %transpose3A_323 {offsets = [64, 0], sizes = [64, 128], strides = [1, 1]} : vector<128x128xf32> to vector<64x128xf32>
    %swap3A_332 = arith.constant 39 : index
    %swap3A_333 = arith.constant 0 : index
    %swap3A_334 = arith.constant 0 : index
    %swap3A_335 = vector.load %arg3[%swap3A_332, %swap3A_333, %swap3A_334] : memref<100x64x128xf32, #tpu.memory_space<vmem>>, vector<1x64x128xf32>
    %swap3A_336 = vector.shape_cast %swap3A_335 : vector<1x64x128xf32> to vector<64x128xf32>
    %swap3A_337 = vector.shape_cast %slice3A_331 : vector<64x128xf32> to vector<1x64x128xf32>
    tpu.vector_store %arg3[%swap3A_332, %swap3A_333, %swap3A_334], %swap3A_337 {strides = array<i32>} : memref<100x64x128xf32, #tpu.memory_space<vmem>>, vector<1x64x128xf32>,
    %slice3A_338 = vector.extract_strided_slice %reshape3A {offsets = [0, 20, 0], sizes = [128, 1, 128], strides = [1, 1, 1]} : vector<128x50x128xf32> to vector<128x1x128xf32>
    %squeeze3A_339 = vector.shape_cast %slice3A_338 : vector<128x1x128xf32> to vector<128x128xf32>
    %transpose3A_340 = tpu.transpose %squeeze3A_339, [1, 0] : vector<128x128xf32> -> vector<128x128xf32>
    %slice3A_341 = vector.extract_strided_slice %transpose3A_340 {offsets = [0, 0], sizes = [64, 128], strides = [1, 1]} : vector<128x128xf32> to vector<64x128xf32>
    %swap3A_342 = arith.constant 40 : index
    %swap3A_343 = arith.constant 0 : index
    %swap3A_344 = arith.constant 0 : index
    %swap3A_345 = vector.load %arg3[%swap3A_342, %swap3A_343, %swap3A_344] : memref<100x64x128xf32, #tpu.memory_space<vmem>>, vector<1x64x128xf32>
    %swap3A_346 = vector.shape_cast %swap3A_345 : vector<1x64x128xf32> to vector<64x128xf32>
    %swap3A_347 = vector.shape_cast %slice3A_341 : vector<64x128xf32> to vector<1x64x128xf32>
    tpu.vector_store %arg3[%swap3A_342, %swap3A_343, %swap3A_344], %swap3A_347 {strides = array<i32>} : memref<100x64x128xf32, #tpu.memory_space<vmem>>, vector<1x64x128xf32>,
    %slice3A_348 = vector.extract_strided_slice %transpose3A_340 {offsets = [64, 0], sizes = [64, 128], strides = [1, 1]} : vector<128x128xf32> to vector<64x128xf32>
    %swap3A_349 = arith.constant 41 : index
    %swap3A_350 = arith.constant 0 : index
    %swap3A_351 = arith.constant 0 : index
    %swap3A_352 = vector.load %arg3[%swap3A_349, %swap3A_350, %swap3A_351] : memref<100x64x128xf32, #tpu.memory_space<vmem>>, vector<1x64x128xf32>
    %swap3A_353 = vector.shape_cast %swap3A_352 : vector<1x64x128xf32> to vector<64x128xf32>
    %swap3A_354 = vector.shape_cast %slice3A_348 : vector<64x128xf32> to vector<1x64x128xf32>
    tpu.vector_store %arg3[%swap3A_349, %swap3A_350, %swap3A_351], %swap3A_354 {strides = array<i32>} : memref<100x64x128xf32, #tpu.memory_space<vmem>>, vector<1x64x128xf32>,
    %slice3A_355 = vector.extract_strided_slice %reshape3A {offsets = [0, 21, 0], sizes = [128, 1, 128], strides = [1, 1, 1]} : vector<128x50x128xf32> to vector<128x1x128xf32>
    %squeeze3A_356 = vector.shape_cast %slice3A_355 : vector<128x1x128xf32> to vector<128x128xf32>
    %transpose3A_357 = tpu.transpose %squeeze3A_356, [1, 0] : vector<128x128xf32> -> vector<128x128xf32>
    %slice3A_358 = vector.extract_strided_slice %transpose3A_357 {offsets = [0, 0], sizes = [64, 128], strides = [1, 1]} : vector<128x128xf32> to vector<64x128xf32>
    %swap3A_359 = arith.constant 42 : index
    %swap3A_360 = arith.constant 0 : index
    %swap3A_361 = arith.constant 0 : index
    %swap3A_362 = vector.load %arg3[%swap3A_359, %swap3A_360, %swap3A_361] : memref<100x64x128xf32, #tpu.memory_space<vmem>>, vector<1x64x128xf32>
    %swap3A_363 = vector.shape_cast %swap3A_362 : vector<1x64x128xf32> to vector<64x128xf32>
    %swap3A_364 = vector.shape_cast %slice3A_358 : vector<64x128xf32> to vector<1x64x128xf32>
    tpu.vector_store %arg3[%swap3A_359, %swap3A_360, %swap3A_361], %swap3A_364 {strides = array<i32>} : memref<100x64x128xf32, #tpu.memory_space<vmem>>, vector<1x64x128xf32>,
    %slice3A_365 = vector.extract_strided_slice %transpose3A_357 {offsets = [64, 0], sizes = [64, 128], strides = [1, 1]} : vector<128x128xf32> to vector<64x128xf32>
    %swap3A_366 = arith.constant 43 : index
    %swap3A_367 = arith.constant 0 : index
    %swap3A_368 = arith.constant 0 : index
    %swap3A_369 = vector.load %arg3[%swap3A_366, %swap3A_367, %swap3A_368] : memref<100x64x128xf32, #tpu.memory_space<vmem>>, vector<1x64x128xf32>
    %swap3A_370 = vector.shape_cast %swap3A_369 : vector<1x64x128xf32> to vector<64x128xf32>
    %swap3A_371 = vector.shape_cast %slice3A_365 : vector<64x128xf32> to vector<1x64x128xf32>
    tpu.vector_store %arg3[%swap3A_366, %swap3A_367, %swap3A_368], %swap3A_371 {strides = array<i32>} : memref<100x64x128xf32, #tpu.memory_space<vmem>>, vector<1x64x128xf32>,
    %slice3A_372 = vector.extract_strided_slice %reshape3A {offsets = [0, 22, 0], sizes = [128, 1, 128], strides = [1, 1, 1]} : vector<128x50x128xf32> to vector<128x1x128xf32>
    %squeeze3A_373 = vector.shape_cast %slice3A_372 : vector<128x1x128xf32> to vector<128x128xf32>
    %transpose3A_374 = tpu.transpose %squeeze3A_373, [1, 0] : vector<128x128xf32> -> vector<128x128xf32>
    %slice3A_375 = vector.extract_strided_slice %transpose3A_374 {offsets = [0, 0], sizes = [64, 128], strides = [1, 1]} : vector<128x128xf32> to vector<64x128xf32>
    %swap3A_376 = arith.constant 44 : index
    %swap3A_377 = arith.constant 0 : index
    %swap3A_378 = arith.constant 0 : index
    %swap3A_379 = vector.load %arg3[%swap3A_376, %swap3A_377, %swap3A_378] : memref<100x64x128xf32, #tpu.memory_space<vmem>>, vector<1x64x128xf32>
    %swap3A_380 = vector.shape_cast %swap3A_379 : vector<1x64x128xf32> to vector<64x128xf32>
    %swap3A_381 = vector.shape_cast %slice3A_375 : vector<64x128xf32> to vector<1x64x128xf32>
    tpu.vector_store %arg3[%swap3A_376, %swap3A_377, %swap3A_378], %swap3A_381 {strides = array<i32>} : memref<100x64x128xf32, #tpu.memory_space<vmem>>, vector<1x64x128xf32>,
    %slice3A_382 = vector.extract_strided_slice %transpose3A_374 {offsets = [64, 0], sizes = [64, 128], strides = [1, 1]} : vector<128x128xf32> to vector<64x128xf32>
    %swap3A_383 = arith.constant 45 : index
    %swap3A_384 = arith.constant 0 : index
    %swap3A_385 = arith.constant 0 : index
    %swap3A_386 = vector.load %arg3[%swap3A_383, %swap3A_384, %swap3A_385] : memref<100x64x128xf32, #tpu.memory_space<vmem>>, vector<1x64x128xf32>
    %swap3A_387 = vector.shape_cast %swap3A_386 : vector<1x64x128xf32> to vector<64x128xf32>
    %swap3A_388 = vector.shape_cast %slice3A_382 : vector<64x128xf32> to vector<1x64x128xf32>
    tpu.vector_store %arg3[%swap3A_383, %swap3A_384, %swap3A_385], %swap3A_388 {strides = array<i32>} : memref<100x64x128xf32, #tpu.memory_space<vmem>>, vector<1x64x128xf32>,
    %slice3A_389 = vector.extract_strided_slice %reshape3A {offsets = [0, 23, 0], sizes = [128, 1, 128], strides = [1, 1, 1]} : vector<128x50x128xf32> to vector<128x1x128xf32>
    %squeeze3A_390 = vector.shape_cast %slice3A_389 : vector<128x1x128xf32> to vector<128x128xf32>
    %transpose3A_391 = tpu.transpose %squeeze3A_390, [1, 0] : vector<128x128xf32> -> vector<128x128xf32>
    %slice3A_392 = vector.extract_strided_slice %transpose3A_391 {offsets = [0, 0], sizes = [64, 128], strides = [1, 1]} : vector<128x128xf32> to vector<64x128xf32>
    %swap3A_393 = arith.constant 46 : index
    %swap3A_394 = arith.constant 0 : index
    %swap3A_395 = arith.constant 0 : index
    %swap3A_396 = vector.load %arg3[%swap3A_393, %swap3A_394, %swap3A_395] : memref<100x64x128xf32, #tpu.memory_space<vmem>>, vector<1x64x128xf32>
    %swap3A_397 = vector.shape_cast %swap3A_396 : vector<1x64x128xf32> to vector<64x128xf32>
    %swap3A_398 = vector.shape_cast %slice3A_392 : vector<64x128xf32> to vector<1x64x128xf32>
    tpu.vector_store %arg3[%swap3A_393, %swap3A_394, %swap3A_395], %swap3A_398 {strides = array<i32>} : memref<100x64x128xf32, #tpu.memory_space<vmem>>, vector<1x64x128xf32>,
    %slice3A_399 = vector.extract_strided_slice %transpose3A_391 {offsets = [64, 0], sizes = [64, 128], strides = [1, 1]} : vector<128x128xf32> to vector<64x128xf32>
    %swap3A_400 = arith.constant 47 : index
    %swap3A_401 = arith.constant 0 : index
    %swap3A_402 = arith.constant 0 : index
    %swap3A_403 = vector.load %arg3[%swap3A_400, %swap3A_401, %swap3A_402] : memref<100x64x128xf32, #tpu.memory_space<vmem>>, vector<1x64x128xf32>
    %swap3A_404 = vector.shape_cast %swap3A_403 : vector<1x64x128xf32> to vector<64x128xf32>
    %swap3A_405 = vector.shape_cast %slice3A_399 : vector<64x128xf32> to vector<1x64x128xf32>
    tpu.vector_store %arg3[%swap3A_400, %swap3A_401, %swap3A_402], %swap3A_405 {strides = array<i32>} : memref<100x64x128xf32, #tpu.memory_space<vmem>>, vector<1x64x128xf32>,
    %slice3A_406 = vector.extract_strided_slice %reshape3A {offsets = [0, 24, 0], sizes = [128, 1, 128], strides = [1, 1, 1]} : vector<128x50x128xf32> to vector<128x1x128xf32>
    %squeeze3A_407 = vector.shape_cast %slice3A_406 : vector<128x1x128xf32> to vector<128x128xf32>
    %transpose3A_408 = tpu.transpose %squeeze3A_407, [1, 0] : vector<128x128xf32> -> vector<128x128xf32>
    %slice3A_409 = vector.extract_strided_slice %transpose3A_408 {offsets = [0, 0], sizes = [64, 128], strides = [1, 1]} : vector<128x128xf32> to vector<64x128xf32>
    %swap3A_410 = arith.constant 48 : index
    %swap3A_411 = arith.constant 0 : index
    %swap3A_412 = arith.constant 0 : index
    %swap3A_413 = vector.load %arg3[%swap3A_410, %swap3A_411, %swap3A_412] : memref<100x64x128xf32, #tpu.memory_space<vmem>>, vector<1x64x128xf32>
    %swap3A_414 = vector.shape_cast %swap3A_413 : vector<1x64x128xf32> to vector<64x128xf32>
    %swap3A_415 = vector.shape_cast %slice3A_409 : vector<64x128xf32> to vector<1x64x128xf32>
    tpu.vector_store %arg3[%swap3A_410, %swap3A_411, %swap3A_412], %swap3A_415 {strides = array<i32>} : memref<100x64x128xf32, #tpu.memory_space<vmem>>, vector<1x64x128xf32>,
    %slice3A_416 = vector.extract_strided_slice %transpose3A_408 {offsets = [64, 0], sizes = [64, 128], strides = [1, 1]} : vector<128x128xf32> to vector<64x128xf32>
    %swap3A_417 = arith.constant 49 : index
    %swap3A_418 = arith.constant 0 : index
    %swap3A_419 = arith.constant 0 : index
    %swap3A_420 = vector.load %arg3[%swap3A_417, %swap3A_418, %swap3A_419] : memref<100x64x128xf32, #tpu.memory_space<vmem>>, vector<1x64x128xf32>
    %swap3A_421 = vector.shape_cast %swap3A_420 : vector<1x64x128xf32> to vector<64x128xf32>
    %swap3A_422 = vector.shape_cast %slice3A_416 : vector<64x128xf32> to vector<1x64x128xf32>
    tpu.vector_store %arg3[%swap3A_417, %swap3A_418, %swap3A_419], %swap3A_422 {strides = array<i32>} : memref<100x64x128xf32, #tpu.memory_space<vmem>>, vector<1x64x128xf32>,
    %slice3A_423 = vector.extract_strided_slice %reshape3A {offsets = [0, 25, 0], sizes = [128, 1, 128], strides = [1, 1, 1]} : vector<128x50x128xf32> to vector<128x1x128xf32>
    %squeeze3A_424 = vector.shape_cast %slice3A_423 : vector<128x1x128xf32> to vector<128x128xf32>
    %transpose3A_425 = tpu.transpose %squeeze3A_424, [1, 0] : vector<128x128xf32> -> vector<128x128xf32>
    %slice3A_426 = vector.extract_strided_slice %transpose3A_425 {offsets = [0, 0], sizes = [64, 128], strides = [1, 1]} : vector<128x128xf32> to vector<64x128xf32>
    %swap3A_427 = arith.constant 50 : index
    %swap3A_428 = arith.constant 0 : index
    %swap3A_429 = arith.constant 0 : index
    %swap3A_430 = vector.load %arg3[%swap3A_427, %swap3A_428, %swap3A_429] : memref<100x64x128xf32, #tpu.memory_space<vmem>>, vector<1x64x128xf32>
    %swap3A_431 = vector.shape_cast %swap3A_430 : vector<1x64x128xf32> to vector<64x128xf32>
    %swap3A_432 = vector.shape_cast %slice3A_426 : vector<64x128xf32> to vector<1x64x128xf32>
    tpu.vector_store %arg3[%swap3A_427, %swap3A_428, %swap3A_429], %swap3A_432 {strides = array<i32>} : memref<100x64x128xf32, #tpu.memory_space<vmem>>, vector<1x64x128xf32>,
    %slice3A_433 = vector.extract_strided_slice %transpose3A_425 {offsets = [64, 0], sizes = [64, 128], strides = [1, 1]} : vector<128x128xf32> to vector<64x128xf32>
    %swap3A_434 = arith.constant 51 : index
    %swap3A_435 = arith.constant 0 : index
    %swap3A_436 = arith.constant 0 : index
    %swap3A_437 = vector.load %arg3[%swap3A_434, %swap3A_435, %swap3A_436] : memref<100x64x128xf32, #tpu.memory_space<vmem>>, vector<1x64x128xf32>
    %swap3A_438 = vector.shape_cast %swap3A_437 : vector<1x64x128xf32> to vector<64x128xf32>
    %swap3A_439 = vector.shape_cast %slice3A_433 : vector<64x128xf32> to vector<1x64x128xf32>
    tpu.vector_store %arg3[%swap3A_434, %swap3A_435, %swap3A_436], %swap3A_439 {strides = array<i32>} : memref<100x64x128xf32, #tpu.memory_space<vmem>>, vector<1x64x128xf32>,
    %slice3A_440 = vector.extract_strided_slice %reshape3A {offsets = [0, 26, 0], sizes = [128, 1, 128], strides = [1, 1, 1]} : vector<128x50x128xf32> to vector<128x1x128xf32>
    %squeeze3A_441 = vector.shape_cast %slice3A_440 : vector<128x1x128xf32> to vector<128x128xf32>
    %transpose3A_442 = tpu.transpose %squeeze3A_441, [1, 0] : vector<128x128xf32> -> vector<128x128xf32>
    %slice3A_443 = vector.extract_strided_slice %transpose3A_442 {offsets = [0, 0], sizes = [64, 128], strides = [1, 1]} : vector<128x128xf32> to vector<64x128xf32>
    %swap3A_444 = arith.constant 52 : index
    %swap3A_445 = arith.constant 0 : index
    %swap3A_446 = arith.constant 0 : index
    %swap3A_447 = vector.load %arg3[%swap3A_444, %swap3A_445, %swap3A_446] : memref<100x64x128xf32, #tpu.memory_space<vmem>>, vector<1x64x128xf32>
    %swap3A_448 = vector.shape_cast %swap3A_447 : vector<1x64x128xf32> to vector<64x128xf32>
    %swap3A_449 = vector.shape_cast %slice3A_443 : vector<64x128xf32> to vector<1x64x128xf32>
    tpu.vector_store %arg3[%swap3A_444, %swap3A_445, %swap3A_446], %swap3A_449 {strides = array<i32>} : memref<100x64x128xf32, #tpu.memory_space<vmem>>, vector<1x64x128xf32>,
    %slice3A_450 = vector.extract_strided_slice %transpose3A_442 {offsets = [64, 0], sizes = [64, 128], strides = [1, 1]} : vector<128x128xf32> to vector<64x128xf32>
    %swap3A_451 = arith.constant 53 : index
    %swap3A_452 = arith.constant 0 : index
    %swap3A_453 = arith.constant 0 : index
    %swap3A_454 = vector.load %arg3[%swap3A_451, %swap3A_452, %swap3A_453] : memref<100x64x128xf32, #tpu.memory_space<vmem>>, vector<1x64x128xf32>
    %swap3A_455 = vector.shape_cast %swap3A_454 : vector<1x64x128xf32> to vector<64x128xf32>
    %swap3A_456 = vector.shape_cast %slice3A_450 : vector<64x128xf32> to vector<1x64x128xf32>
    tpu.vector_store %arg3[%swap3A_451, %swap3A_452, %swap3A_453], %swap3A_456 {strides = array<i32>} : memref<100x64x128xf32, #tpu.memory_space<vmem>>, vector<1x64x128xf32>,
    %slice3A_457 = vector.extract_strided_slice %reshape3A {offsets = [0, 27, 0], sizes = [128, 1, 128], strides = [1, 1, 1]} : vector<128x50x128xf32> to vector<128x1x128xf32>
    %squeeze3A_458 = vector.shape_cast %slice3A_457 : vector<128x1x128xf32> to vector<128x128xf32>
    %transpose3A_459 = tpu.transpose %squeeze3A_458, [1, 0] : vector<128x128xf32> -> vector<128x128xf32>
    %slice3A_460 = vector.extract_strided_slice %transpose3A_459 {offsets = [0, 0], sizes = [64, 128], strides = [1, 1]} : vector<128x128xf32> to vector<64x128xf32>
    %swap3A_461 = arith.constant 54 : index
    %swap3A_462 = arith.constant 0 : index
    %swap3A_463 = arith.constant 0 : index
    %swap3A_464 = vector.load %arg3[%swap3A_461, %swap3A_462, %swap3A_463] : memref<100x64x128xf32, #tpu.memory_space<vmem>>, vector<1x64x128xf32>
    %swap3A_465 = vector.shape_cast %swap3A_464 : vector<1x64x128xf32> to vector<64x128xf32>
    %swap3A_466 = vector.shape_cast %slice3A_460 : vector<64x128xf32> to vector<1x64x128xf32>
    tpu.vector_store %arg3[%swap3A_461, %swap3A_462, %swap3A_463], %swap3A_466 {strides = array<i32>} : memref<100x64x128xf32, #tpu.memory_space<vmem>>, vector<1x64x128xf32>,
    %slice3A_467 = vector.extract_strided_slice %transpose3A_459 {offsets = [64, 0], sizes = [64, 128], strides = [1, 1]} : vector<128x128xf32> to vector<64x128xf32>
    %swap3A_468 = arith.constant 55 : index
    %swap3A_469 = arith.constant 0 : index
    %swap3A_470 = arith.constant 0 : index
    %swap3A_471 = vector.load %arg3[%swap3A_468, %swap3A_469, %swap3A_470] : memref<100x64x128xf32, #tpu.memory_space<vmem>>, vector<1x64x128xf32>
    %swap3A_472 = vector.shape_cast %swap3A_471 : vector<1x64x128xf32> to vector<64x128xf32>
    %swap3A_473 = vector.shape_cast %slice3A_467 : vector<64x128xf32> to vector<1x64x128xf32>
    tpu.vector_store %arg3[%swap3A_468, %swap3A_469, %swap3A_470], %swap3A_473 {strides = array<i32>} : memref<100x64x128xf32, #tpu.memory_space<vmem>>, vector<1x64x128xf32>,
    %slice3A_474 = vector.extract_strided_slice %reshape3A {offsets = [0, 28, 0], sizes = [128, 1, 128], strides = [1, 1, 1]} : vector<128x50x128xf32> to vector<128x1x128xf32>
    %squeeze3A_475 = vector.shape_cast %slice3A_474 : vector<128x1x128xf32> to vector<128x128xf32>
    %transpose3A_476 = tpu.transpose %squeeze3A_475, [1, 0] : vector<128x128xf32> -> vector<128x128xf32>
    %slice3A_477 = vector.extract_strided_slice %transpose3A_476 {offsets = [0, 0], sizes = [64, 128], strides = [1, 1]} : vector<128x128xf32> to vector<64x128xf32>
    %swap3A_478 = arith.constant 56 : index
    %swap3A_479 = arith.constant 0 : index
    %swap3A_480 = arith.constant 0 : index
    %swap3A_481 = vector.load %arg3[%swap3A_478, %swap3A_479, %swap3A_480] : memref<100x64x128xf32, #tpu.memory_space<vmem>>, vector<1x64x128xf32>
    %swap3A_482 = vector.shape_cast %swap3A_481 : vector<1x64x128xf32> to vector<64x128xf32>
    %swap3A_483 = vector.shape_cast %slice3A_477 : vector<64x128xf32> to vector<1x64x128xf32>
    tpu.vector_store %arg3[%swap3A_478, %swap3A_479, %swap3A_480], %swap3A_483 {strides = array<i32>} : memref<100x64x128xf32, #tpu.memory_space<vmem>>, vector<1x64x128xf32>,
    %slice3A_484 = vector.extract_strided_slice %transpose3A_476 {offsets = [64, 0], sizes = [64, 128], strides = [1, 1]} : vector<128x128xf32> to vector<64x128xf32>
    %swap3A_485 = arith.constant 57 : index
    %swap3A_486 = arith.constant 0 : index
    %swap3A_487 = arith.constant 0 : index
    %swap3A_488 = vector.load %arg3[%swap3A_485, %swap3A_486, %swap3A_487] : memref<100x64x128xf32, #tpu.memory_space<vmem>>, vector<1x64x128xf32>
    %swap3A_489 = vector.shape_cast %swap3A_488 : vector<1x64x128xf32> to vector<64x128xf32>
    %swap3A_490 = vector.shape_cast %slice3A_484 : vector<64x128xf32> to vector<1x64x128xf32>
    tpu.vector_store %arg3[%swap3A_485, %swap3A_486, %swap3A_487], %swap3A_490 {strides = array<i32>} : memref<100x64x128xf32, #tpu.memory_space<vmem>>, vector<1x64x128xf32>,
    %slice3A_491 = vector.extract_strided_slice %reshape3A {offsets = [0, 29, 0], sizes = [128, 1, 128], strides = [1, 1, 1]} : vector<128x50x128xf32> to vector<128x1x128xf32>
    %squeeze3A_492 = vector.shape_cast %slice3A_491 : vector<128x1x128xf32> to vector<128x128xf32>
    %transpose3A_493 = tpu.transpose %squeeze3A_492, [1, 0] : vector<128x128xf32> -> vector<128x128xf32>
    %slice3A_494 = vector.extract_strided_slice %transpose3A_493 {offsets = [0, 0], sizes = [64, 128], strides = [1, 1]} : vector<128x128xf32> to vector<64x128xf32>
    %swap3A_495 = arith.constant 58 : index
    %swap3A_496 = arith.constant 0 : index
    %swap3A_497 = arith.constant 0 : index
    %swap3A_498 = vector.load %arg3[%swap3A_495, %swap3A_496, %swap3A_497] : memref<100x64x128xf32, #tpu.memory_space<vmem>>, vector<1x64x128xf32>
    %swap3A_499 = vector.shape_cast %swap3A_498 : vector<1x64x128xf32> to vector<64x128xf32>
    %swap3A_500 = vector.shape_cast %slice3A_494 : vector<64x128xf32> to vector<1x64x128xf32>
    tpu.vector_store %arg3[%swap3A_495, %swap3A_496, %swap3A_497], %swap3A_500 {strides = array<i32>} : memref<100x64x128xf32, #tpu.memory_space<vmem>>, vector<1x64x128xf32>,
    %slice3A_501 = vector.extract_strided_slice %transpose3A_493 {offsets = [64, 0], sizes = [64, 128], strides = [1, 1]} : vector<128x128xf32> to vector<64x128xf32>
    %swap3A_502 = arith.constant 59 : index
    %swap3A_503 = arith.constant 0 : index
    %swap3A_504 = arith.constant 0 : index
    %swap3A_505 = vector.load %arg3[%swap3A_502, %swap3A_503, %swap3A_504] : memref<100x64x128xf32, #tpu.memory_space<vmem>>, vector<1x64x128xf32>
    %swap3A_506 = vector.shape_cast %swap3A_505 : vector<1x64x128xf32> to vector<64x128xf32>
    %swap3A_507 = vector.shape_cast %slice3A_501 : vector<64x128xf32> to vector<1x64x128xf32>
    tpu.vector_store %arg3[%swap3A_502, %swap3A_503, %swap3A_504], %swap3A_507 {strides = array<i32>} : memref<100x64x128xf32, #tpu.memory_space<vmem>>, vector<1x64x128xf32>,
    %slice3A_508 = vector.extract_strided_slice %reshape3A {offsets = [0, 30, 0], sizes = [128, 1, 128], strides = [1, 1, 1]} : vector<128x50x128xf32> to vector<128x1x128xf32>
    %squeeze3A_509 = vector.shape_cast %slice3A_508 : vector<128x1x128xf32> to vector<128x128xf32>
    %transpose3A_510 = tpu.transpose %squeeze3A_509, [1, 0] : vector<128x128xf32> -> vector<128x128xf32>
    %slice3A_511 = vector.extract_strided_slice %transpose3A_510 {offsets = [0, 0], sizes = [64, 128], strides = [1, 1]} : vector<128x128xf32> to vector<64x128xf32>
    %swap3A_512 = arith.constant 60 : index
    %swap3A_513 = arith.constant 0 : index
    %swap3A_514 = arith.constant 0 : index
    %swap3A_515 = vector.load %arg3[%swap3A_512, %swap3A_513, %swap3A_514] : memref<100x64x128xf32, #tpu.memory_space<vmem>>, vector<1x64x128xf32>
    %swap3A_516 = vector.shape_cast %swap3A_515 : vector<1x64x128xf32> to vector<64x128xf32>
    %swap3A_517 = vector.shape_cast %slice3A_511 : vector<64x128xf32> to vector<1x64x128xf32>
    tpu.vector_store %arg3[%swap3A_512, %swap3A_513, %swap3A_514], %swap3A_517 {strides = array<i32>} : memref<100x64x128xf32, #tpu.memory_space<vmem>>, vector<1x64x128xf32>,
    %slice3A_518 = vector.extract_strided_slice %transpose3A_510 {offsets = [64, 0], sizes = [64, 128], strides = [1, 1]} : vector<128x128xf32> to vector<64x128xf32>
    %swap3A_519 = arith.constant 61 : index
    %swap3A_520 = arith.constant 0 : index
    %swap3A_521 = arith.constant 0 : index
    %swap3A_522 = vector.load %arg3[%swap3A_519, %swap3A_520, %swap3A_521] : memref<100x64x128xf32, #tpu.memory_space<vmem>>, vector<1x64x128xf32>
    %swap3A_523 = vector.shape_cast %swap3A_522 : vector<1x64x128xf32> to vector<64x128xf32>
    %swap3A_524 = vector.shape_cast %slice3A_518 : vector<64x128xf32> to vector<1x64x128xf32>
    tpu.vector_store %arg3[%swap3A_519, %swap3A_520, %swap3A_521], %swap3A_524 {strides = array<i32>} : memref<100x64x128xf32, #tpu.memory_space<vmem>>, vector<1x64x128xf32>,
    %slice3A_525 = vector.extract_strided_slice %reshape3A {offsets = [0, 31, 0], sizes = [128, 1, 128], strides = [1, 1, 1]} : vector<128x50x128xf32> to vector<128x1x128xf32>
    %squeeze3A_526 = vector.shape_cast %slice3A_525 : vector<128x1x128xf32> to vector<128x128xf32>
    %transpose3A_527 = tpu.transpose %squeeze3A_526, [1, 0] : vector<128x128xf32> -> vector<128x128xf32>
    %slice3A_528 = vector.extract_strided_slice %transpose3A_527 {offsets = [0, 0], sizes = [64, 128], strides = [1, 1]} : vector<128x128xf32> to vector<64x128xf32>
    %swap3A_529 = arith.constant 62 : index
    %swap3A_530 = arith.constant 0 : index
    %swap3A_531 = arith.constant 0 : index
    %swap3A_532 = vector.load %arg3[%swap3A_529, %swap3A_530, %swap3A_531] : memref<100x64x128xf32, #tpu.memory_space<vmem>>, vector<1x64x128xf32>
    %swap3A_533 = vector.shape_cast %swap3A_532 : vector<1x64x128xf32> to vector<64x128xf32>
    %swap3A_534 = vector.shape_cast %slice3A_528 : vector<64x128xf32> to vector<1x64x128xf32>
    tpu.vector_store %arg3[%swap3A_529, %swap3A_530, %swap3A_531], %swap3A_534 {strides = array<i32>} : memref<100x64x128xf32, #tpu.memory_space<vmem>>, vector<1x64x128xf32>,
    %slice3A_535 = vector.extract_strided_slice %transpose3A_527 {offsets = [64, 0], sizes = [64, 128], strides = [1, 1]} : vector<128x128xf32> to vector<64x128xf32>
    %swap3A_536 = arith.constant 63 : index
    %swap3A_537 = arith.constant 0 : index
    %swap3A_538 = arith.constant 0 : index
    %swap3A_539 = vector.load %arg3[%swap3A_536, %swap3A_537, %swap3A_538] : memref<100x64x128xf32, #tpu.memory_space<vmem>>, vector<1x64x128xf32>
    %swap3A_540 = vector.shape_cast %swap3A_539 : vector<1x64x128xf32> to vector<64x128xf32>
    %swap3A_541 = vector.shape_cast %slice3A_535 : vector<64x128xf32> to vector<1x64x128xf32>
    tpu.vector_store %arg3[%swap3A_536, %swap3A_537, %swap3A_538], %swap3A_541 {strides = array<i32>} : memref<100x64x128xf32, #tpu.memory_space<vmem>>, vector<1x64x128xf32>,
    %slice3A_542 = vector.extract_strided_slice %reshape3A {offsets = [0, 32, 0], sizes = [128, 1, 128], strides = [1, 1, 1]} : vector<128x50x128xf32> to vector<128x1x128xf32>
    %squeeze3A_543 = vector.shape_cast %slice3A_542 : vector<128x1x128xf32> to vector<128x128xf32>
    %transpose3A_544 = tpu.transpose %squeeze3A_543, [1, 0] : vector<128x128xf32> -> vector<128x128xf32>
    %slice3A_545 = vector.extract_strided_slice %transpose3A_544 {offsets = [0, 0], sizes = [64, 128], strides = [1, 1]} : vector<128x128xf32> to vector<64x128xf32>
    %swap3A_546 = arith.constant 64 : index
    %swap3A_547 = arith.constant 0 : index
    %swap3A_548 = arith.constant 0 : index
    %swap3A_549 = vector.load %arg3[%swap3A_546, %swap3A_547, %swap3A_548] : memref<100x64x128xf32, #tpu.memory_space<vmem>>, vector<1x64x128xf32>
    %swap3A_550 = vector.shape_cast %swap3A_549 : vector<1x64x128xf32> to vector<64x128xf32>
    %swap3A_551 = vector.shape_cast %slice3A_545 : vector<64x128xf32> to vector<1x64x128xf32>
    tpu.vector_store %arg3[%swap3A_546, %swap3A_547, %swap3A_548], %swap3A_551 {strides = array<i32>} : memref<100x64x128xf32, #tpu.memory_space<vmem>>, vector<1x64x128xf32>,
    %slice3A_552 = vector.extract_strided_slice %transpose3A_544 {offsets = [64, 0], sizes = [64, 128], strides = [1, 1]} : vector<128x128xf32> to vector<64x128xf32>
    %swap3A_553 = arith.constant 65 : index
    %swap3A_554 = arith.constant 0 : index
    %swap3A_555 = arith.constant 0 : index
    %swap3A_556 = vector.load %arg3[%swap3A_553, %swap3A_554, %swap3A_555] : memref<100x64x128xf32, #tpu.memory_space<vmem>>, vector<1x64x128xf32>
    %swap3A_557 = vector.shape_cast %swap3A_556 : vector<1x64x128xf32> to vector<64x128xf32>
    %swap3A_558 = vector.shape_cast %slice3A_552 : vector<64x128xf32> to vector<1x64x128xf32>
    tpu.vector_store %arg3[%swap3A_553, %swap3A_554, %swap3A_555], %swap3A_558 {strides = array<i32>} : memref<100x64x128xf32, #tpu.memory_space<vmem>>, vector<1x64x128xf32>,
    %slice3A_559 = vector.extract_strided_slice %reshape3A {offsets = [0, 33, 0], sizes = [128, 1, 128], strides = [1, 1, 1]} : vector<128x50x128xf32> to vector<128x1x128xf32>
    %squeeze3A_560 = vector.shape_cast %slice3A_559 : vector<128x1x128xf32> to vector<128x128xf32>
    %transpose3A_561 = tpu.transpose %squeeze3A_560, [1, 0] : vector<128x128xf32> -> vector<128x128xf32>
    %slice3A_562 = vector.extract_strided_slice %transpose3A_561 {offsets = [0, 0], sizes = [64, 128], strides = [1, 1]} : vector<128x128xf32> to vector<64x128xf32>
    %swap3A_563 = arith.constant 66 : index
    %swap3A_564 = arith.constant 0 : index
    %swap3A_565 = arith.constant 0 : index
    %swap3A_566 = vector.load %arg3[%swap3A_563, %swap3A_564, %swap3A_565] : memref<100x64x128xf32, #tpu.memory_space<vmem>>, vector<1x64x128xf32>
    %swap3A_567 = vector.shape_cast %swap3A_566 : vector<1x64x128xf32> to vector<64x128xf32>
    %swap3A_568 = vector.shape_cast %slice3A_562 : vector<64x128xf32> to vector<1x64x128xf32>
    tpu.vector_store %arg3[%swap3A_563, %swap3A_564, %swap3A_565], %swap3A_568 {strides = array<i32>} : memref<100x64x128xf32, #tpu.memory_space<vmem>>, vector<1x64x128xf32>,
    %slice3A_569 = vector.extract_strided_slice %transpose3A_561 {offsets = [64, 0], sizes = [64, 128], strides = [1, 1]} : vector<128x128xf32> to vector<64x128xf32>
    %swap3A_570 = arith.constant 67 : index
    %swap3A_571 = arith.constant 0 : index
    %swap3A_572 = arith.constant 0 : index
    %swap3A_573 = vector.load %arg3[%swap3A_570, %swap3A_571, %swap3A_572] : memref<100x64x128xf32, #tpu.memory_space<vmem>>, vector<1x64x128xf32>
    %swap3A_574 = vector.shape_cast %swap3A_573 : vector<1x64x128xf32> to vector<64x128xf32>
    %swap3A_575 = vector.shape_cast %slice3A_569 : vector<64x128xf32> to vector<1x64x128xf32>
    tpu.vector_store %arg3[%swap3A_570, %swap3A_571, %swap3A_572], %swap3A_575 {strides = array<i32>} : memref<100x64x128xf32, #tpu.memory_space<vmem>>, vector<1x64x128xf32>,
    %slice3A_576 = vector.extract_strided_slice %reshape3A {offsets = [0, 34, 0], sizes = [128, 1, 128], strides = [1, 1, 1]} : vector<128x50x128xf32> to vector<128x1x128xf32>
    %squeeze3A_577 = vector.shape_cast %slice3A_576 : vector<128x1x128xf32> to vector<128x128xf32>
    %transpose3A_578 = tpu.transpose %squeeze3A_577, [1, 0] : vector<128x128xf32> -> vector<128x128xf32>
    %slice3A_579 = vector.extract_strided_slice %transpose3A_578 {offsets = [0, 0], sizes = [64, 128], strides = [1, 1]} : vector<128x128xf32> to vector<64x128xf32>
    %swap3A_580 = arith.constant 68 : index
    %swap3A_581 = arith.constant 0 : index
    %swap3A_582 = arith.constant 0 : index
    %swap3A_583 = vector.load %arg3[%swap3A_580, %swap3A_581, %swap3A_582] : memref<100x64x128xf32, #tpu.memory_space<vmem>>, vector<1x64x128xf32>
    %swap3A_584 = vector.shape_cast %swap3A_583 : vector<1x64x128xf32> to vector<64x128xf32>
    %swap3A_585 = vector.shape_cast %slice3A_579 : vector<64x128xf32> to vector<1x64x128xf32>
    tpu.vector_store %arg3[%swap3A_580, %swap3A_581, %swap3A_582], %swap3A_585 {strides = array<i32>} : memref<100x64x128xf32, #tpu.memory_space<vmem>>, vector<1x64x128xf32>,
    %slice3A_586 = vector.extract_strided_slice %transpose3A_578 {offsets = [64, 0], sizes = [64, 128], strides = [1, 1]} : vector<128x128xf32> to vector<64x128xf32>
    %swap3A_587 = arith.constant 69 : index
    %swap3A_588 = arith.constant 0 : index
    %swap3A_589 = arith.constant 0 : index
    %swap3A_590 = vector.load %arg3[%swap3A_587, %swap3A_588, %swap3A_589] : memref<100x64x128xf32, #tpu.memory_space<vmem>>, vector<1x64x128xf32>
    %swap3A_591 = vector.shape_cast %swap3A_590 : vector<1x64x128xf32> to vector<64x128xf32>
    %swap3A_592 = vector.shape_cast %slice3A_586 : vector<64x128xf32> to vector<1x64x128xf32>
    tpu.vector_store %arg3[%swap3A_587, %swap3A_588, %swap3A_589], %swap3A_592 {strides = array<i32>} : memref<100x64x128xf32, #tpu.memory_space<vmem>>, vector<1x64x128xf32>,
    %slice3A_593 = vector.extract_strided_slice %reshape3A {offsets = [0, 35, 0], sizes = [128, 1, 128], strides = [1, 1, 1]} : vector<128x50x128xf32> to vector<128x1x128xf32>
    %squeeze3A_594 = vector.shape_cast %slice3A_593 : vector<128x1x128xf32> to vector<128x128xf32>
    %transpose3A_595 = tpu.transpose %squeeze3A_594, [1, 0] : vector<128x128xf32> -> vector<128x128xf32>
    %slice3A_596 = vector.extract_strided_slice %transpose3A_595 {offsets = [0, 0], sizes = [64, 128], strides = [1, 1]} : vector<128x128xf32> to vector<64x128xf32>
    %swap3A_597 = arith.constant 70 : index
    %swap3A_598 = arith.constant 0 : index
    %swap3A_599 = arith.constant 0 : index
    %swap3A_600 = vector.load %arg3[%swap3A_597, %swap3A_598, %swap3A_599] : memref<100x64x128xf32, #tpu.memory_space<vmem>>, vector<1x64x128xf32>
    %swap3A_601 = vector.shape_cast %swap3A_600 : vector<1x64x128xf32> to vector<64x128xf32>
    %swap3A_602 = vector.shape_cast %slice3A_596 : vector<64x128xf32> to vector<1x64x128xf32>
    tpu.vector_store %arg3[%swap3A_597, %swap3A_598, %swap3A_599], %swap3A_602 {strides = array<i32>} : memref<100x64x128xf32, #tpu.memory_space<vmem>>, vector<1x64x128xf32>,
    %slice3A_603 = vector.extract_strided_slice %transpose3A_595 {offsets = [64, 0], sizes = [64, 128], strides = [1, 1]} : vector<128x128xf32> to vector<64x128xf32>
    %swap3A_604 = arith.constant 71 : index
    %swap3A_605 = arith.constant 0 : index
    %swap3A_606 = arith.constant 0 : index
    %swap3A_607 = vector.load %arg3[%swap3A_604, %swap3A_605, %swap3A_606] : memref<100x64x128xf32, #tpu.memory_space<vmem>>, vector<1x64x128xf32>
    %swap3A_608 = vector.shape_cast %swap3A_607 : vector<1x64x128xf32> to vector<64x128xf32>
    %swap3A_609 = vector.shape_cast %slice3A_603 : vector<64x128xf32> to vector<1x64x128xf32>
    tpu.vector_store %arg3[%swap3A_604, %swap3A_605, %swap3A_606], %swap3A_609 {strides = array<i32>} : memref<100x64x128xf32, #tpu.memory_space<vmem>>, vector<1x64x128xf32>,
    %slice3A_610 = vector.extract_strided_slice %reshape3A {offsets = [0, 36, 0], sizes = [128, 1, 128], strides = [1, 1, 1]} : vector<128x50x128xf32> to vector<128x1x128xf32>
    %squeeze3A_611 = vector.shape_cast %slice3A_610 : vector<128x1x128xf32> to vector<128x128xf32>
    %transpose3A_612 = tpu.transpose %squeeze3A_611, [1, 0] : vector<128x128xf32> -> vector<128x128xf32>
    %slice3A_613 = vector.extract_strided_slice %transpose3A_612 {offsets = [0, 0], sizes = [64, 128], strides = [1, 1]} : vector<128x128xf32> to vector<64x128xf32>
    %swap3A_614 = arith.constant 72 : index
    %swap3A_615 = arith.constant 0 : index
    %swap3A_616 = arith.constant 0 : index
    %swap3A_617 = vector.load %arg3[%swap3A_614, %swap3A_615, %swap3A_616] : memref<100x64x128xf32, #tpu.memory_space<vmem>>, vector<1x64x128xf32>
    %swap3A_618 = vector.shape_cast %swap3A_617 : vector<1x64x128xf32> to vector<64x128xf32>
    %swap3A_619 = vector.shape_cast %slice3A_613 : vector<64x128xf32> to vector<1x64x128xf32>
    tpu.vector_store %arg3[%swap3A_614, %swap3A_615, %swap3A_616], %swap3A_619 {strides = array<i32>} : memref<100x64x128xf32, #tpu.memory_space<vmem>>, vector<1x64x128xf32>,
    %slice3A_620 = vector.extract_strided_slice %transpose3A_612 {offsets = [64, 0], sizes = [64, 128], strides = [1, 1]} : vector<128x128xf32> to vector<64x128xf32>
    %swap3A_621 = arith.constant 73 : index
    %swap3A_622 = arith.constant 0 : index
    %swap3A_623 = arith.constant 0 : index
    %swap3A_624 = vector.load %arg3[%swap3A_621, %swap3A_622, %swap3A_623] : memref<100x64x128xf32, #tpu.memory_space<vmem>>, vector<1x64x128xf32>
    %swap3A_625 = vector.shape_cast %swap3A_624 : vector<1x64x128xf32> to vector<64x128xf32>
    %swap3A_626 = vector.shape_cast %slice3A_620 : vector<64x128xf32> to vector<1x64x128xf32>
    tpu.vector_store %arg3[%swap3A_621, %swap3A_622, %swap3A_623], %swap3A_626 {strides = array<i32>} : memref<100x64x128xf32, #tpu.memory_space<vmem>>, vector<1x64x128xf32>,
    %slice3A_627 = vector.extract_strided_slice %reshape3A {offsets = [0, 37, 0], sizes = [128, 1, 128], strides = [1, 1, 1]} : vector<128x50x128xf32> to vector<128x1x128xf32>
    %squeeze3A_628 = vector.shape_cast %slice3A_627 : vector<128x1x128xf32> to vector<128x128xf32>
    %transpose3A_629 = tpu.transpose %squeeze3A_628, [1, 0] : vector<128x128xf32> -> vector<128x128xf32>
    %slice3A_630 = vector.extract_strided_slice %transpose3A_629 {offsets = [0, 0], sizes = [64, 128], strides = [1, 1]} : vector<128x128xf32> to vector<64x128xf32>
    %swap3A_631 = arith.constant 74 : index
    %swap3A_632 = arith.constant 0 : index
    %swap3A_633 = arith.constant 0 : index
    %swap3A_634 = vector.load %arg3[%swap3A_631, %swap3A_632, %swap3A_633] : memref<100x64x128xf32, #tpu.memory_space<vmem>>, vector<1x64x128xf32>
    %swap3A_635 = vector.shape_cast %swap3A_634 : vector<1x64x128xf32> to vector<64x128xf32>
    %swap3A_636 = vector.shape_cast %slice3A_630 : vector<64x128xf32> to vector<1x64x128xf32>
    tpu.vector_store %arg3[%swap3A_631, %swap3A_632, %swap3A_633], %swap3A_636 {strides = array<i32>} : memref<100x64x128xf32, #tpu.memory_space<vmem>>, vector<1x64x128xf32>,
    %slice3A_637 = vector.extract_strided_slice %transpose3A_629 {offsets = [64, 0], sizes = [64, 128], strides = [1, 1]} : vector<128x128xf32> to vector<64x128xf32>
    %swap3A_638 = arith.constant 75 : index
    %swap3A_639 = arith.constant 0 : index
    %swap3A_640 = arith.constant 0 : index
    %swap3A_641 = vector.load %arg3[%swap3A_638, %swap3A_639, %swap3A_640] : memref<100x64x128xf32, #tpu.memory_space<vmem>>, vector<1x64x128xf32>
    %swap3A_642 = vector.shape_cast %swap3A_641 : vector<1x64x128xf32> to vector<64x128xf32>
    %swap3A_643 = vector.shape_cast %slice3A_637 : vector<64x128xf32> to vector<1x64x128xf32>
    tpu.vector_store %arg3[%swap3A_638, %swap3A_639, %swap3A_640], %swap3A_643 {strides = array<i32>} : memref<100x64x128xf32, #tpu.memory_space<vmem>>, vector<1x64x128xf32>,
    %slice3A_644 = vector.extract_strided_slice %reshape3A {offsets = [0, 38, 0], sizes = [128, 1, 128], strides = [1, 1, 1]} : vector<128x50x128xf32> to vector<128x1x128xf32>
    %squeeze3A_645 = vector.shape_cast %slice3A_644 : vector<128x1x128xf32> to vector<128x128xf32>
    %transpose3A_646 = tpu.transpose %squeeze3A_645, [1, 0] : vector<128x128xf32> -> vector<128x128xf32>
    %slice3A_647 = vector.extract_strided_slice %transpose3A_646 {offsets = [0, 0], sizes = [64, 128], strides = [1, 1]} : vector<128x128xf32> to vector<64x128xf32>
    %swap3A_648 = arith.constant 76 : index
    %swap3A_649 = arith.constant 0 : index
    %swap3A_650 = arith.constant 0 : index
    %swap3A_651 = vector.load %arg3[%swap3A_648, %swap3A_649, %swap3A_650] : memref<100x64x128xf32, #tpu.memory_space<vmem>>, vector<1x64x128xf32>
    %swap3A_652 = vector.shape_cast %swap3A_651 : vector<1x64x128xf32> to vector<64x128xf32>
    %swap3A_653 = vector.shape_cast %slice3A_647 : vector<64x128xf32> to vector<1x64x128xf32>
    tpu.vector_store %arg3[%swap3A_648, %swap3A_649, %swap3A_650], %swap3A_653 {strides = array<i32>} : memref<100x64x128xf32, #tpu.memory_space<vmem>>, vector<1x64x128xf32>,
    %slice3A_654 = vector.extract_strided_slice %transpose3A_646 {offsets = [64, 0], sizes = [64, 128], strides = [1, 1]} : vector<128x128xf32> to vector<64x128xf32>
    %swap3A_655 = arith.constant 77 : index
    %swap3A_656 = arith.constant 0 : index
    %swap3A_657 = arith.constant 0 : index
    %swap3A_658 = vector.load %arg3[%swap3A_655, %swap3A_656, %swap3A_657] : memref<100x64x128xf32, #tpu.memory_space<vmem>>, vector<1x64x128xf32>
    %swap3A_659 = vector.shape_cast %swap3A_658 : vector<1x64x128xf32> to vector<64x128xf32>
    %swap3A_660 = vector.shape_cast %slice3A_654 : vector<64x128xf32> to vector<1x64x128xf32>
    tpu.vector_store %arg3[%swap3A_655, %swap3A_656, %swap3A_657], %swap3A_660 {strides = array<i32>} : memref<100x64x128xf32, #tpu.memory_space<vmem>>, vector<1x64x128xf32>,
    %slice3A_661 = vector.extract_strided_slice %reshape3A {offsets = [0, 39, 0], sizes = [128, 1, 128], strides = [1, 1, 1]} : vector<128x50x128xf32> to vector<128x1x128xf32>
    %squeeze3A_662 = vector.shape_cast %slice3A_661 : vector<128x1x128xf32> to vector<128x128xf32>
    %transpose3A_663 = tpu.transpose %squeeze3A_662, [1, 0] : vector<128x128xf32> -> vector<128x128xf32>
    %slice3A_664 = vector.extract_strided_slice %transpose3A_663 {offsets = [0, 0], sizes = [64, 128], strides = [1, 1]} : vector<128x128xf32> to vector<64x128xf32>
    %swap3A_665 = arith.constant 78 : index
    %swap3A_666 = arith.constant 0 : index
    %swap3A_667 = arith.constant 0 : index
    %swap3A_668 = vector.load %arg3[%swap3A_665, %swap3A_666, %swap3A_667] : memref<100x64x128xf32, #tpu.memory_space<vmem>>, vector<1x64x128xf32>
    %swap3A_669 = vector.shape_cast %swap3A_668 : vector<1x64x128xf32> to vector<64x128xf32>
    %swap3A_670 = vector.shape_cast %slice3A_664 : vector<64x128xf32> to vector<1x64x128xf32>
    tpu.vector_store %arg3[%swap3A_665, %swap3A_666, %swap3A_667], %swap3A_670 {strides = array<i32>} : memref<100x64x128xf32, #tpu.memory_space<vmem>>, vector<1x64x128xf32>,
    %slice3A_671 = vector.extract_strided_slice %transpose3A_663 {offsets = [64, 0], sizes = [64, 128], strides = [1, 1]} : vector<128x128xf32> to vector<64x128xf32>
    %swap3A_672 = arith.constant 79 : index
    %swap3A_673 = arith.constant 0 : index
    %swap3A_674 = arith.constant 0 : index
    %swap3A_675 = vector.load %arg3[%swap3A_672, %swap3A_673, %swap3A_674] : memref<100x64x128xf32, #tpu.memory_space<vmem>>, vector<1x64x128xf32>
    %swap3A_676 = vector.shape_cast %swap3A_675 : vector<1x64x128xf32> to vector<64x128xf32>
    %swap3A_677 = vector.shape_cast %slice3A_671 : vector<64x128xf32> to vector<1x64x128xf32>
    tpu.vector_store %arg3[%swap3A_672, %swap3A_673, %swap3A_674], %swap3A_677 {strides = array<i32>} : memref<100x64x128xf32, #tpu.memory_space<vmem>>, vector<1x64x128xf32>,
    %slice3A_678 = vector.extract_strided_slice %reshape3A {offsets = [0, 40, 0], sizes = [128, 1, 128], strides = [1, 1, 1]} : vector<128x50x128xf32> to vector<128x1x128xf32>
    %squeeze3A_679 = vector.shape_cast %slice3A_678 : vector<128x1x128xf32> to vector<128x128xf32>
    %transpose3A_680 = tpu.transpose %squeeze3A_679, [1, 0] : vector<128x128xf32> -> vector<128x128xf32>
    %slice3A_681 = vector.extract_strided_slice %transpose3A_680 {offsets = [0, 0], sizes = [64, 128], strides = [1, 1]} : vector<128x128xf32> to vector<64x128xf32>
    %swap3A_682 = arith.constant 80 : index
    %swap3A_683 = arith.constant 0 : index
    %swap3A_684 = arith.constant 0 : index
    %swap3A_685 = vector.load %arg3[%swap3A_682, %swap3A_683, %swap3A_684] : memref<100x64x128xf32, #tpu.memory_space<vmem>>, vector<1x64x128xf32>
    %swap3A_686 = vector.shape_cast %swap3A_685 : vector<1x64x128xf32> to vector<64x128xf32>
    %swap3A_687 = vector.shape_cast %slice3A_681 : vector<64x128xf32> to vector<1x64x128xf32>
    tpu.vector_store %arg3[%swap3A_682, %swap3A_683, %swap3A_684], %swap3A_687 {strides = array<i32>} : memref<100x64x128xf32, #tpu.memory_space<vmem>>, vector<1x64x128xf32>,
    %slice3A_688 = vector.extract_strided_slice %transpose3A_680 {offsets = [64, 0], sizes = [64, 128], strides = [1, 1]} : vector<128x128xf32> to vector<64x128xf32>
    %swap3A_689 = arith.constant 81 : index
    %swap3A_690 = arith.constant 0 : index
    %swap3A_691 = arith.constant 0 : index
    %swap3A_692 = vector.load %arg3[%swap3A_689, %swap3A_690, %swap3A_691] : memref<100x64x128xf32, #tpu.memory_space<vmem>>, vector<1x64x128xf32>
    %swap3A_693 = vector.shape_cast %swap3A_692 : vector<1x64x128xf32> to vector<64x128xf32>
    %swap3A_694 = vector.shape_cast %slice3A_688 : vector<64x128xf32> to vector<1x64x128xf32>
    tpu.vector_store %arg3[%swap3A_689, %swap3A_690, %swap3A_691], %swap3A_694 {strides = array<i32>} : memref<100x64x128xf32, #tpu.memory_space<vmem>>, vector<1x64x128xf32>,
    %slice3A_695 = vector.extract_strided_slice %reshape3A {offsets = [0, 41, 0], sizes = [128, 1, 128], strides = [1, 1, 1]} : vector<128x50x128xf32> to vector<128x1x128xf32>
    %squeeze3A_696 = vector.shape_cast %slice3A_695 : vector<128x1x128xf32> to vector<128x128xf32>
    %transpose3A_697 = tpu.transpose %squeeze3A_696, [1, 0] : vector<128x128xf32> -> vector<128x128xf32>
    %slice3A_698 = vector.extract_strided_slice %transpose3A_697 {offsets = [0, 0], sizes = [64, 128], strides = [1, 1]} : vector<128x128xf32> to vector<64x128xf32>
    %swap3A_699 = arith.constant 82 : index
    %swap3A_700 = arith.constant 0 : index
    %swap3A_701 = arith.constant 0 : index
    %swap3A_702 = vector.load %arg3[%swap3A_699, %swap3A_700, %swap3A_701] : memref<100x64x128xf32, #tpu.memory_space<vmem>>, vector<1x64x128xf32>
    %swap3A_703 = vector.shape_cast %swap3A_702 : vector<1x64x128xf32> to vector<64x128xf32>
    %swap3A_704 = vector.shape_cast %slice3A_698 : vector<64x128xf32> to vector<1x64x128xf32>
    tpu.vector_store %arg3[%swap3A_699, %swap3A_700, %swap3A_701], %swap3A_704 {strides = array<i32>} : memref<100x64x128xf32, #tpu.memory_space<vmem>>, vector<1x64x128xf32>,
    %slice3A_705 = vector.extract_strided_slice %transpose3A_697 {offsets = [64, 0], sizes = [64, 128], strides = [1, 1]} : vector<128x128xf32> to vector<64x128xf32>
    %swap3A_706 = arith.constant 83 : index
    %swap3A_707 = arith.constant 0 : index
    %swap3A_708 = arith.constant 0 : index
    %swap3A_709 = vector.load %arg3[%swap3A_706, %swap3A_707, %swap3A_708] : memref<100x64x128xf32, #tpu.memory_space<vmem>>, vector<1x64x128xf32>
    %swap3A_710 = vector.shape_cast %swap3A_709 : vector<1x64x128xf32> to vector<64x128xf32>
    %swap3A_711 = vector.shape_cast %slice3A_705 : vector<64x128xf32> to vector<1x64x128xf32>
    tpu.vector_store %arg3[%swap3A_706, %swap3A_707, %swap3A_708], %swap3A_711 {strides = array<i32>} : memref<100x64x128xf32, #tpu.memory_space<vmem>>, vector<1x64x128xf32>,
    %slice3A_712 = vector.extract_strided_slice %reshape3A {offsets = [0, 42, 0], sizes = [128, 1, 128], strides = [1, 1, 1]} : vector<128x50x128xf32> to vector<128x1x128xf32>
    %squeeze3A_713 = vector.shape_cast %slice3A_712 : vector<128x1x128xf32> to vector<128x128xf32>
    %transpose3A_714 = tpu.transpose %squeeze3A_713, [1, 0] : vector<128x128xf32> -> vector<128x128xf32>
    %slice3A_715 = vector.extract_strided_slice %transpose3A_714 {offsets = [0, 0], sizes = [64, 128], strides = [1, 1]} : vector<128x128xf32> to vector<64x128xf32>
    %swap3A_716 = arith.constant 84 : index
    %swap3A_717 = arith.constant 0 : index
    %swap3A_718 = arith.constant 0 : index
    %swap3A_719 = vector.load %arg3[%swap3A_716, %swap3A_717, %swap3A_718] : memref<100x64x128xf32, #tpu.memory_space<vmem>>, vector<1x64x128xf32>
    %swap3A_720 = vector.shape_cast %swap3A_719 : vector<1x64x128xf32> to vector<64x128xf32>
    %swap3A_721 = vector.shape_cast %slice3A_715 : vector<64x128xf32> to vector<1x64x128xf32>
    tpu.vector_store %arg3[%swap3A_716, %swap3A_717, %swap3A_718], %swap3A_721 {strides = array<i32>} : memref<100x64x128xf32, #tpu.memory_space<vmem>>, vector<1x64x128xf32>,
    %slice3A_722 = vector.extract_strided_slice %transpose3A_714 {offsets = [64, 0], sizes = [64, 128], strides = [1, 1]} : vector<128x128xf32> to vector<64x128xf32>
    %swap3A_723 = arith.constant 85 : index
    %swap3A_724 = arith.constant 0 : index
    %swap3A_725 = arith.constant 0 : index
    %swap3A_726 = vector.load %arg3[%swap3A_723, %swap3A_724, %swap3A_725] : memref<100x64x128xf32, #tpu.memory_space<vmem>>, vector<1x64x128xf32>
    %swap3A_727 = vector.shape_cast %swap3A_726 : vector<1x64x128xf32> to vector<64x128xf32>
    %swap3A_728 = vector.shape_cast %slice3A_722 : vector<64x128xf32> to vector<1x64x128xf32>
    tpu.vector_store %arg3[%swap3A_723, %swap3A_724, %swap3A_725], %swap3A_728 {strides = array<i32>} : memref<100x64x128xf32, #tpu.memory_space<vmem>>, vector<1x64x128xf32>,
    %slice3A_729 = vector.extract_strided_slice %reshape3A {offsets = [0, 43, 0], sizes = [128, 1, 128], strides = [1, 1, 1]} : vector<128x50x128xf32> to vector<128x1x128xf32>
    %squeeze3A_730 = vector.shape_cast %slice3A_729 : vector<128x1x128xf32> to vector<128x128xf32>
    %transpose3A_731 = tpu.transpose %squeeze3A_730, [1, 0] : vector<128x128xf32> -> vector<128x128xf32>
    %slice3A_732 = vector.extract_strided_slice %transpose3A_731 {offsets = [0, 0], sizes = [64, 128], strides = [1, 1]} : vector<128x128xf32> to vector<64x128xf32>
    %swap3A_733 = arith.constant 86 : index
    %swap3A_734 = arith.constant 0 : index
    %swap3A_735 = arith.constant 0 : index
    %swap3A_736 = vector.load %arg3[%swap3A_733, %swap3A_734, %swap3A_735] : memref<100x64x128xf32, #tpu.memory_space<vmem>>, vector<1x64x128xf32>
    %swap3A_737 = vector.shape_cast %swap3A_736 : vector<1x64x128xf32> to vector<64x128xf32>
    %swap3A_738 = vector.shape_cast %slice3A_732 : vector<64x128xf32> to vector<1x64x128xf32>
    tpu.vector_store %arg3[%swap3A_733, %swap3A_734, %swap3A_735], %swap3A_738 {strides = array<i32>} : memref<100x64x128xf32, #tpu.memory_space<vmem>>, vector<1x64x128xf32>,
    %slice3A_739 = vector.extract_strided_slice %transpose3A_731 {offsets = [64, 0], sizes = [64, 128], strides = [1, 1]} : vector<128x128xf32> to vector<64x128xf32>
    %swap3A_740 = arith.constant 87 : index
    %swap3A_741 = arith.constant 0 : index
    %swap3A_742 = arith.constant 0 : index
    %swap3A_743 = vector.load %arg3[%swap3A_740, %swap3A_741, %swap3A_742] : memref<100x64x128xf32, #tpu.memory_space<vmem>>, vector<1x64x128xf32>
    %swap3A_744 = vector.shape_cast %swap3A_743 : vector<1x64x128xf32> to vector<64x128xf32>
    %swap3A_745 = vector.shape_cast %slice3A_739 : vector<64x128xf32> to vector<1x64x128xf32>
    tpu.vector_store %arg3[%swap3A_740, %swap3A_741, %swap3A_742], %swap3A_745 {strides = array<i32>} : memref<100x64x128xf32, #tpu.memory_space<vmem>>, vector<1x64x128xf32>,
    %slice3A_746 = vector.extract_strided_slice %reshape3A {offsets = [0, 44, 0], sizes = [128, 1, 128], strides = [1, 1, 1]} : vector<128x50x128xf32> to vector<128x1x128xf32>
    %squeeze3A_747 = vector.shape_cast %slice3A_746 : vector<128x1x128xf32> to vector<128x128xf32>
    %transpose3A_748 = tpu.transpose %squeeze3A_747, [1, 0] : vector<128x128xf32> -> vector<128x128xf32>
    %slice3A_749 = vector.extract_strided_slice %transpose3A_748 {offsets = [0, 0], sizes = [64, 128], strides = [1, 1]} : vector<128x128xf32> to vector<64x128xf32>
    %swap3A_750 = arith.constant 88 : index
    %swap3A_751 = arith.constant 0 : index
    %swap3A_752 = arith.constant 0 : index
    %swap3A_753 = vector.load %arg3[%swap3A_750, %swap3A_751, %swap3A_752] : memref<100x64x128xf32, #tpu.memory_space<vmem>>, vector<1x64x128xf32>
    %swap3A_754 = vector.shape_cast %swap3A_753 : vector<1x64x128xf32> to vector<64x128xf32>
    %swap3A_755 = vector.shape_cast %slice3A_749 : vector<64x128xf32> to vector<1x64x128xf32>
    tpu.vector_store %arg3[%swap3A_750, %swap3A_751, %swap3A_752], %swap3A_755 {strides = array<i32>} : memref<100x64x128xf32, #tpu.memory_space<vmem>>, vector<1x64x128xf32>,
    %slice3A_756 = vector.extract_strided_slice %transpose3A_748 {offsets = [64, 0], sizes = [64, 128], strides = [1, 1]} : vector<128x128xf32> to vector<64x128xf32>
    %swap3A_757 = arith.constant 89 : index
    %swap3A_758 = arith.constant 0 : index
    %swap3A_759 = arith.constant 0 : index
    %swap3A_760 = vector.load %arg3[%swap3A_757, %swap3A_758, %swap3A_759] : memref<100x64x128xf32, #tpu.memory_space<vmem>>, vector<1x64x128xf32>
    %swap3A_761 = vector.shape_cast %swap3A_760 : vector<1x64x128xf32> to vector<64x128xf32>
    %swap3A_762 = vector.shape_cast %slice3A_756 : vector<64x128xf32> to vector<1x64x128xf32>
    tpu.vector_store %arg3[%swap3A_757, %swap3A_758, %swap3A_759], %swap3A_762 {strides = array<i32>} : memref<100x64x128xf32, #tpu.memory_space<vmem>>, vector<1x64x128xf32>,
    %slice3A_763 = vector.extract_strided_slice %reshape3A {offsets = [0, 45, 0], sizes = [128, 1, 128], strides = [1, 1, 1]} : vector<128x50x128xf32> to vector<128x1x128xf32>
    %squeeze3A_764 = vector.shape_cast %slice3A_763 : vector<128x1x128xf32> to vector<128x128xf32>
    %transpose3A_765 = tpu.transpose %squeeze3A_764, [1, 0] : vector<128x128xf32> -> vector<128x128xf32>
    %slice3A_766 = vector.extract_strided_slice %transpose3A_765 {offsets = [0, 0], sizes = [64, 128], strides = [1, 1]} : vector<128x128xf32> to vector<64x128xf32>
    %swap3A_767 = arith.constant 90 : index
    %swap3A_768 = arith.constant 0 : index
    %swap3A_769 = arith.constant 0 : index
    %swap3A_770 = vector.load %arg3[%swap3A_767, %swap3A_768, %swap3A_769] : memref<100x64x128xf32, #tpu.memory_space<vmem>>, vector<1x64x128xf32>
    %swap3A_771 = vector.shape_cast %swap3A_770 : vector<1x64x128xf32> to vector<64x128xf32>
    %swap3A_772 = vector.shape_cast %slice3A_766 : vector<64x128xf32> to vector<1x64x128xf32>
    tpu.vector_store %arg3[%swap3A_767, %swap3A_768, %swap3A_769], %swap3A_772 {strides = array<i32>} : memref<100x64x128xf32, #tpu.memory_space<vmem>>, vector<1x64x128xf32>,
    %slice3A_773 = vector.extract_strided_slice %transpose3A_765 {offsets = [64, 0], sizes = [64, 128], strides = [1, 1]} : vector<128x128xf32> to vector<64x128xf32>
    %swap3A_774 = arith.constant 91 : index
    %swap3A_775 = arith.constant 0 : index
    %swap3A_776 = arith.constant 0 : index
    %swap3A_777 = vector.load %arg3[%swap3A_774, %swap3A_775, %swap3A_776] : memref<100x64x128xf32, #tpu.memory_space<vmem>>, vector<1x64x128xf32>
    %swap3A_778 = vector.shape_cast %swap3A_777 : vector<1x64x128xf32> to vector<64x128xf32>
    %swap3A_779 = vector.shape_cast %slice3A_773 : vector<64x128xf32> to vector<1x64x128xf32>
    tpu.vector_store %arg3[%swap3A_774, %swap3A_775, %swap3A_776], %swap3A_779 {strides = array<i32>} : memref<100x64x128xf32, #tpu.memory_space<vmem>>, vector<1x64x128xf32>,
    %slice3A_780 = vector.extract_strided_slice %reshape3A {offsets = [0, 46, 0], sizes = [128, 1, 128], strides = [1, 1, 1]} : vector<128x50x128xf32> to vector<128x1x128xf32>
    %squeeze3A_781 = vector.shape_cast %slice3A_780 : vector<128x1x128xf32> to vector<128x128xf32>
    %transpose3A_782 = tpu.transpose %squeeze3A_781, [1, 0] : vector<128x128xf32> -> vector<128x128xf32>
    %slice3A_783 = vector.extract_strided_slice %transpose3A_782 {offsets = [0, 0], sizes = [64, 128], strides = [1, 1]} : vector<128x128xf32> to vector<64x128xf32>
    %swap3A_784 = arith.constant 92 : index
    %swap3A_785 = arith.constant 0 : index
    %swap3A_786 = arith.constant 0 : index
    %swap3A_787 = vector.load %arg3[%swap3A_784, %swap3A_785, %swap3A_786] : memref<100x64x128xf32, #tpu.memory_space<vmem>>, vector<1x64x128xf32>
    %swap3A_788 = vector.shape_cast %swap3A_787 : vector<1x64x128xf32> to vector<64x128xf32>
    %swap3A_789 = vector.shape_cast %slice3A_783 : vector<64x128xf32> to vector<1x64x128xf32>
    tpu.vector_store %arg3[%swap3A_784, %swap3A_785, %swap3A_786], %swap3A_789 {strides = array<i32>} : memref<100x64x128xf32, #tpu.memory_space<vmem>>, vector<1x64x128xf32>,
    %slice3A_790 = vector.extract_strided_slice %transpose3A_782 {offsets = [64, 0], sizes = [64, 128], strides = [1, 1]} : vector<128x128xf32> to vector<64x128xf32>
    %swap3A_791 = arith.constant 93 : index
    %swap3A_792 = arith.constant 0 : index
    %swap3A_793 = arith.constant 0 : index
    %swap3A_794 = vector.load %arg3[%swap3A_791, %swap3A_792, %swap3A_793] : memref<100x64x128xf32, #tpu.memory_space<vmem>>, vector<1x64x128xf32>
    %swap3A_795 = vector.shape_cast %swap3A_794 : vector<1x64x128xf32> to vector<64x128xf32>
    %swap3A_796 = vector.shape_cast %slice3A_790 : vector<64x128xf32> to vector<1x64x128xf32>
    tpu.vector_store %arg3[%swap3A_791, %swap3A_792, %swap3A_793], %swap3A_796 {strides = array<i32>} : memref<100x64x128xf32, #tpu.memory_space<vmem>>, vector<1x64x128xf32>,
    %slice3A_797 = vector.extract_strided_slice %reshape3A {offsets = [0, 47, 0], sizes = [128, 1, 128], strides = [1, 1, 1]} : vector<128x50x128xf32> to vector<128x1x128xf32>
    %squeeze3A_798 = vector.shape_cast %slice3A_797 : vector<128x1x128xf32> to vector<128x128xf32>
    %transpose3A_799 = tpu.transpose %squeeze3A_798, [1, 0] : vector<128x128xf32> -> vector<128x128xf32>
    %slice3A_800 = vector.extract_strided_slice %transpose3A_799 {offsets = [0, 0], sizes = [64, 128], strides = [1, 1]} : vector<128x128xf32> to vector<64x128xf32>
    %swap3A_801 = arith.constant 94 : index
    %swap3A_802 = arith.constant 0 : index
    %swap3A_803 = arith.constant 0 : index
    %swap3A_804 = vector.load %arg3[%swap3A_801, %swap3A_802, %swap3A_803] : memref<100x64x128xf32, #tpu.memory_space<vmem>>, vector<1x64x128xf32>
    %swap3A_805 = vector.shape_cast %swap3A_804 : vector<1x64x128xf32> to vector<64x128xf32>
    %swap3A_806 = vector.shape_cast %slice3A_800 : vector<64x128xf32> to vector<1x64x128xf32>
    tpu.vector_store %arg3[%swap3A_801, %swap3A_802, %swap3A_803], %swap3A_806 {strides = array<i32>} : memref<100x64x128xf32, #tpu.memory_space<vmem>>, vector<1x64x128xf32>,
    %slice3A_807 = vector.extract_strided_slice %transpose3A_799 {offsets = [64, 0], sizes = [64, 128], strides = [1, 1]} : vector<128x128xf32> to vector<64x128xf32>
    %swap3A_808 = arith.constant 95 : index
    %swap3A_809 = arith.constant 0 : index
    %swap3A_810 = arith.constant 0 : index
    %swap3A_811 = vector.load %arg3[%swap3A_808, %swap3A_809, %swap3A_810] : memref<100x64x128xf32, #tpu.memory_space<vmem>>, vector<1x64x128xf32>
    %swap3A_812 = vector.shape_cast %swap3A_811 : vector<1x64x128xf32> to vector<64x128xf32>
    %swap3A_813 = vector.shape_cast %slice3A_807 : vector<64x128xf32> to vector<1x64x128xf32>
    tpu.vector_store %arg3[%swap3A_808, %swap3A_809, %swap3A_810], %swap3A_813 {strides = array<i32>} : memref<100x64x128xf32, #tpu.memory_space<vmem>>, vector<1x64x128xf32>,
    %slice3A_814 = vector.extract_strided_slice %reshape3A {offsets = [0, 48, 0], sizes = [128, 1, 128], strides = [1, 1, 1]} : vector<128x50x128xf32> to vector<128x1x128xf32>
    %squeeze3A_815 = vector.shape_cast %slice3A_814 : vector<128x1x128xf32> to vector<128x128xf32>
    %transpose3A_816 = tpu.transpose %squeeze3A_815, [1, 0] : vector<128x128xf32> -> vector<128x128xf32>
    %slice3A_817 = vector.extract_strided_slice %transpose3A_816 {offsets = [0, 0], sizes = [64, 128], strides = [1, 1]} : vector<128x128xf32> to vector<64x128xf32>
    %swap3A_818 = arith.constant 96 : index
    %swap3A_819 = arith.constant 0 : index
    %swap3A_820 = arith.constant 0 : index
    %swap3A_821 = vector.load %arg3[%swap3A_818, %swap3A_819, %swap3A_820] : memref<100x64x128xf32, #tpu.memory_space<vmem>>, vector<1x64x128xf32>
    %swap3A_822 = vector.shape_cast %swap3A_821 : vector<1x64x128xf32> to vector<64x128xf32>
    %swap3A_823 = vector.shape_cast %slice3A_817 : vector<64x128xf32> to vector<1x64x128xf32>
    tpu.vector_store %arg3[%swap3A_818, %swap3A_819, %swap3A_820], %swap3A_823 {strides = array<i32>} : memref<100x64x128xf32, #tpu.memory_space<vmem>>, vector<1x64x128xf32>,
    %slice3A_824 = vector.extract_strided_slice %transpose3A_816 {offsets = [64, 0], sizes = [64, 128], strides = [1, 1]} : vector<128x128xf32> to vector<64x128xf32>
    %swap3A_825 = arith.constant 97 : index
    %swap3A_826 = arith.constant 0 : index
    %swap3A_827 = arith.constant 0 : index
    %swap3A_828 = vector.load %arg3[%swap3A_825, %swap3A_826, %swap3A_827] : memref<100x64x128xf32, #tpu.memory_space<vmem>>, vector<1x64x128xf32>
    %swap3A_829 = vector.shape_cast %swap3A_828 : vector<1x64x128xf32> to vector<64x128xf32>
    %swap3A_830 = vector.shape_cast %slice3A_824 : vector<64x128xf32> to vector<1x64x128xf32>
    tpu.vector_store %arg3[%swap3A_825, %swap3A_826, %swap3A_827], %swap3A_830 {strides = array<i32>} : memref<100x64x128xf32, #tpu.memory_space<vmem>>, vector<1x64x128xf32>,
    %slice3A_831 = vector.extract_strided_slice %reshape3A {offsets = [0, 49, 0], sizes = [128, 1, 128], strides = [1, 1, 1]} : vector<128x50x128xf32> to vector<128x1x128xf32>
    %squeeze3A_832 = vector.shape_cast %slice3A_831 : vector<128x1x128xf32> to vector<128x128xf32>
    %transpose3A_833 = tpu.transpose %squeeze3A_832, [1, 0] : vector<128x128xf32> -> vector<128x128xf32>
    %slice3A_834 = vector.extract_strided_slice %transpose3A_833 {offsets = [0, 0], sizes = [64, 128], strides = [1, 1]} : vector<128x128xf32> to vector<64x128xf32>
    %swap3A_835 = arith.constant 98 : index
    %swap3A_836 = arith.constant 0 : index
    %swap3A_837 = arith.constant 0 : index
    %swap3A_838 = vector.load %arg3[%swap3A_835, %swap3A_836, %swap3A_837] : memref<100x64x128xf32, #tpu.memory_space<vmem>>, vector<1x64x128xf32>
    %swap3A_839 = vector.shape_cast %swap3A_838 : vector<1x64x128xf32> to vector<64x128xf32>
    %swap3A_840 = vector.shape_cast %slice3A_834 : vector<64x128xf32> to vector<1x64x128xf32>
    tpu.vector_store %arg3[%swap3A_835, %swap3A_836, %swap3A_837], %swap3A_840 {strides = array<i32>} : memref<100x64x128xf32, #tpu.memory_space<vmem>>, vector<1x64x128xf32>,
    %slice3A_841 = vector.extract_strided_slice %transpose3A_833 {offsets = [64, 0], sizes = [64, 128], strides = [1, 1]} : vector<128x128xf32> to vector<64x128xf32>
    %swap3A_842 = arith.constant 99 : index
    %swap3A_843 = arith.constant 0 : index
    %swap3A_844 = arith.constant 0 : index
    %swap3A_845 = vector.load %arg3[%swap3A_842, %swap3A_843, %swap3A_844] : memref<100x64x128xf32, #tpu.memory_space<vmem>>, vector<1x64x128xf32>
    %swap3A_846 = vector.shape_cast %swap3A_845 : vector<1x64x128xf32> to vector<64x128xf32>
    %swap3A_847 = vector.shape_cast %slice3A_841 : vector<64x128xf32> to vector<1x64x128xf32>
    tpu.vector_store %arg3[%swap3A_842, %swap3A_843, %swap3A_844], %swap3A_847 {strides = array<i32>} : memref<100x64x128xf32, #tpu.memory_space<vmem>>, vector<1x64x128xf32>,
    return
  }
  func.func @transform_0(%arg0: i32) -> (i32, i32) {
    %c0_i32 = arith.constant 0 : i32
    %c0_i32_0 = arith.constant 0 : i32
    return %arg0, %c0_i32 : i32, i32
  }
  func.func @transform_2(%arg0: i32) -> (i32, i32, i32) {
    %c1_i32 = arith.constant 1 : i32
    %c0_i32 = arith.constant 0 : i32
    %c0_i32_0 = arith.constant 0 : i32
    return %c1_i32, %c0_i32, %arg0 : i32, i32, i32
  }
}

</mosaic_0001>

<sc_bundles>
// kernel: kernel.11.cloned.1.call-start
scs
__scs_entry_jumppad:
0x0: {  	(pc) =	sbr.rel $0x88, $3  }
0x1: {  	(tag) =	ssettag $0x0;
	lr =	simm.s32 $0x1  }
0x2: {  	[smem:$0x3F9E] =	sst lr;
	_ =	strace $0xD0000000  }
0x3: {  	_ = 	snop  }
0x4: {  	_ = 	snop  }
0x5: {  	_ = 	snop  }
0x6: {  	_ = 	snop  }
0x7: {  	_ = 	snop  }
__scs_overlays_trampoline_lowered:
0x8: {  	[smem:$0x3FAD] =	sst s0  }
0x9: {  	[smem:$0x3FAE] =	sst s1  }
0xa: {  	[smem:$0x3FAF] =	sst s2  }
0xb: {  	[smem:$0x3FB0] =	sst s3  }
0xc: {  	[smem:$0x3FB1] =	sst s4  }
0xd: {  	[smem:$0x3FB2] =	sst s5  }
0xe: {  	[smem:$0x3FB3] =	sst s6  }
0xf: {  	[smem:$0x3FB4] =	sst s7  }
0x10: {  	[smem:$0x3FB5] =	sst s8  }
0x11: {  	[smem:$0x3FB6] =	sst s9;
	s0 =	simm.s32 @!p0 $0x0  }
0x12: {  	s1 =	sld [smem:$0x3F9C];
	s0 =	simm.s32 @p0 $0x1  }
0x13: {  	[smem:$0x3FB7] =	sst s0;
	s0 =	simm.s32 @!p1 $0x0  }
0x14: {  	s2 =	sld [smem:$0x3F9B];
	s0 =	simm.s32 @p1 $0x1  }
0x15: {  	[smem:$0x3FB8] =	sst s0;
	s0 =	simm.s32 @!p2 $0x0  }
0x16: {  	s3 =	sld [smem:$0x3FDB];
	s0 =	simm.s32 @p2 $0x1  }
0x17: {  	s4 =	simm.s32 $0x1BF5;
	[smem:$0x3FBA] =	sst s0  }
0x18: {  	s0 =	sld [smem:$0x3F9D];
	_ =	swait.ge [sflag:s4], $0x0  }
0x19: {  	s7 =	sld [smem:$0x3F9E]  }
0x1a: {  	s8 =	sadd.s32 $0xFFFFE003, lr  }
0x1b: {  	s9 =	sadd.s32 $0xFFFFFEF7, lr;
	s5 =	simm.s32 $0xFFFFFFFF;
	p2 =	slt.u32 s8, $0xFFFFF086  }
0x1c: {  	p1 =	slt.u32 s9, $0xF7A;
	s5 =	simm.s32 @!p2 $0x0  }
0x1d: {  	s5 =	simm.s32 @p1 $0x1;
	p0 =	seq.s32 s7, s2  }
0x1e: {  	s7 =	smul.u32 @!p0 $0xF7A, s2;
	p2 =	seq.s32 @!p0 s5, $0x0  }
0x1f: {  	s9 =	smul.u32 $0xF7A, s1;
	s8 =	simm.s32 @!p0 $0x1BF5;
	p2 =	por !p2, p0  }
0x20: {  	[sflag:s8] =	ssyncset.s32 @!p0 $0xFFFFF086;
	s6 =	sadd.s32 @!p0 s3, s7;
	s7 =	simm.s32 @!p0 $0x108  }
0x21: {  	s3 =	sadd.s32 s3, s9;
	s6 =	sadd.s32 @!p0 $0x88, s6;
	s7 =	simm.s32 @p2 $0x1082  }
0x22: {  	[simem:s7], [sflag:s8] =	dma.local @!p0 [hbm:s6], $0xF7A  }
0x23: {  	s9 =	sor.u32 $0xD0000000, s2;
	s6 =	simm.s32 $0x108;
	_ =	swait.ge @!p0 [sflag:s8], $0x0  }
0x24: {  	s3 =	sadd.s32 $0x88, s3;
	s6 =	simm.s32 @!p1 $0x1082;
	[sflag:s4] =	ssyncset.s32 $0xFFFFF086  }
0x25: {  	[simem:s6], [sflag:s4] =	dma.local [hbm:s3], $0xF7A  }
0x26: {  	[smem:$0x3F9E] =	sst s1;
	(tag) =	ssettag s2;
	_ =	strace s9  }
0x27: {  	s1 =	sld [smem:$0x3FAE]  }
0x28: {  	s2 =	sld [smem:$0x3FAF]  }
0x29: {  	s4 =	sld [smem:$0x3FB1]  }
0x2a: {  	p0 =	seq.s32 s5, $0x0;
	s5 =	sld [smem:$0x3FB2]  }
0x2b: {  	s6 =	sld [smem:$0x3FB3]  }
0x2c: {  	s7 =	sld [smem:$0x3FB4]  }
0x2d: {  	s3 =	simm.s32 $0x108;
	s8 =	sld [smem:$0x3FB5]  }
0x2e: {  	s3 =	simm.s32 @!p0 $0x1082;
	s9 =	sld [smem:$0x3FB6]  }
0x2f: {  	lr =	sadd.s32 s0, s3;
	s0 =	sld [smem:$0x3FAD]  }
0x30: {  	s3 =	sld [smem:$0x3FB0]  }
0x31: {  	[smem:$0x3FB9] =	sst s10  }
0x32: {  	s10 =	sld [smem:$0x3FB7];
	_ =	sdelay $0x3  }
0x33: {  	p0 =	seq.s32 s10, $0x1;
	s10 =	sld [smem:$0x3FB9];
	_ =	sdelay $0x3  }
0x34: {  	[smem:$0x3FB9] =	sst s10  }
0x35: {  	s10 =	sld [smem:$0x3FB8];
	_ =	sdelay $0x3  }
0x36: {  	p1 =	seq.s32 s10, $0x1;
	s10 =	sld [smem:$0x3FB9];
	_ =	sdelay $0x3  }
0x37: {  	[smem:$0x3FB9] =	sst s10  }
0x38: {  	s10 =	sld [smem:$0x3FBA]  }
0x39: {  	_ = 	snop;
	(pc) =	sbr.ind lr, $3  }
0x3a: {  	_ = 	snop  }
0x3b: {  	_ = 	snop  }
0x3c: {  	p2 =	seq.s32 s10, $0x1;
	s10 =	sld [smem:$0x3FB9]  }
0x3d: {  	_ =	shalt  }
0x3e: {  	_ =	shalt  }
0x3f: {  	_ =	shalt  }
0x40: {  	_ =	shalt  }
0x41: {  	_ =	shalt  }
0x42: {  	_ =	shalt  }
0x43: {  	_ =	shalt  }
0x44: {  	_ =	shalt  }
0x45: {  	_ =	shalt  }
0x46: {  	_ =	shalt  }
0x47: {  	_ =	shalt  }
0x48: {  	_ =	shalt  }
0x49: {  	_ =	shalt  }
0x4a: {  	_ =	shalt  }
0x4b: {  	_ =	shalt  }
0x4c: {  	_ =	shalt  }
0x4d: {  	_ =	shalt  }
0x4e: {  	_ =	shalt  }
0x4f: {  	_ =	shalt  }
0x50: {  	_ =	shalt  }
0x51: {  	_ =	shalt  }
0x52: {  	_ =	shalt  }
0x53: {  	_ =	shalt  }
0x54: {  	_ =	shalt  }
0x55: {  	_ =	shalt  }
0x56: {  	_ =	shalt  }
0x57: {  	_ =	shalt  }
0x58: {  	_ =	shalt  }
0x59: {  	_ =	shalt  }
0x5a: {  	_ =	shalt  }
0x5b: {  	_ =	shalt  }
0x5c: {  	_ =	shalt  }
0x5d: {  	_ =	shalt  }
0x5e: {  	_ =	shalt  }
0x5f: {  	_ =	shalt  }
0x60: {  	_ =	shalt  }
0x61: {  	_ =	shalt  }
0x62: {  	_ =	shalt  }
0x63: {  	_ =	shalt  }
0x64: {  	_ =	shalt  }
0x65: {  	_ =	shalt  }
0x66: {  	_ =	shalt  }
0x67: {  	_ =	shalt  }
0x68: {  	_ =	shalt  }
0x69: {  	_ =	shalt  }
0x6a: {  	_ =	shalt  }
0x6b: {  	_ =	shalt  }
0x6c: {  	_ =	shalt  }
0x6d: {  	_ =	shalt  }
0x6e: {  	_ =	shalt  }
0x6f: {  	_ =	shalt  }
0x70: {  	_ =	shalt  }
0x71: {  	_ =	shalt  }
0x72: {  	_ =	shalt  }
0x73: {  	_ =	shalt  }
0x74: {  	_ =	shalt  }
0x75: {  	_ =	shalt  }
0x76: {  	_ =	shalt  }
0x77: {  	_ =	shalt  }
0x78: {  	_ =	shalt  }
0x79: {  	_ =	shalt  }
0x7a: {  	_ =	shalt  }
0x7b: {  	_ =	shalt  }
0x7c: {  	_ =	shalt  }
0x7d: {  	_ =	shalt  }
0x7e: {  	_ =	shalt  }
0x7f: {  	_ =	shalt  }
0x80: {  	_ =	shalt  }
0x81: {  	_ =	shalt  }
0x82: {  	_ =	shalt  }
0x83: {  	_ =	shalt  }
0x84: {  	_ =	shalt  }
0x85: {  	_ =	shalt  }
0x86: {  	_ =	shalt  }
0x87: {  	_ =	shalt  }
.Lfunc_end0:
.L_simem_size_0:
called_computation.1_lowered:
.L_overlay_start_0:
0x88: {  	s2 =	sld [smem:$0x3FD9]  }
0x89: {  	s3 =	sld [smem:$0x3FFE];
	_ =	sdelay $0x1  }
0x8a: {  	s1 =	srdreg.scid  }
0x8b: {  	s0 =	sand.u32 $0x1, s1  }
0x8c: {  	s17 =	sshll.u32 s0, $0xA;
	s2 =	sadd.s32 s3, s2  }
0x8d: {  	s2 =	sadd.s32 s2, s17  }
0x8e: {  	[smem:$0x3FC5] =	sst s2  }
0x8f: {  	_ = 	snop  }
0x90: {  	(tm) =	ssettm $0x1  }
0x91: {  	s18 =	sld [smem:$0x3FFB];
	_ =	sdelay $0x3  }
0x92: {  	_ =	strace s18  }
0x93: {  	s2 =	sld [smem:$0x3FFC];
	_ =	sdelay $0x3  }
0x94: {  	_ =	strace s2  }
0x95: {  	s2 =	sld [smem:$0x3FFD];
	_ =	sdelay $0x3  }
0x96: {  	_ =	strace s2  }
0x97: {  	_ =	strace $0x8FFFFFFF  }
0x98: {  	s19 =	sld [smem:$0x3FDB];
	_ =	sdelay $0x1  }
0x99: {  	s20 =	simm.s32 $_scs_section_size  }
0x9a: {  	s4 =	simm.s32 $_size__tile_overlayer_lowered;
	s5 =	simm.s32 $_tile_overlayer_lowered  }
0x9b: {  	s6 =	simm.s32 $0x1BFF;
	s21 =	sshll.u32 s5, $0x1;
	s3 =	sadd.s32 s20, s19  }
0x9c: {  	s22 =	simm.s32 $0x0;
	s4 =	sshll.u32 s4, $0x1;
	s5 =	sadd.s32 s21, s3  }
0x9d: {  	[timem:s22], [sflag:s6] =	dma.local [hbm:s5], s4  }
0x9e: {  	_ =	swait.ge [sflag:s6], s4  }
0x9f: {  	s4 =	ssub.s32 $0x0, s4;
	[sflag:s6] =	ssyncset.done $0x0  }
0xa0: {  	[sflag:s6] =	ssyncadd.s32 s4;
	_ =	sdelay $0x1  }
0xa1: {  	s23 =	simm.s32 $0x1B8B  }
0xa2: {  	_ =	swait.ge [sflag:s23], $0x1  }
0xa3: {  	[sflag:s23] =	ssyncset.done $0x0  }
0xa4: {  	[sflag:s23] =	ssyncadd.s32 $0xFFFFFFFF  }
0xa5: {  	s4 =	sld [smem:$0x0]  }
0xa6: {  	s5 =	sand.u32 $0xFFFFFFFE, s1  }
0xa7: {  	p0 =	sne.s32 s1, s5  }
0xa8: {  	s5 =	sshll.u32 @p0 s5, $0xE  }
0xa9: {  	s5 =	sadd.s32 @p0 $0x11B8D, s5;
	s6 =	sshll.u32 @p0 s4, $0x11  }
0xaa: {  	s5 =	sor.u32 @p0 s6, s5  }
0xab: {  	[sflag:s5] =	ssyncadd.remote.s32 @p0 $0x1;
	_ =	sdelay $0x1  }
0xac: {  	s5 =	simm.s32 @p0 $0x1B8D  }
0xad: {  	_ =	swait.eq @p0 [sflag:s5], $0x1  }
0xae: {  	[sflag:s5] =	ssyncadd.s32 @p0 $0xFFFFFFFF  }
0xaf: {  	s6 =	sshll.u32 @!p0 s1, $0xE  }
0xb0: {  	s6 =	sor.u32 @!p0 $0x4000, s6;
	s5 =	simm.s32 @!p0 $0x1B8D  }
0xb1: {  	s4 =	sshll.u32 @!p0 s4, $0x11;
	s6 =	sadd.s32 @!p0 $0x11B8D, s6;
	_ =	swait.eq @!p0 [sflag:s5], $0x1  }
0xb2: {  	s4 =	sor.u32 @!p0 s4, s6;
	[sflag:s5] =	ssyncadd.s32 @!p0 $0xFFFFFFFF  }
0xb3: {  	s25 =	simm.s32 $0x1B8E;
	s24 =	sld [smem:$0x3FFE];
	[sflag:s4] =	ssyncadd.remote.s32 @!p0 $0x1  }
0xb4: {  	s26 =	simm.s32 $execute0_lowered;
	[smem:$0x3FD2] =	sst s25  }
0xb5: {  	s5 =	sshll.u32 s26, $0x1;
	_ =	strace $0x80000049;
	[dreg:$0x1] =	wrdreg $0xFFFFFFFF  }
0xb6: {  	s28 =	simm.s32 $_size_execute0_lowered;
	s3 =	sadd.s32 s3, s5;
	[dreg:$0x0] =	wrdreg $0x0  }
0xb7: {  	s5 =	sshll.u32 s28, $0x1;
	[dreg:$0x2] =	wrdreg s3  }
0xb8: {  	[dreg:$0x3] =	wrdreg s5  }
0xb9: {  	[dreg:$0x4] =	wrdreg $0xC0  }
0xba: {  	_ =	task [dreg:s22], $0x5FFFF  }
0xbb: {  	[dreg:$0x1] =	wrdreg $0xFFFFFFFF  }
0xbc: {  	[dreg:$0x0] =	wrdreg $0x60  }
0xbd: {  	[dreg:$0x2] =	wrdreg s24  }
0xbe: {  	[dreg:$0x3] =	wrdreg $0xA  }
0xbf: {  	_ =	task.clear_ibuf [dreg:s22], $0x4FFFF;
	_ =	strace $0x90000049  }
0xc0: {  	s29 =	simm.s32 $0xA;
	_ =	strace $0x8000004B  }
0xc1: {  	_ =	swait.ge [sflag:s29], $0x1  }
0xc2: {  	[sflag:s29] =	ssyncadd.s32 $0xFFFFFFFF  }
0xc3: {  	_ =	strace $0x9000004B  }
0xc4: {  	_ =	sfence  }
0xc5: {  	s30 =	sld [smem:$0x0];
	_ =	sdelay $0x2  }
0xc6: {  	s31 =	sshll.u32 s1, $0xD;
	s1 =	sshrl.u32 s1, $0x2  }
0xc7: {  	s4 =	sand.u32 $0x4000, s31;
	s1 =	sadd.s32 s1, s30  }
0xc8: {  	s0 =	sor.u32 s4, s0;
	s1 =	sshll.u32 s1, $0x11  }
0xc9: {  	s0 =	sor.u32 s1, s0  }
0xca: {  	s0 =	sadd.s32 $0x8F2B, s0  }
0xcb: {  	[sflag:s0] =	ssyncadd.remote.s32 $0x1  }
0xcc: {  	_ =	sfence.sel $0xFFFF  }
0xcd: {  	[dreg:$0x0] =	wrdreg $0xFFFFFFFF;
	(pc) =	sbr.abs _section_cstart, $3  }
0xce: {  	[dreg:$0x1] =	wrdreg $0xFFFFFFFF  }
0xcf: {  	_ =	task.clear_ibuf [dreg:s22], $0x2FFFF;
	_ =	strace $0x9FFFFFFF  }
0xd0: {  	(tm) =	ssettm $0x7FFFFFFF  }
0xd1: {  	_ =	shalt  }
tec
execute0_lowered:
.L_overlay_start_1:
0x0: {  	(tag) =	ssettag $0x1  }
0x1: {  	s0 =	rddreg [dreg:$0x0];
	s1 =	srdreg.scid  }
0x2: {  	s3 =	stileid.u32;
	s2 =	simm.s32 $0x0;
	s16 =	simm.s32 $0x80  }
0x3: {  	s19 =	simm.s32 $0x9;
	s21 =	simm.s32 $0xA;
	s23 =	simm.s32 $0xB  }
0x4: {  	s29 =	simm.s32 $0xB200;
	s28 =	simm.s32 $0xC;
	s30 =	simm.s32 $0x2  }
0x5: {  	s31 =	simm.s32 $0x6;
	s17 =	simm.s32 $0x4;
	s13 =	simm.s32 $0x0  }
0x6: {  	s1 =	sand.u32 $0x1, s1;
	s3 =	sshll.u32 s3, $0x8;
	[smem:$0x7FF] =	sst s2  }
0x7: {  	s9 =	sadd.s32 $0x27000, s0;
	s10 =	sadd.s32 $0x27400, s0;
	s24 =	sadd.s32 $0x27800, s0  }
0x8: {  	s25 =	sadd.s32 $0x27C00, s0;
	_ =	strace $0x8000004A;
	[dreg:$0x3] =	wrdreg s24  }
0x9: {  	s4 =	sshll.u32 s1, $0x7;
	s1 =	ssub.s32 $0x2, s1;
	[dreg:$0x4] =	wrdreg s25  }
0xa: {  	s25 =	simm.s32 $0x1;
	s5 =	sor.u32 s4, s3;
	s7 =	sshrl.u32 s1, $0x1  }
0xb: {  	s4 =	sadd.s32 $0x4F2A00, s0;
	s3 =	sshrl.u32 s5, $0x3;
	s1 =	ssub.s32 s1, s7  }
0xc: {  	s7 =	sadd.s32 $0x26C00, s0;
	s8 =	smul.u32 $0x1900, s5;
	s6 =	sadd.s32 s3, s0  }
0xd: {  	s3 =	sadd.s32 $0x3F800, s0;
	s26 =	smax.u32 s1, $0x1;
	s1 =	simm.s32 $0x7  }
0xe: {  	s6 =	sadd.s32 $0x4E6200, s6;
	s12 =	sor.u32 $0x40, s8;
	[dreg:$0x6] =	wrdreg s26  }
0xf: {  	[dreg:$0x2] =	wrdreg s6;
	s6 =	sadd.s32 $0x26800, s0;
	s0 =	sadd.s32 $0x28000, s0  }
0x10: {  	s26 =	simm.s32 $0x5;
	[dreg:$0x5] =	wrdreg s0;
	s0 =	simm.s32 $0x3  }
.LBB2_1:
0x11: {  	[dreg:$0x7] =	wrdreg s13  }
0x12: {  	s5 =	rddreg [dreg:$0x2];
	s11 =	simm.s32 $0x1000;
	s24 =	simm.s32 $0xD  }
0x13: {  	[tilespmem:s2], [sflag:$0xD] =	stream.strided.gather [hbm4b:s5+s16], $0x3200, s11, s16, $0x38;
	[tilespmem:$0x13200] =	vst v63  }
0x14: {  	_ =	swait.ge [sflag:s24], $0x3200  }
0x15: {  	s14 =	sadd.s32 $0x0, s6;
	s13 =	simm.s32 $0x3200;
	[sflag:s24] =	ssyncset.done $0x0  }
0x16: {  	s5 =	simm.s32 $0x8;
	s11 =	simm.s32 $0x3280;
	[sflag:s24] =	ssyncadd.s32 $0xFFFFCE00  }
.LBB2_2:
0x17: {  	[tilespmem:s13], [sflag:$0x9] =	stream.linear.gather [hbm4b:s14+s2], $0x40, $0x38;
	[tilespmem:$0x13200] =	vst v63  }
0x18: {  	s14 =	smov.u32 s5;
	s13 =	smov.u32 s11;
	p0 =	sne.s32 s5, $0x3F8  }
.Ltmp0:
0x19: {  	s5 =	sadd.s32 $0x8, s5;
	(pc) =	sbr.rel @p0 .LBB2_2-.Ltmp0, $2  }
0x1a: {  	_ =	sdelay $0x2  }
0x1b: {  	s11 =	sadd.s32 $0x80, s11;
	s14 =	sadd.s32 s14, s6  }
0x1c: {  	[tilespmem:s13], [sflag:$0x9] =	stream.linear.gather [hbm4b:s14+s2], $0x40, $0x38;
	[tilespmem:$0x13200] =	vst v63  }
0x1d: {  	s5 =	simm.s32 $0x7200  }
0x1e: {  	s11 =	simm.s32 $0x8;
	s14 =	sadd.s32 $0x0, s7;
	s13 =	simm.s32 $0x7280  }
.LBB2_4:
0x1f: {  	[tilespmem:s5], [sflag:$0xA] =	stream.linear.gather [hbm4b:s14+s2], $0x40, $0x38;
	[tilespmem:$0x13200] =	vst v63  }
0x20: {  	s14 =	smov.u32 s11;
	s5 =	smov.u32 s13;
	p0 =	sne.s32 s11, $0x3F8  }
.Ltmp1:
0x21: {  	s11 =	sadd.s32 $0x8, s11;
	(pc) =	sbr.rel @p0 .LBB2_4-.Ltmp1, $2  }
0x22: {  	_ =	sdelay $0x2  }
0x23: {  	s13 =	sadd.s32 $0x80, s13;
	s14 =	sadd.s32 s14, s7  }
0x24: {  	[tilespmem:s5], [sflag:$0xA] =	stream.linear.gather [hbm4b:s14+s2], $0x40, $0x38;
	[tilespmem:$0x13200] =	vst v63  }
0x25: {  	s5 =	simm.s32 $0xB200  }
0x26: {  	s11 =	simm.s32 $0x8;
	s14 =	sadd.s32 $0x0, s9;
	s13 =	simm.s32 $0xB280  }
.LBB2_6:
0x27: {  	[tilespmem:s5], [sflag:$0xB] =	stream.linear.gather [hbm4b:s14+s2], $0x40, $0x38;
	[tilespmem:$0x13200] =	vst v63  }
0x28: {  	s14 =	smov.u32 s11;
	s5 =	smov.u32 s13;
	p0 =	sne.s32 s11, $0x3F8  }
.Ltmp2:
0x29: {  	s11 =	sadd.s32 $0x8, s11;
	(pc) =	sbr.rel @p0 .LBB2_6-.Ltmp2, $2  }
0x2a: {  	_ =	sdelay $0x2  }
0x2b: {  	s13 =	sadd.s32 $0x80, s13;
	s14 =	sadd.s32 s14, s9  }
0x2c: {  	[tilespmem:s5], [sflag:$0xB] =	stream.linear.gather [hbm4b:s14+s2], $0x40, $0x38;
	[tilespmem:$0x13200] =	vst v63  }
0x2d: {  	_ =	swait.ge [sflag:s19], $0x2000  }
0x2e: {  	[sflag:s19] =	ssyncset.done $0x0  }
0x2f: {  	s18 =	simm.s32 $0x0;
	s22 =	simm.s32 $0x3200;
	[sflag:s19] =	ssyncadd.s32 $0xFFFFE000  }
0x30: {  	[tilespmem:s22], [sflag:$0x1] =	stream.indirect.gather.add.f32 [hbm:s3], $0x80, s18, s16, $0xb8;
	[tilespmem:$0x13200] =	vst v63  }
0x31: {  	_ =	swait.ge [sflag:s21], $0x2000  }
0x32: {  	[sflag:s21] =	ssyncset.done $0x0  }
0x33: {  	s24 =	simm.s32 $0x7200;
	[sflag:s21] =	ssyncadd.s32 $0xFFFFE000  }
0x34: {  	[tilespmem:s24], [sflag:$0x2] =	stream.indirect.gather.add.f32 [hbm:s3], $0x80, s16, s16, $0xb8;
	[tilespmem:$0x13200] =	vst v63  }
.LBB2_8:
0x35: {  	p0 =	seq.s32 s18, $0x0  }
0x36: {  	s20 =	sshll.u32 s18, $0x2;
	s11 =	simm.s32 @!p0 $0x8  }
0x37: {  	s5 =	sshll.u32 s18, $0xC;
	s13 =	simm.s32 $0x8;
	_ =	swait.ge @!p0 [sflag:s11], $0x2000  }
0x38: {  	s14 =	simm.s32 $0xF280;
	s15 =	sadd.s32 s5, s10;
	[sflag:s11] =	ssyncset.done @!p0 $0x0  }
0x39: {  	s22 =	sadd.s32 $0x0, s15;
	[sflag:s11] =	ssyncadd.s32 @!p0 $0xFFFFE000;
	s11 =	simm.s32 $0xF200  }
.LBB2_9:
0x3a: {  	[tilespmem:s11], [sflag:$0xC] =	stream.linear.gather [hbm4b:s22+s2], $0x40, $0x38;
	[tilespmem:$0x13200] =	vst v63  }
0x3b: {  	s22 =	smov.u32 s13;
	s11 =	smov.u32 s14;
	p0 =	sne.s32 s13, $0x3F8  }
.Ltmp3:
0x3c: {  	s13 =	sadd.s32 $0x8, s13;
	(pc) =	sbr.rel @p0 .LBB2_9-.Ltmp3, $2  }
0x3d: {  	_ =	sdelay $0x2  }
0x3e: {  	s14 =	sadd.s32 $0x80, s14;
	s22 =	sadd.s32 s22, s15  }
0x3f: {  	[tilespmem:s11], [sflag:$0xC] =	stream.linear.gather [hbm4b:s22+s2], $0x40, $0x38;
	[tilespmem:$0x13200] =	vst v63  }
0x40: {  	s15 =	sor.u32 $0x2, s20;
	_ =	swait.ge [sflag:s23], $0x2000  }
0x41: {  	s22 =	sshll.u32 s15, $0x7;
	[sflag:s23] =	ssyncset.done $0x0  }
0x42: {  	s11 =	sand.u32 $0x3FFFFF80, s22;
	s22 =	sshll.u32 s18, $0x8;
	[sflag:s23] =	ssyncadd.s32 $0xFFFFE000  }
0x43: {  	[tilespmem:s29], [sflag:$0x3] =	stream.indirect.gather.add.f32 [hbm:s3], $0x80, s11, s16, $0xb8;
	[tilespmem:$0x13200] =	vst v63  }
0x44: {  	s24 =	sor.u32 s8, s22;
	_ =	swait.ge [sflag:s25], $0x4000  }
0x45: {  	s11 =	sshrl.u32 s24, $0x3;
	[sflag:s25] =	ssyncset.done $0x0  }
0x46: {  	s13 =	simm.s32 $0x3200;
	s11 =	sadd.s32 s4, s11;
	[sflag:s25] =	ssyncadd.s32 $0xFFFFC000  }
0x47: {  	[hbm4b:s11+s2] =	stream.linear.scatter [tilespmem:s13], [sflag:$0x5], $0x40, $0x38;
	[tilespmem:$0x13200] =	vst v63  }
0x48: {  	s13 =	simm.s32 $0x200  }
.LBB2_11:
0x49: {  	p0 =	sne.s32 s13, $0xFE00  }
.Ltmp4:
0x4a: {  	_ = 	snop;
	(pc) =	sbr.rel @p0 .LBB2_11-.Ltmp4, $4  }
0x4b: {  	_ = 	snop  }
0x4c: {  	s14 =	sshra.s32 s13, $0x2;
	s13 =	sadd.s32 $0x200, s13  }
0x4d: {  	s11 =	sadd.s32 $0x320, s11;
	s14 =	sadd.s32 $0x3200, s14  }
0x4e: {  	[hbm4b:s11+s2] =	stream.linear.scatter [tilespmem:s14], [sflag:$0x5], $0x40, $0x38;
	[tilespmem:$0x13200] =	vst v63  }
0x4f: {  	p0 =	seq.s32 s18, $0x18  }
.Ltmp5:
0x50: {  	_ = 	snop;
	(pc) =	sbr.rel @p0 .LBB2_16-.Ltmp5, $4  }
0x51: {  	_ = 	snop  }
0x52: {  	_ =	swait.ge [sflag:s26], $0x2000  }
0x53: {  	[sflag:s26] =	ssyncset.done $0x0  }
0x54: {  	[sflag:s26] =	ssyncadd.s32 $0xFFFFE000  }
0x55: {  	s11 =	rddreg [dreg:$0x3]  }
0x56: {  	s13 =	simm.s32 $0x3200;
	s11 =	sadd.s32 s5, s11  }
0x57: {  	s14 =	simm.s32 $0x8;
	s24 =	simm.s32 $0x3280;
	s29 =	sadd.s32 $0x0, s11  }
.LBB2_14:
0x58: {  	[tilespmem:s13], [sflag:$0x9] =	stream.linear.gather [hbm4b:s29+s2], $0x40, $0x38;
	[tilespmem:$0x13200] =	vst v63  }
0x59: {  	s29 =	smov.u32 s14;
	s13 =	smov.u32 s24;
	p1 =	sne.s32 s14, $0x3F8  }
.Ltmp6:
0x5a: {  	s14 =	sadd.s32 $0x8, s14;
	(pc) =	sbr.rel @p1 .LBB2_14-.Ltmp6, $2  }
0x5b: {  	_ =	sdelay $0x2  }
0x5c: {  	s24 =	sadd.s32 $0x80, s24;
	s29 =	sadd.s32 s29, s11  }
0x5d: {  	[tilespmem:s13], [sflag:$0x9] =	stream.linear.gather [hbm4b:s29+s2], $0x40, $0x38;
	[tilespmem:$0x13200] =	vst v63  }
0x5e: {  	s29 =	simm.s32 $0xB200  }
.LBB2_16:
0x5f: {  	s20 =	sor.u32 $0x3, s20;
	_ =	swait.ge [sflag:s28], $0x2000  }
0x60: {  	[sflag:s28] =	ssyncset.done $0x0;
	s11 =	sshll.u32 s20, $0x7  }
0x61: {  	s13 =	simm.s32 $0xF200;
	[sflag:s28] =	ssyncadd.s32 $0xFFFFE000;
	s11 =	sand.u32 $0x3FFFFF80, s11  }
0x62: {  	[tilespmem:s13], [sflag:$0x4] =	stream.indirect.gather.add.f32 [hbm:s3], $0x80, s11, s16, $0xb8;
	[tilespmem:$0x13200] =	vst v63  }
0x63: {  	s22 =	sor.u32 s12, s22;
	_ =	swait.ge [sflag:s30], $0x4000  }
0x64: {  	s24 =	simm.s32 $0x7200;
	s11 =	sshrl.u32 s22, $0x3;
	[sflag:s30] =	ssyncset.done $0x0  }
0x65: {  	s13 =	simm.s32 $0x200;
	s11 =	sadd.s32 s4, s11;
	[sflag:s30] =	ssyncadd.s32 $0xFFFFC000  }
0x66: {  	[hbm4b:s11+s2] =	stream.linear.scatter [tilespmem:s24], [sflag:$0x6], $0x40, $0x38;
	[tilespmem:$0x13200] =	vst v63  }
.LBB2_17:
0x67: {  	p1 =	sne.s32 s13, $0xFE00  }
.Ltmp7:
0x68: {  	_ = 	snop;
	(pc) =	sbr.rel @p1 .LBB2_17-.Ltmp7, $4  }
0x69: {  	_ = 	snop  }
0x6a: {  	s14 =	sshra.s32 s13, $0x2;
	s13 =	sadd.s32 $0x200, s13  }
0x6b: {  	s11 =	sadd.s32 $0x320, s11;
	s14 =	sadd.s32 $0x7200, s14  }
0x6c: {  	[hbm4b:s11+s2] =	stream.linear.scatter [tilespmem:s14], [sflag:$0x6], $0x40, $0x38;
	[tilespmem:$0x13200] =	vst v63  }
.Ltmp8:
0x6d: {  	(pc) =	sbr.rel @p0 .LBB2_22-.Ltmp8, $4  }
0x6e: {  	_ = 	snop  }
0x6f: {  	_ =	swait.ge [sflag:s31], $0x2000  }
0x70: {  	[sflag:s31] =	ssyncset.done $0x0  }
0x71: {  	[sflag:s31] =	ssyncadd.s32 $0xFFFFE000  }
0x72: {  	s11 =	rddreg [dreg:$0x4]  }
0x73: {  	s13 =	simm.s32 $0x7200;
	s11 =	sadd.s32 s5, s11  }
0x74: {  	s14 =	simm.s32 $0x8;
	s22 =	simm.s32 $0x7280;
	s24 =	sadd.s32 $0x0, s11  }
.LBB2_20:
0x75: {  	[tilespmem:s13], [sflag:$0xA] =	stream.linear.gather [hbm4b:s24+s2], $0x40, $0x38;
	[tilespmem:$0x13200] =	vst v63  }
0x76: {  	s24 =	smov.u32 s14;
	s13 =	smov.u32 s22;
	p1 =	sne.s32 s14, $0x3F8  }
.Ltmp9:
0x77: {  	s14 =	sadd.s32 $0x8, s14;
	(pc) =	sbr.rel @p1 .LBB2_20-.Ltmp9, $2  }
0x78: {  	_ =	sdelay $0x2  }
0x79: {  	s22 =	sadd.s32 $0x80, s22;
	s24 =	sadd.s32 s24, s11  }
0x7a: {  	[tilespmem:s13], [sflag:$0xA] =	stream.linear.gather [hbm4b:s24+s2], $0x40, $0x38;
	[tilespmem:$0x13200] =	vst v63  }
0x7b: {  	s11 =	sshll.u32 s18, $0x9;
	_ =	swait.ge [sflag:s19], $0x2000  }
0x7c: {  	s11 =	sand.u32 $0x3FFFFE00, s11;
	[sflag:s19] =	ssyncset.done $0x0  }
0x7d: {  	s24 =	simm.s32 $0x3200;
	s11 =	sadd.s32 $0x200, s11;
	[sflag:s19] =	ssyncadd.s32 $0xFFFFE000  }
0x7e: {  	[tilespmem:s24], [sflag:$0x1] =	stream.indirect.gather.add.f32 [hbm:s3], $0x80, s11, s16, $0xb8;
	[tilespmem:$0x13200] =	vst v63  }
.LBB2_22:
0x7f: {  	s11 =	sshll.u32 s15, $0x6  }
0x80: {  	_ =	swait.ge [sflag:s0], $0x4000;
	s11 =	sadd.s32 s8, s11  }
0x81: {  	[sflag:s0] =	ssyncset.done $0x0;
	s11 =	sshrl.u32 s11, $0x3  }
0x82: {  	s13 =	simm.s32 $0xB200;
	[sflag:s0] =	ssyncadd.s32 $0xFFFFC000;
	s11 =	sadd.s32 s4, s11  }
0x83: {  	[hbm4b:s11+s2] =	stream.linear.scatter [tilespmem:s13], [sflag:$0x7], $0x40, $0x38;
	[tilespmem:$0x13200] =	vst v63  }
0x84: {  	s13 =	simm.s32 $0x200  }
.LBB2_23:
0x85: {  	p1 =	sne.s32 s13, $0xFE00  }
.Ltmp10:
0x86: {  	_ = 	snop;
	(pc) =	sbr.rel @p1 .LBB2_23-.Ltmp10, $4  }
0x87: {  	_ = 	snop  }
0x88: {  	s14 =	sshra.s32 s13, $0x2;
	s13 =	sadd.s32 $0x200, s13  }
0x89: {  	s11 =	sadd.s32 $0x320, s11;
	s14 =	sadd.s32 $0xB200, s14  }
0x8a: {  	[hbm4b:s11+s2] =	stream.linear.scatter [tilespmem:s14], [sflag:$0x7], $0x40, $0x38;
	[tilespmem:$0x13200] =	vst v63  }
.Ltmp11:
0x8b: {  	(pc) =	sbr.rel @p0 .LBB2_28-.Ltmp11, $4  }
0x8c: {  	_ = 	snop  }
0x8d: {  	_ =	swait.ge [sflag:s1], $0x2000  }
0x8e: {  	[sflag:s1] =	ssyncset.done $0x0  }
0x8f: {  	[sflag:s1] =	ssyncadd.s32 $0xFFFFE000  }
0x90: {  	s11 =	rddreg [dreg:$0x5]  }
0x91: {  	s13 =	simm.s32 $0x8;
	s5 =	sadd.s32 s5, s11  }
0x92: {  	s14 =	simm.s32 $0xB280;
	s11 =	simm.s32 $0xB200;
	s15 =	sadd.s32 $0x0, s5  }
.LBB2_26:
0x93: {  	[tilespmem:s11], [sflag:$0xB] =	stream.linear.gather [hbm4b:s15+s2], $0x40, $0x38;
	[tilespmem:$0x13200] =	vst v63  }
0x94: {  	s15 =	smov.u32 s13;
	s11 =	smov.u32 s14;
	p0 =	sne.s32 s13, $0x3F8  }
.Ltmp12:
0x95: {  	s13 =	sadd.s32 $0x8, s13;
	(pc) =	sbr.rel @p0 .LBB2_26-.Ltmp12, $2  }
0x96: {  	_ =	sdelay $0x2  }
0x97: {  	s14 =	sadd.s32 $0x80, s14;
	s15 =	sadd.s32 s15, s5  }
0x98: {  	[tilespmem:s11], [sflag:$0xB] =	stream.linear.gather [hbm4b:s15+s2], $0x40, $0x38;
	[tilespmem:$0x13200] =	vst v63  }
0x99: {  	s5 =	sshll.u32 s18, $0x9;
	_ =	swait.ge [sflag:s21], $0x2000  }
0x9a: {  	s5 =	sand.u32 $0x3FFFFE00, s5;
	[sflag:s21] =	ssyncset.done $0x0  }
0x9b: {  	s24 =	simm.s32 $0x7200;
	s5 =	sadd.s32 $0x280, s5;
	[sflag:s21] =	ssyncadd.s32 $0xFFFFE000  }
0x9c: {  	[tilespmem:s24], [sflag:$0x2] =	stream.indirect.gather.add.f32 [hbm:s3], $0x80, s5, s16, $0xb8;
	[tilespmem:$0x13200] =	vst v63  }
.LBB2_28:
0x9d: {  	s5 =	sshll.u32 s20, $0x6  }
0x9e: {  	_ =	swait.ge [sflag:s17], $0x4000;
	s5 =	sadd.s32 s8, s5  }
0x9f: {  	[sflag:s17] =	ssyncset.done $0x0;
	s5 =	sshrl.u32 s5, $0x3  }
0xa0: {  	s11 =	simm.s32 $0xF200;
	[sflag:s17] =	ssyncadd.s32 $0xFFFFC000;
	s5 =	sadd.s32 s4, s5  }
0xa1: {  	[hbm4b:s5+s2] =	stream.linear.scatter [tilespmem:s11], [sflag:$0x8], $0x40, $0x38;
	[tilespmem:$0x13200] =	vst v63  }
0xa2: {  	s11 =	simm.s32 $0x200  }
.LBB2_29:
0xa3: {  	p0 =	sne.s32 s11, $0xFE00  }
.Ltmp13:
0xa4: {  	_ = 	snop;
	(pc) =	sbr.rel @p0 .LBB2_29-.Ltmp13, $4  }
0xa5: {  	_ = 	snop  }
0xa6: {  	s13 =	sshra.s32 s11, $0x2;
	s11 =	sadd.s32 $0x200, s11  }
0xa7: {  	s5 =	sadd.s32 $0x320, s5;
	s13 =	sadd.s32 $0xF200, s13  }
0xa8: {  	[hbm4b:s5+s2] =	stream.linear.scatter [tilespmem:s13], [sflag:$0x8], $0x40, $0x38;
	[tilespmem:$0x13200] =	vst v63  }
0xa9: {  	s18 =	sadd.s32 $0x1, s18  }
0xaa: {  	p0 =	sne.s32 s18, $0x19  }
.Ltmp14:
0xab: {  	_ = 	snop;
	(pc) =	sbr.rel @p0 .LBB2_8-.Ltmp14, $1  }
0xac: {  	_ =	sdelay $0x3  }
0xad: {  	s11 =	simm.s32 $0x8  }
0xae: {  	_ =	swait.ge [sflag:s11], $0x2000  }
0xaf: {  	s13 =	rddreg [dreg:$0x7]  }
0xb0: {  	s5 =	rddreg [dreg:$0x6];
	s13 =	sadd.s32 $0x1, s13  }
0xb1: {  	p0 =	sne.s32 s13, s5  }
.Ltmp15:
0xb2: {  	_ = 	snop;
	(pc) =	sbr.rel @p0 .LBB2_1-.Ltmp15, $3  }
0xb3: {  	_ =	sdelay $0x1  }
0xb4: {  	[sflag:s11] =	ssyncset.done $0x0  }
0xb5: {  	[sflag:s11] =	ssyncadd.s32 $0xFFFFE000  }
0xb6: {  	_ =	sfence.sel $0x180000  }
0xb7: {  	[bflag:$0x0] =	sbarrier.arrive $0xFFFF  }
0xb8: {  	_ =	strace $0x9000004A  }
0xb9: {  	s0 =	stileid.u32;
	[bflag:$0x2] =	sbarrier.arrive $0xFFFF  }
0xba: {  	p0 =	sne.s32 s0, $0x0;
	s0 =	rddreg [dreg:$0x1]  }
0xbb: {  	s0 =	sadd.s32 @!p0 $0x100000, s0  }
0xbc: {  	[sflag:s0] =	ssyncadd.tile.s32 @!p0 $0x1;
	_ =	shalt  }
.Lfunc_end2:
_tile_overlayer_lowered:
.L_overlay_start_2:
0xbd: {  	(tag) =	ssettag $0x2  }
0xbe: {  	s0 =	rddreg [dreg:$0x0];
	s2 =	stileid.u32  }
0xbf: {  	s1 =	rddreg [dreg:$0x1];
	p0 =	sne.s32 s2, $0x0  }
0xc0: {  	s3 =	rddreg [dreg:$0x2];
	[bflag:$0x3] =	sbarrier.arrive $0xFFFF;
	s2 =	simm.s32 @!p0 $0x1C0D  }
0xc1: {  	[timem:s3], [sflag:s2] =	dma.local @!p0 [hbm:s0], s1  }
0xc2: {  	s0 =	simm.s32 @!p0 $0xD  }
0xc3: {  	_ =	swait.ge @!p0 [sflag:s0], s1  }
0xc4: {  	s1 =	ssub.s32 @!p0 $0x0, s1;
	[sflag:s0] =	ssyncset.done @!p0 $0x0  }
0xc5: {  	[sflag:s0] =	ssyncadd.s32 @!p0 s1  }
0xc6: {  	[bflag:$0x3] =	sbarrier.arrive $0xFFFF  }
0xc7: {  	_ =	shalt  }

// kernel: kernel.8.cloned.1.call-start
scs
__scs_entry_jumppad:
0x0: {  	(pc) =	sbr.rel $0x88, $3  }
0x1: {  	(tag) =	ssettag $0x0;
	lr =	simm.s32 $0x1  }
0x2: {  	[smem:$0x3F9E] =	sst lr;
	_ =	strace $0xD0000000  }
0x3: {  	_ = 	snop  }
0x4: {  	_ = 	snop  }
0x5: {  	_ = 	snop  }
0x6: {  	_ = 	snop  }
0x7: {  	_ = 	snop  }
__scs_overlays_trampoline_lowered:
0x8: {  	[smem:$0x3FAD] =	sst s0  }
0x9: {  	[smem:$0x3FAE] =	sst s1  }
0xa: {  	[smem:$0x3FAF] =	sst s2  }
0xb: {  	[smem:$0x3FB0] =	sst s3  }
0xc: {  	[smem:$0x3FB1] =	sst s4  }
0xd: {  	[smem:$0x3FB2] =	sst s5  }
0xe: {  	[smem:$0x3FB3] =	sst s6  }
0xf: {  	[smem:$0x3FB4] =	sst s7  }
0x10: {  	[smem:$0x3FB5] =	sst s8  }
0x11: {  	[smem:$0x3FB6] =	sst s9;
	s0 =	simm.s32 @!p0 $0x0  }
0x12: {  	s1 =	sld [smem:$0x3F9C];
	s0 =	simm.s32 @p0 $0x1  }
0x13: {  	[smem:$0x3FB7] =	sst s0;
	s0 =	simm.s32 @!p1 $0x0  }
0x14: {  	s2 =	sld [smem:$0x3F9B];
	s0 =	simm.s32 @p1 $0x1  }
0x15: {  	[smem:$0x3FB8] =	sst s0;
	s0 =	simm.s32 @!p2 $0x0  }
0x16: {  	s3 =	sld [smem:$0x3FDB];
	s0 =	simm.s32 @p2 $0x1  }
0x17: {  	s4 =	simm.s32 $0x1BF5;
	[smem:$0x3FBA] =	sst s0  }
0x18: {  	s0 =	sld [smem:$0x3F9D];
	_ =	swait.ge [sflag:s4], $0x0  }
0x19: {  	s7 =	sld [smem:$0x3F9E]  }
0x1a: {  	s8 =	sadd.s32 $0xFFFFE003, lr  }
0x1b: {  	s9 =	sadd.s32 $0xFFFFFEF7, lr;
	s5 =	simm.s32 $0xFFFFFFFF;
	p2 =	slt.u32 s8, $0xFFFFF086  }
0x1c: {  	p1 =	slt.u32 s9, $0xF7A;
	s5 =	simm.s32 @!p2 $0x0  }
0x1d: {  	s5 =	simm.s32 @p1 $0x1;
	p0 =	seq.s32 s7, s2  }
0x1e: {  	s7 =	smul.u32 @!p0 $0xF7A, s2;
	p2 =	seq.s32 @!p0 s5, $0x0  }
0x1f: {  	s9 =	smul.u32 $0xF7A, s1;
	s8 =	simm.s32 @!p0 $0x1BF5;
	p2 =	por !p2, p0  }
0x20: {  	[sflag:s8] =	ssyncset.s32 @!p0 $0xFFFFF086;
	s6 =	sadd.s32 @!p0 s3, s7;
	s7 =	simm.s32 @!p0 $0x108  }
0x21: {  	s3 =	sadd.s32 s3, s9;
	s6 =	sadd.s32 @!p0 $0x88, s6;
	s7 =	simm.s32 @p2 $0x1082  }
0x22: {  	[simem:s7], [sflag:s8] =	dma.local @!p0 [hbm:s6], $0xF7A  }
0x23: {  	s9 =	sor.u32 $0xD0000000, s2;
	s6 =	simm.s32 $0x108;
	_ =	swait.ge @!p0 [sflag:s8], $0x0  }
0x24: {  	s3 =	sadd.s32 $0x88, s3;
	s6 =	simm.s32 @!p1 $0x1082;
	[sflag:s4] =	ssyncset.s32 $0xFFFFF086  }
0x25: {  	[simem:s6], [sflag:s4] =	dma.local [hbm:s3], $0xF7A  }
0x26: {  	[smem:$0x3F9E] =	sst s1;
	(tag) =	ssettag s2;
	_ =	strace s9  }
0x27: {  	s1 =	sld [smem:$0x3FAE]  }
0x28: {  	s2 =	sld [smem:$0x3FAF]  }
0x29: {  	s4 =	sld [smem:$0x3FB1]  }
0x2a: {  	p0 =	seq.s32 s5, $0x0;
	s5 =	sld [smem:$0x3FB2]  }
0x2b: {  	s6 =	sld [smem:$0x3FB3]  }
0x2c: {  	s7 =	sld [smem:$0x3FB4]  }
0x2d: {  	s3 =	simm.s32 $0x108;
	s8 =	sld [smem:$0x3FB5]  }
0x2e: {  	s3 =	simm.s32 @!p0 $0x1082;
	s9 =	sld [smem:$0x3FB6]  }
0x2f: {  	lr =	sadd.s32 s0, s3;
	s0 =	sld [smem:$0x3FAD]  }
0x30: {  	s3 =	sld [smem:$0x3FB0]  }
0x31: {  	[smem:$0x3FB9] =	sst s10  }
0x32: {  	s10 =	sld [smem:$0x3FB7];
	_ =	sdelay $0x3  }
0x33: {  	p0 =	seq.s32 s10, $0x1;
	s10 =	sld [smem:$0x3FB9];
	_ =	sdelay $0x3  }
0x34: {  	[smem:$0x3FB9] =	sst s10  }
0x35: {  	s10 =	sld [smem:$0x3FB8];
	_ =	sdelay $0x3  }
0x36: {  	p1 =	seq.s32 s10, $0x1;
	s10 =	sld [smem:$0x3FB9];
	_ =	sdelay $0x3  }
0x37: {  	[smem:$0x3FB9] =	sst s10  }
0x38: {  	s10 =	sld [smem:$0x3FBA]  }
0x39: {  	_ = 	snop;
	(pc) =	sbr.ind lr, $3  }
0x3a: {  	_ = 	snop  }
0x3b: {  	_ = 	snop  }
0x3c: {  	p2 =	seq.s32 s10, $0x1;
	s10 =	sld [smem:$0x3FB9]  }
0x3d: {  	_ =	shalt  }
0x3e: {  	_ =	shalt  }
0x3f: {  	_ =	shalt  }
0x40: {  	_ =	shalt  }
0x41: {  	_ =	shalt  }
0x42: {  	_ =	shalt  }
0x43: {  	_ =	shalt  }
0x44: {  	_ =	shalt  }
0x45: {  	_ =	shalt  }
0x46: {  	_ =	shalt  }
0x47: {  	_ =	shalt  }
0x48: {  	_ =	shalt  }
0x49: {  	_ =	shalt  }
0x4a: {  	_ =	shalt  }
0x4b: {  	_ =	shalt  }
0x4c: {  	_ =	shalt  }
0x4d: {  	_ =	shalt  }
0x4e: {  	_ =	shalt  }
0x4f: {  	_ =	shalt  }
0x50: {  	_ =	shalt  }
0x51: {  	_ =	shalt  }
0x52: {  	_ =	shalt  }
0x53: {  	_ =	shalt  }
0x54: {  	_ =	shalt  }
0x55: {  	_ =	shalt  }
0x56: {  	_ =	shalt  }
0x57: {  	_ =	shalt  }
0x58: {  	_ =	shalt  }
0x59: {  	_ =	shalt  }
0x5a: {  	_ =	shalt  }
0x5b: {  	_ =	shalt  }
0x5c: {  	_ =	shalt  }
0x5d: {  	_ =	shalt  }
0x5e: {  	_ =	shalt  }
0x5f: {  	_ =	shalt  }
0x60: {  	_ =	shalt  }
0x61: {  	_ =	shalt  }
0x62: {  	_ =	shalt  }
0x63: {  	_ =	shalt  }
0x64: {  	_ =	shalt  }
0x65: {  	_ =	shalt  }
0x66: {  	_ =	shalt  }
0x67: {  	_ =	shalt  }
0x68: {  	_ =	shalt  }
0x69: {  	_ =	shalt  }
0x6a: {  	_ =	shalt  }
0x6b: {  	_ =	shalt  }
0x6c: {  	_ =	shalt  }
0x6d: {  	_ =	shalt  }
0x6e: {  	_ =	shalt  }
0x6f: {  	_ =	shalt  }
0x70: {  	_ =	shalt  }
0x71: {  	_ =	shalt  }
0x72: {  	_ =	shalt  }
0x73: {  	_ =	shalt  }
0x74: {  	_ =	shalt  }
0x75: {  	_ =	shalt  }
0x76: {  	_ =	shalt  }
0x77: {  	_ =	shalt  }
0x78: {  	_ =	shalt  }
0x79: {  	_ =	shalt  }
0x7a: {  	_ =	shalt  }
0x7b: {  	_ =	shalt  }
0x7c: {  	_ =	shalt  }
0x7d: {  	_ =	shalt  }
0x7e: {  	_ =	shalt  }
0x7f: {  	_ =	shalt  }
0x80: {  	_ =	shalt  }
0x81: {  	_ =	shalt  }
0x82: {  	_ =	shalt  }
0x83: {  	_ =	shalt  }
0x84: {  	_ =	shalt  }
0x85: {  	_ =	shalt  }
0x86: {  	_ =	shalt  }
0x87: {  	_ =	shalt  }
.Lfunc_end0:
.L_simem_size_0:
called_computation_lowered:
.L_overlay_start_0:
0x88: {  	s2 =	sld [smem:$0x3FD9]  }
0x89: {  	s3 =	sld [smem:$0x3FFE];
	_ =	sdelay $0x1  }
0x8a: {  	s1 =	srdreg.scid  }
0x8b: {  	s0 =	sand.u32 $0x1, s1  }
0x8c: {  	s16 =	sshll.u32 s0, $0xA;
	s2 =	sadd.s32 s3, s2  }
0x8d: {  	s2 =	sadd.s32 s2, s16  }
0x8e: {  	[smem:$0x3FC5] =	sst s2  }
0x8f: {  	_ = 	snop  }
0x90: {  	(tm) =	ssettm $0x1  }
0x91: {  	s17 =	sld [smem:$0x3FFB];
	_ =	sdelay $0x3  }
0x92: {  	_ =	strace s17  }
0x93: {  	s2 =	sld [smem:$0x3FFC];
	_ =	sdelay $0x3  }
0x94: {  	_ =	strace s2  }
0x95: {  	s2 =	sld [smem:$0x3FFD];
	_ =	sdelay $0x3  }
0x96: {  	_ =	strace s2  }
0x97: {  	_ =	strace $0x8FFFFFFF  }
0x98: {  	s18 =	sld [smem:$0x3FDB];
	_ =	sdelay $0x1  }
0x99: {  	s19 =	simm.s32 $_scs_section_size  }
0x9a: {  	s4 =	simm.s32 $_size__tile_overlayer_lowered;
	s5 =	simm.s32 $_tile_overlayer_lowered  }
0x9b: {  	s22 =	simm.s32 $0x1BFF;
	s21 =	sshll.u32 s5, $0x1;
	s2 =	sadd.s32 s19, s18  }
0x9c: {  	s6 =	simm.s32 $0x0;
	s20 =	sshll.u32 s4, $0x1;
	s4 =	sadd.s32 s21, s2  }
0x9d: {  	[timem:s6], [sflag:s22] =	dma.local [hbm:s4], s20  }
0x9e: {  	_ =	swait.ge [sflag:s22], s20  }
0x9f: {  	s3 =	ssub.s32 $0x0, s20;
	[sflag:s22] =	ssyncset.done $0x0  }
0xa0: {  	[sflag:s22] =	ssyncadd.s32 s3;
	_ =	sdelay $0x1  }
0xa1: {  	s23 =	simm.s32 $0x1B8B  }
0xa2: {  	_ =	swait.ge [sflag:s23], $0x1  }
0xa3: {  	[sflag:s23] =	ssyncset.done $0x0  }
0xa4: {  	s25 =	simm.s32 $0x1B8E;
	s24 =	sld [smem:$0x3FFE];
	[sflag:s23] =	ssyncadd.s32 $0xFFFFFFFF  }
0xa5: {  	s26 =	simm.s32 $execute0_lowered;
	[smem:$0x3FD2] =	sst s25  }
0xa6: {  	s4 =	sshll.u32 s26, $0x1;
	_ =	strace $0x80000046;
	[dreg:$0x1] =	wrdreg $0xFFFFFFFF  }
0xa7: {  	s28 =	simm.s32 $_size_execute0_lowered;
	s2 =	sadd.s32 s2, s4;
	[dreg:$0x0] =	wrdreg $0x0  }
0xa8: {  	s4 =	sshll.u32 s28, $0x1;
	[dreg:$0x2] =	wrdreg s2  }
0xa9: {  	[dreg:$0x3] =	wrdreg s4  }
0xaa: {  	[dreg:$0x4] =	wrdreg $0xC0  }
0xab: {  	_ =	task [dreg:s6], $0x5FFFF  }
0xac: {  	[dreg:$0x1] =	wrdreg $0xFFFFFFFF  }
0xad: {  	[dreg:$0x0] =	wrdreg $0x60  }
0xae: {  	[dreg:$0x2] =	wrdreg s24  }
0xaf: {  	[dreg:$0x3] =	wrdreg $0x9  }
0xb0: {  	_ =	task.clear_ibuf [dreg:s6], $0x4FFFF;
	_ =	strace $0x90000046  }
0xb1: {  	s29 =	simm.s32 $0x9;
	_ =	strace $0x80000048  }
0xb2: {  	_ =	swait.ge [sflag:s29], $0x1  }
0xb3: {  	[sflag:s29] =	ssyncadd.s32 $0xFFFFFFFF  }
0xb4: {  	_ =	strace $0x90000048  }
0xb5: {  	_ =	sfence  }
0xb6: {  	s30 =	sld [smem:$0x0];
	_ =	sdelay $0x2  }
0xb7: {  	s31 =	sshll.u32 s1, $0xD;
	s1 =	sshrl.u32 s1, $0x2  }
0xb8: {  	s3 =	sand.u32 $0x4000, s31;
	s1 =	sadd.s32 s1, s30  }
0xb9: {  	s0 =	sor.u32 s3, s0;
	s1 =	sshll.u32 s1, $0x11  }
0xba: {  	s0 =	sor.u32 s1, s0  }
0xbb: {  	s0 =	sadd.s32 $0x8F2B, s0  }
0xbc: {  	[sflag:s0] =	ssyncadd.remote.s32 $0x1  }
0xbd: {  	_ =	sfence.sel $0xFFFF  }
0xbe: {  	[dreg:$0x0] =	wrdreg $0xFFFFFFFF;
	(pc) =	sbr.abs _section_cstart, $3  }
0xbf: {  	[dreg:$0x1] =	wrdreg $0xFFFFFFFF  }
0xc0: {  	_ =	task.clear_ibuf [dreg:s6], $0x2FFFF;
	_ =	strace $0x9FFFFFFF  }
0xc1: {  	(tm) =	ssettm $0x7FFFFFFF  }
tec
execute0_lowered:
.L_overlay_start_1:
0x0: {  	(tag) =	ssettag $0x1  }
0x1: {  	s0 =	srdreg.scid  }
0x2: {  	s2 =	stileid.u32;
	s1 =	rddreg [dreg:$0x0]  }
0x3: {  	s13 =	simm.s32 $0x80;
	s16 =	simm.s32 $0x9;
	s18 =	simm.s32 $0xA  }
0x4: {  	s20 =	simm.s32 $0xB;
	s25 =	simm.s32 $0xB200;
	s22 =	simm.s32 $0x1  }
0x5: {  	s23 =	simm.s32 $0x5;
	s24 =	simm.s32 $0xC;
	s26 =	simm.s32 $0x2  }
0x6: {  	s28 =	simm.s32 $0x6;
	s29 =	simm.s32 $0x3;
	s30 =	simm.s32 $0x7  }
0x7: {  	s0 =	sand.u32 $0x1, s0;
	s3 =	sshll.u32 s2, $0x8;
	s2 =	simm.s32 $0x0  }
0x8: {  	s5 =	sadd.s32 $0x1C6200, s1;
	s9 =	sadd.s32 $0xE000, s1;
	s4 =	sshll.u32 s0, $0x7  }
0x9: {  	[smem:$0x7FF] =	sst s2;
	s0 =	ssub.s32 $0x2, s0;
	s6 =	sor.u32 s4, s3  }
0xa: {  	_ =	strace $0x80000047;
	s4 =	sadd.s32 $0xD800, s1;
	s8 =	sshrl.u32 s0, $0x1  }
0xb: {  	s3 =	sshrl.u32 s6, $0x3;
	s0 =	ssub.s32 s0, s8;
	s8 =	sadd.s32 $0xDC00, s1  }
0xc: {  	s7 =	sadd.s32 s3, s1;
	s3 =	sadd.s32 $0x3F800, s1;
	s1 =	sadd.s32 $0xF000, s1  }
0xd: {  	s6 =	smul.u32 $0x1900, s6;
	s0 =	smax.u32 s0, $0x1;
	[dreg:$0x3] =	wrdreg s1  }
0xe: {  	s31 =	simm.s32 $0x4;
	s7 =	sadd.s32 $0x1000, s7;
	[dreg:$0x4] =	wrdreg s0  }
0xf: {  	s10 =	sor.u32 $0x40, s6;
	[dreg:$0x2] =	wrdreg s7;
	s7 =	simm.s32 $0x0  }
.LBB2_1:
0x10: {  	[dreg:$0x5] =	wrdreg s7  }
0x11: {  	s0 =	rddreg [dreg:$0x2];
	s1 =	simm.s32 $0x1000;
	s21 =	simm.s32 $0xD  }
0x12: {  	[tilespmem:s2], [sflag:$0xD] =	stream.strided.gather [hbm4b:s0+s13], $0x3200, s1, s13, $0x38;
	[tilespmem:$0x13200] =	vst v63  }
0x13: {  	_ =	swait.ge [sflag:s21], $0x3200  }
0x14: {  	s11 =	sadd.s32 $0x0, s4;
	s7 =	simm.s32 $0x3200;
	[sflag:s21] =	ssyncset.done $0x0  }
0x15: {  	s0 =	simm.s32 $0x8;
	s1 =	simm.s32 $0x3280;
	[sflag:s21] =	ssyncadd.s32 $0xFFFFCE00  }
.LBB2_2:
0x16: {  	[tilespmem:s7], [sflag:$0x9] =	stream.linear.gather [hbm4b:s11+s2], $0x40, $0x38;
	[tilespmem:$0x13200] =	vst v63  }
0x17: {  	s11 =	smov.u32 s0;
	s7 =	smov.u32 s1;
	p0 =	sne.s32 s0, $0x3F8  }
.Ltmp0:
0x18: {  	s0 =	sadd.s32 $0x8, s0;
	(pc) =	sbr.rel @p0 .LBB2_2-.Ltmp0, $2  }
0x19: {  	_ =	sdelay $0x2  }
0x1a: {  	s1 =	sadd.s32 $0x80, s1;
	s11 =	sadd.s32 s11, s4  }
0x1b: {  	[tilespmem:s7], [sflag:$0x9] =	stream.linear.gather [hbm4b:s11+s2], $0x40, $0x38;
	[tilespmem:$0x13200] =	vst v63  }
0x1c: {  	s0 =	simm.s32 $0x7200  }
0x1d: {  	s1 =	simm.s32 $0x8;
	s11 =	sadd.s32 $0x0, s8;
	s7 =	simm.s32 $0x7280  }
.LBB2_4:
0x1e: {  	[tilespmem:s0], [sflag:$0xA] =	stream.linear.gather [hbm4b:s11+s2], $0x40, $0x38;
	[tilespmem:$0x13200] =	vst v63  }
0x1f: {  	s11 =	smov.u32 s1;
	s0 =	smov.u32 s7;
	p0 =	sne.s32 s1, $0x3F8  }
.Ltmp1:
0x20: {  	s1 =	sadd.s32 $0x8, s1;
	(pc) =	sbr.rel @p0 .LBB2_4-.Ltmp1, $2  }
0x21: {  	_ =	sdelay $0x2  }
0x22: {  	s7 =	sadd.s32 $0x80, s7;
	s11 =	sadd.s32 s11, s8  }
0x23: {  	[tilespmem:s0], [sflag:$0xA] =	stream.linear.gather [hbm4b:s11+s2], $0x40, $0x38;
	[tilespmem:$0x13200] =	vst v63  }
0x24: {  	s0 =	simm.s32 $0xB200  }
0x25: {  	s1 =	simm.s32 $0x8;
	s11 =	sadd.s32 $0x0, s9;
	s7 =	simm.s32 $0xB280  }
.LBB2_6:
0x26: {  	[tilespmem:s0], [sflag:$0xB] =	stream.linear.gather [hbm4b:s11+s2], $0x40, $0x38;
	[tilespmem:$0x13200] =	vst v63  }
0x27: {  	s11 =	smov.u32 s1;
	s0 =	smov.u32 s7;
	p0 =	sne.s32 s1, $0x3F8  }
.Ltmp2:
0x28: {  	s1 =	sadd.s32 $0x8, s1;
	(pc) =	sbr.rel @p0 .LBB2_6-.Ltmp2, $2  }
0x29: {  	_ =	sdelay $0x2  }
0x2a: {  	s7 =	sadd.s32 $0x80, s7;
	s11 =	sadd.s32 s11, s9  }
0x2b: {  	[tilespmem:s0], [sflag:$0xB] =	stream.linear.gather [hbm4b:s11+s2], $0x40, $0x38;
	[tilespmem:$0x13200] =	vst v63  }
0x2c: {  	_ =	swait.ge [sflag:s16], $0x2000  }
0x2d: {  	[sflag:s16] =	ssyncset.done $0x0  }
0x2e: {  	s14 =	simm.s32 $0x0;
	s19 =	simm.s32 $0x3200;
	[sflag:s16] =	ssyncadd.s32 $0xFFFFE000  }
0x2f: {  	[tilespmem:s19], [sflag:$0x1] =	stream.indirect.gather.add.f32 [hbm:s3], $0x80, s14, s13, $0xb8;
	[tilespmem:$0x13200] =	vst v63  }
0x30: {  	_ =	swait.ge [sflag:s18], $0x2000  }
0x31: {  	[sflag:s18] =	ssyncset.done $0x0  }
0x32: {  	s21 =	simm.s32 $0x7200;
	[sflag:s18] =	ssyncadd.s32 $0xFFFFE000  }
0x33: {  	[tilespmem:s21], [sflag:$0x2] =	stream.indirect.gather.add.f32 [hbm:s3], $0x80, s13, s13, $0xb8;
	[tilespmem:$0x13200] =	vst v63  }
.LBB2_8:
0x34: {  	p0 =	seq.s32 s14, $0x0  }
0x35: {  	s15 =	sshll.u32 s14, $0x2;
	s0 =	simm.s32 @!p0 $0x8  }
0x36: {  	s7 =	sor.u32 $0x3, s15;
	_ =	swait.ge @!p0 [sflag:s0], $0x2000  }
0x37: {  	s1 =	sshll.u32 s7, $0xA;
	[sflag:s0] =	ssyncset.done @!p0 $0x0  }
0x38: {  	s12 =	simm.s32 $0x8;
	[sflag:s0] =	ssyncadd.s32 @!p0 $0xFFFFE000;
	s0 =	sadd.s32 s4, s1  }
0x39: {  	s11 =	simm.s32 $0xF280;
	s1 =	simm.s32 $0xF200;
	s17 =	sadd.s32 $0x0, s0  }
.LBB2_9:
0x3a: {  	[tilespmem:s1], [sflag:$0xC] =	stream.linear.gather [hbm4b:s17+s2], $0x40, $0x38;
	[tilespmem:$0x13200] =	vst v63  }
0x3b: {  	s17 =	smov.u32 s12;
	s1 =	smov.u32 s11;
	p0 =	sne.s32 s12, $0x3F8  }
.Ltmp3:
0x3c: {  	s12 =	sadd.s32 $0x8, s12;
	(pc) =	sbr.rel @p0 .LBB2_9-.Ltmp3, $2  }
0x3d: {  	_ =	sdelay $0x2  }
0x3e: {  	s11 =	sadd.s32 $0x80, s11;
	s17 =	sadd.s32 s17, s0  }
0x3f: {  	[tilespmem:s1], [sflag:$0xC] =	stream.linear.gather [hbm4b:s17+s2], $0x40, $0x38;
	[tilespmem:$0x13200] =	vst v63  }
0x40: {  	s12 =	sor.u32 $0x2, s15;
	_ =	swait.ge [sflag:s20], $0x2000  }
0x41: {  	s0 =	sshll.u32 s12, $0x7;
	[sflag:s20] =	ssyncset.done $0x0  }
0x42: {  	s0 =	sand.u32 $0x3FFFFF80, s0;
	[sflag:s20] =	ssyncadd.s32 $0xFFFFE000  }
0x43: {  	[tilespmem:s25], [sflag:$0x3] =	stream.indirect.gather.add.f32 [hbm:s3], $0x80, s0, s13, $0xb8;
	[tilespmem:$0x13200] =	vst v63  }
0x44: {  	s0 =	sshll.u32 s14, $0x8  }
0x45: {  	_ =	swait.ge [sflag:s22], $0x4000;
	s21 =	sor.u32 s6, s0  }
0x46: {  	[sflag:s22] =	ssyncset.done $0x0;
	s1 =	sshrl.u32 s21, $0x3  }
0x47: {  	s11 =	simm.s32 $0x3200;
	[sflag:s22] =	ssyncadd.s32 $0xFFFFC000;
	s1 =	sadd.s32 s5, s1  }
0x48: {  	[hbm4b:s1+s2] =	stream.linear.scatter [tilespmem:s11], [sflag:$0x5], $0x40, $0x38;
	[tilespmem:$0x13200] =	vst v63  }
0x49: {  	s11 =	simm.s32 $0x200  }
.LBB2_11:
0x4a: {  	p0 =	sne.s32 s11, $0xFE00  }
.Ltmp4:
0x4b: {  	_ = 	snop;
	(pc) =	sbr.rel @p0 .LBB2_11-.Ltmp4, $4  }
0x4c: {  	_ = 	snop  }
0x4d: {  	s17 =	sshra.s32 s11, $0x2;
	s11 =	sadd.s32 $0x200, s11  }
0x4e: {  	s1 =	sadd.s32 $0x320, s1;
	s17 =	sadd.s32 $0x3200, s17  }
0x4f: {  	[hbm4b:s1+s2] =	stream.linear.scatter [tilespmem:s17], [sflag:$0x5], $0x40, $0x38;
	[tilespmem:$0x13200] =	vst v63  }
0x50: {  	p0 =	seq.s32 s14, $0x18  }
.Ltmp5:
0x51: {  	_ = 	snop;
	(pc) =	sbr.rel @p0 .LBB2_16-.Ltmp5, $4  }
0x52: {  	_ = 	snop  }
0x53: {  	_ =	swait.ge [sflag:s23], $0x2000  }
0x54: {  	[sflag:s23] =	ssyncset.done $0x0  }
0x55: {  	s1 =	sadd.s32 $0x4, s15;
	[sflag:s23] =	ssyncadd.s32 $0xFFFFE000  }
0x56: {  	s11 =	sshll.u32 s1, $0xA  }
0x57: {  	s19 =	simm.s32 $0x3200;
	s17 =	sadd.s32 s4, s11  }
0x58: {  	s21 =	simm.s32 $0x3280;
	s11 =	simm.s32 $0x8;
	s25 =	sadd.s32 $0x0, s17  }
.LBB2_14:
0x59: {  	[tilespmem:s19], [sflag:$0x9] =	stream.linear.gather [hbm4b:s25+s2], $0x40, $0x38;
	[tilespmem:$0x13200] =	vst v63  }
0x5a: {  	s25 =	smov.u32 s11;
	s19 =	smov.u32 s21;
	p1 =	sne.s32 s11, $0x3F8  }
.Ltmp6:
0x5b: {  	s11 =	sadd.s32 $0x8, s11;
	(pc) =	sbr.rel @p1 .LBB2_14-.Ltmp6, $2  }
0x5c: {  	_ =	sdelay $0x2  }
0x5d: {  	s21 =	sadd.s32 $0x80, s21;
	s25 =	sadd.s32 s25, s17  }
0x5e: {  	[tilespmem:s19], [sflag:$0x9] =	stream.linear.gather [hbm4b:s25+s2], $0x40, $0x38;
	[tilespmem:$0x13200] =	vst v63  }
0x5f: {  	s25 =	simm.s32 $0xB200  }
.LBB2_16:
0x60: {  	_ =	swait.ge [sflag:s24], $0x2000  }
0x61: {  	s11 =	sshll.u32 s7, $0x7;
	[sflag:s24] =	ssyncset.done $0x0  }
0x62: {  	s17 =	simm.s32 $0xF200;
	s11 =	sand.u32 $0x3FFFFF80, s11;
	[sflag:s24] =	ssyncadd.s32 $0xFFFFE000  }
0x63: {  	[tilespmem:s17], [sflag:$0x4] =	stream.indirect.gather.add.f32 [hbm:s3], $0x80, s11, s13, $0xb8;
	[tilespmem:$0x13200] =	vst v63  }
0x64: {  	s0 =	sor.u32 s10, s0;
	_ =	swait.ge [sflag:s26], $0x4000  }
0x65: {  	s21 =	simm.s32 $0x7200;
	s0 =	sshrl.u32 s0, $0x3;
	[sflag:s26] =	ssyncset.done $0x0  }
0x66: {  	s0 =	sadd.s32 s5, s0;
	s11 =	simm.s32 $0x200;
	[sflag:s26] =	ssyncadd.s32 $0xFFFFC000  }
0x67: {  	[hbm4b:s0+s2] =	stream.linear.scatter [tilespmem:s21], [sflag:$0x6], $0x40, $0x38;
	[tilespmem:$0x13200] =	vst v63  }
.LBB2_17:
0x68: {  	p1 =	sne.s32 s11, $0xFE00  }
.Ltmp7:
0x69: {  	_ = 	snop;
	(pc) =	sbr.rel @p1 .LBB2_17-.Ltmp7, $4  }
0x6a: {  	_ = 	snop  }
0x6b: {  	s17 =	sshra.s32 s11, $0x2;
	s11 =	sadd.s32 $0x200, s11  }
0x6c: {  	s0 =	sadd.s32 $0x320, s0;
	s17 =	sadd.s32 $0x7200, s17  }
0x6d: {  	[hbm4b:s0+s2] =	stream.linear.scatter [tilespmem:s17], [sflag:$0x6], $0x40, $0x38;
	[tilespmem:$0x13200] =	vst v63  }
.Ltmp8:
0x6e: {  	(pc) =	sbr.rel @p0 .LBB2_22-.Ltmp8, $4  }
0x6f: {  	_ = 	snop  }
0x70: {  	_ =	swait.ge [sflag:s28], $0x2000  }
0x71: {  	[sflag:s28] =	ssyncset.done $0x0  }
0x72: {  	s15 =	sadd.s32 $0x5, s15;
	[sflag:s28] =	ssyncadd.s32 $0xFFFFE000  }
0x73: {  	s0 =	sshll.u32 s15, $0xA  }
0x74: {  	s17 =	simm.s32 $0x7200;
	s0 =	sadd.s32 s4, s0  }
0x75: {  	s11 =	simm.s32 $0x8;
	s19 =	simm.s32 $0x7280;
	s21 =	sadd.s32 $0x0, s0  }
.LBB2_20:
0x76: {  	[tilespmem:s17], [sflag:$0xA] =	stream.linear.gather [hbm4b:s21+s2], $0x40, $0x38;
	[tilespmem:$0x13200] =	vst v63  }
0x77: {  	s21 =	smov.u32 s11;
	s17 =	smov.u32 s19;
	p1 =	sne.s32 s11, $0x3F8  }
.Ltmp9:
0x78: {  	s11 =	sadd.s32 $0x8, s11;
	(pc) =	sbr.rel @p1 .LBB2_20-.Ltmp9, $2  }
0x79: {  	_ =	sdelay $0x2  }
0x7a: {  	s19 =	sadd.s32 $0x80, s19;
	s21 =	sadd.s32 s21, s0  }
0x7b: {  	[tilespmem:s17], [sflag:$0xA] =	stream.linear.gather [hbm4b:s21+s2], $0x40, $0x38;
	[tilespmem:$0x13200] =	vst v63  }
0x7c: {  	_ =	swait.ge [sflag:s16], $0x2000  }
0x7d: {  	s0 =	sshll.u32 s1, $0x7;
	[sflag:s16] =	ssyncset.done $0x0  }
0x7e: {  	s21 =	simm.s32 $0x3200;
	s0 =	sand.u32 $0x3FFFFF80, s0;
	[sflag:s16] =	ssyncadd.s32 $0xFFFFE000  }
0x7f: {  	[tilespmem:s21], [sflag:$0x1] =	stream.indirect.gather.add.f32 [hbm:s3], $0x80, s0, s13, $0xb8;
	[tilespmem:$0x13200] =	vst v63  }
.LBB2_22:
0x80: {  	s0 =	sshll.u32 s12, $0x6  }
0x81: {  	_ =	swait.ge [sflag:s29], $0x4000;
	s0 =	sadd.s32 s6, s0  }
0x82: {  	[sflag:s29] =	ssyncset.done $0x0;
	s0 =	sshrl.u32 s0, $0x3  }
0x83: {  	s1 =	simm.s32 $0xB200;
	[sflag:s29] =	ssyncadd.s32 $0xFFFFC000;
	s0 =	sadd.s32 s5, s0  }
0x84: {  	[hbm4b:s0+s2] =	stream.linear.scatter [tilespmem:s1], [sflag:$0x7], $0x40, $0x38;
	[tilespmem:$0x13200] =	vst v63  }
0x85: {  	s1 =	simm.s32 $0x200  }
.LBB2_23:
0x86: {  	p1 =	sne.s32 s1, $0xFE00  }
.Ltmp10:
0x87: {  	_ = 	snop;
	(pc) =	sbr.rel @p1 .LBB2_23-.Ltmp10, $4  }
0x88: {  	_ = 	snop  }
0x89: {  	s11 =	sshra.s32 s1, $0x2;
	s1 =	sadd.s32 $0x200, s1  }
0x8a: {  	s0 =	sadd.s32 $0x320, s0;
	s11 =	sadd.s32 $0xB200, s11  }
0x8b: {  	[hbm4b:s0+s2] =	stream.linear.scatter [tilespmem:s11], [sflag:$0x7], $0x40, $0x38;
	[tilespmem:$0x13200] =	vst v63  }
.Ltmp11:
0x8c: {  	(pc) =	sbr.rel @p0 .LBB2_28-.Ltmp11, $4  }
0x8d: {  	_ = 	snop  }
0x8e: {  	_ =	swait.ge [sflag:s30], $0x2000  }
0x8f: {  	[sflag:s30] =	ssyncset.done $0x0  }
0x90: {  	[sflag:s30] =	ssyncadd.s32 $0xFFFFE000  }
0x91: {  	s0 =	sshll.u32 s14, $0xC;
	s1 =	rddreg [dreg:$0x3]  }
0x92: {  	s11 =	simm.s32 $0x8;
	s0 =	sadd.s32 s0, s1  }
0x93: {  	s12 =	simm.s32 $0xB280;
	s1 =	simm.s32 $0xB200;
	s17 =	sadd.s32 $0x0, s0  }
.LBB2_26:
0x94: {  	[tilespmem:s1], [sflag:$0xB] =	stream.linear.gather [hbm4b:s17+s2], $0x40, $0x38;
	[tilespmem:$0x13200] =	vst v63  }
0x95: {  	s17 =	smov.u32 s11;
	s1 =	smov.u32 s12;
	p0 =	sne.s32 s11, $0x3F8  }
.Ltmp12:
0x96: {  	s11 =	sadd.s32 $0x8, s11;
	(pc) =	sbr.rel @p0 .LBB2_26-.Ltmp12, $2  }
0x97: {  	_ =	sdelay $0x2  }
0x98: {  	s12 =	sadd.s32 $0x80, s12;
	s17 =	sadd.s32 s17, s0  }
0x99: {  	[tilespmem:s1], [sflag:$0xB] =	stream.linear.gather [hbm4b:s17+s2], $0x40, $0x38;
	[tilespmem:$0x13200] =	vst v63  }
0x9a: {  	_ =	swait.ge [sflag:s18], $0x2000  }
0x9b: {  	s0 =	sshll.u32 s15, $0x7;
	[sflag:s18] =	ssyncset.done $0x0  }
0x9c: {  	s21 =	simm.s32 $0x7200;
	s0 =	sand.u32 $0x3FFFFF80, s0;
	[sflag:s18] =	ssyncadd.s32 $0xFFFFE000  }
0x9d: {  	[tilespmem:s21], [sflag:$0x2] =	stream.indirect.gather.add.f32 [hbm:s3], $0x80, s0, s13, $0xb8;
	[tilespmem:$0x13200] =	vst v63  }
.LBB2_28:
0x9e: {  	s0 =	sshll.u32 s7, $0x6  }
0x9f: {  	_ =	swait.ge [sflag:s31], $0x4000;
	s0 =	sadd.s32 s6, s0  }
0xa0: {  	[sflag:s31] =	ssyncset.done $0x0;
	s0 =	sshrl.u32 s0, $0x3  }
0xa1: {  	s1 =	simm.s32 $0xF200;
	[sflag:s31] =	ssyncadd.s32 $0xFFFFC000;
	s0 =	sadd.s32 s5, s0  }
0xa2: {  	[hbm4b:s0+s2] =	stream.linear.scatter [tilespmem:s1], [sflag:$0x8], $0x40, $0x38;
	[tilespmem:$0x13200] =	vst v63  }
0xa3: {  	s1 =	simm.s32 $0x200  }
.LBB2_29:
0xa4: {  	p0 =	sne.s32 s1, $0xFE00  }
.Ltmp13:
0xa5: {  	_ = 	snop;
	(pc) =	sbr.rel @p0 .LBB2_29-.Ltmp13, $4  }
0xa6: {  	_ = 	snop  }
0xa7: {  	s7 =	sshra.s32 s1, $0x2;
	s1 =	sadd.s32 $0x200, s1  }
0xa8: {  	s0 =	sadd.s32 $0x320, s0;
	s7 =	sadd.s32 $0xF200, s7  }
0xa9: {  	[hbm4b:s0+s2] =	stream.linear.scatter [tilespmem:s7], [sflag:$0x8], $0x40, $0x38;
	[tilespmem:$0x13200] =	vst v63  }
0xaa: {  	s14 =	sadd.s32 $0x1, s14  }
0xab: {  	p0 =	sne.s32 s14, $0x19  }
.Ltmp14:
0xac: {  	_ = 	snop;
	(pc) =	sbr.rel @p0 .LBB2_8-.Ltmp14, $1  }
0xad: {  	_ =	sdelay $0x3  }
0xae: {  	s1 =	simm.s32 $0x8  }
0xaf: {  	_ =	swait.ge [sflag:s1], $0x2000  }
0xb0: {  	s7 =	rddreg [dreg:$0x5]  }
0xb1: {  	s0 =	rddreg [dreg:$0x4];
	s7 =	sadd.s32 $0x1, s7  }
0xb2: {  	p0 =	sne.s32 s7, s0  }
.Ltmp15:
0xb3: {  	_ = 	snop;
	(pc) =	sbr.rel @p0 .LBB2_1-.Ltmp15, $3  }
0xb4: {  	_ =	sdelay $0x1  }
0xb5: {  	[sflag:s1] =	ssyncset.done $0x0  }
0xb6: {  	[sflag:s1] =	ssyncadd.s32 $0xFFFFE000  }
0xb7: {  	_ =	sfence.sel $0x180000  }
0xb8: {  	[bflag:$0x0] =	sbarrier.arrive $0xFFFF  }
0xb9: {  	_ =	strace $0x90000047  }
0xba: {  	s0 =	stileid.u32;
	[bflag:$0x2] =	sbarrier.arrive $0xFFFF  }
0xbb: {  	p0 =	sne.s32 s0, $0x0;
	s0 =	rddreg [dreg:$0x1]  }
0xbc: {  	s0 =	sadd.s32 @!p0 $0x100000, s0  }
0xbd: {  	[sflag:s0] =	ssyncadd.tile.s32 @!p0 $0x1;
	_ =	shalt  }
.Lfunc_end2:
_tile_overlayer_lowered:
.L_overlay_start_2:
0xbe: {  	(tag) =	ssettag $0x2  }
0xbf: {  	s0 =	rddreg [dreg:$0x0];
	s2 =	stileid.u32  }
0xc0: {  	s1 =	rddreg [dreg:$0x1];
	p0 =	sne.s32 s2, $0x0  }
0xc1: {  	s3 =	rddreg [dreg:$0x2];
	[bflag:$0x3] =	sbarrier.arrive $0xFFFF;
	s2 =	simm.s32 @!p0 $0x1C0D  }
0xc2: {  	[timem:s3], [sflag:s2] =	dma.local @!p0 [hbm:s0], s1  }
0xc3: {  	s0 =	simm.s32 @!p0 $0xD  }
0xc4: {  	_ =	swait.ge @!p0 [sflag:s0], s1  }
0xc5: {  	s1 =	ssub.s32 @!p0 $0x0, s1;
	[sflag:s0] =	ssyncset.done @!p0 $0x0  }
0xc6: {  	[sflag:s0] =	ssyncadd.s32 @!p0 s1  }
0xc7: {  	[bflag:$0x3] =	sbarrier.arrive $0xFFFF  }
0xc8: {  	_ =	shalt  }

</sc_bundles>
